<compile_context>
chip_gen: v7x
topology: tpu7x:2x2x1
jax: 0.10.2.dev20260603
libtpu: 0.0.44.dev20260713+nightly
codegen_flags: <defaults>
</compile_context>

<pallas_src>
import functools

import jax
import jax.numpy as jnp
from jax import lax
from jax.experimental import pallas as pl
from jax.experimental.pallas import tpu as pltpu
from jax.experimental.pallas import tpu_sc as plsc

_N = 10000
_D = 128
_G = 64
_NCORE = 2
_NSUB = 16
_NW = _NCORE * _NSUB
_CHUNK = 96
_N_ACC = 10112
_RPT = _N_ACC // _NSUB
_N_DEG = 10240
_RPTD = _N_DEG // _NSUB
_BLK = 1000


def _sc_mesh():
    return plsc.VectorSubcoreMesh(core_axis_name="c", subcore_axis_name="s")


@functools.lru_cache
def _sc_deg_kernel(cpt):
    @functools.partial(
        pl.kernel,
        out_type=jax.ShapeDtypeStruct((_NCORE * _N_DEG,), jnp.float32),
        mesh=_sc_mesh(),
        scratch_types=[
            pltpu.VMEM((cpt, 2, _CHUNK), jnp.int32),
            pltpu.VMEM((_CHUNK,), jnp.float32),
            pltpu.VMEM_SHARED((_N_DEG,), jnp.float32),
        ],
    )
    def deg_kernel(edges_hbm, zeros_hbm, out_hbm, idx_v, ones_v, deg_sh):
        c = lax.axis_index("c")
        s = lax.axis_index("s")
        wid = s * _NCORE + c
        for j in range(_CHUNK // 16):
            ones_v[pl.ds(j * 16, 16)] = jnp.full((16,), 1.0, jnp.float32)
        pltpu.sync_copy(zeros_hbm, deg_sh.at[pl.ds(s * _RPTD, _RPTD)])
        pltpu.sync_copy(edges_hbm.at[wid], idx_v)
        plsc.subcore_barrier()

        def body(j, carry):
            pltpu.sync_copy(ones_v, deg_sh.at[idx_v.at[j, 1]], add=True)
            return carry

        lax.fori_loop(0, cpt, body, 0, unroll=False)
        plsc.subcore_barrier()
        pltpu.sync_copy(deg_sh.at[pl.ds(s * _RPTD, _RPTD)],
                        out_hbm.at[pl.ds(c * _N_DEG + s * _RPTD, _RPTD)])

    return deg_kernel


_IDXB = 42


def _agg_block_sizes(cpt):
    sizes = []
    rem = cpt
    while rem > 0:
        b = min(_IDXB, rem)
        sizes.append(b)
        rem -= b
    return sizes


@functools.lru_cache
def _sc_agg_kernel(cpt):
    sizes = _agg_block_sizes(cpt)
    pipelined = all(b >= 3 and b % 3 == 0 for b in sizes)
    idx_rows = sizes[0] if pipelined else cpt

    @functools.partial(
        pl.kernel,
        out_type=jax.ShapeDtypeStruct((_NCORE, _N_ACC, _D), jnp.float32),
        mesh=_sc_mesh(),
        scratch_types=[
            pltpu.VMEM((idx_rows, 2, _CHUNK), jnp.int32),
            pltpu.VMEM((_CHUNK, _D), jnp.float32),
            pltpu.VMEM((_CHUNK, _D), jnp.float32),
            pltpu.VMEM((_CHUNK, _D), jnp.float32),
            pltpu.VMEM_SHARED((_N_ACC, _D), jnp.float32),
            pltpu.SemaphoreType.DMA,
            pltpu.SemaphoreType.DMA,
            pltpu.SemaphoreType.DMA,
            pltpu.SemaphoreType.DMA,
            pltpu.SemaphoreType.DMA,
            pltpu.SemaphoreType.DMA,
        ],
    )
    def agg_kernel(h_hbm, edges_hbm, zeros_hbm, out_hbm,
                   idx_v, rows0, rows1, rows2, acc_sh,
                   g0, g1, g2, s0, s1, s2):
        c = lax.axis_index("c")
        s = lax.axis_index("s")
        wid = s * _NCORE + c
        pltpu.sync_copy(zeros_hbm, acc_sh.at[pl.ds(s * _RPT, _RPT)])
        plsc.subcore_barrier()

        bufs = (rows0, rows1, rows2)
        gsems = (g0, g1, g2)
        ssems = (s0, s1, s2)

        def g(j, k):
            pltpu.async_copy(h_hbm.at[idx_v.at[j, 0]], bufs[k], gsems[k])

        def sc(j, k):
            pltpu.async_copy(bufs[k], acc_sh.at[idx_v.at[j, 1]],
                             ssems[k], add=True)

        def wg(k):
            pltpu.make_async_copy(
                h_hbm.at[idx_v.at[0, 0]], bufs[k], gsems[k]).wait()

        def ws(k):
            pltpu.make_async_copy(
                bufs[k], acc_sh.at[idx_v.at[0, 1]], ssems[k]).wait()

        if pipelined:
            j0 = 0
            for bsz in sizes:
                pltpu.sync_copy(edges_hbm.at[wid, pl.ds(j0, bsz)],
                                idx_v.at[pl.ds(0, bsz)])
                g(0, 0)
                g(1, 1)
                wg(0); g(2, 2); sc(0, 0)

                def body(p, carry):
                    j = 3 * p + 1
                    wg(1); ws(0); g(j + 2, 0); sc(j, 1)
                    wg(2); ws(1); g(j + 3, 1); sc(j + 1, 2)
                    wg(0); ws(2); g(j + 4, 2); sc(j + 2, 0)
                    return carry

                lax.fori_loop(0, (bsz - 3) // 3, body, 0, unroll=False)
                wg(1); ws(0); sc(bsz - 2, 1)
                wg(2); ws(1); sc(bsz - 1, 2)
                ws(2)
                j0 += bsz
        else:
            pltpu.sync_copy(edges_hbm.at[wid], idx_v)

            def body(j, carry):
                pltpu.async_copy(
                    h_hbm.at[idx_v.at[j, 0]], rows0, g0).wait()
                pltpu.sync_copy(rows0, acc_sh.at[idx_v.at[j, 1]], add=True)
                return carry

            lax.fori_loop(0, cpt, body, 0, unroll=False)

        plsc.subcore_barrier()
        pltpu.sync_copy(acc_sh.at[pl.ds(s * _RPT, _RPT)],
                        out_hbm.at[c, pl.ds(s * _RPT, _RPT)])

    return agg_kernel


def _dis_from(degp_ref):
    deg = degp_ref[0] + degp_ref[1]
    return jnp.where(deg > 0.0, lax.rsqrt(deg), 0.0)


def _tc_prep_body(x_ref, w_ref, degp_ref, o_ref):
    dis = _dis_from(degp_ref)
    h = jnp.dot(x_ref[...], w_ref[...], preferred_element_type=jnp.float32,
                precision=lax.Precision.HIGHEST)
    o_ref[...] = h * dis


def _tc_prep(x, w1, degp3):
    return pl.pallas_call(
        _tc_prep_body,
        grid=(_N // _BLK,),
        in_specs=[
            pl.BlockSpec((_BLK, _D), lambda i: (i, 0)),
            pl.BlockSpec((_D, _D), lambda i: (0, 0)),
            pl.BlockSpec((_NCORE, _BLK, 1), lambda i: (0, i, 0)),
        ],
        out_specs=pl.BlockSpec((_BLK, _D), lambda i: (i, 0)),
        out_shape=jax.ShapeDtypeStruct((_N, _D), jnp.float32),
    )(x, w1, degp3)


def _tc_mid_body(aggp_ref, degp_ref, b_ref, w_ref, o_ref):
    dis = _dis_from(degp_ref)
    agg = aggp_ref[0] + aggp_ref[1]
    h = jnp.maximum(agg * dis + b_ref[...], 0.0)
    o_ref[...] = jnp.dot(h, w_ref[...], preferred_element_type=jnp.float32,
                         precision=lax.Precision.HIGHEST) * dis


def _tc_mid(aggp, degp3, b1, w2):
    return pl.pallas_call(
        _tc_mid_body,
        grid=(_N // _BLK,),
        in_specs=[
            pl.BlockSpec((_NCORE, _BLK, _D), lambda i: (0, i, 0)),
            pl.BlockSpec((_NCORE, _BLK, 1), lambda i: (0, i, 0)),
            pl.BlockSpec((1, _D), lambda i: (0, 0)),
            pl.BlockSpec((_D, _D), lambda i: (0, 0)),
        ],
        out_specs=pl.BlockSpec((_BLK, _D), lambda i: (i, 0)),
        out_shape=jax.ShapeDtypeStruct((_N, _D), jnp.float32),
    )(aggp, degp3, b1, w2)


def _tc_final_body(aggp_ref, degp_ref, b_ref, batch_ref, wout_ref, bout_ref,
                   o_ref, acc_s, acc_c):
    i = pl.program_id(0)
    dis = _dis_from(degp_ref)
    agg = aggp_ref[0] + aggp_ref[1]
    h = jnp.maximum(agg * dis + b_ref[...], 0.0)
    seg = lax.broadcasted_iota(jnp.int32, (_BLK, _G), 1)
    onehot = (batch_ref[...] == seg).astype(jnp.float32)
    dnum = (((0,), (0,)), ((), ()))
    sums = lax.dot_general(onehot, h, dnum,
                           preferred_element_type=jnp.float32,
                           precision=lax.Precision.HIGHEST)
    cnts = lax.dot_general(onehot, jnp.ones((_BLK, _D), jnp.float32), dnum,
                           preferred_element_type=jnp.float32,
                           precision=lax.Precision.HIGHEST)

    @pl.when(i == 0)
    def _():
        acc_s[...] = sums
        acc_c[...] = cnts

    @pl.when(i > 0)
    def _():
        acc_s[...] = acc_s[...] + sums
        acc_c[...] = acc_c[...] + cnts

    cnt = jnp.maximum(acc_c[...][:, :1], 1.0)
    pooled = acc_s[...] / cnt
    proj = jnp.dot(pooled, wout_ref[...],
                   preferred_element_type=jnp.float32,
                   precision=lax.Precision.HIGHEST)
    o_ref[...] = proj + bout_ref[...]


def _tc_final(aggp, degp3, b2, batch2, wout, bout):
    return pl.pallas_call(
        _tc_final_body,
        grid=(_N // _BLK,),
        in_specs=[
            pl.BlockSpec((_NCORE, _BLK, _D), lambda i: (0, i, 0)),
            pl.BlockSpec((_NCORE, _BLK, 1), lambda i: (0, i, 0)),
            pl.BlockSpec((1, _D), lambda i: (0, 0)),
            pl.BlockSpec((_BLK, 1), lambda i: (i, 0)),
            pl.BlockSpec((_D, 1), lambda i: (0, 0)),
            pl.BlockSpec((1, 1), lambda i: (0, 0)),
        ],
        out_specs=pl.BlockSpec((_G, 1), lambda i: (0, 0)),
        out_shape=jax.ShapeDtypeStruct((_G, 1), jnp.float32),
        scratch_shapes=[
            pltpu.VMEM((_G, _D), jnp.float32),
            pltpu.VMEM((_G, _D), jnp.float32),
        ],
    )(aggp, degp3, b2, batch2, wout, bout)


def kernel(x, edge_index, batch, W1, b1, W2, b2, W_out, b_out):
    e = edge_index.shape[1]
    e2 = e + _N
    cpt = -(-e2 // (_NW * _CHUNK))
    cpt += -cpt % 3
    e2_pad = _NW * cpt * _CHUNK
    npad = e2_pad - e2

    loop = jnp.arange(_N, dtype=jnp.int32)
    pad_idx = jnp.arange(npad, dtype=jnp.int32)
    src = jnp.concatenate(
        [edge_index[0].astype(jnp.int32), loop, pad_idx % _N])
    dst = jnp.concatenate(
        [edge_index[1].astype(jnp.int32), loop, _N + pad_idx % (_N_ACC - _N)])
    edges4 = jnp.stack(
        [src.reshape(_NW, cpt, _CHUNK), dst.reshape(_NW, cpt, _CHUNK)], axis=2)

    zeros_deg = jnp.zeros((_RPTD,), jnp.float32)
    zeros_row = jnp.zeros((_RPT, _D), jnp.float32)

    degp = _sc_deg_kernel(cpt)(edges4, zeros_deg)
    degp3 = degp.reshape(_NCORE, _N_DEG, 1)

    hp1 = _tc_prep(x, W1, degp3)
    aggp1 = _sc_agg_kernel(cpt)(hp1, edges4, zeros_row)
    hp2 = _tc_mid(aggp1, degp3, b1.reshape(1, _D), W2)
    aggp2 = _sc_agg_kernel(cpt)(hp2, edges4, zeros_row)
    out = _tc_final(aggp2, degp3, b2.reshape(1, _D),
                    batch.reshape(_N, 1).astype(jnp.int32),
                    W_out, b_out.reshape(1, 1))
    return out.reshape(-1)

# --- scband reference (transcript-rebuilt; emitter-appended) ---
"""Pipeline reference for scband-gnn-11879879541058 (READ-ONLY COPY).

The authoritative reference and input builder live on the scoring server;
editing this copy changes nothing except your own understanding.
"""

import jax, jax.numpy as jnp
import numpy as np

N = 10000
E = 320000
D = 128
H = 128
G = 64


def setup_inputs(seed: int = 0) -> dict:
    key = jax.random.key(seed)
    ks = jax.random.split(key, 10)
    x = jax.random.normal(ks[0], (N, D), dtype=jnp.float32)
    edge_index = jax.random.randint(ks[1], (2, E), 0, N)
    batch = jnp.sort(jax.random.randint(ks[2], (N,), 0, G))
    W1 = jax.random.normal(ks[3], (D, H), dtype=jnp.float32) * 0.05
    b1 = jnp.zeros((H,), dtype=jnp.float32)
    W2 = jax.random.normal(ks[4], (H, H), dtype=jnp.float32) * 0.05
    b2 = jnp.zeros((H,), dtype=jnp.float32)
    W_out = jax.random.normal(ks[5], (H, 1), dtype=jnp.float32) * 0.05
    b_out = jnp.zeros((1,), dtype=jnp.float32)
    return {"x": x, "edge_index": edge_index, "batch": batch,
            "W1": W1, "b1": b1, "W2": W2, "b2": b2,
            "W_out": W_out, "b_out": b_out}


def _gcn_conv(x, src, dst, W, b, n):
    # GCNConv: x' = D^{-1/2} (A + I) D^{-1/2} x W + b  (self-loops already in src/dst)
    deg = jnp.zeros((n,), x.dtype).at[dst].add(1.0)
    dis = jnp.where(deg > 0, jax.lax.rsqrt(deg), 0.0)
    h = x @ W
    coef = dis[src] * dis[dst]
    msg = h[src] * coef[:, None]
    agg = jnp.zeros_like(h).at[dst].add(msg)
    return agg + b


def reference(x, edge_index, batch, W1, b1, W2, b2, W_out, b_out):
    loop = jnp.arange(N, dtype=edge_index.dtype)
    src = jnp.concatenate([edge_index[0], loop])
    dst = jnp.concatenate([edge_index[1], loop])
    h = jax.nn.relu(_gcn_conv(x, src, dst, W1, b1, N))
    h = jax.nn.relu(_gcn_conv(h, src, dst, W2, b2, N))
    sums = jax.ops.segment_sum(h, batch, num_segments=G)
    cnts = jax.ops.segment_sum(jnp.ones((N, 1), h.dtype), batch, num_segments=G)
    pooled = sums / jnp.maximum(cnts, 1.0)
    out = pooled @ W_out + b_out
    return out.reshape(-1)

if __name__ == "__main__":
    import jax
    _d = setup_inputs()
    print(jax.jit(kernel)(*tuple(_d.values())))

</pallas_src>

<mosaic_0001>
#map = affine_map<(d0, d1) -> (0, 0)>
#map1 = affine_map<(d0, d1) -> (0, 0, 0, 0)>
#map2 = affine_map<(d0, d1) -> (0, 0, 0)>
module attributes {stable_mosaic.version = 14 : i64} {
  func.func @agg_kernel(%arg0: i32, %arg1: i32, %arg2: memref<10000x128xf32, #tpu.memory_space<hbm>>, %arg3: memref<32x108x2x96xi32, #tpu.memory_space<hbm>>, %arg4: memref<632x128xf32, #tpu.memory_space<hbm>>, %arg5: memref<2x10112x128xf32, #tpu.memory_space<hbm>>, %arg6: memref<42x2x96xi32, #tpu.memory_space<vmem>>, %arg7: memref<96x128xf32, #tpu.memory_space<vmem>>, %arg8: memref<96x128xf32, #tpu.memory_space<vmem>>, %arg9: memref<96x128xf32, #tpu.memory_space<vmem>>, %arg10: memref<10112x128xf32, #tpu.memory_space<vmem_shared>>, %arg11: memref<!tpu.dma_semaphore, #tpu.memory_space<semaphore_mem>>, %arg12: memref<!tpu.dma_semaphore, #tpu.memory_space<semaphore_mem>>, %arg13: memref<!tpu.dma_semaphore, #tpu.memory_space<semaphore_mem>>, %arg14: memref<!tpu.dma_semaphore, #tpu.memory_space<semaphore_mem>>, %arg15: memref<!tpu.dma_semaphore, #tpu.memory_space<semaphore_mem>>, %arg16: memref<!tpu.dma_semaphore, #tpu.memory_space<semaphore_mem>>) attributes {dimension_semantics = [#tpu.dimension_semantics<core_parallel>, #tpu.dimension_semantics<subcore_parallel>], iteration_bounds = array<i64: 2, 16>, scalar_prefetch = 0 : i64, scratch_operands = 11 : i64, tpu.core_type = #tpu.core_type<sc_vector_subcore>, window_params = [{transform_indices = #map}, {transform_indices = #map1}, {transform_indices = #map}, {transform_indices = #map2}]} {
    %mul3A = arith.constant 2 : i32
    %mul3A_0 = arith.muli %arg1, %mul3A : i32
    %add3A = arith.addi %mul3A_0, %arg0 : i32
    %mul3A_1 = arith.constant 632 : i32
    %mul3A_2 = arith.muli %arg1, %mul3A_1 : i32
    "tpu.region"() ({
      %run_scoped3A = tpu.sem_alloc : memref<!tpu.dma_semaphore, #tpu.memory_space<semaphore_mem>>
      %dma_start3A_311 = arith.constant 0 : i32
      %dma_start3A_312 = tpu.memref_slice %arg10[%mul3A_2, %dma_start3A_311] : memref<10112x128xf32, #tpu.memory_space<vmem_shared>> -> memref<632x128xf32, #tpu.memory_space<vmem_shared>>
      tpu.enqueue_dma source(%arg4 : memref<632x128xf32, #tpu.memory_space<hbm>>) target(%dma_start3A_312 : memref<632x128xf32, #tpu.memory_space<vmem_shared>>) target_semaphore(%run_scoped3A : memref<!tpu.dma_semaphore, #tpu.memory_space<semaphore_mem>>)
      %dma_wait3A_313 = arith.constant 0 : i32
      %dma_wait3A_314 = tpu.memref_slice %arg10[%mul3A_2, %dma_wait3A_313] : memref<10112x128xf32, #tpu.memory_space<vmem_shared>> -> memref<632x128xf32, #tpu.memory_space<vmem_shared>>
      tpu.wait_dma2 semaphore(%run_scoped3A : memref<!tpu.dma_semaphore, #tpu.memory_space<semaphore_mem>>) src(%arg4 : memref<632x128xf32, #tpu.memory_space<hbm>>) dst(%dma_wait3A_314 : memref<632x128xf32, #tpu.memory_space<vmem_shared>>)
      tpu.yield
    }) : () -> ()
    %barrier3A = arith.constant 0 : index
    tpu.barrier barrier_id(%barrier3A)
    "tpu.region"() ({
      %run_scoped3A = tpu.sem_alloc : memref<!tpu.dma_semaphore, #tpu.memory_space<semaphore_mem>>
      %dma_start3A_311 = arith.constant 0 : i32
      %dma_start3A_312 = arith.constant 0 : i32
      %dma_start3A_313 = arith.constant 0 : i32
      %dma_start3A_314 = tpu.memref_slice %arg6[%dma_start3A_311, %dma_start3A_312, %dma_start3A_313] : memref<42x2x96xi32, #tpu.memory_space<vmem>> -> memref<42x2x96xi32, #tpu.memory_space<vmem>>
      %dma_start3A_315 = arith.constant 0 : i32
      %dma_start3A_316 = arith.constant 0 : i32
      %dma_start3A_317 = arith.constant 0 : i32
      %dma_start3A_318 = tpu.memref_slice %arg3[%add3A, %dma_start3A_315, %dma_start3A_316, %dma_start3A_317] : memref<32x108x2x96xi32, #tpu.memory_space<hbm>> -> memref<1x42x2x96xi32, #tpu.memory_space<hbm>>
      %dma_start3A_319 = tpu.memref_squeeze %dma_start3A_318 : memref<1x42x2x96xi32, #tpu.memory_space<hbm>> -> memref<42x2x96xi32, #tpu.memory_space<hbm>>
      %dma_start3A_320 = arith.constant 0 : i32
      %dma_start3A_321 = arith.constant 0 : i32
      %dma_start3A_322 = arith.constant 0 : i32
      %dma_start3A_323 = tpu.memref_slice %arg6[%dma_start3A_320, %dma_start3A_321, %dma_start3A_322] : memref<42x2x96xi32, #tpu.memory_space<vmem>> -> memref<42x2x96xi32, #tpu.memory_space<vmem>>
      %dma_start3A_324 = arith.constant 0 : i32
      %dma_start3A_325 = arith.constant 0 : i32
      %dma_start3A_326 = arith.constant 0 : i32
      %dma_start3A_327 = tpu.memref_slice %arg3[%add3A, %dma_start3A_324, %dma_start3A_325, %dma_start3A_326] : memref<32x108x2x96xi32, #tpu.memory_space<hbm>> -> memref<1x42x2x96xi32, #tpu.memory_space<hbm>>
      %dma_start3A_328 = tpu.memref_squeeze %dma_start3A_327 : memref<1x42x2x96xi32, #tpu.memory_space<hbm>> -> memref<42x2x96xi32, #tpu.memory_space<hbm>>
      tpu.enqueue_dma source(%dma_start3A_328 : memref<42x2x96xi32, #tpu.memory_space<hbm>>) target(%dma_start3A_323 : memref<42x2x96xi32, #tpu.memory_space<vmem>>) target_semaphore(%run_scoped3A : memref<!tpu.dma_semaphore, #tpu.memory_space<semaphore_mem>>)
      %dma_wait3A_329 = arith.constant 0 : i32
      %dma_wait3A_330 = arith.constant 0 : i32
      %dma_wait3A_331 = arith.constant 0 : i32
      %dma_wait3A_332 = tpu.memref_slice %arg6[%dma_wait3A_329, %dma_wait3A_330, %dma_wait3A_331] : memref<42x2x96xi32, #tpu.memory_space<vmem>> -> memref<42x2x96xi32, #tpu.memory_space<vmem>>
      %dma_wait3A_333 = arith.constant 0 : i32
      %dma_wait3A_334 = arith.constant 0 : i32
      %dma_wait3A_335 = arith.constant 0 : i32
      %dma_wait3A_336 = tpu.memref_slice %arg3[%add3A, %dma_wait3A_333, %dma_wait3A_334, %dma_wait3A_335] : memref<32x108x2x96xi32, #tpu.memory_space<hbm>> -> memref<1x42x2x96xi32, #tpu.memory_space<hbm>>
      %dma_wait3A_337 = tpu.memref_squeeze %dma_wait3A_336 : memref<1x42x2x96xi32, #tpu.memory_space<hbm>> -> memref<42x2x96xi32, #tpu.memory_space<hbm>>
      %dma_wait3A_338 = arith.constant 0 : i32
      %dma_wait3A_339 = arith.constant 0 : i32
      %dma_wait3A_340 = arith.constant 0 : i32
      %dma_wait3A_341 = tpu.memref_slice %arg6[%dma_wait3A_338, %dma_wait3A_339, %dma_wait3A_340] : memref<42x2x96xi32, #tpu.memory_space<vmem>> -> memref<42x2x96xi32, #tpu.memory_space<vmem>>
      %dma_wait3A_342 = arith.constant 0 : i32
      %dma_wait3A_343 = arith.constant 0 : i32
      %dma_wait3A_344 = arith.constant 0 : i32
      %dma_wait3A_345 = tpu.memref_slice %arg3[%add3A, %dma_wait3A_342, %dma_wait3A_343, %dma_wait3A_344] : memref<32x108x2x96xi32, #tpu.memory_space<hbm>> -> memref<1x42x2x96xi32, #tpu.memory_space<hbm>>
      %dma_wait3A_346 = tpu.memref_squeeze %dma_wait3A_345 : memref<1x42x2x96xi32, #tpu.memory_space<hbm>> -> memref<42x2x96xi32, #tpu.memory_space<hbm>>
      tpu.wait_dma2 semaphore(%run_scoped3A : memref<!tpu.dma_semaphore, #tpu.memory_space<semaphore_mem>>) src(%dma_wait3A_346 : memref<42x2x96xi32, #tpu.memory_space<hbm>>) dst(%dma_wait3A_341 : memref<42x2x96xi32, #tpu.memory_space<vmem>>)
      tpu.yield
    }) : () -> ()
    %dma_start3A = arith.constant 0 : i32
    %dma_start3A_3 = arith.constant 0 : i32
    %dma_start3A_4 = arith.constant 0 : i32
    %dma_start3A_5 = tpu.memref_slice %arg6[%dma_start3A, %dma_start3A_3, %dma_start3A_4] : memref<42x2x96xi32, #tpu.memory_space<vmem>> -> memref<1x1x96xi32, #tpu.memory_space<vmem>>
    %dma_start3A_6 = tpu.memref_squeeze %dma_start3A_5 : memref<1x1x96xi32, #tpu.memory_space<vmem>> -> memref<96xi32, #tpu.memory_space<vmem>>
    %dma_start3A_7 = arith.constant 0 : i32
    %dma_start3A_8 = arith.constant 0 : i32
    %dma_start3A_9 = tpu.memref_slice %arg2[%dma_start3A_7, %dma_start3A_8] : memref<10000x128xf32, #tpu.memory_space<hbm>> -> memref<10000x128xf32, #tpu.memory_space<hbm>>
    tpu.enqueue_indirect_dma source(%dma_start3A_9 : memref<10000x128xf32, #tpu.memory_space<hbm>>) target(%arg7 : memref<96x128xf32, #tpu.memory_space<vmem>>) offsets(%dma_start3A_6 : memref<96xi32, #tpu.memory_space<vmem>>) semaphore(%arg11 : memref<!tpu.dma_semaphore, #tpu.memory_space<semaphore_mem>>)
    %dma_start3A_10 = arith.constant 1 : i32
    %dma_start3A_11 = arith.constant 0 : i32
    %dma_start3A_12 = arith.constant 0 : i32
    %dma_start3A_13 = tpu.memref_slice %arg6[%dma_start3A_10, %dma_start3A_11, %dma_start3A_12] : memref<42x2x96xi32, #tpu.memory_space<vmem>> -> memref<1x1x96xi32, #tpu.memory_space<vmem>>
    %dma_start3A_14 = tpu.memref_squeeze %dma_start3A_13 : memref<1x1x96xi32, #tpu.memory_space<vmem>> -> memref<96xi32, #tpu.memory_space<vmem>>
    %dma_start3A_15 = arith.constant 0 : i32
    %dma_start3A_16 = arith.constant 0 : i32
    %dma_start3A_17 = tpu.memref_slice %arg2[%dma_start3A_15, %dma_start3A_16] : memref<10000x128xf32, #tpu.memory_space<hbm>> -> memref<10000x128xf32, #tpu.memory_space<hbm>>
    tpu.enqueue_indirect_dma source(%dma_start3A_17 : memref<10000x128xf32, #tpu.memory_space<hbm>>) target(%arg8 : memref<96x128xf32, #tpu.memory_space<vmem>>) offsets(%dma_start3A_14 : memref<96xi32, #tpu.memory_space<vmem>>) semaphore(%arg12 : memref<!tpu.dma_semaphore, #tpu.memory_space<semaphore_mem>>)
    %dma_wait3A = arith.constant 0 : i32
    %dma_wait3A_18 = arith.constant 0 : i32
    %dma_wait3A_19 = arith.constant 0 : i32
    %dma_wait3A_20 = tpu.memref_slice %arg6[%dma_wait3A, %dma_wait3A_18, %dma_wait3A_19] : memref<42x2x96xi32, #tpu.memory_space<vmem>> -> memref<1x1x96xi32, #tpu.memory_space<vmem>>
    %dma_wait3A_21 = tpu.memref_squeeze %dma_wait3A_20 : memref<1x1x96xi32, #tpu.memory_space<vmem>> -> memref<96xi32, #tpu.memory_space<vmem>>
    %dma_wait3A_22 = arith.constant 0 : i32
    %dma_wait3A_23 = arith.constant 0 : i32
    %dma_wait3A_24 = tpu.memref_slice %arg2[%dma_wait3A_22, %dma_wait3A_23] : memref<10000x128xf32, #tpu.memory_space<hbm>> -> memref<10000x128xf32, #tpu.memory_space<hbm>>
    tpu.wait_indirect_dma semaphore(%arg11 : memref<!tpu.dma_semaphore, #tpu.memory_space<semaphore_mem>>) src(%dma_wait3A_24 : memref<10000x128xf32, #tpu.memory_space<hbm>>) dst(%arg7 : memref<96x128xf32, #tpu.memory_space<vmem>>)
    %dma_start3A_25 = arith.constant 2 : i32
    %dma_start3A_26 = arith.constant 0 : i32
    %dma_start3A_27 = arith.constant 0 : i32
    %dma_start3A_28 = tpu.memref_slice %arg6[%dma_start3A_25, %dma_start3A_26, %dma_start3A_27] : memref<42x2x96xi32, #tpu.memory_space<vmem>> -> memref<1x1x96xi32, #tpu.memory_space<vmem>>
    %dma_start3A_29 = tpu.memref_squeeze %dma_start3A_28 : memref<1x1x96xi32, #tpu.memory_space<vmem>> -> memref<96xi32, #tpu.memory_space<vmem>>
    %dma_start3A_30 = arith.constant 0 : i32
    %dma_start3A_31 = arith.constant 0 : i32
    %dma_start3A_32 = tpu.memref_slice %arg2[%dma_start3A_30, %dma_start3A_31] : memref<10000x128xf32, #tpu.memory_space<hbm>> -> memref<10000x128xf32, #tpu.memory_space<hbm>>
    tpu.enqueue_indirect_dma source(%dma_start3A_32 : memref<10000x128xf32, #tpu.memory_space<hbm>>) target(%arg9 : memref<96x128xf32, #tpu.memory_space<vmem>>) offsets(%dma_start3A_29 : memref<96xi32, #tpu.memory_space<vmem>>) semaphore(%arg13 : memref<!tpu.dma_semaphore, #tpu.memory_space<semaphore_mem>>)
    %dma_start3A_33 = arith.constant 0 : i32
    %dma_start3A_34 = arith.constant 1 : i32
    %dma_start3A_35 = arith.constant 0 : i32
    %dma_start3A_36 = tpu.memref_slice %arg6[%dma_start3A_33, %dma_start3A_34, %dma_start3A_35] : memref<42x2x96xi32, #tpu.memory_space<vmem>> -> memref<1x1x96xi32, #tpu.memory_space<vmem>>
    %dma_start3A_37 = tpu.memref_squeeze %dma_start3A_36 : memref<1x1x96xi32, #tpu.memory_space<vmem>> -> memref<96xi32, #tpu.memory_space<vmem>>
    %dma_start3A_38 = arith.constant 0 : i32
    %dma_start3A_39 = arith.constant 0 : i32
    %dma_start3A_40 = tpu.memref_slice %arg10[%dma_start3A_38, %dma_start3A_39] : memref<10112x128xf32, #tpu.memory_space<vmem_shared>> -> memref<10112x128xf32, #tpu.memory_space<vmem_shared>>
    tpu.enqueue_indirect_dma source(%arg7 : memref<96x128xf32, #tpu.memory_space<vmem>>) target(%dma_start3A_40 : memref<10112x128xf32, #tpu.memory_space<vmem_shared>>) offsets(%dma_start3A_37 : memref<96xi32, #tpu.memory_space<vmem>>) semaphore(%arg14 : memref<!tpu.dma_semaphore, #tpu.memory_space<semaphore_mem>>) {add = true}
    %scan3A = arith.constant 0 : i32
    %scan3A_41 = arith.constant 0 : i32
    %scan3A_42 = arith.constant 13 : i32
    %scan3A_43 = arith.addi %scan3A_41, %scan3A_42 : i32
    %scan3A_44 = arith.constant 1 : i32
    scf.for %scan3A_311 = %scan3A_41 to %scan3A_43 step %scan3A_44  : i32 {
      %mul3A_312 = arith.constant 3 : i32
      %mul3A_313 = arith.muli %mul3A_312, %scan3A_311 : i32
      %add3A_314 = arith.constant 1 : i32
      %add3A_315 = arith.addi %mul3A_313, %add3A_314 : i32
      %dma_wait3A_316 = arith.constant 0 : i32
      %dma_wait3A_317 = arith.constant 0 : i32
      %dma_wait3A_318 = arith.constant 0 : i32
      %dma_wait3A_319 = tpu.memref_slice %arg6[%dma_wait3A_316, %dma_wait3A_317, %dma_wait3A_318] : memref<42x2x96xi32, #tpu.memory_space<vmem>> -> memref<1x1x96xi32, #tpu.memory_space<vmem>>
      %dma_wait3A_320 = tpu.memref_squeeze %dma_wait3A_319 : memref<1x1x96xi32, #tpu.memory_space<vmem>> -> memref<96xi32, #tpu.memory_space<vmem>>
      %dma_wait3A_321 = arith.constant 0 : i32
      %dma_wait3A_322 = arith.constant 0 : i32
      %dma_wait3A_323 = tpu.memref_slice %arg2[%dma_wait3A_321, %dma_wait3A_322] : memref<10000x128xf32, #tpu.memory_space<hbm>> -> memref<10000x128xf32, #tpu.memory_space<hbm>>
      tpu.wait_indirect_dma semaphore(%arg12 : memref<!tpu.dma_semaphore, #tpu.memory_space<semaphore_mem>>) src(%dma_wait3A_323 : memref<10000x128xf32, #tpu.memory_space<hbm>>) dst(%arg8 : memref<96x128xf32, #tpu.memory_space<vmem>>)
      %dma_wait3A_324 = arith.constant 0 : i32
      %dma_wait3A_325 = arith.constant 1 : i32
      %dma_wait3A_326 = arith.constant 0 : i32
      %dma_wait3A_327 = tpu.memref_slice %arg6[%dma_wait3A_324, %dma_wait3A_325, %dma_wait3A_326] : memref<42x2x96xi32, #tpu.memory_space<vmem>> -> memref<1x1x96xi32, #tpu.memory_space<vmem>>
      %dma_wait3A_328 = tpu.memref_squeeze %dma_wait3A_327 : memref<1x1x96xi32, #tpu.memory_space<vmem>> -> memref<96xi32, #tpu.memory_space<vmem>>
      %dma_wait3A_329 = arith.constant 0 : i32
      %dma_wait3A_330 = arith.constant 0 : i32
      %dma_wait3A_331 = tpu.memref_slice %arg10[%dma_wait3A_329, %dma_wait3A_330] : memref<10112x128xf32, #tpu.memory_space<vmem_shared>> -> memref<10112x128xf32, #tpu.memory_space<vmem_shared>>
      tpu.wait_indirect_dma semaphore(%arg14 : memref<!tpu.dma_semaphore, #tpu.memory_space<semaphore_mem>>) src(%arg7 : memref<96x128xf32, #tpu.memory_space<vmem>>) dst(%dma_wait3A_331 : memref<10112x128xf32, #tpu.memory_space<vmem_shared>>)
      %add3A_332 = arith.constant 2 : i32
      %add3A_333 = arith.addi %add3A_315, %add3A_332 : i32
      %dma_start3A_334 = arith.constant 0 : i32
      %dma_start3A_335 = arith.constant 0 : i32
      %dma_start3A_336 = tpu.memref_slice %arg6[%add3A_333, %dma_start3A_334, %dma_start3A_335] : memref<42x2x96xi32, #tpu.memory_space<vmem>> -> memref<1x1x96xi32, #tpu.memory_space<vmem>>
      %dma_start3A_337 = tpu.memref_squeeze %dma_start3A_336 : memref<1x1x96xi32, #tpu.memory_space<vmem>> -> memref<96xi32, #tpu.memory_space<vmem>>
      %dma_start3A_338 = arith.constant 0 : i32
      %dma_start3A_339 = arith.constant 0 : i32
      %dma_start3A_340 = tpu.memref_slice %arg2[%dma_start3A_338, %dma_start3A_339] : memref<10000x128xf32, #tpu.memory_space<hbm>> -> memref<10000x128xf32, #tpu.memory_space<hbm>>
      tpu.enqueue_indirect_dma source(%dma_start3A_340 : memref<10000x128xf32, #tpu.memory_space<hbm>>) target(%arg7 : memref<96x128xf32, #tpu.memory_space<vmem>>) offsets(%dma_start3A_337 : memref<96xi32, #tpu.memory_space<vmem>>) semaphore(%arg11 : memref<!tpu.dma_semaphore, #tpu.memory_space<semaphore_mem>>)
      %dma_start3A_341 = arith.constant 1 : i32
      %dma_start3A_342 = arith.constant 0 : i32
      %dma_start3A_343 = tpu.memref_slice %arg6[%add3A_315, %dma_start3A_341, %dma_start3A_342] : memref<42x2x96xi32, #tpu.memory_space<vmem>> -> memref<1x1x96xi32, #tpu.memory_space<vmem>>
      %dma_start3A_344 = tpu.memref_squeeze %dma_start3A_343 : memref<1x1x96xi32, #tpu.memory_space<vmem>> -> memref<96xi32, #tpu.memory_space<vmem>>
      %dma_start3A_345 = arith.constant 0 : i32
      %dma_start3A_346 = arith.constant 0 : i32
      %dma_start3A_347 = tpu.memref_slice %arg10[%dma_start3A_345, %dma_start3A_346] : memref<10112x128xf32, #tpu.memory_space<vmem_shared>> -> memref<10112x128xf32, #tpu.memory_space<vmem_shared>>
      tpu.enqueue_indirect_dma source(%arg8 : memref<96x128xf32, #tpu.memory_space<vmem>>) target(%dma_start3A_347 : memref<10112x128xf32, #tpu.memory_space<vmem_shared>>) offsets(%dma_start3A_344 : memref<96xi32, #tpu.memory_space<vmem>>) semaphore(%arg15 : memref<!tpu.dma_semaphore, #tpu.memory_space<semaphore_mem>>) {add = true}
      %dma_wait3A_348 = arith.constant 0 : i32
      %dma_wait3A_349 = arith.constant 0 : i32
      %dma_wait3A_350 = arith.constant 0 : i32
      %dma_wait3A_351 = tpu.memref_slice %arg6[%dma_wait3A_348, %dma_wait3A_349, %dma_wait3A_350] : memref<42x2x96xi32, #tpu.memory_space<vmem>> -> memref<1x1x96xi32, #tpu.memory_space<vmem>>
      %dma_wait3A_352 = tpu.memref_squeeze %dma_wait3A_351 : memref<1x1x96xi32, #tpu.memory_space<vmem>> -> memref<96xi32, #tpu.memory_space<vmem>>
      %dma_wait3A_353 = arith.constant 0 : i32
      %dma_wait3A_354 = arith.constant 0 : i32
      %dma_wait3A_355 = tpu.memref_slice %arg2[%dma_wait3A_353, %dma_wait3A_354] : memref<10000x128xf32, #tpu.memory_space<hbm>> -> memref<10000x128xf32, #tpu.memory_space<hbm>>
      tpu.wait_indirect_dma semaphore(%arg13 : memref<!tpu.dma_semaphore, #tpu.memory_space<semaphore_mem>>) src(%dma_wait3A_355 : memref<10000x128xf32, #tpu.memory_space<hbm>>) dst(%arg9 : memref<96x128xf32, #tpu.memory_space<vmem>>)
      %dma_wait3A_356 = arith.constant 0 : i32
      %dma_wait3A_357 = arith.constant 1 : i32
      %dma_wait3A_358 = arith.constant 0 : i32
      %dma_wait3A_359 = tpu.memref_slice %arg6[%dma_wait3A_356, %dma_wait3A_357, %dma_wait3A_358] : memref<42x2x96xi32, #tpu.memory_space<vmem>> -> memref<1x1x96xi32, #tpu.memory_space<vmem>>
      %dma_wait3A_360 = tpu.memref_squeeze %dma_wait3A_359 : memref<1x1x96xi32, #tpu.memory_space<vmem>> -> memref<96xi32, #tpu.memory_space<vmem>>
      %dma_wait3A_361 = arith.constant 0 : i32
      %dma_wait3A_362 = arith.constant 0 : i32
      %dma_wait3A_363 = tpu.memref_slice %arg10[%dma_wait3A_361, %dma_wait3A_362] : memref<10112x128xf32, #tpu.memory_space<vmem_shared>> -> memref<10112x128xf32, #tpu.memory_space<vmem_shared>>
      tpu.wait_indirect_dma semaphore(%arg15 : memref<!tpu.dma_semaphore, #tpu.memory_space<semaphore_mem>>) src(%arg8 : memref<96x128xf32, #tpu.memory_space<vmem>>) dst(%dma_wait3A_363 : memref<10112x128xf32, #tpu.memory_space<vmem_shared>>)
      %add3A_364 = arith.constant 3 : i32
      %add3A_365 = arith.addi %add3A_315, %add3A_364 : i32
      %dma_start3A_366 = arith.constant 0 : i32
      %dma_start3A_367 = arith.constant 0 : i32
      %dma_start3A_368 = tpu.memref_slice %arg6[%add3A_365, %dma_start3A_366, %dma_start3A_367] : memref<42x2x96xi32, #tpu.memory_space<vmem>> -> memref<1x1x96xi32, #tpu.memory_space<vmem>>
      %dma_start3A_369 = tpu.memref_squeeze %dma_start3A_368 : memref<1x1x96xi32, #tpu.memory_space<vmem>> -> memref<96xi32, #tpu.memory_space<vmem>>
      %dma_start3A_370 = arith.constant 0 : i32
      %dma_start3A_371 = arith.constant 0 : i32
      %dma_start3A_372 = tpu.memref_slice %arg2[%dma_start3A_370, %dma_start3A_371] : memref<10000x128xf32, #tpu.memory_space<hbm>> -> memref<10000x128xf32, #tpu.memory_space<hbm>>
      tpu.enqueue_indirect_dma source(%dma_start3A_372 : memref<10000x128xf32, #tpu.memory_space<hbm>>) target(%arg8 : memref<96x128xf32, #tpu.memory_space<vmem>>) offsets(%dma_start3A_369 : memref<96xi32, #tpu.memory_space<vmem>>) semaphore(%arg12 : memref<!tpu.dma_semaphore, #tpu.memory_space<semaphore_mem>>)
      %add3A_373 = arith.constant 1 : i32
      %add3A_374 = arith.addi %add3A_315, %add3A_373 : i32
      %dma_start3A_375 = arith.constant 1 : i32
      %dma_start3A_376 = arith.constant 0 : i32
      %dma_start3A_377 = tpu.memref_slice %arg6[%add3A_374, %dma_start3A_375, %dma_start3A_376] : memref<42x2x96xi32, #tpu.memory_space<vmem>> -> memref<1x1x96xi32, #tpu.memory_space<vmem>>
      %dma_start3A_378 = tpu.memref_squeeze %dma_start3A_377 : memref<1x1x96xi32, #tpu.memory_space<vmem>> -> memref<96xi32, #tpu.memory_space<vmem>>
      %dma_start3A_379 = arith.constant 0 : i32
      %dma_start3A_380 = arith.constant 0 : i32
      %dma_start3A_381 = tpu.memref_slice %arg10[%dma_start3A_379, %dma_start3A_380] : memref<10112x128xf32, #tpu.memory_space<vmem_shared>> -> memref<10112x128xf32, #tpu.memory_space<vmem_shared>>
      tpu.enqueue_indirect_dma source(%arg9 : memref<96x128xf32, #tpu.memory_space<vmem>>) target(%dma_start3A_381 : memref<10112x128xf32, #tpu.memory_space<vmem_shared>>) offsets(%dma_start3A_378 : memref<96xi32, #tpu.memory_space<vmem>>) semaphore(%arg16 : memref<!tpu.dma_semaphore, #tpu.memory_space<semaphore_mem>>) {add = true}
      %dma_wait3A_382 = arith.constant 0 : i32
      %dma_wait3A_383 = arith.constant 0 : i32
      %dma_wait3A_384 = arith.constant 0 : i32
      %dma_wait3A_385 = tpu.memref_slice %arg6[%dma_wait3A_382, %dma_wait3A_383, %dma_wait3A_384] : memref<42x2x96xi32, #tpu.memory_space<vmem>> -> memref<1x1x96xi32, #tpu.memory_space<vmem>>
      %dma_wait3A_386 = tpu.memref_squeeze %dma_wait3A_385 : memref<1x1x96xi32, #tpu.memory_space<vmem>> -> memref<96xi32, #tpu.memory_space<vmem>>
      %dma_wait3A_387 = arith.constant 0 : i32
      %dma_wait3A_388 = arith.constant 0 : i32
      %dma_wait3A_389 = tpu.memref_slice %arg2[%dma_wait3A_387, %dma_wait3A_388] : memref<10000x128xf32, #tpu.memory_space<hbm>> -> memref<10000x128xf32, #tpu.memory_space<hbm>>
      tpu.wait_indirect_dma semaphore(%arg11 : memref<!tpu.dma_semaphore, #tpu.memory_space<semaphore_mem>>) src(%dma_wait3A_389 : memref<10000x128xf32, #tpu.memory_space<hbm>>) dst(%arg7 : memref<96x128xf32, #tpu.memory_space<vmem>>)
      %dma_wait3A_390 = arith.constant 0 : i32
      %dma_wait3A_391 = arith.constant 1 : i32
      %dma_wait3A_392 = arith.constant 0 : i32
      %dma_wait3A_393 = tpu.memref_slice %arg6[%dma_wait3A_390, %dma_wait3A_391, %dma_wait3A_392] : memref<42x2x96xi32, #tpu.memory_space<vmem>> -> memref<1x1x96xi32, #tpu.memory_space<vmem>>
      %dma_wait3A_394 = tpu.memref_squeeze %dma_wait3A_393 : memref<1x1x96xi32, #tpu.memory_space<vmem>> -> memref<96xi32, #tpu.memory_space<vmem>>
      %dma_wait3A_395 = arith.constant 0 : i32
      %dma_wait3A_396 = arith.constant 0 : i32
      %dma_wait3A_397 = tpu.memref_slice %arg10[%dma_wait3A_395, %dma_wait3A_396] : memref<10112x128xf32, #tpu.memory_space<vmem_shared>> -> memref<10112x128xf32, #tpu.memory_space<vmem_shared>>
      tpu.wait_indirect_dma semaphore(%arg16 : memref<!tpu.dma_semaphore, #tpu.memory_space<semaphore_mem>>) src(%arg9 : memref<96x128xf32, #tpu.memory_space<vmem>>) dst(%dma_wait3A_397 : memref<10112x128xf32, #tpu.memory_space<vmem_shared>>)
      %add3A_398 = arith.constant 4 : i32
      %add3A_399 = arith.addi %add3A_315, %add3A_398 : i32
      %dma_start3A_400 = arith.constant 0 : i32
      %dma_start3A_401 = arith.constant 0 : i32
      %dma_start3A_402 = tpu.memref_slice %arg6[%add3A_399, %dma_start3A_400, %dma_start3A_401] : memref<42x2x96xi32, #tpu.memory_space<vmem>> -> memref<1x1x96xi32, #tpu.memory_space<vmem>>
      %dma_start3A_403 = tpu.memref_squeeze %dma_start3A_402 : memref<1x1x96xi32, #tpu.memory_space<vmem>> -> memref<96xi32, #tpu.memory_space<vmem>>
      %dma_start3A_404 = arith.constant 0 : i32
      %dma_start3A_405 = arith.constant 0 : i32
      %dma_start3A_406 = tpu.memref_slice %arg2[%dma_start3A_404, %dma_start3A_405] : memref<10000x128xf32, #tpu.memory_space<hbm>> -> memref<10000x128xf32, #tpu.memory_space<hbm>>
      tpu.enqueue_indirect_dma source(%dma_start3A_406 : memref<10000x128xf32, #tpu.memory_space<hbm>>) target(%arg9 : memref<96x128xf32, #tpu.memory_space<vmem>>) offsets(%dma_start3A_403 : memref<96xi32, #tpu.memory_space<vmem>>) semaphore(%arg13 : memref<!tpu.dma_semaphore, #tpu.memory_space<semaphore_mem>>)
      %add3A_407 = arith.constant 2 : i32
      %add3A_408 = arith.addi %add3A_315, %add3A_407 : i32
      %dma_start3A_409 = arith.constant 1 : i32
      %dma_start3A_410 = arith.constant 0 : i32
      %dma_start3A_411 = tpu.memref_slice %arg6[%add3A_408, %dma_start3A_409, %dma_start3A_410] : memref<42x2x96xi32, #tpu.memory_space<vmem>> -> memref<1x1x96xi32, #tpu.memory_space<vmem>>
      %dma_start3A_412 = tpu.memref_squeeze %dma_start3A_411 : memref<1x1x96xi32, #tpu.memory_space<vmem>> -> memref<96xi32, #tpu.memory_space<vmem>>
      %dma_start3A_413 = arith.constant 0 : i32
      %dma_start3A_414 = arith.constant 0 : i32
      %dma_start3A_415 = tpu.memref_slice %arg10[%dma_start3A_413, %dma_start3A_414] : memref<10112x128xf32, #tpu.memory_space<vmem_shared>> -> memref<10112x128xf32, #tpu.memory_space<vmem_shared>>
      tpu.enqueue_indirect_dma source(%arg7 : memref<96x128xf32, #tpu.memory_space<vmem>>) target(%dma_start3A_415 : memref<10112x128xf32, #tpu.memory_space<vmem_shared>>) offsets(%dma_start3A_412 : memref<96xi32, #tpu.memory_space<vmem>>) semaphore(%arg14 : memref<!tpu.dma_semaphore, #tpu.memory_space<semaphore_mem>>) {add = true}
    }
    %scan3A_45 = arith.constant 13 : i32
    %dma_wait3A_46 = arith.constant 0 : i32
    %dma_wait3A_47 = arith.constant 0 : i32
    %dma_wait3A_48 = arith.constant 0 : i32
    %dma_wait3A_49 = tpu.memref_slice %arg6[%dma_wait3A_46, %dma_wait3A_47, %dma_wait3A_48] : memref<42x2x96xi32, #tpu.memory_space<vmem>> -> memref<1x1x96xi32, #tpu.memory_space<vmem>>
    %dma_wait3A_50 = tpu.memref_squeeze %dma_wait3A_49 : memref<1x1x96xi32, #tpu.memory_space<vmem>> -> memref<96xi32, #tpu.memory_space<vmem>>
    %dma_wait3A_51 = arith.constant 0 : i32
    %dma_wait3A_52 = arith.constant 0 : i32
    %dma_wait3A_53 = tpu.memref_slice %arg2[%dma_wait3A_51, %dma_wait3A_52] : memref<10000x128xf32, #tpu.memory_space<hbm>> -> memref<10000x128xf32, #tpu.memory_space<hbm>>
    tpu.wait_indirect_dma semaphore(%arg12 : memref<!tpu.dma_semaphore, #tpu.memory_space<semaphore_mem>>) src(%dma_wait3A_53 : memref<10000x128xf32, #tpu.memory_space<hbm>>) dst(%arg8 : memref<96x128xf32, #tpu.memory_space<vmem>>)
    %dma_wait3A_54 = arith.constant 0 : i32
    %dma_wait3A_55 = arith.constant 1 : i32
    %dma_wait3A_56 = arith.constant 0 : i32
    %dma_wait3A_57 = tpu.memref_slice %arg6[%dma_wait3A_54, %dma_wait3A_55, %dma_wait3A_56] : memref<42x2x96xi32, #tpu.memory_space<vmem>> -> memref<1x1x96xi32, #tpu.memory_space<vmem>>
    %dma_wait3A_58 = tpu.memref_squeeze %dma_wait3A_57 : memref<1x1x96xi32, #tpu.memory_space<vmem>> -> memref<96xi32, #tpu.memory_space<vmem>>
    %dma_wait3A_59 = arith.constant 0 : i32
    %dma_wait3A_60 = arith.constant 0 : i32
    %dma_wait3A_61 = tpu.memref_slice %arg10[%dma_wait3A_59, %dma_wait3A_60] : memref<10112x128xf32, #tpu.memory_space<vmem_shared>> -> memref<10112x128xf32, #tpu.memory_space<vmem_shared>>
    tpu.wait_indirect_dma semaphore(%arg14 : memref<!tpu.dma_semaphore, #tpu.memory_space<semaphore_mem>>) src(%arg7 : memref<96x128xf32, #tpu.memory_space<vmem>>) dst(%dma_wait3A_61 : memref<10112x128xf32, #tpu.memory_space<vmem_shared>>)
    %dma_start3A_62 = arith.constant 40 : i32
    %dma_start3A_63 = arith.constant 1 : i32
    %dma_start3A_64 = arith.constant 0 : i32
    %dma_start3A_65 = tpu.memref_slice %arg6[%dma_start3A_62, %dma_start3A_63, %dma_start3A_64] : memref<42x2x96xi32, #tpu.memory_space<vmem>> -> memref<1x1x96xi32, #tpu.memory_space<vmem>>
    %dma_start3A_66 = tpu.memref_squeeze %dma_start3A_65 : memref<1x1x96xi32, #tpu.memory_space<vmem>> -> memref<96xi32, #tpu.memory_space<vmem>>
    %dma_start3A_67 = arith.constant 0 : i32
    %dma_start3A_68 = arith.constant 0 : i32
    %dma_start3A_69 = tpu.memref_slice %arg10[%dma_start3A_67, %dma_start3A_68] : memref<10112x128xf32, #tpu.memory_space<vmem_shared>> -> memref<10112x128xf32, #tpu.memory_space<vmem_shared>>
    tpu.enqueue_indirect_dma source(%arg8 : memref<96x128xf32, #tpu.memory_space<vmem>>) target(%dma_start3A_69 : memref<10112x128xf32, #tpu.memory_space<vmem_shared>>) offsets(%dma_start3A_66 : memref<96xi32, #tpu.memory_space<vmem>>) semaphore(%arg15 : memref<!tpu.dma_semaphore, #tpu.memory_space<semaphore_mem>>) {add = true}
    %dma_wait3A_70 = arith.constant 0 : i32
    %dma_wait3A_71 = arith.constant 0 : i32
    %dma_wait3A_72 = arith.constant 0 : i32
    %dma_wait3A_73 = tpu.memref_slice %arg6[%dma_wait3A_70, %dma_wait3A_71, %dma_wait3A_72] : memref<42x2x96xi32, #tpu.memory_space<vmem>> -> memref<1x1x96xi32, #tpu.memory_space<vmem>>
    %dma_wait3A_74 = tpu.memref_squeeze %dma_wait3A_73 : memref<1x1x96xi32, #tpu.memory_space<vmem>> -> memref<96xi32, #tpu.memory_space<vmem>>
    %dma_wait3A_75 = arith.constant 0 : i32
    %dma_wait3A_76 = arith.constant 0 : i32
    %dma_wait3A_77 = tpu.memref_slice %arg2[%dma_wait3A_75, %dma_wait3A_76] : memref<10000x128xf32, #tpu.memory_space<hbm>> -> memref<10000x128xf32, #tpu.memory_space<hbm>>
    tpu.wait_indirect_dma semaphore(%arg13 : memref<!tpu.dma_semaphore, #tpu.memory_space<semaphore_mem>>) src(%dma_wait3A_77 : memref<10000x128xf32, #tpu.memory_space<hbm>>) dst(%arg9 : memref<96x128xf32, #tpu.memory_space<vmem>>)
    %dma_wait3A_78 = arith.constant 0 : i32
    %dma_wait3A_79 = arith.constant 1 : i32
    %dma_wait3A_80 = arith.constant 0 : i32
    %dma_wait3A_81 = tpu.memref_slice %arg6[%dma_wait3A_78, %dma_wait3A_79, %dma_wait3A_80] : memref<42x2x96xi32, #tpu.memory_space<vmem>> -> memref<1x1x96xi32, #tpu.memory_space<vmem>>
    %dma_wait3A_82 = tpu.memref_squeeze %dma_wait3A_81 : memref<1x1x96xi32, #tpu.memory_space<vmem>> -> memref<96xi32, #tpu.memory_space<vmem>>
    %dma_wait3A_83 = arith.constant 0 : i32
    %dma_wait3A_84 = arith.constant 0 : i32
    %dma_wait3A_85 = tpu.memref_slice %arg10[%dma_wait3A_83, %dma_wait3A_84] : memref<10112x128xf32, #tpu.memory_space<vmem_shared>> -> memref<10112x128xf32, #tpu.memory_space<vmem_shared>>
    tpu.wait_indirect_dma semaphore(%arg15 : memref<!tpu.dma_semaphore, #tpu.memory_space<semaphore_mem>>) src(%arg8 : memref<96x128xf32, #tpu.memory_space<vmem>>) dst(%dma_wait3A_85 : memref<10112x128xf32, #tpu.memory_space<vmem_shared>>)
    %dma_start3A_86 = arith.constant 41 : i32
    %dma_start3A_87 = arith.constant 1 : i32
    %dma_start3A_88 = arith.constant 0 : i32
    %dma_start3A_89 = tpu.memref_slice %arg6[%dma_start3A_86, %dma_start3A_87, %dma_start3A_88] : memref<42x2x96xi32, #tpu.memory_space<vmem>> -> memref<1x1x96xi32, #tpu.memory_space<vmem>>
    %dma_start3A_90 = tpu.memref_squeeze %dma_start3A_89 : memref<1x1x96xi32, #tpu.memory_space<vmem>> -> memref<96xi32, #tpu.memory_space<vmem>>
    %dma_start3A_91 = arith.constant 0 : i32
    %dma_start3A_92 = arith.constant 0 : i32
    %dma_start3A_93 = tpu.memref_slice %arg10[%dma_start3A_91, %dma_start3A_92] : memref<10112x128xf32, #tpu.memory_space<vmem_shared>> -> memref<10112x128xf32, #tpu.memory_space<vmem_shared>>
    tpu.enqueue_indirect_dma source(%arg9 : memref<96x128xf32, #tpu.memory_space<vmem>>) target(%dma_start3A_93 : memref<10112x128xf32, #tpu.memory_space<vmem_shared>>) offsets(%dma_start3A_90 : memref<96xi32, #tpu.memory_space<vmem>>) semaphore(%arg16 : memref<!tpu.dma_semaphore, #tpu.memory_space<semaphore_mem>>) {add = true}
    %dma_wait3A_94 = arith.constant 0 : i32
    %dma_wait3A_95 = arith.constant 1 : i32
    %dma_wait3A_96 = arith.constant 0 : i32
    %dma_wait3A_97 = tpu.memref_slice %arg6[%dma_wait3A_94, %dma_wait3A_95, %dma_wait3A_96] : memref<42x2x96xi32, #tpu.memory_space<vmem>> -> memref<1x1x96xi32, #tpu.memory_space<vmem>>
    %dma_wait3A_98 = tpu.memref_squeeze %dma_wait3A_97 : memref<1x1x96xi32, #tpu.memory_space<vmem>> -> memref<96xi32, #tpu.memory_space<vmem>>
    %dma_wait3A_99 = arith.constant 0 : i32
    %dma_wait3A_100 = arith.constant 0 : i32
    %dma_wait3A_101 = tpu.memref_slice %arg10[%dma_wait3A_99, %dma_wait3A_100] : memref<10112x128xf32, #tpu.memory_space<vmem_shared>> -> memref<10112x128xf32, #tpu.memory_space<vmem_shared>>
    tpu.wait_indirect_dma semaphore(%arg16 : memref<!tpu.dma_semaphore, #tpu.memory_space<semaphore_mem>>) src(%arg9 : memref<96x128xf32, #tpu.memory_space<vmem>>) dst(%dma_wait3A_101 : memref<10112x128xf32, #tpu.memory_space<vmem_shared>>)
    "tpu.region"() ({
      %run_scoped3A = tpu.sem_alloc : memref<!tpu.dma_semaphore, #tpu.memory_space<semaphore_mem>>
      %dma_start3A_311 = arith.constant 0 : i32
      %dma_start3A_312 = arith.constant 0 : i32
      %dma_start3A_313 = arith.constant 0 : i32
      %dma_start3A_314 = tpu.memref_slice %arg6[%dma_start3A_311, %dma_start3A_312, %dma_start3A_313] : memref<42x2x96xi32, #tpu.memory_space<vmem>> -> memref<42x2x96xi32, #tpu.memory_space<vmem>>
      %dma_start3A_315 = arith.constant 42 : i32
      %dma_start3A_316 = arith.constant 0 : i32
      %dma_start3A_317 = arith.constant 0 : i32
      %dma_start3A_318 = tpu.memref_slice %arg3[%add3A, %dma_start3A_315, %dma_start3A_316, %dma_start3A_317] : memref<32x108x2x96xi32, #tpu.memory_space<hbm>> -> memref<1x42x2x96xi32, #tpu.memory_space<hbm>>
      %dma_start3A_319 = tpu.memref_squeeze %dma_start3A_318 : memref<1x42x2x96xi32, #tpu.memory_space<hbm>> -> memref<42x2x96xi32, #tpu.memory_space<hbm>>
      %dma_start3A_320 = arith.constant 0 : i32
      %dma_start3A_321 = arith.constant 0 : i32
      %dma_start3A_322 = arith.constant 0 : i32
      %dma_start3A_323 = tpu.memref_slice %arg6[%dma_start3A_320, %dma_start3A_321, %dma_start3A_322] : memref<42x2x96xi32, #tpu.memory_space<vmem>> -> memref<42x2x96xi32, #tpu.memory_space<vmem>>
      %dma_start3A_324 = arith.constant 42 : i32
      %dma_start3A_325 = arith.constant 0 : i32
      %dma_start3A_326 = arith.constant 0 : i32
      %dma_start3A_327 = tpu.memref_slice %arg3[%add3A, %dma_start3A_324, %dma_start3A_325, %dma_start3A_326] : memref<32x108x2x96xi32, #tpu.memory_space<hbm>> -> memref<1x42x2x96xi32, #tpu.memory_space<hbm>>
      %dma_start3A_328 = tpu.memref_squeeze %dma_start3A_327 : memref<1x42x2x96xi32, #tpu.memory_space<hbm>> -> memref<42x2x96xi32, #tpu.memory_space<hbm>>
      tpu.enqueue_dma source(%dma_start3A_328 : memref<42x2x96xi32, #tpu.memory_space<hbm>>) target(%dma_start3A_323 : memref<42x2x96xi32, #tpu.memory_space<vmem>>) target_semaphore(%run_scoped3A : memref<!tpu.dma_semaphore, #tpu.memory_space<semaphore_mem>>)
      %dma_wait3A_329 = arith.constant 0 : i32
      %dma_wait3A_330 = arith.constant 0 : i32
      %dma_wait3A_331 = arith.constant 0 : i32
      %dma_wait3A_332 = tpu.memref_slice %arg6[%dma_wait3A_329, %dma_wait3A_330, %dma_wait3A_331] : memref<42x2x96xi32, #tpu.memory_space<vmem>> -> memref<42x2x96xi32, #tpu.memory_space<vmem>>
      %dma_wait3A_333 = arith.constant 42 : i32
      %dma_wait3A_334 = arith.constant 0 : i32
      %dma_wait3A_335 = arith.constant 0 : i32
      %dma_wait3A_336 = tpu.memref_slice %arg3[%add3A, %dma_wait3A_333, %dma_wait3A_334, %dma_wait3A_335] : memref<32x108x2x96xi32, #tpu.memory_space<hbm>> -> memref<1x42x2x96xi32, #tpu.memory_space<hbm>>
      %dma_wait3A_337 = tpu.memref_squeeze %dma_wait3A_336 : memref<1x42x2x96xi32, #tpu.memory_space<hbm>> -> memref<42x2x96xi32, #tpu.memory_space<hbm>>
      %dma_wait3A_338 = arith.constant 0 : i32
      %dma_wait3A_339 = arith.constant 0 : i32
      %dma_wait3A_340 = arith.constant 0 : i32
      %dma_wait3A_341 = tpu.memref_slice %arg6[%dma_wait3A_338, %dma_wait3A_339, %dma_wait3A_340] : memref<42x2x96xi32, #tpu.memory_space<vmem>> -> memref<42x2x96xi32, #tpu.memory_space<vmem>>
      %dma_wait3A_342 = arith.constant 42 : i32
      %dma_wait3A_343 = arith.constant 0 : i32
      %dma_wait3A_344 = arith.constant 0 : i32
      %dma_wait3A_345 = tpu.memref_slice %arg3[%add3A, %dma_wait3A_342, %dma_wait3A_343, %dma_wait3A_344] : memref<32x108x2x96xi32, #tpu.memory_space<hbm>> -> memref<1x42x2x96xi32, #tpu.memory_space<hbm>>
      %dma_wait3A_346 = tpu.memref_squeeze %dma_wait3A_345 : memref<1x42x2x96xi32, #tpu.memory_space<hbm>> -> memref<42x2x96xi32, #tpu.memory_space<hbm>>
      tpu.wait_dma2 semaphore(%run_scoped3A : memref<!tpu.dma_semaphore, #tpu.memory_space<semaphore_mem>>) src(%dma_wait3A_346 : memref<42x2x96xi32, #tpu.memory_space<hbm>>) dst(%dma_wait3A_341 : memref<42x2x96xi32, #tpu.memory_space<vmem>>)
      tpu.yield
    }) : () -> ()
    %dma_start3A_102 = arith.constant 0 : i32
    %dma_start3A_103 = arith.constant 0 : i32
    %dma_start3A_104 = arith.constant 0 : i32
    %dma_start3A_105 = tpu.memref_slice %arg6[%dma_start3A_102, %dma_start3A_103, %dma_start3A_104] : memref<42x2x96xi32, #tpu.memory_space<vmem>> -> memref<1x1x96xi32, #tpu.memory_space<vmem>>
    %dma_start3A_106 = tpu.memref_squeeze %dma_start3A_105 : memref<1x1x96xi32, #tpu.memory_space<vmem>> -> memref<96xi32, #tpu.memory_space<vmem>>
    %dma_start3A_107 = arith.constant 0 : i32
    %dma_start3A_108 = arith.constant 0 : i32
    %dma_start3A_109 = tpu.memref_slice %arg2[%dma_start3A_107, %dma_start3A_108] : memref<10000x128xf32, #tpu.memory_space<hbm>> -> memref<10000x128xf32, #tpu.memory_space<hbm>>
    tpu.enqueue_indirect_dma source(%dma_start3A_109 : memref<10000x128xf32, #tpu.memory_space<hbm>>) target(%arg7 : memref<96x128xf32, #tpu.memory_space<vmem>>) offsets(%dma_start3A_106 : memref<96xi32, #tpu.memory_space<vmem>>) semaphore(%arg11 : memref<!tpu.dma_semaphore, #tpu.memory_space<semaphore_mem>>)
    %dma_start3A_110 = arith.constant 1 : i32
    %dma_start3A_111 = arith.constant 0 : i32
    %dma_start3A_112 = arith.constant 0 : i32
    %dma_start3A_113 = tpu.memref_slice %arg6[%dma_start3A_110, %dma_start3A_111, %dma_start3A_112] : memref<42x2x96xi32, #tpu.memory_space<vmem>> -> memref<1x1x96xi32, #tpu.memory_space<vmem>>
    %dma_start3A_114 = tpu.memref_squeeze %dma_start3A_113 : memref<1x1x96xi32, #tpu.memory_space<vmem>> -> memref<96xi32, #tpu.memory_space<vmem>>
    %dma_start3A_115 = arith.constant 0 : i32
    %dma_start3A_116 = arith.constant 0 : i32
    %dma_start3A_117 = tpu.memref_slice %arg2[%dma_start3A_115, %dma_start3A_116] : memref<10000x128xf32, #tpu.memory_space<hbm>> -> memref<10000x128xf32, #tpu.memory_space<hbm>>
    tpu.enqueue_indirect_dma source(%dma_start3A_117 : memref<10000x128xf32, #tpu.memory_space<hbm>>) target(%arg8 : memref<96x128xf32, #tpu.memory_space<vmem>>) offsets(%dma_start3A_114 : memref<96xi32, #tpu.memory_space<vmem>>) semaphore(%arg12 : memref<!tpu.dma_semaphore, #tpu.memory_space<semaphore_mem>>)
    %dma_wait3A_118 = arith.constant 0 : i32
    %dma_wait3A_119 = arith.constant 0 : i32
    %dma_wait3A_120 = arith.constant 0 : i32
    %dma_wait3A_121 = tpu.memref_slice %arg6[%dma_wait3A_118, %dma_wait3A_119, %dma_wait3A_120] : memref<42x2x96xi32, #tpu.memory_space<vmem>> -> memref<1x1x96xi32, #tpu.memory_space<vmem>>
    %dma_wait3A_122 = tpu.memref_squeeze %dma_wait3A_121 : memref<1x1x96xi32, #tpu.memory_space<vmem>> -> memref<96xi32, #tpu.memory_space<vmem>>
    %dma_wait3A_123 = arith.constant 0 : i32
    %dma_wait3A_124 = arith.constant 0 : i32
    %dma_wait3A_125 = tpu.memref_slice %arg2[%dma_wait3A_123, %dma_wait3A_124] : memref<10000x128xf32, #tpu.memory_space<hbm>> -> memref<10000x128xf32, #tpu.memory_space<hbm>>
    tpu.wait_indirect_dma semaphore(%arg11 : memref<!tpu.dma_semaphore, #tpu.memory_space<semaphore_mem>>) src(%dma_wait3A_125 : memref<10000x128xf32, #tpu.memory_space<hbm>>) dst(%arg7 : memref<96x128xf32, #tpu.memory_space<vmem>>)
    %dma_start3A_126 = arith.constant 2 : i32
    %dma_start3A_127 = arith.constant 0 : i32
    %dma_start3A_128 = arith.constant 0 : i32
    %dma_start3A_129 = tpu.memref_slice %arg6[%dma_start3A_126, %dma_start3A_127, %dma_start3A_128] : memref<42x2x96xi32, #tpu.memory_space<vmem>> -> memref<1x1x96xi32, #tpu.memory_space<vmem>>
    %dma_start3A_130 = tpu.memref_squeeze %dma_start3A_129 : memref<1x1x96xi32, #tpu.memory_space<vmem>> -> memref<96xi32, #tpu.memory_space<vmem>>
    %dma_start3A_131 = arith.constant 0 : i32
    %dma_start3A_132 = arith.constant 0 : i32
    %dma_start3A_133 = tpu.memref_slice %arg2[%dma_start3A_131, %dma_start3A_132] : memref<10000x128xf32, #tpu.memory_space<hbm>> -> memref<10000x128xf32, #tpu.memory_space<hbm>>
    tpu.enqueue_indirect_dma source(%dma_start3A_133 : memref<10000x128xf32, #tpu.memory_space<hbm>>) target(%arg9 : memref<96x128xf32, #tpu.memory_space<vmem>>) offsets(%dma_start3A_130 : memref<96xi32, #tpu.memory_space<vmem>>) semaphore(%arg13 : memref<!tpu.dma_semaphore, #tpu.memory_space<semaphore_mem>>)
    %dma_start3A_134 = arith.constant 0 : i32
    %dma_start3A_135 = arith.constant 1 : i32
    %dma_start3A_136 = arith.constant 0 : i32
    %dma_start3A_137 = tpu.memref_slice %arg6[%dma_start3A_134, %dma_start3A_135, %dma_start3A_136] : memref<42x2x96xi32, #tpu.memory_space<vmem>> -> memref<1x1x96xi32, #tpu.memory_space<vmem>>
    %dma_start3A_138 = tpu.memref_squeeze %dma_start3A_137 : memref<1x1x96xi32, #tpu.memory_space<vmem>> -> memref<96xi32, #tpu.memory_space<vmem>>
    %dma_start3A_139 = arith.constant 0 : i32
    %dma_start3A_140 = arith.constant 0 : i32
    %dma_start3A_141 = tpu.memref_slice %arg10[%dma_start3A_139, %dma_start3A_140] : memref<10112x128xf32, #tpu.memory_space<vmem_shared>> -> memref<10112x128xf32, #tpu.memory_space<vmem_shared>>
    tpu.enqueue_indirect_dma source(%arg7 : memref<96x128xf32, #tpu.memory_space<vmem>>) target(%dma_start3A_141 : memref<10112x128xf32, #tpu.memory_space<vmem_shared>>) offsets(%dma_start3A_138 : memref<96xi32, #tpu.memory_space<vmem>>) semaphore(%arg14 : memref<!tpu.dma_semaphore, #tpu.memory_space<semaphore_mem>>) {add = true}
    %scan3A_142 = arith.constant 0 : i32
    %scan3A_143 = arith.constant 0 : i32
    %scan3A_144 = arith.constant 13 : i32
    %scan3A_145 = arith.addi %scan3A_143, %scan3A_144 : i32
    %scan3A_146 = arith.constant 1 : i32
    scf.for %scan3A_311 = %scan3A_143 to %scan3A_145 step %scan3A_146  : i32 {
      %mul3A_312 = arith.constant 3 : i32
      %mul3A_313 = arith.muli %mul3A_312, %scan3A_311 : i32
      %add3A_314 = arith.constant 1 : i32
      %add3A_315 = arith.addi %mul3A_313, %add3A_314 : i32
      %dma_wait3A_316 = arith.constant 0 : i32
      %dma_wait3A_317 = arith.constant 0 : i32
      %dma_wait3A_318 = arith.constant 0 : i32
      %dma_wait3A_319 = tpu.memref_slice %arg6[%dma_wait3A_316, %dma_wait3A_317, %dma_wait3A_318] : memref<42x2x96xi32, #tpu.memory_space<vmem>> -> memref<1x1x96xi32, #tpu.memory_space<vmem>>
      %dma_wait3A_320 = tpu.memref_squeeze %dma_wait3A_319 : memref<1x1x96xi32, #tpu.memory_space<vmem>> -> memref<96xi32, #tpu.memory_space<vmem>>
      %dma_wait3A_321 = arith.constant 0 : i32
      %dma_wait3A_322 = arith.constant 0 : i32
      %dma_wait3A_323 = tpu.memref_slice %arg2[%dma_wait3A_321, %dma_wait3A_322] : memref<10000x128xf32, #tpu.memory_space<hbm>> -> memref<10000x128xf32, #tpu.memory_space<hbm>>
      tpu.wait_indirect_dma semaphore(%arg12 : memref<!tpu.dma_semaphore, #tpu.memory_space<semaphore_mem>>) src(%dma_wait3A_323 : memref<10000x128xf32, #tpu.memory_space<hbm>>) dst(%arg8 : memref<96x128xf32, #tpu.memory_space<vmem>>)
      %dma_wait3A_324 = arith.constant 0 : i32
      %dma_wait3A_325 = arith.constant 1 : i32
      %dma_wait3A_326 = arith.constant 0 : i32
      %dma_wait3A_327 = tpu.memref_slice %arg6[%dma_wait3A_324, %dma_wait3A_325, %dma_wait3A_326] : memref<42x2x96xi32, #tpu.memory_space<vmem>> -> memref<1x1x96xi32, #tpu.memory_space<vmem>>
      %dma_wait3A_328 = tpu.memref_squeeze %dma_wait3A_327 : memref<1x1x96xi32, #tpu.memory_space<vmem>> -> memref<96xi32, #tpu.memory_space<vmem>>
      %dma_wait3A_329 = arith.constant 0 : i32
      %dma_wait3A_330 = arith.constant 0 : i32
      %dma_wait3A_331 = tpu.memref_slice %arg10[%dma_wait3A_329, %dma_wait3A_330] : memref<10112x128xf32, #tpu.memory_space<vmem_shared>> -> memref<10112x128xf32, #tpu.memory_space<vmem_shared>>
      tpu.wait_indirect_dma semaphore(%arg14 : memref<!tpu.dma_semaphore, #tpu.memory_space<semaphore_mem>>) src(%arg7 : memref<96x128xf32, #tpu.memory_space<vmem>>) dst(%dma_wait3A_331 : memref<10112x128xf32, #tpu.memory_space<vmem_shared>>)
      %add3A_332 = arith.constant 2 : i32
      %add3A_333 = arith.addi %add3A_315, %add3A_332 : i32
      %dma_start3A_334 = arith.constant 0 : i32
      %dma_start3A_335 = arith.constant 0 : i32
      %dma_start3A_336 = tpu.memref_slice %arg6[%add3A_333, %dma_start3A_334, %dma_start3A_335] : memref<42x2x96xi32, #tpu.memory_space<vmem>> -> memref<1x1x96xi32, #tpu.memory_space<vmem>>
      %dma_start3A_337 = tpu.memref_squeeze %dma_start3A_336 : memref<1x1x96xi32, #tpu.memory_space<vmem>> -> memref<96xi32, #tpu.memory_space<vmem>>
      %dma_start3A_338 = arith.constant 0 : i32
      %dma_start3A_339 = arith.constant 0 : i32
      %dma_start3A_340 = tpu.memref_slice %arg2[%dma_start3A_338, %dma_start3A_339] : memref<10000x128xf32, #tpu.memory_space<hbm>> -> memref<10000x128xf32, #tpu.memory_space<hbm>>
      tpu.enqueue_indirect_dma source(%dma_start3A_340 : memref<10000x128xf32, #tpu.memory_space<hbm>>) target(%arg7 : memref<96x128xf32, #tpu.memory_space<vmem>>) offsets(%dma_start3A_337 : memref<96xi32, #tpu.memory_space<vmem>>) semaphore(%arg11 : memref<!tpu.dma_semaphore, #tpu.memory_space<semaphore_mem>>)
      %dma_start3A_341 = arith.constant 1 : i32
      %dma_start3A_342 = arith.constant 0 : i32
      %dma_start3A_343 = tpu.memref_slice %arg6[%add3A_315, %dma_start3A_341, %dma_start3A_342] : memref<42x2x96xi32, #tpu.memory_space<vmem>> -> memref<1x1x96xi32, #tpu.memory_space<vmem>>
      %dma_start3A_344 = tpu.memref_squeeze %dma_start3A_343 : memref<1x1x96xi32, #tpu.memory_space<vmem>> -> memref<96xi32, #tpu.memory_space<vmem>>
      %dma_start3A_345 = arith.constant 0 : i32
      %dma_start3A_346 = arith.constant 0 : i32
      %dma_start3A_347 = tpu.memref_slice %arg10[%dma_start3A_345, %dma_start3A_346] : memref<10112x128xf32, #tpu.memory_space<vmem_shared>> -> memref<10112x128xf32, #tpu.memory_space<vmem_shared>>
      tpu.enqueue_indirect_dma source(%arg8 : memref<96x128xf32, #tpu.memory_space<vmem>>) target(%dma_start3A_347 : memref<10112x128xf32, #tpu.memory_space<vmem_shared>>) offsets(%dma_start3A_344 : memref<96xi32, #tpu.memory_space<vmem>>) semaphore(%arg15 : memref<!tpu.dma_semaphore, #tpu.memory_space<semaphore_mem>>) {add = true}
      %dma_wait3A_348 = arith.constant 0 : i32
      %dma_wait3A_349 = arith.constant 0 : i32
      %dma_wait3A_350 = arith.constant 0 : i32
      %dma_wait3A_351 = tpu.memref_slice %arg6[%dma_wait3A_348, %dma_wait3A_349, %dma_wait3A_350] : memref<42x2x96xi32, #tpu.memory_space<vmem>> -> memref<1x1x96xi32, #tpu.memory_space<vmem>>
      %dma_wait3A_352 = tpu.memref_squeeze %dma_wait3A_351 : memref<1x1x96xi32, #tpu.memory_space<vmem>> -> memref<96xi32, #tpu.memory_space<vmem>>
      %dma_wait3A_353 = arith.constant 0 : i32
      %dma_wait3A_354 = arith.constant 0 : i32
      %dma_wait3A_355 = tpu.memref_slice %arg2[%dma_wait3A_353, %dma_wait3A_354] : memref<10000x128xf32, #tpu.memory_space<hbm>> -> memref<10000x128xf32, #tpu.memory_space<hbm>>
      tpu.wait_indirect_dma semaphore(%arg13 : memref<!tpu.dma_semaphore, #tpu.memory_space<semaphore_mem>>) src(%dma_wait3A_355 : memref<10000x128xf32, #tpu.memory_space<hbm>>) dst(%arg9 : memref<96x128xf32, #tpu.memory_space<vmem>>)
      %dma_wait3A_356 = arith.constant 0 : i32
      %dma_wait3A_357 = arith.constant 1 : i32
      %dma_wait3A_358 = arith.constant 0 : i32
      %dma_wait3A_359 = tpu.memref_slice %arg6[%dma_wait3A_356, %dma_wait3A_357, %dma_wait3A_358] : memref<42x2x96xi32, #tpu.memory_space<vmem>> -> memref<1x1x96xi32, #tpu.memory_space<vmem>>
      %dma_wait3A_360 = tpu.memref_squeeze %dma_wait3A_359 : memref<1x1x96xi32, #tpu.memory_space<vmem>> -> memref<96xi32, #tpu.memory_space<vmem>>
      %dma_wait3A_361 = arith.constant 0 : i32
      %dma_wait3A_362 = arith.constant 0 : i32
      %dma_wait3A_363 = tpu.memref_slice %arg10[%dma_wait3A_361, %dma_wait3A_362] : memref<10112x128xf32, #tpu.memory_space<vmem_shared>> -> memref<10112x128xf32, #tpu.memory_space<vmem_shared>>
      tpu.wait_indirect_dma semaphore(%arg15 : memref<!tpu.dma_semaphore, #tpu.memory_space<semaphore_mem>>) src(%arg8 : memref<96x128xf32, #tpu.memory_space<vmem>>) dst(%dma_wait3A_363 : memref<10112x128xf32, #tpu.memory_space<vmem_shared>>)
      %add3A_364 = arith.constant 3 : i32
      %add3A_365 = arith.addi %add3A_315, %add3A_364 : i32
      %dma_start3A_366 = arith.constant 0 : i32
      %dma_start3A_367 = arith.constant 0 : i32
      %dma_start3A_368 = tpu.memref_slice %arg6[%add3A_365, %dma_start3A_366, %dma_start3A_367] : memref<42x2x96xi32, #tpu.memory_space<vmem>> -> memref<1x1x96xi32, #tpu.memory_space<vmem>>
      %dma_start3A_369 = tpu.memref_squeeze %dma_start3A_368 : memref<1x1x96xi32, #tpu.memory_space<vmem>> -> memref<96xi32, #tpu.memory_space<vmem>>
      %dma_start3A_370 = arith.constant 0 : i32
      %dma_start3A_371 = arith.constant 0 : i32
      %dma_start3A_372 = tpu.memref_slice %arg2[%dma_start3A_370, %dma_start3A_371] : memref<10000x128xf32, #tpu.memory_space<hbm>> -> memref<10000x128xf32, #tpu.memory_space<hbm>>
      tpu.enqueue_indirect_dma source(%dma_start3A_372 : memref<10000x128xf32, #tpu.memory_space<hbm>>) target(%arg8 : memref<96x128xf32, #tpu.memory_space<vmem>>) offsets(%dma_start3A_369 : memref<96xi32, #tpu.memory_space<vmem>>) semaphore(%arg12 : memref<!tpu.dma_semaphore, #tpu.memory_space<semaphore_mem>>)
      %add3A_373 = arith.constant 1 : i32
      %add3A_374 = arith.addi %add3A_315, %add3A_373 : i32
      %dma_start3A_375 = arith.constant 1 : i32
      %dma_start3A_376 = arith.constant 0 : i32
      %dma_start3A_377 = tpu.memref_slice %arg6[%add3A_374, %dma_start3A_375, %dma_start3A_376] : memref<42x2x96xi32, #tpu.memory_space<vmem>> -> memref<1x1x96xi32, #tpu.memory_space<vmem>>
      %dma_start3A_378 = tpu.memref_squeeze %dma_start3A_377 : memref<1x1x96xi32, #tpu.memory_space<vmem>> -> memref<96xi32, #tpu.memory_space<vmem>>
      %dma_start3A_379 = arith.constant 0 : i32
      %dma_start3A_380 = arith.constant 0 : i32
      %dma_start3A_381 = tpu.memref_slice %arg10[%dma_start3A_379, %dma_start3A_380] : memref<10112x128xf32, #tpu.memory_space<vmem_shared>> -> memref<10112x128xf32, #tpu.memory_space<vmem_shared>>
      tpu.enqueue_indirect_dma source(%arg9 : memref<96x128xf32, #tpu.memory_space<vmem>>) target(%dma_start3A_381 : memref<10112x128xf32, #tpu.memory_space<vmem_shared>>) offsets(%dma_start3A_378 : memref<96xi32, #tpu.memory_space<vmem>>) semaphore(%arg16 : memref<!tpu.dma_semaphore, #tpu.memory_space<semaphore_mem>>) {add = true}
      %dma_wait3A_382 = arith.constant 0 : i32
      %dma_wait3A_383 = arith.constant 0 : i32
      %dma_wait3A_384 = arith.constant 0 : i32
      %dma_wait3A_385 = tpu.memref_slice %arg6[%dma_wait3A_382, %dma_wait3A_383, %dma_wait3A_384] : memref<42x2x96xi32, #tpu.memory_space<vmem>> -> memref<1x1x96xi32, #tpu.memory_space<vmem>>
      %dma_wait3A_386 = tpu.memref_squeeze %dma_wait3A_385 : memref<1x1x96xi32, #tpu.memory_space<vmem>> -> memref<96xi32, #tpu.memory_space<vmem>>
      %dma_wait3A_387 = arith.constant 0 : i32
      %dma_wait3A_388 = arith.constant 0 : i32
      %dma_wait3A_389 = tpu.memref_slice %arg2[%dma_wait3A_387, %dma_wait3A_388] : memref<10000x128xf32, #tpu.memory_space<hbm>> -> memref<10000x128xf32, #tpu.memory_space<hbm>>
      tpu.wait_indirect_dma semaphore(%arg11 : memref<!tpu.dma_semaphore, #tpu.memory_space<semaphore_mem>>) src(%dma_wait3A_389 : memref<10000x128xf32, #tpu.memory_space<hbm>>) dst(%arg7 : memref<96x128xf32, #tpu.memory_space<vmem>>)
      %dma_wait3A_390 = arith.constant 0 : i32
      %dma_wait3A_391 = arith.constant 1 : i32
      %dma_wait3A_392 = arith.constant 0 : i32
      %dma_wait3A_393 = tpu.memref_slice %arg6[%dma_wait3A_390, %dma_wait3A_391, %dma_wait3A_392] : memref<42x2x96xi32, #tpu.memory_space<vmem>> -> memref<1x1x96xi32, #tpu.memory_space<vmem>>
      %dma_wait3A_394 = tpu.memref_squeeze %dma_wait3A_393 : memref<1x1x96xi32, #tpu.memory_space<vmem>> -> memref<96xi32, #tpu.memory_space<vmem>>
      %dma_wait3A_395 = arith.constant 0 : i32
      %dma_wait3A_396 = arith.constant 0 : i32
      %dma_wait3A_397 = tpu.memref_slice %arg10[%dma_wait3A_395, %dma_wait3A_396] : memref<10112x128xf32, #tpu.memory_space<vmem_shared>> -> memref<10112x128xf32, #tpu.memory_space<vmem_shared>>
      tpu.wait_indirect_dma semaphore(%arg16 : memref<!tpu.dma_semaphore, #tpu.memory_space<semaphore_mem>>) src(%arg9 : memref<96x128xf32, #tpu.memory_space<vmem>>) dst(%dma_wait3A_397 : memref<10112x128xf32, #tpu.memory_space<vmem_shared>>)
      %add3A_398 = arith.constant 4 : i32
      %add3A_399 = arith.addi %add3A_315, %add3A_398 : i32
      %dma_start3A_400 = arith.constant 0 : i32
      %dma_start3A_401 = arith.constant 0 : i32
      %dma_start3A_402 = tpu.memref_slice %arg6[%add3A_399, %dma_start3A_400, %dma_start3A_401] : memref<42x2x96xi32, #tpu.memory_space<vmem>> -> memref<1x1x96xi32, #tpu.memory_space<vmem>>
      %dma_start3A_403 = tpu.memref_squeeze %dma_start3A_402 : memref<1x1x96xi32, #tpu.memory_space<vmem>> -> memref<96xi32, #tpu.memory_space<vmem>>
      %dma_start3A_404 = arith.constant 0 : i32
      %dma_start3A_405 = arith.constant 0 : i32
      %dma_start3A_406 = tpu.memref_slice %arg2[%dma_start3A_404, %dma_start3A_405] : memref<10000x128xf32, #tpu.memory_space<hbm>> -> memref<10000x128xf32, #tpu.memory_space<hbm>>
      tpu.enqueue_indirect_dma source(%dma_start3A_406 : memref<10000x128xf32, #tpu.memory_space<hbm>>) target(%arg9 : memref<96x128xf32, #tpu.memory_space<vmem>>) offsets(%dma_start3A_403 : memref<96xi32, #tpu.memory_space<vmem>>) semaphore(%arg13 : memref<!tpu.dma_semaphore, #tpu.memory_space<semaphore_mem>>)
      %add3A_407 = arith.constant 2 : i32
      %add3A_408 = arith.addi %add3A_315, %add3A_407 : i32
      %dma_start3A_409 = arith.constant 1 : i32
      %dma_start3A_410 = arith.constant 0 : i32
      %dma_start3A_411 = tpu.memref_slice %arg6[%add3A_408, %dma_start3A_409, %dma_start3A_410] : memref<42x2x96xi32, #tpu.memory_space<vmem>> -> memref<1x1x96xi32, #tpu.memory_space<vmem>>
      %dma_start3A_412 = tpu.memref_squeeze %dma_start3A_411 : memref<1x1x96xi32, #tpu.memory_space<vmem>> -> memref<96xi32, #tpu.memory_space<vmem>>
      %dma_start3A_413 = arith.constant 0 : i32
      %dma_start3A_414 = arith.constant 0 : i32
      %dma_start3A_415 = tpu.memref_slice %arg10[%dma_start3A_413, %dma_start3A_414] : memref<10112x128xf32, #tpu.memory_space<vmem_shared>> -> memref<10112x128xf32, #tpu.memory_space<vmem_shared>>
      tpu.enqueue_indirect_dma source(%arg7 : memref<96x128xf32, #tpu.memory_space<vmem>>) target(%dma_start3A_415 : memref<10112x128xf32, #tpu.memory_space<vmem_shared>>) offsets(%dma_start3A_412 : memref<96xi32, #tpu.memory_space<vmem>>) semaphore(%arg14 : memref<!tpu.dma_semaphore, #tpu.memory_space<semaphore_mem>>) {add = true}
    }
    %scan3A_147 = arith.constant 13 : i32
    %dma_wait3A_148 = arith.constant 0 : i32
    %dma_wait3A_149 = arith.constant 0 : i32
    %dma_wait3A_150 = arith.constant 0 : i32
    %dma_wait3A_151 = tpu.memref_slice %arg6[%dma_wait3A_148, %dma_wait3A_149, %dma_wait3A_150] : memref<42x2x96xi32, #tpu.memory_space<vmem>> -> memref<1x1x96xi32, #tpu.memory_space<vmem>>
    %dma_wait3A_152 = tpu.memref_squeeze %dma_wait3A_151 : memref<1x1x96xi32, #tpu.memory_space<vmem>> -> memref<96xi32, #tpu.memory_space<vmem>>
    %dma_wait3A_153 = arith.constant 0 : i32
    %dma_wait3A_154 = arith.constant 0 : i32
    %dma_wait3A_155 = tpu.memref_slice %arg2[%dma_wait3A_153, %dma_wait3A_154] : memref<10000x128xf32, #tpu.memory_space<hbm>> -> memref<10000x128xf32, #tpu.memory_space<hbm>>
    tpu.wait_indirect_dma semaphore(%arg12 : memref<!tpu.dma_semaphore, #tpu.memory_space<semaphore_mem>>) src(%dma_wait3A_155 : memref<10000x128xf32, #tpu.memory_space<hbm>>) dst(%arg8 : memref<96x128xf32, #tpu.memory_space<vmem>>)
    %dma_wait3A_156 = arith.constant 0 : i32
    %dma_wait3A_157 = arith.constant 1 : i32
    %dma_wait3A_158 = arith.constant 0 : i32
    %dma_wait3A_159 = tpu.memref_slice %arg6[%dma_wait3A_156, %dma_wait3A_157, %dma_wait3A_158] : memref<42x2x96xi32, #tpu.memory_space<vmem>> -> memref<1x1x96xi32, #tpu.memory_space<vmem>>
    %dma_wait3A_160 = tpu.memref_squeeze %dma_wait3A_159 : memref<1x1x96xi32, #tpu.memory_space<vmem>> -> memref<96xi32, #tpu.memory_space<vmem>>
    %dma_wait3A_161 = arith.constant 0 : i32
    %dma_wait3A_162 = arith.constant 0 : i32
    %dma_wait3A_163 = tpu.memref_slice %arg10[%dma_wait3A_161, %dma_wait3A_162] : memref<10112x128xf32, #tpu.memory_space<vmem_shared>> -> memref<10112x128xf32, #tpu.memory_space<vmem_shared>>
    tpu.wait_indirect_dma semaphore(%arg14 : memref<!tpu.dma_semaphore, #tpu.memory_space<semaphore_mem>>) src(%arg7 : memref<96x128xf32, #tpu.memory_space<vmem>>) dst(%dma_wait3A_163 : memref<10112x128xf32, #tpu.memory_space<vmem_shared>>)
    %dma_start3A_164 = arith.constant 40 : i32
    %dma_start3A_165 = arith.constant 1 : i32
    %dma_start3A_166 = arith.constant 0 : i32
    %dma_start3A_167 = tpu.memref_slice %arg6[%dma_start3A_164, %dma_start3A_165, %dma_start3A_166] : memref<42x2x96xi32, #tpu.memory_space<vmem>> -> memref<1x1x96xi32, #tpu.memory_space<vmem>>
    %dma_start3A_168 = tpu.memref_squeeze %dma_start3A_167 : memref<1x1x96xi32, #tpu.memory_space<vmem>> -> memref<96xi32, #tpu.memory_space<vmem>>
    %dma_start3A_169 = arith.constant 0 : i32
    %dma_start3A_170 = arith.constant 0 : i32
    %dma_start3A_171 = tpu.memref_slice %arg10[%dma_start3A_169, %dma_start3A_170] : memref<10112x128xf32, #tpu.memory_space<vmem_shared>> -> memref<10112x128xf32, #tpu.memory_space<vmem_shared>>
    tpu.enqueue_indirect_dma source(%arg8 : memref<96x128xf32, #tpu.memory_space<vmem>>) target(%dma_start3A_171 : memref<10112x128xf32, #tpu.memory_space<vmem_shared>>) offsets(%dma_start3A_168 : memref<96xi32, #tpu.memory_space<vmem>>) semaphore(%arg15 : memref<!tpu.dma_semaphore, #tpu.memory_space<semaphore_mem>>) {add = true}
    %dma_wait3A_172 = arith.constant 0 : i32
    %dma_wait3A_173 = arith.constant 0 : i32
    %dma_wait3A_174 = arith.constant 0 : i32
    %dma_wait3A_175 = tpu.memref_slice %arg6[%dma_wait3A_172, %dma_wait3A_173, %dma_wait3A_174] : memref<42x2x96xi32, #tpu.memory_space<vmem>> -> memref<1x1x96xi32, #tpu.memory_space<vmem>>
    %dma_wait3A_176 = tpu.memref_squeeze %dma_wait3A_175 : memref<1x1x96xi32, #tpu.memory_space<vmem>> -> memref<96xi32, #tpu.memory_space<vmem>>
    %dma_wait3A_177 = arith.constant 0 : i32
    %dma_wait3A_178 = arith.constant 0 : i32
    %dma_wait3A_179 = tpu.memref_slice %arg2[%dma_wait3A_177, %dma_wait3A_178] : memref<10000x128xf32, #tpu.memory_space<hbm>> -> memref<10000x128xf32, #tpu.memory_space<hbm>>
    tpu.wait_indirect_dma semaphore(%arg13 : memref<!tpu.dma_semaphore, #tpu.memory_space<semaphore_mem>>) src(%dma_wait3A_179 : memref<10000x128xf32, #tpu.memory_space<hbm>>) dst(%arg9 : memref<96x128xf32, #tpu.memory_space<vmem>>)
    %dma_wait3A_180 = arith.constant 0 : i32
    %dma_wait3A_181 = arith.constant 1 : i32
    %dma_wait3A_182 = arith.constant 0 : i32
    %dma_wait3A_183 = tpu.memref_slice %arg6[%dma_wait3A_180, %dma_wait3A_181, %dma_wait3A_182] : memref<42x2x96xi32, #tpu.memory_space<vmem>> -> memref<1x1x96xi32, #tpu.memory_space<vmem>>
    %dma_wait3A_184 = tpu.memref_squeeze %dma_wait3A_183 : memref<1x1x96xi32, #tpu.memory_space<vmem>> -> memref<96xi32, #tpu.memory_space<vmem>>
    %dma_wait3A_185 = arith.constant 0 : i32
    %dma_wait3A_186 = arith.constant 0 : i32
    %dma_wait3A_187 = tpu.memref_slice %arg10[%dma_wait3A_185, %dma_wait3A_186] : memref<10112x128xf32, #tpu.memory_space<vmem_shared>> -> memref<10112x128xf32, #tpu.memory_space<vmem_shared>>
    tpu.wait_indirect_dma semaphore(%arg15 : memref<!tpu.dma_semaphore, #tpu.memory_space<semaphore_mem>>) src(%arg8 : memref<96x128xf32, #tpu.memory_space<vmem>>) dst(%dma_wait3A_187 : memref<10112x128xf32, #tpu.memory_space<vmem_shared>>)
    %dma_start3A_188 = arith.constant 41 : i32
    %dma_start3A_189 = arith.constant 1 : i32
    %dma_start3A_190 = arith.constant 0 : i32
    %dma_start3A_191 = tpu.memref_slice %arg6[%dma_start3A_188, %dma_start3A_189, %dma_start3A_190] : memref<42x2x96xi32, #tpu.memory_space<vmem>> -> memref<1x1x96xi32, #tpu.memory_space<vmem>>
    %dma_start3A_192 = tpu.memref_squeeze %dma_start3A_191 : memref<1x1x96xi32, #tpu.memory_space<vmem>> -> memref<96xi32, #tpu.memory_space<vmem>>
    %dma_start3A_193 = arith.constant 0 : i32
    %dma_start3A_194 = arith.constant 0 : i32
    %dma_start3A_195 = tpu.memref_slice %arg10[%dma_start3A_193, %dma_start3A_194] : memref<10112x128xf32, #tpu.memory_space<vmem_shared>> -> memref<10112x128xf32, #tpu.memory_space<vmem_shared>>
    tpu.enqueue_indirect_dma source(%arg9 : memref<96x128xf32, #tpu.memory_space<vmem>>) target(%dma_start3A_195 : memref<10112x128xf32, #tpu.memory_space<vmem_shared>>) offsets(%dma_start3A_192 : memref<96xi32, #tpu.memory_space<vmem>>) semaphore(%arg16 : memref<!tpu.dma_semaphore, #tpu.memory_space<semaphore_mem>>) {add = true}
    %dma_wait3A_196 = arith.constant 0 : i32
    %dma_wait3A_197 = arith.constant 1 : i32
    %dma_wait3A_198 = arith.constant 0 : i32
    %dma_wait3A_199 = tpu.memref_slice %arg6[%dma_wait3A_196, %dma_wait3A_197, %dma_wait3A_198] : memref<42x2x96xi32, #tpu.memory_space<vmem>> -> memref<1x1x96xi32, #tpu.memory_space<vmem>>
    %dma_wait3A_200 = tpu.memref_squeeze %dma_wait3A_199 : memref<1x1x96xi32, #tpu.memory_space<vmem>> -> memref<96xi32, #tpu.memory_space<vmem>>
    %dma_wait3A_201 = arith.constant 0 : i32
    %dma_wait3A_202 = arith.constant 0 : i32
    %dma_wait3A_203 = tpu.memref_slice %arg10[%dma_wait3A_201, %dma_wait3A_202] : memref<10112x128xf32, #tpu.memory_space<vmem_shared>> -> memref<10112x128xf32, #tpu.memory_space<vmem_shared>>
    tpu.wait_indirect_dma semaphore(%arg16 : memref<!tpu.dma_semaphore, #tpu.memory_space<semaphore_mem>>) src(%arg9 : memref<96x128xf32, #tpu.memory_space<vmem>>) dst(%dma_wait3A_203 : memref<10112x128xf32, #tpu.memory_space<vmem_shared>>)
    "tpu.region"() ({
      %run_scoped3A = tpu.sem_alloc : memref<!tpu.dma_semaphore, #tpu.memory_space<semaphore_mem>>
      %dma_start3A_311 = arith.constant 0 : i32
      %dma_start3A_312 = arith.constant 0 : i32
      %dma_start3A_313 = arith.constant 0 : i32
      %dma_start3A_314 = tpu.memref_slice %arg6[%dma_start3A_311, %dma_start3A_312, %dma_start3A_313] : memref<42x2x96xi32, #tpu.memory_space<vmem>> -> memref<24x2x96xi32, #tpu.memory_space<vmem>>
      %dma_start3A_315 = arith.constant 84 : i32
      %dma_start3A_316 = arith.constant 0 : i32
      %dma_start3A_317 = arith.constant 0 : i32
      %dma_start3A_318 = tpu.memref_slice %arg3[%add3A, %dma_start3A_315, %dma_start3A_316, %dma_start3A_317] : memref<32x108x2x96xi32, #tpu.memory_space<hbm>> -> memref<1x24x2x96xi32, #tpu.memory_space<hbm>>
      %dma_start3A_319 = tpu.memref_squeeze %dma_start3A_318 : memref<1x24x2x96xi32, #tpu.memory_space<hbm>> -> memref<24x2x96xi32, #tpu.memory_space<hbm>>
      %dma_start3A_320 = arith.constant 0 : i32
      %dma_start3A_321 = arith.constant 0 : i32
      %dma_start3A_322 = arith.constant 0 : i32
      %dma_start3A_323 = tpu.memref_slice %arg6[%dma_start3A_320, %dma_start3A_321, %dma_start3A_322] : memref<42x2x96xi32, #tpu.memory_space<vmem>> -> memref<24x2x96xi32, #tpu.memory_space<vmem>>
      %dma_start3A_324 = arith.constant 84 : i32
      %dma_start3A_325 = arith.constant 0 : i32
      %dma_start3A_326 = arith.constant 0 : i32
      %dma_start3A_327 = tpu.memref_slice %arg3[%add3A, %dma_start3A_324, %dma_start3A_325, %dma_start3A_326] : memref<32x108x2x96xi32, #tpu.memory_space<hbm>> -> memref<1x24x2x96xi32, #tpu.memory_space<hbm>>
      %dma_start3A_328 = tpu.memref_squeeze %dma_start3A_327 : memref<1x24x2x96xi32, #tpu.memory_space<hbm>> -> memref<24x2x96xi32, #tpu.memory_space<hbm>>
      tpu.enqueue_dma source(%dma_start3A_328 : memref<24x2x96xi32, #tpu.memory_space<hbm>>) target(%dma_start3A_323 : memref<24x2x96xi32, #tpu.memory_space<vmem>>) target_semaphore(%run_scoped3A : memref<!tpu.dma_semaphore, #tpu.memory_space<semaphore_mem>>)
      %dma_wait3A_329 = arith.constant 0 : i32
      %dma_wait3A_330 = arith.constant 0 : i32
      %dma_wait3A_331 = arith.constant 0 : i32
      %dma_wait3A_332 = tpu.memref_slice %arg6[%dma_wait3A_329, %dma_wait3A_330, %dma_wait3A_331] : memref<42x2x96xi32, #tpu.memory_space<vmem>> -> memref<24x2x96xi32, #tpu.memory_space<vmem>>
      %dma_wait3A_333 = arith.constant 84 : i32
      %dma_wait3A_334 = arith.constant 0 : i32
      %dma_wait3A_335 = arith.constant 0 : i32
      %dma_wait3A_336 = tpu.memref_slice %arg3[%add3A, %dma_wait3A_333, %dma_wait3A_334, %dma_wait3A_335] : memref<32x108x2x96xi32, #tpu.memory_space<hbm>> -> memref<1x24x2x96xi32, #tpu.memory_space<hbm>>
      %dma_wait3A_337 = tpu.memref_squeeze %dma_wait3A_336 : memref<1x24x2x96xi32, #tpu.memory_space<hbm>> -> memref<24x2x96xi32, #tpu.memory_space<hbm>>
      %dma_wait3A_338 = arith.constant 0 : i32
      %dma_wait3A_339 = arith.constant 0 : i32
      %dma_wait3A_340 = arith.constant 0 : i32
      %dma_wait3A_341 = tpu.memref_slice %arg6[%dma_wait3A_338, %dma_wait3A_339, %dma_wait3A_340] : memref<42x2x96xi32, #tpu.memory_space<vmem>> -> memref<24x2x96xi32, #tpu.memory_space<vmem>>
      %dma_wait3A_342 = arith.constant 84 : i32
      %dma_wait3A_343 = arith.constant 0 : i32
      %dma_wait3A_344 = arith.constant 0 : i32
      %dma_wait3A_345 = tpu.memref_slice %arg3[%add3A, %dma_wait3A_342, %dma_wait3A_343, %dma_wait3A_344] : memref<32x108x2x96xi32, #tpu.memory_space<hbm>> -> memref<1x24x2x96xi32, #tpu.memory_space<hbm>>
      %dma_wait3A_346 = tpu.memref_squeeze %dma_wait3A_345 : memref<1x24x2x96xi32, #tpu.memory_space<hbm>> -> memref<24x2x96xi32, #tpu.memory_space<hbm>>
      tpu.wait_dma2 semaphore(%run_scoped3A : memref<!tpu.dma_semaphore, #tpu.memory_space<semaphore_mem>>) src(%dma_wait3A_346 : memref<24x2x96xi32, #tpu.memory_space<hbm>>) dst(%dma_wait3A_341 : memref<24x2x96xi32, #tpu.memory_space<vmem>>)
      tpu.yield
    }) : () -> ()
    %dma_start3A_204 = arith.constant 0 : i32
    %dma_start3A_205 = arith.constant 0 : i32
    %dma_start3A_206 = arith.constant 0 : i32
    %dma_start3A_207 = tpu.memref_slice %arg6[%dma_start3A_204, %dma_start3A_205, %dma_start3A_206] : memref<42x2x96xi32, #tpu.memory_space<vmem>> -> memref<1x1x96xi32, #tpu.memory_space<vmem>>
    %dma_start3A_208 = tpu.memref_squeeze %dma_start3A_207 : memref<1x1x96xi32, #tpu.memory_space<vmem>> -> memref<96xi32, #tpu.memory_space<vmem>>
    %dma_start3A_209 = arith.constant 0 : i32
    %dma_start3A_210 = arith.constant 0 : i32
    %dma_start3A_211 = tpu.memref_slice %arg2[%dma_start3A_209, %dma_start3A_210] : memref<10000x128xf32, #tpu.memory_space<hbm>> -> memref<10000x128xf32, #tpu.memory_space<hbm>>
    tpu.enqueue_indirect_dma source(%dma_start3A_211 : memref<10000x128xf32, #tpu.memory_space<hbm>>) target(%arg7 : memref<96x128xf32, #tpu.memory_space<vmem>>) offsets(%dma_start3A_208 : memref<96xi32, #tpu.memory_space<vmem>>) semaphore(%arg11 : memref<!tpu.dma_semaphore, #tpu.memory_space<semaphore_mem>>)
    %dma_start3A_212 = arith.constant 1 : i32
    %dma_start3A_213 = arith.constant 0 : i32
    %dma_start3A_214 = arith.constant 0 : i32
    %dma_start3A_215 = tpu.memref_slice %arg6[%dma_start3A_212, %dma_start3A_213, %dma_start3A_214] : memref<42x2x96xi32, #tpu.memory_space<vmem>> -> memref<1x1x96xi32, #tpu.memory_space<vmem>>
    %dma_start3A_216 = tpu.memref_squeeze %dma_start3A_215 : memref<1x1x96xi32, #tpu.memory_space<vmem>> -> memref<96xi32, #tpu.memory_space<vmem>>
    %dma_start3A_217 = arith.constant 0 : i32
    %dma_start3A_218 = arith.constant 0 : i32
    %dma_start3A_219 = tpu.memref_slice %arg2[%dma_start3A_217, %dma_start3A_218] : memref<10000x128xf32, #tpu.memory_space<hbm>> -> memref<10000x128xf32, #tpu.memory_space<hbm>>
    tpu.enqueue_indirect_dma source(%dma_start3A_219 : memref<10000x128xf32, #tpu.memory_space<hbm>>) target(%arg8 : memref<96x128xf32, #tpu.memory_space<vmem>>) offsets(%dma_start3A_216 : memref<96xi32, #tpu.memory_space<vmem>>) semaphore(%arg12 : memref<!tpu.dma_semaphore, #tpu.memory_space<semaphore_mem>>)
    %dma_wait3A_220 = arith.constant 0 : i32
    %dma_wait3A_221 = arith.constant 0 : i32
    %dma_wait3A_222 = arith.constant 0 : i32
    %dma_wait3A_223 = tpu.memref_slice %arg6[%dma_wait3A_220, %dma_wait3A_221, %dma_wait3A_222] : memref<42x2x96xi32, #tpu.memory_space<vmem>> -> memref<1x1x96xi32, #tpu.memory_space<vmem>>
    %dma_wait3A_224 = tpu.memref_squeeze %dma_wait3A_223 : memref<1x1x96xi32, #tpu.memory_space<vmem>> -> memref<96xi32, #tpu.memory_space<vmem>>
    %dma_wait3A_225 = arith.constant 0 : i32
    %dma_wait3A_226 = arith.constant 0 : i32
    %dma_wait3A_227 = tpu.memref_slice %arg2[%dma_wait3A_225, %dma_wait3A_226] : memref<10000x128xf32, #tpu.memory_space<hbm>> -> memref<10000x128xf32, #tpu.memory_space<hbm>>
    tpu.wait_indirect_dma semaphore(%arg11 : memref<!tpu.dma_semaphore, #tpu.memory_space<semaphore_mem>>) src(%dma_wait3A_227 : memref<10000x128xf32, #tpu.memory_space<hbm>>) dst(%arg7 : memref<96x128xf32, #tpu.memory_space<vmem>>)
    %dma_start3A_228 = arith.constant 2 : i32
    %dma_start3A_229 = arith.constant 0 : i32
    %dma_start3A_230 = arith.constant 0 : i32
    %dma_start3A_231 = tpu.memref_slice %arg6[%dma_start3A_228, %dma_start3A_229, %dma_start3A_230] : memref<42x2x96xi32, #tpu.memory_space<vmem>> -> memref<1x1x96xi32, #tpu.memory_space<vmem>>
    %dma_start3A_232 = tpu.memref_squeeze %dma_start3A_231 : memref<1x1x96xi32, #tpu.memory_space<vmem>> -> memref<96xi32, #tpu.memory_space<vmem>>
    %dma_start3A_233 = arith.constant 0 : i32
    %dma_start3A_234 = arith.constant 0 : i32
    %dma_start3A_235 = tpu.memref_slice %arg2[%dma_start3A_233, %dma_start3A_234] : memref<10000x128xf32, #tpu.memory_space<hbm>> -> memref<10000x128xf32, #tpu.memory_space<hbm>>
    tpu.enqueue_indirect_dma source(%dma_start3A_235 : memref<10000x128xf32, #tpu.memory_space<hbm>>) target(%arg9 : memref<96x128xf32, #tpu.memory_space<vmem>>) offsets(%dma_start3A_232 : memref<96xi32, #tpu.memory_space<vmem>>) semaphore(%arg13 : memref<!tpu.dma_semaphore, #tpu.memory_space<semaphore_mem>>)
    %dma_start3A_236 = arith.constant 0 : i32
    %dma_start3A_237 = arith.constant 1 : i32
    %dma_start3A_238 = arith.constant 0 : i32
    %dma_start3A_239 = tpu.memref_slice %arg6[%dma_start3A_236, %dma_start3A_237, %dma_start3A_238] : memref<42x2x96xi32, #tpu.memory_space<vmem>> -> memref<1x1x96xi32, #tpu.memory_space<vmem>>
    %dma_start3A_240 = tpu.memref_squeeze %dma_start3A_239 : memref<1x1x96xi32, #tpu.memory_space<vmem>> -> memref<96xi32, #tpu.memory_space<vmem>>
    %dma_start3A_241 = arith.constant 0 : i32
    %dma_start3A_242 = arith.constant 0 : i32
    %dma_start3A_243 = tpu.memref_slice %arg10[%dma_start3A_241, %dma_start3A_242] : memref<10112x128xf32, #tpu.memory_space<vmem_shared>> -> memref<10112x128xf32, #tpu.memory_space<vmem_shared>>
    tpu.enqueue_indirect_dma source(%arg7 : memref<96x128xf32, #tpu.memory_space<vmem>>) target(%dma_start3A_243 : memref<10112x128xf32, #tpu.memory_space<vmem_shared>>) offsets(%dma_start3A_240 : memref<96xi32, #tpu.memory_space<vmem>>) semaphore(%arg14 : memref<!tpu.dma_semaphore, #tpu.memory_space<semaphore_mem>>) {add = true}
    %scan3A_244 = arith.constant 0 : i32
    %scan3A_245 = arith.constant 0 : i32
    %scan3A_246 = arith.constant 7 : i32
    %scan3A_247 = arith.addi %scan3A_245, %scan3A_246 : i32
    %scan3A_248 = arith.constant 1 : i32
    scf.for %scan3A_311 = %scan3A_245 to %scan3A_247 step %scan3A_248  : i32 {
      %mul3A_312 = arith.constant 3 : i32
      %mul3A_313 = arith.muli %mul3A_312, %scan3A_311 : i32
      %add3A_314 = arith.constant 1 : i32
      %add3A_315 = arith.addi %mul3A_313, %add3A_314 : i32
      %dma_wait3A_316 = arith.constant 0 : i32
      %dma_wait3A_317 = arith.constant 0 : i32
      %dma_wait3A_318 = arith.constant 0 : i32
      %dma_wait3A_319 = tpu.memref_slice %arg6[%dma_wait3A_316, %dma_wait3A_317, %dma_wait3A_318] : memref<42x2x96xi32, #tpu.memory_space<vmem>> -> memref<1x1x96xi32, #tpu.memory_space<vmem>>
      %dma_wait3A_320 = tpu.memref_squeeze %dma_wait3A_319 : memref<1x1x96xi32, #tpu.memory_space<vmem>> -> memref<96xi32, #tpu.memory_space<vmem>>
      %dma_wait3A_321 = arith.constant 0 : i32
      %dma_wait3A_322 = arith.constant 0 : i32
      %dma_wait3A_323 = tpu.memref_slice %arg2[%dma_wait3A_321, %dma_wait3A_322] : memref<10000x128xf32, #tpu.memory_space<hbm>> -> memref<10000x128xf32, #tpu.memory_space<hbm>>
      tpu.wait_indirect_dma semaphore(%arg12 : memref<!tpu.dma_semaphore, #tpu.memory_space<semaphore_mem>>) src(%dma_wait3A_323 : memref<10000x128xf32, #tpu.memory_space<hbm>>) dst(%arg8 : memref<96x128xf32, #tpu.memory_space<vmem>>)
      %dma_wait3A_324 = arith.constant 0 : i32
      %dma_wait3A_325 = arith.constant 1 : i32
      %dma_wait3A_326 = arith.constant 0 : i32
      %dma_wait3A_327 = tpu.memref_slice %arg6[%dma_wait3A_324, %dma_wait3A_325, %dma_wait3A_326] : memref<42x2x96xi32, #tpu.memory_space<vmem>> -> memref<1x1x96xi32, #tpu.memory_space<vmem>>
      %dma_wait3A_328 = tpu.memref_squeeze %dma_wait3A_327 : memref<1x1x96xi32, #tpu.memory_space<vmem>> -> memref<96xi32, #tpu.memory_space<vmem>>
      %dma_wait3A_329 = arith.constant 0 : i32
      %dma_wait3A_330 = arith.constant 0 : i32
      %dma_wait3A_331 = tpu.memref_slice %arg10[%dma_wait3A_329, %dma_wait3A_330] : memref<10112x128xf32, #tpu.memory_space<vmem_shared>> -> memref<10112x128xf32, #tpu.memory_space<vmem_shared>>
      tpu.wait_indirect_dma semaphore(%arg14 : memref<!tpu.dma_semaphore, #tpu.memory_space<semaphore_mem>>) src(%arg7 : memref<96x128xf32, #tpu.memory_space<vmem>>) dst(%dma_wait3A_331 : memref<10112x128xf32, #tpu.memory_space<vmem_shared>>)
      %add3A_332 = arith.constant 2 : i32
      %add3A_333 = arith.addi %add3A_315, %add3A_332 : i32
      %dma_start3A_334 = arith.constant 0 : i32
      %dma_start3A_335 = arith.constant 0 : i32
      %dma_start3A_336 = tpu.memref_slice %arg6[%add3A_333, %dma_start3A_334, %dma_start3A_335] : memref<42x2x96xi32, #tpu.memory_space<vmem>> -> memref<1x1x96xi32, #tpu.memory_space<vmem>>
      %dma_start3A_337 = tpu.memref_squeeze %dma_start3A_336 : memref<1x1x96xi32, #tpu.memory_space<vmem>> -> memref<96xi32, #tpu.memory_space<vmem>>
      %dma_start3A_338 = arith.constant 0 : i32
      %dma_start3A_339 = arith.constant 0 : i32
      %dma_start3A_340 = tpu.memref_slice %arg2[%dma_start3A_338, %dma_start3A_339] : memref<10000x128xf32, #tpu.memory_space<hbm>> -> memref<10000x128xf32, #tpu.memory_space<hbm>>
      tpu.enqueue_indirect_dma source(%dma_start3A_340 : memref<10000x128xf32, #tpu.memory_space<hbm>>) target(%arg7 : memref<96x128xf32, #tpu.memory_space<vmem>>) offsets(%dma_start3A_337 : memref<96xi32, #tpu.memory_space<vmem>>) semaphore(%arg11 : memref<!tpu.dma_semaphore, #tpu.memory_space<semaphore_mem>>)
      %dma_start3A_341 = arith.constant 1 : i32
      %dma_start3A_342 = arith.constant 0 : i32
      %dma_start3A_343 = tpu.memref_slice %arg6[%add3A_315, %dma_start3A_341, %dma_start3A_342] : memref<42x2x96xi32, #tpu.memory_space<vmem>> -> memref<1x1x96xi32, #tpu.memory_space<vmem>>
      %dma_start3A_344 = tpu.memref_squeeze %dma_start3A_343 : memref<1x1x96xi32, #tpu.memory_space<vmem>> -> memref<96xi32, #tpu.memory_space<vmem>>
      %dma_start3A_345 = arith.constant 0 : i32
      %dma_start3A_346 = arith.constant 0 : i32
      %dma_start3A_347 = tpu.memref_slice %arg10[%dma_start3A_345, %dma_start3A_346] : memref<10112x128xf32, #tpu.memory_space<vmem_shared>> -> memref<10112x128xf32, #tpu.memory_space<vmem_shared>>
      tpu.enqueue_indirect_dma source(%arg8 : memref<96x128xf32, #tpu.memory_space<vmem>>) target(%dma_start3A_347 : memref<10112x128xf32, #tpu.memory_space<vmem_shared>>) offsets(%dma_start3A_344 : memref<96xi32, #tpu.memory_space<vmem>>) semaphore(%arg15 : memref<!tpu.dma_semaphore, #tpu.memory_space<semaphore_mem>>) {add = true}
      %dma_wait3A_348 = arith.constant 0 : i32
      %dma_wait3A_349 = arith.constant 0 : i32
      %dma_wait3A_350 = arith.constant 0 : i32
      %dma_wait3A_351 = tpu.memref_slice %arg6[%dma_wait3A_348, %dma_wait3A_349, %dma_wait3A_350] : memref<42x2x96xi32, #tpu.memory_space<vmem>> -> memref<1x1x96xi32, #tpu.memory_space<vmem>>
      %dma_wait3A_352 = tpu.memref_squeeze %dma_wait3A_351 : memref<1x1x96xi32, #tpu.memory_space<vmem>> -> memref<96xi32, #tpu.memory_space<vmem>>
      %dma_wait3A_353 = arith.constant 0 : i32
      %dma_wait3A_354 = arith.constant 0 : i32
      %dma_wait3A_355 = tpu.memref_slice %arg2[%dma_wait3A_353, %dma_wait3A_354] : memref<10000x128xf32, #tpu.memory_space<hbm>> -> memref<10000x128xf32, #tpu.memory_space<hbm>>
      tpu.wait_indirect_dma semaphore(%arg13 : memref<!tpu.dma_semaphore, #tpu.memory_space<semaphore_mem>>) src(%dma_wait3A_355 : memref<10000x128xf32, #tpu.memory_space<hbm>>) dst(%arg9 : memref<96x128xf32, #tpu.memory_space<vmem>>)
      %dma_wait3A_356 = arith.constant 0 : i32
      %dma_wait3A_357 = arith.constant 1 : i32
      %dma_wait3A_358 = arith.constant 0 : i32
      %dma_wait3A_359 = tpu.memref_slice %arg6[%dma_wait3A_356, %dma_wait3A_357, %dma_wait3A_358] : memref<42x2x96xi32, #tpu.memory_space<vmem>> -> memref<1x1x96xi32, #tpu.memory_space<vmem>>
      %dma_wait3A_360 = tpu.memref_squeeze %dma_wait3A_359 : memref<1x1x96xi32, #tpu.memory_space<vmem>> -> memref<96xi32, #tpu.memory_space<vmem>>
      %dma_wait3A_361 = arith.constant 0 : i32
      %dma_wait3A_362 = arith.constant 0 : i32
      %dma_wait3A_363 = tpu.memref_slice %arg10[%dma_wait3A_361, %dma_wait3A_362] : memref<10112x128xf32, #tpu.memory_space<vmem_shared>> -> memref<10112x128xf32, #tpu.memory_space<vmem_shared>>
      tpu.wait_indirect_dma semaphore(%arg15 : memref<!tpu.dma_semaphore, #tpu.memory_space<semaphore_mem>>) src(%arg8 : memref<96x128xf32, #tpu.memory_space<vmem>>) dst(%dma_wait3A_363 : memref<10112x128xf32, #tpu.memory_space<vmem_shared>>)
      %add3A_364 = arith.constant 3 : i32
      %add3A_365 = arith.addi %add3A_315, %add3A_364 : i32
      %dma_start3A_366 = arith.constant 0 : i32
      %dma_start3A_367 = arith.constant 0 : i32
      %dma_start3A_368 = tpu.memref_slice %arg6[%add3A_365, %dma_start3A_366, %dma_start3A_367] : memref<42x2x96xi32, #tpu.memory_space<vmem>> -> memref<1x1x96xi32, #tpu.memory_space<vmem>>
      %dma_start3A_369 = tpu.memref_squeeze %dma_start3A_368 : memref<1x1x96xi32, #tpu.memory_space<vmem>> -> memref<96xi32, #tpu.memory_space<vmem>>
      %dma_start3A_370 = arith.constant 0 : i32
      %dma_start3A_371 = arith.constant 0 : i32
      %dma_start3A_372 = tpu.memref_slice %arg2[%dma_start3A_370, %dma_start3A_371] : memref<10000x128xf32, #tpu.memory_space<hbm>> -> memref<10000x128xf32, #tpu.memory_space<hbm>>
      tpu.enqueue_indirect_dma source(%dma_start3A_372 : memref<10000x128xf32, #tpu.memory_space<hbm>>) target(%arg8 : memref<96x128xf32, #tpu.memory_space<vmem>>) offsets(%dma_start3A_369 : memref<96xi32, #tpu.memory_space<vmem>>) semaphore(%arg12 : memref<!tpu.dma_semaphore, #tpu.memory_space<semaphore_mem>>)
      %add3A_373 = arith.constant 1 : i32
      %add3A_374 = arith.addi %add3A_315, %add3A_373 : i32
      %dma_start3A_375 = arith.constant 1 : i32
      %dma_start3A_376 = arith.constant 0 : i32
      %dma_start3A_377 = tpu.memref_slice %arg6[%add3A_374, %dma_start3A_375, %dma_start3A_376] : memref<42x2x96xi32, #tpu.memory_space<vmem>> -> memref<1x1x96xi32, #tpu.memory_space<vmem>>
      %dma_start3A_378 = tpu.memref_squeeze %dma_start3A_377 : memref<1x1x96xi32, #tpu.memory_space<vmem>> -> memref<96xi32, #tpu.memory_space<vmem>>
      %dma_start3A_379 = arith.constant 0 : i32
      %dma_start3A_380 = arith.constant 0 : i32
      %dma_start3A_381 = tpu.memref_slice %arg10[%dma_start3A_379, %dma_start3A_380] : memref<10112x128xf32, #tpu.memory_space<vmem_shared>> -> memref<10112x128xf32, #tpu.memory_space<vmem_shared>>
      tpu.enqueue_indirect_dma source(%arg9 : memref<96x128xf32, #tpu.memory_space<vmem>>) target(%dma_start3A_381 : memref<10112x128xf32, #tpu.memory_space<vmem_shared>>) offsets(%dma_start3A_378 : memref<96xi32, #tpu.memory_space<vmem>>) semaphore(%arg16 : memref<!tpu.dma_semaphore, #tpu.memory_space<semaphore_mem>>) {add = true}
      %dma_wait3A_382 = arith.constant 0 : i32
      %dma_wait3A_383 = arith.constant 0 : i32
      %dma_wait3A_384 = arith.constant 0 : i32
      %dma_wait3A_385 = tpu.memref_slice %arg6[%dma_wait3A_382, %dma_wait3A_383, %dma_wait3A_384] : memref<42x2x96xi32, #tpu.memory_space<vmem>> -> memref<1x1x96xi32, #tpu.memory_space<vmem>>
      %dma_wait3A_386 = tpu.memref_squeeze %dma_wait3A_385 : memref<1x1x96xi32, #tpu.memory_space<vmem>> -> memref<96xi32, #tpu.memory_space<vmem>>
      %dma_wait3A_387 = arith.constant 0 : i32
      %dma_wait3A_388 = arith.constant 0 : i32
      %dma_wait3A_389 = tpu.memref_slice %arg2[%dma_wait3A_387, %dma_wait3A_388] : memref<10000x128xf32, #tpu.memory_space<hbm>> -> memref<10000x128xf32, #tpu.memory_space<hbm>>
      tpu.wait_indirect_dma semaphore(%arg11 : memref<!tpu.dma_semaphore, #tpu.memory_space<semaphore_mem>>) src(%dma_wait3A_389 : memref<10000x128xf32, #tpu.memory_space<hbm>>) dst(%arg7 : memref<96x128xf32, #tpu.memory_space<vmem>>)
      %dma_wait3A_390 = arith.constant 0 : i32
      %dma_wait3A_391 = arith.constant 1 : i32
      %dma_wait3A_392 = arith.constant 0 : i32
      %dma_wait3A_393 = tpu.memref_slice %arg6[%dma_wait3A_390, %dma_wait3A_391, %dma_wait3A_392] : memref<42x2x96xi32, #tpu.memory_space<vmem>> -> memref<1x1x96xi32, #tpu.memory_space<vmem>>
      %dma_wait3A_394 = tpu.memref_squeeze %dma_wait3A_393 : memref<1x1x96xi32, #tpu.memory_space<vmem>> -> memref<96xi32, #tpu.memory_space<vmem>>
      %dma_wait3A_395 = arith.constant 0 : i32
      %dma_wait3A_396 = arith.constant 0 : i32
      %dma_wait3A_397 = tpu.memref_slice %arg10[%dma_wait3A_395, %dma_wait3A_396] : memref<10112x128xf32, #tpu.memory_space<vmem_shared>> -> memref<10112x128xf32, #tpu.memory_space<vmem_shared>>
      tpu.wait_indirect_dma semaphore(%arg16 : memref<!tpu.dma_semaphore, #tpu.memory_space<semaphore_mem>>) src(%arg9 : memref<96x128xf32, #tpu.memory_space<vmem>>) dst(%dma_wait3A_397 : memref<10112x128xf32, #tpu.memory_space<vmem_shared>>)
      %add3A_398 = arith.constant 4 : i32
      %add3A_399 = arith.addi %add3A_315, %add3A_398 : i32
      %dma_start3A_400 = arith.constant 0 : i32
      %dma_start3A_401 = arith.constant 0 : i32
      %dma_start3A_402 = tpu.memref_slice %arg6[%add3A_399, %dma_start3A_400, %dma_start3A_401] : memref<42x2x96xi32, #tpu.memory_space<vmem>> -> memref<1x1x96xi32, #tpu.memory_space<vmem>>
      %dma_start3A_403 = tpu.memref_squeeze %dma_start3A_402 : memref<1x1x96xi32, #tpu.memory_space<vmem>> -> memref<96xi32, #tpu.memory_space<vmem>>
      %dma_start3A_404 = arith.constant 0 : i32
      %dma_start3A_405 = arith.constant 0 : i32
      %dma_start3A_406 = tpu.memref_slice %arg2[%dma_start3A_404, %dma_start3A_405] : memref<10000x128xf32, #tpu.memory_space<hbm>> -> memref<10000x128xf32, #tpu.memory_space<hbm>>
      tpu.enqueue_indirect_dma source(%dma_start3A_406 : memref<10000x128xf32, #tpu.memory_space<hbm>>) target(%arg9 : memref<96x128xf32, #tpu.memory_space<vmem>>) offsets(%dma_start3A_403 : memref<96xi32, #tpu.memory_space<vmem>>) semaphore(%arg13 : memref<!tpu.dma_semaphore, #tpu.memory_space<semaphore_mem>>)
      %add3A_407 = arith.constant 2 : i32
      %add3A_408 = arith.addi %add3A_315, %add3A_407 : i32
      %dma_start3A_409 = arith.constant 1 : i32
      %dma_start3A_410 = arith.constant 0 : i32
      %dma_start3A_411 = tpu.memref_slice %arg6[%add3A_408, %dma_start3A_409, %dma_start3A_410] : memref<42x2x96xi32, #tpu.memory_space<vmem>> -> memref<1x1x96xi32, #tpu.memory_space<vmem>>
      %dma_start3A_412 = tpu.memref_squeeze %dma_start3A_411 : memref<1x1x96xi32, #tpu.memory_space<vmem>> -> memref<96xi32, #tpu.memory_space<vmem>>
      %dma_start3A_413 = arith.constant 0 : i32
      %dma_start3A_414 = arith.constant 0 : i32
      %dma_start3A_415 = tpu.memref_slice %arg10[%dma_start3A_413, %dma_start3A_414] : memref<10112x128xf32, #tpu.memory_space<vmem_shared>> -> memref<10112x128xf32, #tpu.memory_space<vmem_shared>>
      tpu.enqueue_indirect_dma source(%arg7 : memref<96x128xf32, #tpu.memory_space<vmem>>) target(%dma_start3A_415 : memref<10112x128xf32, #tpu.memory_space<vmem_shared>>) offsets(%dma_start3A_412 : memref<96xi32, #tpu.memory_space<vmem>>) semaphore(%arg14 : memref<!tpu.dma_semaphore, #tpu.memory_space<semaphore_mem>>) {add = true}
    }
    %scan3A_249 = arith.constant 7 : i32
    %dma_wait3A_250 = arith.constant 0 : i32
    %dma_wait3A_251 = arith.constant 0 : i32
    %dma_wait3A_252 = arith.constant 0 : i32
    %dma_wait3A_253 = tpu.memref_slice %arg6[%dma_wait3A_250, %dma_wait3A_251, %dma_wait3A_252] : memref<42x2x96xi32, #tpu.memory_space<vmem>> -> memref<1x1x96xi32, #tpu.memory_space<vmem>>
    %dma_wait3A_254 = tpu.memref_squeeze %dma_wait3A_253 : memref<1x1x96xi32, #tpu.memory_space<vmem>> -> memref<96xi32, #tpu.memory_space<vmem>>
    %dma_wait3A_255 = arith.constant 0 : i32
    %dma_wait3A_256 = arith.constant 0 : i32
    %dma_wait3A_257 = tpu.memref_slice %arg2[%dma_wait3A_255, %dma_wait3A_256] : memref<10000x128xf32, #tpu.memory_space<hbm>> -> memref<10000x128xf32, #tpu.memory_space<hbm>>
    tpu.wait_indirect_dma semaphore(%arg12 : memref<!tpu.dma_semaphore, #tpu.memory_space<semaphore_mem>>) src(%dma_wait3A_257 : memref<10000x128xf32, #tpu.memory_space<hbm>>) dst(%arg8 : memref<96x128xf32, #tpu.memory_space<vmem>>)
    %dma_wait3A_258 = arith.constant 0 : i32
    %dma_wait3A_259 = arith.constant 1 : i32
    %dma_wait3A_260 = arith.constant 0 : i32
    %dma_wait3A_261 = tpu.memref_slice %arg6[%dma_wait3A_258, %dma_wait3A_259, %dma_wait3A_260] : memref<42x2x96xi32, #tpu.memory_space<vmem>> -> memref<1x1x96xi32, #tpu.memory_space<vmem>>
    %dma_wait3A_262 = tpu.memref_squeeze %dma_wait3A_261 : memref<1x1x96xi32, #tpu.memory_space<vmem>> -> memref<96xi32, #tpu.memory_space<vmem>>
    %dma_wait3A_263 = arith.constant 0 : i32
    %dma_wait3A_264 = arith.constant 0 : i32
    %dma_wait3A_265 = tpu.memref_slice %arg10[%dma_wait3A_263, %dma_wait3A_264] : memref<10112x128xf32, #tpu.memory_space<vmem_shared>> -> memref<10112x128xf32, #tpu.memory_space<vmem_shared>>
    tpu.wait_indirect_dma semaphore(%arg14 : memref<!tpu.dma_semaphore, #tpu.memory_space<semaphore_mem>>) src(%arg7 : memref<96x128xf32, #tpu.memory_space<vmem>>) dst(%dma_wait3A_265 : memref<10112x128xf32, #tpu.memory_space<vmem_shared>>)
    %dma_start3A_266 = arith.constant 22 : i32
    %dma_start3A_267 = arith.constant 1 : i32
    %dma_start3A_268 = arith.constant 0 : i32
    %dma_start3A_269 = tpu.memref_slice %arg6[%dma_start3A_266, %dma_start3A_267, %dma_start3A_268] : memref<42x2x96xi32, #tpu.memory_space<vmem>> -> memref<1x1x96xi32, #tpu.memory_space<vmem>>
    %dma_start3A_270 = tpu.memref_squeeze %dma_start3A_269 : memref<1x1x96xi32, #tpu.memory_space<vmem>> -> memref<96xi32, #tpu.memory_space<vmem>>
    %dma_start3A_271 = arith.constant 0 : i32
    %dma_start3A_272 = arith.constant 0 : i32
    %dma_start3A_273 = tpu.memref_slice %arg10[%dma_start3A_271, %dma_start3A_272] : memref<10112x128xf32, #tpu.memory_space<vmem_shared>> -> memref<10112x128xf32, #tpu.memory_space<vmem_shared>>
    tpu.enqueue_indirect_dma source(%arg8 : memref<96x128xf32, #tpu.memory_space<vmem>>) target(%dma_start3A_273 : memref<10112x128xf32, #tpu.memory_space<vmem_shared>>) offsets(%dma_start3A_270 : memref<96xi32, #tpu.memory_space<vmem>>) semaphore(%arg15 : memref<!tpu.dma_semaphore, #tpu.memory_space<semaphore_mem>>) {add = true}
    %dma_wait3A_274 = arith.constant 0 : i32
    %dma_wait3A_275 = arith.constant 0 : i32
    %dma_wait3A_276 = arith.constant 0 : i32
    %dma_wait3A_277 = tpu.memref_slice %arg6[%dma_wait3A_274, %dma_wait3A_275, %dma_wait3A_276] : memref<42x2x96xi32, #tpu.memory_space<vmem>> -> memref<1x1x96xi32, #tpu.memory_space<vmem>>
    %dma_wait3A_278 = tpu.memref_squeeze %dma_wait3A_277 : memref<1x1x96xi32, #tpu.memory_space<vmem>> -> memref<96xi32, #tpu.memory_space<vmem>>
    %dma_wait3A_279 = arith.constant 0 : i32
    %dma_wait3A_280 = arith.constant 0 : i32
    %dma_wait3A_281 = tpu.memref_slice %arg2[%dma_wait3A_279, %dma_wait3A_280] : memref<10000x128xf32, #tpu.memory_space<hbm>> -> memref<10000x128xf32, #tpu.memory_space<hbm>>
    tpu.wait_indirect_dma semaphore(%arg13 : memref<!tpu.dma_semaphore, #tpu.memory_space<semaphore_mem>>) src(%dma_wait3A_281 : memref<10000x128xf32, #tpu.memory_space<hbm>>) dst(%arg9 : memref<96x128xf32, #tpu.memory_space<vmem>>)
    %dma_wait3A_282 = arith.constant 0 : i32
    %dma_wait3A_283 = arith.constant 1 : i32
    %dma_wait3A_284 = arith.constant 0 : i32
    %dma_wait3A_285 = tpu.memref_slice %arg6[%dma_wait3A_282, %dma_wait3A_283, %dma_wait3A_284] : memref<42x2x96xi32, #tpu.memory_space<vmem>> -> memref<1x1x96xi32, #tpu.memory_space<vmem>>
    %dma_wait3A_286 = tpu.memref_squeeze %dma_wait3A_285 : memref<1x1x96xi32, #tpu.memory_space<vmem>> -> memref<96xi32, #tpu.memory_space<vmem>>
    %dma_wait3A_287 = arith.constant 0 : i32
    %dma_wait3A_288 = arith.constant 0 : i32
    %dma_wait3A_289 = tpu.memref_slice %arg10[%dma_wait3A_287, %dma_wait3A_288] : memref<10112x128xf32, #tpu.memory_space<vmem_shared>> -> memref<10112x128xf32, #tpu.memory_space<vmem_shared>>
    tpu.wait_indirect_dma semaphore(%arg15 : memref<!tpu.dma_semaphore, #tpu.memory_space<semaphore_mem>>) src(%arg8 : memref<96x128xf32, #tpu.memory_space<vmem>>) dst(%dma_wait3A_289 : memref<10112x128xf32, #tpu.memory_space<vmem_shared>>)
    %dma_start3A_290 = arith.constant 23 : i32
    %dma_start3A_291 = arith.constant 1 : i32
    %dma_start3A_292 = arith.constant 0 : i32
    %dma_start3A_293 = tpu.memref_slice %arg6[%dma_start3A_290, %dma_start3A_291, %dma_start3A_292] : memref<42x2x96xi32, #tpu.memory_space<vmem>> -> memref<1x1x96xi32, #tpu.memory_space<vmem>>
    %dma_start3A_294 = tpu.memref_squeeze %dma_start3A_293 : memref<1x1x96xi32, #tpu.memory_space<vmem>> -> memref<96xi32, #tpu.memory_space<vmem>>
    %dma_start3A_295 = arith.constant 0 : i32
    %dma_start3A_296 = arith.constant 0 : i32
    %dma_start3A_297 = tpu.memref_slice %arg10[%dma_start3A_295, %dma_start3A_296] : memref<10112x128xf32, #tpu.memory_space<vmem_shared>> -> memref<10112x128xf32, #tpu.memory_space<vmem_shared>>
    tpu.enqueue_indirect_dma source(%arg9 : memref<96x128xf32, #tpu.memory_space<vmem>>) target(%dma_start3A_297 : memref<10112x128xf32, #tpu.memory_space<vmem_shared>>) offsets(%dma_start3A_294 : memref<96xi32, #tpu.memory_space<vmem>>) semaphore(%arg16 : memref<!tpu.dma_semaphore, #tpu.memory_space<semaphore_mem>>) {add = true}
    %dma_wait3A_298 = arith.constant 0 : i32
    %dma_wait3A_299 = arith.constant 1 : i32
    %dma_wait3A_300 = arith.constant 0 : i32
    %dma_wait3A_301 = tpu.memref_slice %arg6[%dma_wait3A_298, %dma_wait3A_299, %dma_wait3A_300] : memref<42x2x96xi32, #tpu.memory_space<vmem>> -> memref<1x1x96xi32, #tpu.memory_space<vmem>>
    %dma_wait3A_302 = tpu.memref_squeeze %dma_wait3A_301 : memref<1x1x96xi32, #tpu.memory_space<vmem>> -> memref<96xi32, #tpu.memory_space<vmem>>
    %dma_wait3A_303 = arith.constant 0 : i32
    %dma_wait3A_304 = arith.constant 0 : i32
    %dma_wait3A_305 = tpu.memref_slice %arg10[%dma_wait3A_303, %dma_wait3A_304] : memref<10112x128xf32, #tpu.memory_space<vmem_shared>> -> memref<10112x128xf32, #tpu.memory_space<vmem_shared>>
    tpu.wait_indirect_dma semaphore(%arg16 : memref<!tpu.dma_semaphore, #tpu.memory_space<semaphore_mem>>) src(%arg9 : memref<96x128xf32, #tpu.memory_space<vmem>>) dst(%dma_wait3A_305 : memref<10112x128xf32, #tpu.memory_space<vmem_shared>>)
    %barrier3A_306 = arith.constant 0 : index
    tpu.barrier barrier_id(%barrier3A_306)
    %mul3A_307 = arith.constant 632 : i32
    %mul3A_308 = arith.muli %arg1, %mul3A_307 : i32
    %mul3A_309 = arith.constant 632 : i32
    %mul3A_310 = arith.muli %arg1, %mul3A_309 : i32
    "tpu.region"() ({
      %run_scoped3A = tpu.sem_alloc : memref<!tpu.dma_semaphore, #tpu.memory_space<semaphore_mem>>
      %dma_start3A_311 = arith.constant 0 : i32
      %dma_start3A_312 = tpu.memref_slice %arg5[%arg0, %mul3A_310, %dma_start3A_311] : memref<2x10112x128xf32, #tpu.memory_space<hbm>> -> memref<1x632x128xf32, #tpu.memory_space<hbm>>
      %dma_start3A_313 = tpu.memref_squeeze %dma_start3A_312 : memref<1x632x128xf32, #tpu.memory_space<hbm>> -> memref<632x128xf32, #tpu.memory_space<hbm>>
      %dma_start3A_314 = arith.constant 0 : i32
      %dma_start3A_315 = tpu.memref_slice %arg10[%mul3A_308, %dma_start3A_314] : memref<10112x128xf32, #tpu.memory_space<vmem_shared>> -> memref<632x128xf32, #tpu.memory_space<vmem_shared>>
      tpu.enqueue_dma source(%dma_start3A_315 : memref<632x128xf32, #tpu.memory_space<vmem_shared>>) target(%dma_start3A_313 : memref<632x128xf32, #tpu.memory_space<hbm>>) target_semaphore(%run_scoped3A : memref<!tpu.dma_semaphore, #tpu.memory_space<semaphore_mem>>)
      %dma_wait3A_316 = arith.constant 0 : i32
      %dma_wait3A_317 = tpu.memref_slice %arg5[%arg0, %mul3A_310, %dma_wait3A_316] : memref<2x10112x128xf32, #tpu.memory_space<hbm>> -> memref<1x632x128xf32, #tpu.memory_space<hbm>>
      %dma_wait3A_318 = tpu.memref_squeeze %dma_wait3A_317 : memref<1x632x128xf32, #tpu.memory_space<hbm>> -> memref<632x128xf32, #tpu.memory_space<hbm>>
      %dma_wait3A_319 = arith.constant 0 : i32
      %dma_wait3A_320 = tpu.memref_slice %arg10[%mul3A_308, %dma_wait3A_319] : memref<10112x128xf32, #tpu.memory_space<vmem_shared>> -> memref<632x128xf32, #tpu.memory_space<vmem_shared>>
      tpu.wait_dma2 semaphore(%run_scoped3A : memref<!tpu.dma_semaphore, #tpu.memory_space<semaphore_mem>>) src(%dma_wait3A_320 : memref<632x128xf32, #tpu.memory_space<vmem_shared>>) dst(%dma_wait3A_318 : memref<632x128xf32, #tpu.memory_space<hbm>>)
      tpu.yield
    }) : () -> ()
    return
  }
}

#map = affine_map<(d0, d1) -> (0, 0)>
#map1 = affine_map<(d0, d1) -> (0, 0, 0, 0)>
#map2 = affine_map<(d0, d1) -> (0, 0, 0)>
module attributes {stable_mosaic.version = 14 : i64} {
  func.func @agg_kernel(%arg0: i32, %arg1: i32, %arg2: memref<10000x128xf32, #tpu.memory_space<hbm>>, %arg3: memref<32x108x2x96xi32, #tpu.memory_space<hbm>>, %arg4: memref<632x128xf32, #tpu.memory_space<hbm>>, %arg5: memref<2x10112x128xf32, #tpu.memory_space<hbm>>, %arg6: memref<42x2x96xi32, #tpu.memory_space<vmem>>, %arg7: memref<96x128xf32, #tpu.memory_space<vmem>>, %arg8: memref<96x128xf32, #tpu.memory_space<vmem>>, %arg9: memref<96x128xf32, #tpu.memory_space<vmem>>, %arg10: memref<10112x128xf32, #tpu.memory_space<vmem_shared>>, %arg11: memref<!tpu.dma_semaphore, #tpu.memory_space<semaphore_mem>>, %arg12: memref<!tpu.dma_semaphore, #tpu.memory_space<semaphore_mem>>, %arg13: memref<!tpu.dma_semaphore, #tpu.memory_space<semaphore_mem>>, %arg14: memref<!tpu.dma_semaphore, #tpu.memory_space<semaphore_mem>>, %arg15: memref<!tpu.dma_semaphore, #tpu.memory_space<semaphore_mem>>, %arg16: memref<!tpu.dma_semaphore, #tpu.memory_space<semaphore_mem>>) attributes {dimension_semantics = [#tpu.dimension_semantics<core_parallel>, #tpu.dimension_semantics<subcore_parallel>], iteration_bounds = array<i64: 2, 16>, scalar_prefetch = 0 : i64, scratch_operands = 11 : i64, tpu.core_type = #tpu.core_type<sc_vector_subcore>, window_params = [{transform_indices = #map}, {transform_indices = #map1}, {transform_indices = #map}, {transform_indices = #map2}]} {
    %mul3A = arith.constant 2 : i32
    %mul3A_0 = arith.muli %arg1, %mul3A : i32
    %add3A = arith.addi %mul3A_0, %arg0 : i32
    %mul3A_1 = arith.constant 632 : i32
    %mul3A_2 = arith.muli %arg1, %mul3A_1 : i32
    "tpu.region"() ({
      %run_scoped3A = tpu.sem_alloc : memref<!tpu.dma_semaphore, #tpu.memory_space<semaphore_mem>>
      %dma_start3A_311 = arith.constant 0 : i32
      %dma_start3A_312 = tpu.memref_slice %arg10[%mul3A_2, %dma_start3A_311] : memref<10112x128xf32, #tpu.memory_space<vmem_shared>> -> memref<632x128xf32, #tpu.memory_space<vmem_shared>>
      tpu.enqueue_dma source(%arg4 : memref<632x128xf32, #tpu.memory_space<hbm>>) target(%dma_start3A_312 : memref<632x128xf32, #tpu.memory_space<vmem_shared>>) target_semaphore(%run_scoped3A : memref<!tpu.dma_semaphore, #tpu.memory_space<semaphore_mem>>)
      %dma_wait3A_313 = arith.constant 0 : i32
      %dma_wait3A_314 = tpu.memref_slice %arg10[%mul3A_2, %dma_wait3A_313] : memref<10112x128xf32, #tpu.memory_space<vmem_shared>> -> memref<632x128xf32, #tpu.memory_space<vmem_shared>>
      tpu.wait_dma2 semaphore(%run_scoped3A : memref<!tpu.dma_semaphore, #tpu.memory_space<semaphore_mem>>) src(%arg4 : memref<632x128xf32, #tpu.memory_space<hbm>>) dst(%dma_wait3A_314 : memref<632x128xf32, #tpu.memory_space<vmem_shared>>)
      tpu.yield
    }) : () -> ()
    %barrier3A = arith.constant 0 : index
    tpu.barrier barrier_id(%barrier3A)
    "tpu.region"() ({
      %run_scoped3A = tpu.sem_alloc : memref<!tpu.dma_semaphore, #tpu.memory_space<semaphore_mem>>
      %dma_start3A_311 = arith.constant 0 : i32
      %dma_start3A_312 = arith.constant 0 : i32
      %dma_start3A_313 = arith.constant 0 : i32
      %dma_start3A_314 = tpu.memref_slice %arg6[%dma_start3A_311, %dma_start3A_312, %dma_start3A_313] : memref<42x2x96xi32, #tpu.memory_space<vmem>> -> memref<42x2x96xi32, #tpu.memory_space<vmem>>
      %dma_start3A_315 = arith.constant 0 : i32
      %dma_start3A_316 = arith.constant 0 : i32
      %dma_start3A_317 = arith.constant 0 : i32
      %dma_start3A_318 = tpu.memref_slice %arg3[%add3A, %dma_start3A_315, %dma_start3A_316, %dma_start3A_317] : memref<32x108x2x96xi32, #tpu.memory_space<hbm>> -> memref<1x42x2x96xi32, #tpu.memory_space<hbm>>
      %dma_start3A_319 = tpu.memref_squeeze %dma_start3A_318 : memref<1x42x2x96xi32, #tpu.memory_space<hbm>> -> memref<42x2x96xi32, #tpu.memory_space<hbm>>
      %dma_start3A_320 = arith.constant 0 : i32
      %dma_start3A_321 = arith.constant 0 : i32
      %dma_start3A_322 = arith.constant 0 : i32
      %dma_start3A_323 = tpu.memref_slice %arg6[%dma_start3A_320, %dma_start3A_321, %dma_start3A_322] : memref<42x2x96xi32, #tpu.memory_space<vmem>> -> memref<42x2x96xi32, #tpu.memory_space<vmem>>
      %dma_start3A_324 = arith.constant 0 : i32
      %dma_start3A_325 = arith.constant 0 : i32
      %dma_start3A_326 = arith.constant 0 : i32
      %dma_start3A_327 = tpu.memref_slice %arg3[%add3A, %dma_start3A_324, %dma_start3A_325, %dma_start3A_326] : memref<32x108x2x96xi32, #tpu.memory_space<hbm>> -> memref<1x42x2x96xi32, #tpu.memory_space<hbm>>
      %dma_start3A_328 = tpu.memref_squeeze %dma_start3A_327 : memref<1x42x2x96xi32, #tpu.memory_space<hbm>> -> memref<42x2x96xi32, #tpu.memory_space<hbm>>
      tpu.enqueue_dma source(%dma_start3A_328 : memref<42x2x96xi32, #tpu.memory_space<hbm>>) target(%dma_start3A_323 : memref<42x2x96xi32, #tpu.memory_space<vmem>>) target_semaphore(%run_scoped3A : memref<!tpu.dma_semaphore, #tpu.memory_space<semaphore_mem>>)
      %dma_wait3A_329 = arith.constant 0 : i32
      %dma_wait3A_330 = arith.constant 0 : i32
      %dma_wait3A_331 = arith.constant 0 : i32
      %dma_wait3A_332 = tpu.memref_slice %arg6[%dma_wait3A_329, %dma_wait3A_330, %dma_wait3A_331] : memref<42x2x96xi32, #tpu.memory_space<vmem>> -> memref<42x2x96xi32, #tpu.memory_space<vmem>>
      %dma_wait3A_333 = arith.constant 0 : i32
      %dma_wait3A_334 = arith.constant 0 : i32
      %dma_wait3A_335 = arith.constant 0 : i32
      %dma_wait3A_336 = tpu.memref_slice %arg3[%add3A, %dma_wait3A_333, %dma_wait3A_334, %dma_wait3A_335] : memref<32x108x2x96xi32, #tpu.memory_space<hbm>> -> memref<1x42x2x96xi32, #tpu.memory_space<hbm>>
      %dma_wait3A_337 = tpu.memref_squeeze %dma_wait3A_336 : memref<1x42x2x96xi32, #tpu.memory_space<hbm>> -> memref<42x2x96xi32, #tpu.memory_space<hbm>>
      %dma_wait3A_338 = arith.constant 0 : i32
      %dma_wait3A_339 = arith.constant 0 : i32
      %dma_wait3A_340 = arith.constant 0 : i32
      %dma_wait3A_341 = tpu.memref_slice %arg6[%dma_wait3A_338, %dma_wait3A_339, %dma_wait3A_340] : memref<42x2x96xi32, #tpu.memory_space<vmem>> -> memref<42x2x96xi32, #tpu.memory_space<vmem>>
      %dma_wait3A_342 = arith.constant 0 : i32
      %dma_wait3A_343 = arith.constant 0 : i32
      %dma_wait3A_344 = arith.constant 0 : i32
      %dma_wait3A_345 = tpu.memref_slice %arg3[%add3A, %dma_wait3A_342, %dma_wait3A_343, %dma_wait3A_344] : memref<32x108x2x96xi32, #tpu.memory_space<hbm>> -> memref<1x42x2x96xi32, #tpu.memory_space<hbm>>
      %dma_wait3A_346 = tpu.memref_squeeze %dma_wait3A_345 : memref<1x42x2x96xi32, #tpu.memory_space<hbm>> -> memref<42x2x96xi32, #tpu.memory_space<hbm>>
      tpu.wait_dma2 semaphore(%run_scoped3A : memref<!tpu.dma_semaphore, #tpu.memory_space<semaphore_mem>>) src(%dma_wait3A_346 : memref<42x2x96xi32, #tpu.memory_space<hbm>>) dst(%dma_wait3A_341 : memref<42x2x96xi32, #tpu.memory_space<vmem>>)
      tpu.yield
    }) : () -> ()
    %dma_start3A = arith.constant 0 : i32
    %dma_start3A_3 = arith.constant 0 : i32
    %dma_start3A_4 = arith.constant 0 : i32
    %dma_start3A_5 = tpu.memref_slice %arg6[%dma_start3A, %dma_start3A_3, %dma_start3A_4] : memref<42x2x96xi32, #tpu.memory_space<vmem>> -> memref<1x1x96xi32, #tpu.memory_space<vmem>>
    %dma_start3A_6 = tpu.memref_squeeze %dma_start3A_5 : memref<1x1x96xi32, #tpu.memory_space<vmem>> -> memref<96xi32, #tpu.memory_space<vmem>>
    %dma_start3A_7 = arith.constant 0 : i32
    %dma_start3A_8 = arith.constant 0 : i32
    %dma_start3A_9 = tpu.memref_slice %arg2[%dma_start3A_7, %dma_start3A_8] : memref<10000x128xf32, #tpu.memory_space<hbm>> -> memref<10000x128xf32, #tpu.memory_space<hbm>>
    tpu.enqueue_indirect_dma source(%dma_start3A_9 : memref<10000x128xf32, #tpu.memory_space<hbm>>) target(%arg7 : memref<96x128xf32, #tpu.memory_space<vmem>>) offsets(%dma_start3A_6 : memref<96xi32, #tpu.memory_space<vmem>>) semaphore(%arg11 : memref<!tpu.dma_semaphore, #tpu.memory_space<semaphore_mem>>)
    %dma_start3A_10 = arith.constant 1 : i32
    %dma_start3A_11 = arith.constant 0 : i32
    %dma_start3A_12 = arith.constant 0 : i32
    %dma_start3A_13 = tpu.memref_slice %arg6[%dma_start3A_10, %dma_start3A_11, %dma_start3A_12] : memref<42x2x96xi32, #tpu.memory_space<vmem>> -> memref<1x1x96xi32, #tpu.memory_space<vmem>>
    %dma_start3A_14 = tpu.memref_squeeze %dma_start3A_13 : memref<1x1x96xi32, #tpu.memory_space<vmem>> -> memref<96xi32, #tpu.memory_space<vmem>>
    %dma_start3A_15 = arith.constant 0 : i32
    %dma_start3A_16 = arith.constant 0 : i32
    %dma_start3A_17 = tpu.memref_slice %arg2[%dma_start3A_15, %dma_start3A_16] : memref<10000x128xf32, #tpu.memory_space<hbm>> -> memref<10000x128xf32, #tpu.memory_space<hbm>>
    tpu.enqueue_indirect_dma source(%dma_start3A_17 : memref<10000x128xf32, #tpu.memory_space<hbm>>) target(%arg8 : memref<96x128xf32, #tpu.memory_space<vmem>>) offsets(%dma_start3A_14 : memref<96xi32, #tpu.memory_space<vmem>>) semaphore(%arg12 : memref<!tpu.dma_semaphore, #tpu.memory_space<semaphore_mem>>)
    %dma_wait3A = arith.constant 0 : i32
    %dma_wait3A_18 = arith.constant 0 : i32
    %dma_wait3A_19 = arith.constant 0 : i32
    %dma_wait3A_20 = tpu.memref_slice %arg6[%dma_wait3A, %dma_wait3A_18, %dma_wait3A_19] : memref<42x2x96xi32, #tpu.memory_space<vmem>> -> memref<1x1x96xi32, #tpu.memory_space<vmem>>
    %dma_wait3A_21 = tpu.memref_squeeze %dma_wait3A_20 : memref<1x1x96xi32, #tpu.memory_space<vmem>> -> memref<96xi32, #tpu.memory_space<vmem>>
    %dma_wait3A_22 = arith.constant 0 : i32
    %dma_wait3A_23 = arith.constant 0 : i32
    %dma_wait3A_24 = tpu.memref_slice %arg2[%dma_wait3A_22, %dma_wait3A_23] : memref<10000x128xf32, #tpu.memory_space<hbm>> -> memref<10000x128xf32, #tpu.memory_space<hbm>>
    tpu.wait_indirect_dma semaphore(%arg11 : memref<!tpu.dma_semaphore, #tpu.memory_space<semaphore_mem>>) src(%dma_wait3A_24 : memref<10000x128xf32, #tpu.memory_space<hbm>>) dst(%arg7 : memref<96x128xf32, #tpu.memory_space<vmem>>)
    %dma_start3A_25 = arith.constant 2 : i32
    %dma_start3A_26 = arith.constant 0 : i32
    %dma_start3A_27 = arith.constant 0 : i32
    %dma_start3A_28 = tpu.memref_slice %arg6[%dma_start3A_25, %dma_start3A_26, %dma_start3A_27] : memref<42x2x96xi32, #tpu.memory_space<vmem>> -> memref<1x1x96xi32, #tpu.memory_space<vmem>>
    %dma_start3A_29 = tpu.memref_squeeze %dma_start3A_28 : memref<1x1x96xi32, #tpu.memory_space<vmem>> -> memref<96xi32, #tpu.memory_space<vmem>>
    %dma_start3A_30 = arith.constant 0 : i32
    %dma_start3A_31 = arith.constant 0 : i32
    %dma_start3A_32 = tpu.memref_slice %arg2[%dma_start3A_30, %dma_start3A_31] : memref<10000x128xf32, #tpu.memory_space<hbm>> -> memref<10000x128xf32, #tpu.memory_space<hbm>>
    tpu.enqueue_indirect_dma source(%dma_start3A_32 : memref<10000x128xf32, #tpu.memory_space<hbm>>) target(%arg9 : memref<96x128xf32, #tpu.memory_space<vmem>>) offsets(%dma_start3A_29 : memref<96xi32, #tpu.memory_space<vmem>>) semaphore(%arg13 : memref<!tpu.dma_semaphore, #tpu.memory_space<semaphore_mem>>)
    %dma_start3A_33 = arith.constant 0 : i32
    %dma_start3A_34 = arith.constant 1 : i32
    %dma_start3A_35 = arith.constant 0 : i32
    %dma_start3A_36 = tpu.memref_slice %arg6[%dma_start3A_33, %dma_start3A_34, %dma_start3A_35] : memref<42x2x96xi32, #tpu.memory_space<vmem>> -> memref<1x1x96xi32, #tpu.memory_space<vmem>>
    %dma_start3A_37 = tpu.memref_squeeze %dma_start3A_36 : memref<1x1x96xi32, #tpu.memory_space<vmem>> -> memref<96xi32, #tpu.memory_space<vmem>>
    %dma_start3A_38 = arith.constant 0 : i32
    %dma_start3A_39 = arith.constant 0 : i32
    %dma_start3A_40 = tpu.memref_slice %arg10[%dma_start3A_38, %dma_start3A_39] : memref<10112x128xf32, #tpu.memory_space<vmem_shared>> -> memref<10112x128xf32, #tpu.memory_space<vmem_shared>>
    tpu.enqueue_indirect_dma source(%arg7 : memref<96x128xf32, #tpu.memory_space<vmem>>) target(%dma_start3A_40 : memref<10112x128xf32, #tpu.memory_space<vmem_shared>>) offsets(%dma_start3A_37 : memref<96xi32, #tpu.memory_space<vmem>>) semaphore(%arg14 : memref<!tpu.dma_semaphore, #tpu.memory_space<semaphore_mem>>) {add = true}
    %scan3A = arith.constant 0 : i32
    %scan3A_41 = arith.constant 0 : i32
    %scan3A_42 = arith.constant 13 : i32
    %scan3A_43 = arith.addi %scan3A_41, %scan3A_42 : i32
    %scan3A_44 = arith.constant 1 : i32
    scf.for %scan3A_311 = %scan3A_41 to %scan3A_43 step %scan3A_44  : i32 {
      %mul3A_312 = arith.constant 3 : i32
      %mul3A_313 = arith.muli %mul3A_312, %scan3A_311 : i32
      %add3A_314 = arith.constant 1 : i32
      %add3A_315 = arith.addi %mul3A_313, %add3A_314 : i32
      %dma_wait3A_316 = arith.constant 0 : i32
      %dma_wait3A_317 = arith.constant 0 : i32
      %dma_wait3A_318 = arith.constant 0 : i32
      %dma_wait3A_319 = tpu.memref_slice %arg6[%dma_wait3A_316, %dma_wait3A_317, %dma_wait3A_318] : memref<42x2x96xi32, #tpu.memory_space<vmem>> -> memref<1x1x96xi32, #tpu.memory_space<vmem>>
      %dma_wait3A_320 = tpu.memref_squeeze %dma_wait3A_319 : memref<1x1x96xi32, #tpu.memory_space<vmem>> -> memref<96xi32, #tpu.memory_space<vmem>>
      %dma_wait3A_321 = arith.constant 0 : i32
      %dma_wait3A_322 = arith.constant 0 : i32
      %dma_wait3A_323 = tpu.memref_slice %arg2[%dma_wait3A_321, %dma_wait3A_322] : memref<10000x128xf32, #tpu.memory_space<hbm>> -> memref<10000x128xf32, #tpu.memory_space<hbm>>
      tpu.wait_indirect_dma semaphore(%arg12 : memref<!tpu.dma_semaphore, #tpu.memory_space<semaphore_mem>>) src(%dma_wait3A_323 : memref<10000x128xf32, #tpu.memory_space<hbm>>) dst(%arg8 : memref<96x128xf32, #tpu.memory_space<vmem>>)
      %dma_wait3A_324 = arith.constant 0 : i32
      %dma_wait3A_325 = arith.constant 1 : i32
      %dma_wait3A_326 = arith.constant 0 : i32
      %dma_wait3A_327 = tpu.memref_slice %arg6[%dma_wait3A_324, %dma_wait3A_325, %dma_wait3A_326] : memref<42x2x96xi32, #tpu.memory_space<vmem>> -> memref<1x1x96xi32, #tpu.memory_space<vmem>>
      %dma_wait3A_328 = tpu.memref_squeeze %dma_wait3A_327 : memref<1x1x96xi32, #tpu.memory_space<vmem>> -> memref<96xi32, #tpu.memory_space<vmem>>
      %dma_wait3A_329 = arith.constant 0 : i32
      %dma_wait3A_330 = arith.constant 0 : i32
      %dma_wait3A_331 = tpu.memref_slice %arg10[%dma_wait3A_329, %dma_wait3A_330] : memref<10112x128xf32, #tpu.memory_space<vmem_shared>> -> memref<10112x128xf32, #tpu.memory_space<vmem_shared>>
      tpu.wait_indirect_dma semaphore(%arg14 : memref<!tpu.dma_semaphore, #tpu.memory_space<semaphore_mem>>) src(%arg7 : memref<96x128xf32, #tpu.memory_space<vmem>>) dst(%dma_wait3A_331 : memref<10112x128xf32, #tpu.memory_space<vmem_shared>>)
      %add3A_332 = arith.constant 2 : i32
      %add3A_333 = arith.addi %add3A_315, %add3A_332 : i32
      %dma_start3A_334 = arith.constant 0 : i32
      %dma_start3A_335 = arith.constant 0 : i32
      %dma_start3A_336 = tpu.memref_slice %arg6[%add3A_333, %dma_start3A_334, %dma_start3A_335] : memref<42x2x96xi32, #tpu.memory_space<vmem>> -> memref<1x1x96xi32, #tpu.memory_space<vmem>>
      %dma_start3A_337 = tpu.memref_squeeze %dma_start3A_336 : memref<1x1x96xi32, #tpu.memory_space<vmem>> -> memref<96xi32, #tpu.memory_space<vmem>>
      %dma_start3A_338 = arith.constant 0 : i32
      %dma_start3A_339 = arith.constant 0 : i32
      %dma_start3A_340 = tpu.memref_slice %arg2[%dma_start3A_338, %dma_start3A_339] : memref<10000x128xf32, #tpu.memory_space<hbm>> -> memref<10000x128xf32, #tpu.memory_space<hbm>>
      tpu.enqueue_indirect_dma source(%dma_start3A_340 : memref<10000x128xf32, #tpu.memory_space<hbm>>) target(%arg7 : memref<96x128xf32, #tpu.memory_space<vmem>>) offsets(%dma_start3A_337 : memref<96xi32, #tpu.memory_space<vmem>>) semaphore(%arg11 : memref<!tpu.dma_semaphore, #tpu.memory_space<semaphore_mem>>)
      %dma_start3A_341 = arith.constant 1 : i32
      %dma_start3A_342 = arith.constant 0 : i32
      %dma_start3A_343 = tpu.memref_slice %arg6[%add3A_315, %dma_start3A_341, %dma_start3A_342] : memref<42x2x96xi32, #tpu.memory_space<vmem>> -> memref<1x1x96xi32, #tpu.memory_space<vmem>>
      %dma_start3A_344 = tpu.memref_squeeze %dma_start3A_343 : memref<1x1x96xi32, #tpu.memory_space<vmem>> -> memref<96xi32, #tpu.memory_space<vmem>>
      %dma_start3A_345 = arith.constant 0 : i32
      %dma_start3A_346 = arith.constant 0 : i32
      %dma_start3A_347 = tpu.memref_slice %arg10[%dma_start3A_345, %dma_start3A_346] : memref<10112x128xf32, #tpu.memory_space<vmem_shared>> -> memref<10112x128xf32, #tpu.memory_space<vmem_shared>>
      tpu.enqueue_indirect_dma source(%arg8 : memref<96x128xf32, #tpu.memory_space<vmem>>) target(%dma_start3A_347 : memref<10112x128xf32, #tpu.memory_space<vmem_shared>>) offsets(%dma_start3A_344 : memref<96xi32, #tpu.memory_space<vmem>>) semaphore(%arg15 : memref<!tpu.dma_semaphore, #tpu.memory_space<semaphore_mem>>) {add = true}
      %dma_wait3A_348 = arith.constant 0 : i32
      %dma_wait3A_349 = arith.constant 0 : i32
      %dma_wait3A_350 = arith.constant 0 : i32
      %dma_wait3A_351 = tpu.memref_slice %arg6[%dma_wait3A_348, %dma_wait3A_349, %dma_wait3A_350] : memref<42x2x96xi32, #tpu.memory_space<vmem>> -> memref<1x1x96xi32, #tpu.memory_space<vmem>>
      %dma_wait3A_352 = tpu.memref_squeeze %dma_wait3A_351 : memref<1x1x96xi32, #tpu.memory_space<vmem>> -> memref<96xi32, #tpu.memory_space<vmem>>
      %dma_wait3A_353 = arith.constant 0 : i32
      %dma_wait3A_354 = arith.constant 0 : i32
      %dma_wait3A_355 = tpu.memref_slice %arg2[%dma_wait3A_353, %dma_wait3A_354] : memref<10000x128xf32, #tpu.memory_space<hbm>> -> memref<10000x128xf32, #tpu.memory_space<hbm>>
      tpu.wait_indirect_dma semaphore(%arg13 : memref<!tpu.dma_semaphore, #tpu.memory_space<semaphore_mem>>) src(%dma_wait3A_355 : memref<10000x128xf32, #tpu.memory_space<hbm>>) dst(%arg9 : memref<96x128xf32, #tpu.memory_space<vmem>>)
      %dma_wait3A_356 = arith.constant 0 : i32
      %dma_wait3A_357 = arith.constant 1 : i32
      %dma_wait3A_358 = arith.constant 0 : i32
      %dma_wait3A_359 = tpu.memref_slice %arg6[%dma_wait3A_356, %dma_wait3A_357, %dma_wait3A_358] : memref<42x2x96xi32, #tpu.memory_space<vmem>> -> memref<1x1x96xi32, #tpu.memory_space<vmem>>
      %dma_wait3A_360 = tpu.memref_squeeze %dma_wait3A_359 : memref<1x1x96xi32, #tpu.memory_space<vmem>> -> memref<96xi32, #tpu.memory_space<vmem>>
      %dma_wait3A_361 = arith.constant 0 : i32
      %dma_wait3A_362 = arith.constant 0 : i32
      %dma_wait3A_363 = tpu.memref_slice %arg10[%dma_wait3A_361, %dma_wait3A_362] : memref<10112x128xf32, #tpu.memory_space<vmem_shared>> -> memref<10112x128xf32, #tpu.memory_space<vmem_shared>>
      tpu.wait_indirect_dma semaphore(%arg15 : memref<!tpu.dma_semaphore, #tpu.memory_space<semaphore_mem>>) src(%arg8 : memref<96x128xf32, #tpu.memory_space<vmem>>) dst(%dma_wait3A_363 : memref<10112x128xf32, #tpu.memory_space<vmem_shared>>)
      %add3A_364 = arith.constant 3 : i32
      %add3A_365 = arith.addi %add3A_315, %add3A_364 : i32
      %dma_start3A_366 = arith.constant 0 : i32
      %dma_start3A_367 = arith.constant 0 : i32
      %dma_start3A_368 = tpu.memref_slice %arg6[%add3A_365, %dma_start3A_366, %dma_start3A_367] : memref<42x2x96xi32, #tpu.memory_space<vmem>> -> memref<1x1x96xi32, #tpu.memory_space<vmem>>
      %dma_start3A_369 = tpu.memref_squeeze %dma_start3A_368 : memref<1x1x96xi32, #tpu.memory_space<vmem>> -> memref<96xi32, #tpu.memory_space<vmem>>
      %dma_start3A_370 = arith.constant 0 : i32
      %dma_start3A_371 = arith.constant 0 : i32
      %dma_start3A_372 = tpu.memref_slice %arg2[%dma_start3A_370, %dma_start3A_371] : memref<10000x128xf32, #tpu.memory_space<hbm>> -> memref<10000x128xf32, #tpu.memory_space<hbm>>
      tpu.enqueue_indirect_dma source(%dma_start3A_372 : memref<10000x128xf32, #tpu.memory_space<hbm>>) target(%arg8 : memref<96x128xf32, #tpu.memory_space<vmem>>) offsets(%dma_start3A_369 : memref<96xi32, #tpu.memory_space<vmem>>) semaphore(%arg12 : memref<!tpu.dma_semaphore, #tpu.memory_space<semaphore_mem>>)
      %add3A_373 = arith.constant 1 : i32
      %add3A_374 = arith.addi %add3A_315, %add3A_373 : i32
      %dma_start3A_375 = arith.constant 1 : i32
      %dma_start3A_376 = arith.constant 0 : i32
      %dma_start3A_377 = tpu.memref_slice %arg6[%add3A_374, %dma_start3A_375, %dma_start3A_376] : memref<42x2x96xi32, #tpu.memory_space<vmem>> -> memref<1x1x96xi32, #tpu.memory_space<vmem>>
      %dma_start3A_378 = tpu.memref_squeeze %dma_start3A_377 : memref<1x1x96xi32, #tpu.memory_space<vmem>> -> memref<96xi32, #tpu.memory_space<vmem>>
      %dma_start3A_379 = arith.constant 0 : i32
      %dma_start3A_380 = arith.constant 0 : i32
      %dma_start3A_381 = tpu.memref_slice %arg10[%dma_start3A_379, %dma_start3A_380] : memref<10112x128xf32, #tpu.memory_space<vmem_shared>> -> memref<10112x128xf32, #tpu.memory_space<vmem_shared>>
      tpu.enqueue_indirect_dma source(%arg9 : memref<96x128xf32, #tpu.memory_space<vmem>>) target(%dma_start3A_381 : memref<10112x128xf32, #tpu.memory_space<vmem_shared>>) offsets(%dma_start3A_378 : memref<96xi32, #tpu.memory_space<vmem>>) semaphore(%arg16 : memref<!tpu.dma_semaphore, #tpu.memory_space<semaphore_mem>>) {add = true}
      %dma_wait3A_382 = arith.constant 0 : i32
      %dma_wait3A_383 = arith.constant 0 : i32
      %dma_wait3A_384 = arith.constant 0 : i32
      %dma_wait3A_385 = tpu.memref_slice %arg6[%dma_wait3A_382, %dma_wait3A_383, %dma_wait3A_384] : memref<42x2x96xi32, #tpu.memory_space<vmem>> -> memref<1x1x96xi32, #tpu.memory_space<vmem>>
      %dma_wait3A_386 = tpu.memref_squeeze %dma_wait3A_385 : memref<1x1x96xi32, #tpu.memory_space<vmem>> -> memref<96xi32, #tpu.memory_space<vmem>>
      %dma_wait3A_387 = arith.constant 0 : i32
      %dma_wait3A_388 = arith.constant 0 : i32
      %dma_wait3A_389 = tpu.memref_slice %arg2[%dma_wait3A_387, %dma_wait3A_388] : memref<10000x128xf32, #tpu.memory_space<hbm>> -> memref<10000x128xf32, #tpu.memory_space<hbm>>
      tpu.wait_indirect_dma semaphore(%arg11 : memref<!tpu.dma_semaphore, #tpu.memory_space<semaphore_mem>>) src(%dma_wait3A_389 : memref<10000x128xf32, #tpu.memory_space<hbm>>) dst(%arg7 : memref<96x128xf32, #tpu.memory_space<vmem>>)
      %dma_wait3A_390 = arith.constant 0 : i32
      %dma_wait3A_391 = arith.constant 1 : i32
      %dma_wait3A_392 = arith.constant 0 : i32
      %dma_wait3A_393 = tpu.memref_slice %arg6[%dma_wait3A_390, %dma_wait3A_391, %dma_wait3A_392] : memref<42x2x96xi32, #tpu.memory_space<vmem>> -> memref<1x1x96xi32, #tpu.memory_space<vmem>>
      %dma_wait3A_394 = tpu.memref_squeeze %dma_wait3A_393 : memref<1x1x96xi32, #tpu.memory_space<vmem>> -> memref<96xi32, #tpu.memory_space<vmem>>
      %dma_wait3A_395 = arith.constant 0 : i32
      %dma_wait3A_396 = arith.constant 0 : i32
      %dma_wait3A_397 = tpu.memref_slice %arg10[%dma_wait3A_395, %dma_wait3A_396] : memref<10112x128xf32, #tpu.memory_space<vmem_shared>> -> memref<10112x128xf32, #tpu.memory_space<vmem_shared>>
      tpu.wait_indirect_dma semaphore(%arg16 : memref<!tpu.dma_semaphore, #tpu.memory_space<semaphore_mem>>) src(%arg9 : memref<96x128xf32, #tpu.memory_space<vmem>>) dst(%dma_wait3A_397 : memref<10112x128xf32, #tpu.memory_space<vmem_shared>>)
      %add3A_398 = arith.constant 4 : i32
      %add3A_399 = arith.addi %add3A_315, %add3A_398 : i32
      %dma_start3A_400 = arith.constant 0 : i32
      %dma_start3A_401 = arith.constant 0 : i32
      %dma_start3A_402 = tpu.memref_slice %arg6[%add3A_399, %dma_start3A_400, %dma_start3A_401] : memref<42x2x96xi32, #tpu.memory_space<vmem>> -> memref<1x1x96xi32, #tpu.memory_space<vmem>>
      %dma_start3A_403 = tpu.memref_squeeze %dma_start3A_402 : memref<1x1x96xi32, #tpu.memory_space<vmem>> -> memref<96xi32, #tpu.memory_space<vmem>>
      %dma_start3A_404 = arith.constant 0 : i32
      %dma_start3A_405 = arith.constant 0 : i32
      %dma_start3A_406 = tpu.memref_slice %arg2[%dma_start3A_404, %dma_start3A_405] : memref<10000x128xf32, #tpu.memory_space<hbm>> -> memref<10000x128xf32, #tpu.memory_space<hbm>>
      tpu.enqueue_indirect_dma source(%dma_start3A_406 : memref<10000x128xf32, #tpu.memory_space<hbm>>) target(%arg9 : memref<96x128xf32, #tpu.memory_space<vmem>>) offsets(%dma_start3A_403 : memref<96xi32, #tpu.memory_space<vmem>>) semaphore(%arg13 : memref<!tpu.dma_semaphore, #tpu.memory_space<semaphore_mem>>)
      %add3A_407 = arith.constant 2 : i32
      %add3A_408 = arith.addi %add3A_315, %add3A_407 : i32
      %dma_start3A_409 = arith.constant 1 : i32
      %dma_start3A_410 = arith.constant 0 : i32
      %dma_start3A_411 = tpu.memref_slice %arg6[%add3A_408, %dma_start3A_409, %dma_start3A_410] : memref<42x2x96xi32, #tpu.memory_space<vmem>> -> memref<1x1x96xi32, #tpu.memory_space<vmem>>
      %dma_start3A_412 = tpu.memref_squeeze %dma_start3A_411 : memref<1x1x96xi32, #tpu.memory_space<vmem>> -> memref<96xi32, #tpu.memory_space<vmem>>
      %dma_start3A_413 = arith.constant 0 : i32
      %dma_start3A_414 = arith.constant 0 : i32
      %dma_start3A_415 = tpu.memref_slice %arg10[%dma_start3A_413, %dma_start3A_414] : memref<10112x128xf32, #tpu.memory_space<vmem_shared>> -> memref<10112x128xf32, #tpu.memory_space<vmem_shared>>
      tpu.enqueue_indirect_dma source(%arg7 : memref<96x128xf32, #tpu.memory_space<vmem>>) target(%dma_start3A_415 : memref<10112x128xf32, #tpu.memory_space<vmem_shared>>) offsets(%dma_start3A_412 : memref<96xi32, #tpu.memory_space<vmem>>) semaphore(%arg14 : memref<!tpu.dma_semaphore, #tpu.memory_space<semaphore_mem>>) {add = true}
    }
    %scan3A_45 = arith.constant 13 : i32
    %dma_wait3A_46 = arith.constant 0 : i32
    %dma_wait3A_47 = arith.constant 0 : i32
    %dma_wait3A_48 = arith.constant 0 : i32
    %dma_wait3A_49 = tpu.memref_slice %arg6[%dma_wait3A_46, %dma_wait3A_47, %dma_wait3A_48] : memref<42x2x96xi32, #tpu.memory_space<vmem>> -> memref<1x1x96xi32, #tpu.memory_space<vmem>>
    %dma_wait3A_50 = tpu.memref_squeeze %dma_wait3A_49 : memref<1x1x96xi32, #tpu.memory_space<vmem>> -> memref<96xi32, #tpu.memory_space<vmem>>
    %dma_wait3A_51 = arith.constant 0 : i32
    %dma_wait3A_52 = arith.constant 0 : i32
    %dma_wait3A_53 = tpu.memref_slice %arg2[%dma_wait3A_51, %dma_wait3A_52] : memref<10000x128xf32, #tpu.memory_space<hbm>> -> memref<10000x128xf32, #tpu.memory_space<hbm>>
    tpu.wait_indirect_dma semaphore(%arg12 : memref<!tpu.dma_semaphore, #tpu.memory_space<semaphore_mem>>) src(%dma_wait3A_53 : memref<10000x128xf32, #tpu.memory_space<hbm>>) dst(%arg8 : memref<96x128xf32, #tpu.memory_space<vmem>>)
    %dma_wait3A_54 = arith.constant 0 : i32
    %dma_wait3A_55 = arith.constant 1 : i32
    %dma_wait3A_56 = arith.constant 0 : i32
    %dma_wait3A_57 = tpu.memref_slice %arg6[%dma_wait3A_54, %dma_wait3A_55, %dma_wait3A_56] : memref<42x2x96xi32, #tpu.memory_space<vmem>> -> memref<1x1x96xi32, #tpu.memory_space<vmem>>
    %dma_wait3A_58 = tpu.memref_squeeze %dma_wait3A_57 : memref<1x1x96xi32, #tpu.memory_space<vmem>> -> memref<96xi32, #tpu.memory_space<vmem>>
    %dma_wait3A_59 = arith.constant 0 : i32
    %dma_wait3A_60 = arith.constant 0 : i32
    %dma_wait3A_61 = tpu.memref_slice %arg10[%dma_wait3A_59, %dma_wait3A_60] : memref<10112x128xf32, #tpu.memory_space<vmem_shared>> -> memref<10112x128xf32, #tpu.memory_space<vmem_shared>>
    tpu.wait_indirect_dma semaphore(%arg14 : memref<!tpu.dma_semaphore, #tpu.memory_space<semaphore_mem>>) src(%arg7 : memref<96x128xf32, #tpu.memory_space<vmem>>) dst(%dma_wait3A_61 : memref<10112x128xf32, #tpu.memory_space<vmem_shared>>)
    %dma_start3A_62 = arith.constant 40 : i32
    %dma_start3A_63 = arith.constant 1 : i32
    %dma_start3A_64 = arith.constant 0 : i32
    %dma_start3A_65 = tpu.memref_slice %arg6[%dma_start3A_62, %dma_start3A_63, %dma_start3A_64] : memref<42x2x96xi32, #tpu.memory_space<vmem>> -> memref<1x1x96xi32, #tpu.memory_space<vmem>>
    %dma_start3A_66 = tpu.memref_squeeze %dma_start3A_65 : memref<1x1x96xi32, #tpu.memory_space<vmem>> -> memref<96xi32, #tpu.memory_space<vmem>>
    %dma_start3A_67 = arith.constant 0 : i32
    %dma_start3A_68 = arith.constant 0 : i32
    %dma_start3A_69 = tpu.memref_slice %arg10[%dma_start3A_67, %dma_start3A_68] : memref<10112x128xf32, #tpu.memory_space<vmem_shared>> -> memref<10112x128xf32, #tpu.memory_space<vmem_shared>>
    tpu.enqueue_indirect_dma source(%arg8 : memref<96x128xf32, #tpu.memory_space<vmem>>) target(%dma_start3A_69 : memref<10112x128xf32, #tpu.memory_space<vmem_shared>>) offsets(%dma_start3A_66 : memref<96xi32, #tpu.memory_space<vmem>>) semaphore(%arg15 : memref<!tpu.dma_semaphore, #tpu.memory_space<semaphore_mem>>) {add = true}
    %dma_wait3A_70 = arith.constant 0 : i32
    %dma_wait3A_71 = arith.constant 0 : i32
    %dma_wait3A_72 = arith.constant 0 : i32
    %dma_wait3A_73 = tpu.memref_slice %arg6[%dma_wait3A_70, %dma_wait3A_71, %dma_wait3A_72] : memref<42x2x96xi32, #tpu.memory_space<vmem>> -> memref<1x1x96xi32, #tpu.memory_space<vmem>>
    %dma_wait3A_74 = tpu.memref_squeeze %dma_wait3A_73 : memref<1x1x96xi32, #tpu.memory_space<vmem>> -> memref<96xi32, #tpu.memory_space<vmem>>
    %dma_wait3A_75 = arith.constant 0 : i32
    %dma_wait3A_76 = arith.constant 0 : i32
    %dma_wait3A_77 = tpu.memref_slice %arg2[%dma_wait3A_75, %dma_wait3A_76] : memref<10000x128xf32, #tpu.memory_space<hbm>> -> memref<10000x128xf32, #tpu.memory_space<hbm>>
    tpu.wait_indirect_dma semaphore(%arg13 : memref<!tpu.dma_semaphore, #tpu.memory_space<semaphore_mem>>) src(%dma_wait3A_77 : memref<10000x128xf32, #tpu.memory_space<hbm>>) dst(%arg9 : memref<96x128xf32, #tpu.memory_space<vmem>>)
    %dma_wait3A_78 = arith.constant 0 : i32
    %dma_wait3A_79 = arith.constant 1 : i32
    %dma_wait3A_80 = arith.constant 0 : i32
    %dma_wait3A_81 = tpu.memref_slice %arg6[%dma_wait3A_78, %dma_wait3A_79, %dma_wait3A_80] : memref<42x2x96xi32, #tpu.memory_space<vmem>> -> memref<1x1x96xi32, #tpu.memory_space<vmem>>
    %dma_wait3A_82 = tpu.memref_squeeze %dma_wait3A_81 : memref<1x1x96xi32, #tpu.memory_space<vmem>> -> memref<96xi32, #tpu.memory_space<vmem>>
    %dma_wait3A_83 = arith.constant 0 : i32
    %dma_wait3A_84 = arith.constant 0 : i32
    %dma_wait3A_85 = tpu.memref_slice %arg10[%dma_wait3A_83, %dma_wait3A_84] : memref<10112x128xf32, #tpu.memory_space<vmem_shared>> -> memref<10112x128xf32, #tpu.memory_space<vmem_shared>>
    tpu.wait_indirect_dma semaphore(%arg15 : memref<!tpu.dma_semaphore, #tpu.memory_space<semaphore_mem>>) src(%arg8 : memref<96x128xf32, #tpu.memory_space<vmem>>) dst(%dma_wait3A_85 : memref<10112x128xf32, #tpu.memory_space<vmem_shared>>)
    %dma_start3A_86 = arith.constant 41 : i32
    %dma_start3A_87 = arith.constant 1 : i32
    %dma_start3A_88 = arith.constant 0 : i32
    %dma_start3A_89 = tpu.memref_slice %arg6[%dma_start3A_86, %dma_start3A_87, %dma_start3A_88] : memref<42x2x96xi32, #tpu.memory_space<vmem>> -> memref<1x1x96xi32, #tpu.memory_space<vmem>>
    %dma_start3A_90 = tpu.memref_squeeze %dma_start3A_89 : memref<1x1x96xi32, #tpu.memory_space<vmem>> -> memref<96xi32, #tpu.memory_space<vmem>>
    %dma_start3A_91 = arith.constant 0 : i32
    %dma_start3A_92 = arith.constant 0 : i32
    %dma_start3A_93 = tpu.memref_slice %arg10[%dma_start3A_91, %dma_start3A_92] : memref<10112x128xf32, #tpu.memory_space<vmem_shared>> -> memref<10112x128xf32, #tpu.memory_space<vmem_shared>>
    tpu.enqueue_indirect_dma source(%arg9 : memref<96x128xf32, #tpu.memory_space<vmem>>) target(%dma_start3A_93 : memref<10112x128xf32, #tpu.memory_space<vmem_shared>>) offsets(%dma_start3A_90 : memref<96xi32, #tpu.memory_space<vmem>>) semaphore(%arg16 : memref<!tpu.dma_semaphore, #tpu.memory_space<semaphore_mem>>) {add = true}
    %dma_wait3A_94 = arith.constant 0 : i32
    %dma_wait3A_95 = arith.constant 1 : i32
    %dma_wait3A_96 = arith.constant 0 : i32
    %dma_wait3A_97 = tpu.memref_slice %arg6[%dma_wait3A_94, %dma_wait3A_95, %dma_wait3A_96] : memref<42x2x96xi32, #tpu.memory_space<vmem>> -> memref<1x1x96xi32, #tpu.memory_space<vmem>>
    %dma_wait3A_98 = tpu.memref_squeeze %dma_wait3A_97 : memref<1x1x96xi32, #tpu.memory_space<vmem>> -> memref<96xi32, #tpu.memory_space<vmem>>
    %dma_wait3A_99 = arith.constant 0 : i32
    %dma_wait3A_100 = arith.constant 0 : i32
    %dma_wait3A_101 = tpu.memref_slice %arg10[%dma_wait3A_99, %dma_wait3A_100] : memref<10112x128xf32, #tpu.memory_space<vmem_shared>> -> memref<10112x128xf32, #tpu.memory_space<vmem_shared>>
    tpu.wait_indirect_dma semaphore(%arg16 : memref<!tpu.dma_semaphore, #tpu.memory_space<semaphore_mem>>) src(%arg9 : memref<96x128xf32, #tpu.memory_space<vmem>>) dst(%dma_wait3A_101 : memref<10112x128xf32, #tpu.memory_space<vmem_shared>>)
    "tpu.region"() ({
      %run_scoped3A = tpu.sem_alloc : memref<!tpu.dma_semaphore, #tpu.memory_space<semaphore_mem>>
      %dma_start3A_311 = arith.constant 0 : i32
      %dma_start3A_312 = arith.constant 0 : i32
      %dma_start3A_313 = arith.constant 0 : i32
      %dma_start3A_314 = tpu.memref_slice %arg6[%dma_start3A_311, %dma_start3A_312, %dma_start3A_313] : memref<42x2x96xi32, #tpu.memory_space<vmem>> -> memref<42x2x96xi32, #tpu.memory_space<vmem>>
      %dma_start3A_315 = arith.constant 42 : i32
      %dma_start3A_316 = arith.constant 0 : i32
      %dma_start3A_317 = arith.constant 0 : i32
      %dma_start3A_318 = tpu.memref_slice %arg3[%add3A, %dma_start3A_315, %dma_start3A_316, %dma_start3A_317] : memref<32x108x2x96xi32, #tpu.memory_space<hbm>> -> memref<1x42x2x96xi32, #tpu.memory_space<hbm>>
      %dma_start3A_319 = tpu.memref_squeeze %dma_start3A_318 : memref<1x42x2x96xi32, #tpu.memory_space<hbm>> -> memref<42x2x96xi32, #tpu.memory_space<hbm>>
      %dma_start3A_320 = arith.constant 0 : i32
      %dma_start3A_321 = arith.constant 0 : i32
      %dma_start3A_322 = arith.constant 0 : i32
      %dma_start3A_323 = tpu.memref_slice %arg6[%dma_start3A_320, %dma_start3A_321, %dma_start3A_322] : memref<42x2x96xi32, #tpu.memory_space<vmem>> -> memref<42x2x96xi32, #tpu.memory_space<vmem>>
      %dma_start3A_324 = arith.constant 42 : i32
      %dma_start3A_325 = arith.constant 0 : i32
      %dma_start3A_326 = arith.constant 0 : i32
      %dma_start3A_327 = tpu.memref_slice %arg3[%add3A, %dma_start3A_324, %dma_start3A_325, %dma_start3A_326] : memref<32x108x2x96xi32, #tpu.memory_space<hbm>> -> memref<1x42x2x96xi32, #tpu.memory_space<hbm>>
      %dma_start3A_328 = tpu.memref_squeeze %dma_start3A_327 : memref<1x42x2x96xi32, #tpu.memory_space<hbm>> -> memref<42x2x96xi32, #tpu.memory_space<hbm>>
      tpu.enqueue_dma source(%dma_start3A_328 : memref<42x2x96xi32, #tpu.memory_space<hbm>>) target(%dma_start3A_323 : memref<42x2x96xi32, #tpu.memory_space<vmem>>) target_semaphore(%run_scoped3A : memref<!tpu.dma_semaphore, #tpu.memory_space<semaphore_mem>>)
      %dma_wait3A_329 = arith.constant 0 : i32
      %dma_wait3A_330 = arith.constant 0 : i32
      %dma_wait3A_331 = arith.constant 0 : i32
      %dma_wait3A_332 = tpu.memref_slice %arg6[%dma_wait3A_329, %dma_wait3A_330, %dma_wait3A_331] : memref<42x2x96xi32, #tpu.memory_space<vmem>> -> memref<42x2x96xi32, #tpu.memory_space<vmem>>
      %dma_wait3A_333 = arith.constant 42 : i32
      %dma_wait3A_334 = arith.constant 0 : i32
      %dma_wait3A_335 = arith.constant 0 : i32
      %dma_wait3A_336 = tpu.memref_slice %arg3[%add3A, %dma_wait3A_333, %dma_wait3A_334, %dma_wait3A_335] : memref<32x108x2x96xi32, #tpu.memory_space<hbm>> -> memref<1x42x2x96xi32, #tpu.memory_space<hbm>>
      %dma_wait3A_337 = tpu.memref_squeeze %dma_wait3A_336 : memref<1x42x2x96xi32, #tpu.memory_space<hbm>> -> memref<42x2x96xi32, #tpu.memory_space<hbm>>
      %dma_wait3A_338 = arith.constant 0 : i32
      %dma_wait3A_339 = arith.constant 0 : i32
      %dma_wait3A_340 = arith.constant 0 : i32
      %dma_wait3A_341 = tpu.memref_slice %arg6[%dma_wait3A_338, %dma_wait3A_339, %dma_wait3A_340] : memref<42x2x96xi32, #tpu.memory_space<vmem>> -> memref<42x2x96xi32, #tpu.memory_space<vmem>>
      %dma_wait3A_342 = arith.constant 42 : i32
      %dma_wait3A_343 = arith.constant 0 : i32
      %dma_wait3A_344 = arith.constant 0 : i32
      %dma_wait3A_345 = tpu.memref_slice %arg3[%add3A, %dma_wait3A_342, %dma_wait3A_343, %dma_wait3A_344] : memref<32x108x2x96xi32, #tpu.memory_space<hbm>> -> memref<1x42x2x96xi32, #tpu.memory_space<hbm>>
      %dma_wait3A_346 = tpu.memref_squeeze %dma_wait3A_345 : memref<1x42x2x96xi32, #tpu.memory_space<hbm>> -> memref<42x2x96xi32, #tpu.memory_space<hbm>>
      tpu.wait_dma2 semaphore(%run_scoped3A : memref<!tpu.dma_semaphore, #tpu.memory_space<semaphore_mem>>) src(%dma_wait3A_346 : memref<42x2x96xi32, #tpu.memory_space<hbm>>) dst(%dma_wait3A_341 : memref<42x2x96xi32, #tpu.memory_space<vmem>>)
      tpu.yield
    }) : () -> ()
    %dma_start3A_102 = arith.constant 0 : i32
    %dma_start3A_103 = arith.constant 0 : i32
    %dma_start3A_104 = arith.constant 0 : i32
    %dma_start3A_105 = tpu.memref_slice %arg6[%dma_start3A_102, %dma_start3A_103, %dma_start3A_104] : memref<42x2x96xi32, #tpu.memory_space<vmem>> -> memref<1x1x96xi32, #tpu.memory_space<vmem>>
    %dma_start3A_106 = tpu.memref_squeeze %dma_start3A_105 : memref<1x1x96xi32, #tpu.memory_space<vmem>> -> memref<96xi32, #tpu.memory_space<vmem>>
    %dma_start3A_107 = arith.constant 0 : i32
    %dma_start3A_108 = arith.constant 0 : i32
    %dma_start3A_109 = tpu.memref_slice %arg2[%dma_start3A_107, %dma_start3A_108] : memref<10000x128xf32, #tpu.memory_space<hbm>> -> memref<10000x128xf32, #tpu.memory_space<hbm>>
    tpu.enqueue_indirect_dma source(%dma_start3A_109 : memref<10000x128xf32, #tpu.memory_space<hbm>>) target(%arg7 : memref<96x128xf32, #tpu.memory_space<vmem>>) offsets(%dma_start3A_106 : memref<96xi32, #tpu.memory_space<vmem>>) semaphore(%arg11 : memref<!tpu.dma_semaphore, #tpu.memory_space<semaphore_mem>>)
    %dma_start3A_110 = arith.constant 1 : i32
    %dma_start3A_111 = arith.constant 0 : i32
    %dma_start3A_112 = arith.constant 0 : i32
    %dma_start3A_113 = tpu.memref_slice %arg6[%dma_start3A_110, %dma_start3A_111, %dma_start3A_112] : memref<42x2x96xi32, #tpu.memory_space<vmem>> -> memref<1x1x96xi32, #tpu.memory_space<vmem>>
    %dma_start3A_114 = tpu.memref_squeeze %dma_start3A_113 : memref<1x1x96xi32, #tpu.memory_space<vmem>> -> memref<96xi32, #tpu.memory_space<vmem>>
    %dma_start3A_115 = arith.constant 0 : i32
    %dma_start3A_116 = arith.constant 0 : i32
    %dma_start3A_117 = tpu.memref_slice %arg2[%dma_start3A_115, %dma_start3A_116] : memref<10000x128xf32, #tpu.memory_space<hbm>> -> memref<10000x128xf32, #tpu.memory_space<hbm>>
    tpu.enqueue_indirect_dma source(%dma_start3A_117 : memref<10000x128xf32, #tpu.memory_space<hbm>>) target(%arg8 : memref<96x128xf32, #tpu.memory_space<vmem>>) offsets(%dma_start3A_114 : memref<96xi32, #tpu.memory_space<vmem>>) semaphore(%arg12 : memref<!tpu.dma_semaphore, #tpu.memory_space<semaphore_mem>>)
    %dma_wait3A_118 = arith.constant 0 : i32
    %dma_wait3A_119 = arith.constant 0 : i32
    %dma_wait3A_120 = arith.constant 0 : i32
    %dma_wait3A_121 = tpu.memref_slice %arg6[%dma_wait3A_118, %dma_wait3A_119, %dma_wait3A_120] : memref<42x2x96xi32, #tpu.memory_space<vmem>> -> memref<1x1x96xi32, #tpu.memory_space<vmem>>
    %dma_wait3A_122 = tpu.memref_squeeze %dma_wait3A_121 : memref<1x1x96xi32, #tpu.memory_space<vmem>> -> memref<96xi32, #tpu.memory_space<vmem>>
    %dma_wait3A_123 = arith.constant 0 : i32
    %dma_wait3A_124 = arith.constant 0 : i32
    %dma_wait3A_125 = tpu.memref_slice %arg2[%dma_wait3A_123, %dma_wait3A_124] : memref<10000x128xf32, #tpu.memory_space<hbm>> -> memref<10000x128xf32, #tpu.memory_space<hbm>>
    tpu.wait_indirect_dma semaphore(%arg11 : memref<!tpu.dma_semaphore, #tpu.memory_space<semaphore_mem>>) src(%dma_wait3A_125 : memref<10000x128xf32, #tpu.memory_space<hbm>>) dst(%arg7 : memref<96x128xf32, #tpu.memory_space<vmem>>)
    %dma_start3A_126 = arith.constant 2 : i32
    %dma_start3A_127 = arith.constant 0 : i32
    %dma_start3A_128 = arith.constant 0 : i32
    %dma_start3A_129 = tpu.memref_slice %arg6[%dma_start3A_126, %dma_start3A_127, %dma_start3A_128] : memref<42x2x96xi32, #tpu.memory_space<vmem>> -> memref<1x1x96xi32, #tpu.memory_space<vmem>>
    %dma_start3A_130 = tpu.memref_squeeze %dma_start3A_129 : memref<1x1x96xi32, #tpu.memory_space<vmem>> -> memref<96xi32, #tpu.memory_space<vmem>>
    %dma_start3A_131 = arith.constant 0 : i32
    %dma_start3A_132 = arith.constant 0 : i32
    %dma_start3A_133 = tpu.memref_slice %arg2[%dma_start3A_131, %dma_start3A_132] : memref<10000x128xf32, #tpu.memory_space<hbm>> -> memref<10000x128xf32, #tpu.memory_space<hbm>>
    tpu.enqueue_indirect_dma source(%dma_start3A_133 : memref<10000x128xf32, #tpu.memory_space<hbm>>) target(%arg9 : memref<96x128xf32, #tpu.memory_space<vmem>>) offsets(%dma_start3A_130 : memref<96xi32, #tpu.memory_space<vmem>>) semaphore(%arg13 : memref<!tpu.dma_semaphore, #tpu.memory_space<semaphore_mem>>)
    %dma_start3A_134 = arith.constant 0 : i32
    %dma_start3A_135 = arith.constant 1 : i32
    %dma_start3A_136 = arith.constant 0 : i32
    %dma_start3A_137 = tpu.memref_slice %arg6[%dma_start3A_134, %dma_start3A_135, %dma_start3A_136] : memref<42x2x96xi32, #tpu.memory_space<vmem>> -> memref<1x1x96xi32, #tpu.memory_space<vmem>>
    %dma_start3A_138 = tpu.memref_squeeze %dma_start3A_137 : memref<1x1x96xi32, #tpu.memory_space<vmem>> -> memref<96xi32, #tpu.memory_space<vmem>>
    %dma_start3A_139 = arith.constant 0 : i32
    %dma_start3A_140 = arith.constant 0 : i32
    %dma_start3A_141 = tpu.memref_slice %arg10[%dma_start3A_139, %dma_start3A_140] : memref<10112x128xf32, #tpu.memory_space<vmem_shared>> -> memref<10112x128xf32, #tpu.memory_space<vmem_shared>>
    tpu.enqueue_indirect_dma source(%arg7 : memref<96x128xf32, #tpu.memory_space<vmem>>) target(%dma_start3A_141 : memref<10112x128xf32, #tpu.memory_space<vmem_shared>>) offsets(%dma_start3A_138 : memref<96xi32, #tpu.memory_space<vmem>>) semaphore(%arg14 : memref<!tpu.dma_semaphore, #tpu.memory_space<semaphore_mem>>) {add = true}
    %scan3A_142 = arith.constant 0 : i32
    %scan3A_143 = arith.constant 0 : i32
    %scan3A_144 = arith.constant 13 : i32
    %scan3A_145 = arith.addi %scan3A_143, %scan3A_144 : i32
    %scan3A_146 = arith.constant 1 : i32
    scf.for %scan3A_311 = %scan3A_143 to %scan3A_145 step %scan3A_146  : i32 {
      %mul3A_312 = arith.constant 3 : i32
      %mul3A_313 = arith.muli %mul3A_312, %scan3A_311 : i32
      %add3A_314 = arith.constant 1 : i32
      %add3A_315 = arith.addi %mul3A_313, %add3A_314 : i32
      %dma_wait3A_316 = arith.constant 0 : i32
      %dma_wait3A_317 = arith.constant 0 : i32
      %dma_wait3A_318 = arith.constant 0 : i32
      %dma_wait3A_319 = tpu.memref_slice %arg6[%dma_wait3A_316, %dma_wait3A_317, %dma_wait3A_318] : memref<42x2x96xi32, #tpu.memory_space<vmem>> -> memref<1x1x96xi32, #tpu.memory_space<vmem>>
      %dma_wait3A_320 = tpu.memref_squeeze %dma_wait3A_319 : memref<1x1x96xi32, #tpu.memory_space<vmem>> -> memref<96xi32, #tpu.memory_space<vmem>>
      %dma_wait3A_321 = arith.constant 0 : i32
      %dma_wait3A_322 = arith.constant 0 : i32
      %dma_wait3A_323 = tpu.memref_slice %arg2[%dma_wait3A_321, %dma_wait3A_322] : memref<10000x128xf32, #tpu.memory_space<hbm>> -> memref<10000x128xf32, #tpu.memory_space<hbm>>
      tpu.wait_indirect_dma semaphore(%arg12 : memref<!tpu.dma_semaphore, #tpu.memory_space<semaphore_mem>>) src(%dma_wait3A_323 : memref<10000x128xf32, #tpu.memory_space<hbm>>) dst(%arg8 : memref<96x128xf32, #tpu.memory_space<vmem>>)
      %dma_wait3A_324 = arith.constant 0 : i32
      %dma_wait3A_325 = arith.constant 1 : i32
      %dma_wait3A_326 = arith.constant 0 : i32
      %dma_wait3A_327 = tpu.memref_slice %arg6[%dma_wait3A_324, %dma_wait3A_325, %dma_wait3A_326] : memref<42x2x96xi32, #tpu.memory_space<vmem>> -> memref<1x1x96xi32, #tpu.memory_space<vmem>>
      %dma_wait3A_328 = tpu.memref_squeeze %dma_wait3A_327 : memref<1x1x96xi32, #tpu.memory_space<vmem>> -> memref<96xi32, #tpu.memory_space<vmem>>
      %dma_wait3A_329 = arith.constant 0 : i32
      %dma_wait3A_330 = arith.constant 0 : i32
      %dma_wait3A_331 = tpu.memref_slice %arg10[%dma_wait3A_329, %dma_wait3A_330] : memref<10112x128xf32, #tpu.memory_space<vmem_shared>> -> memref<10112x128xf32, #tpu.memory_space<vmem_shared>>
      tpu.wait_indirect_dma semaphore(%arg14 : memref<!tpu.dma_semaphore, #tpu.memory_space<semaphore_mem>>) src(%arg7 : memref<96x128xf32, #tpu.memory_space<vmem>>) dst(%dma_wait3A_331 : memref<10112x128xf32, #tpu.memory_space<vmem_shared>>)
      %add3A_332 = arith.constant 2 : i32
      %add3A_333 = arith.addi %add3A_315, %add3A_332 : i32
      %dma_start3A_334 = arith.constant 0 : i32
      %dma_start3A_335 = arith.constant 0 : i32
      %dma_start3A_336 = tpu.memref_slice %arg6[%add3A_333, %dma_start3A_334, %dma_start3A_335] : memref<42x2x96xi32, #tpu.memory_space<vmem>> -> memref<1x1x96xi32, #tpu.memory_space<vmem>>
      %dma_start3A_337 = tpu.memref_squeeze %dma_start3A_336 : memref<1x1x96xi32, #tpu.memory_space<vmem>> -> memref<96xi32, #tpu.memory_space<vmem>>
      %dma_start3A_338 = arith.constant 0 : i32
      %dma_start3A_339 = arith.constant 0 : i32
      %dma_start3A_340 = tpu.memref_slice %arg2[%dma_start3A_338, %dma_start3A_339] : memref<10000x128xf32, #tpu.memory_space<hbm>> -> memref<10000x128xf32, #tpu.memory_space<hbm>>
      tpu.enqueue_indirect_dma source(%dma_start3A_340 : memref<10000x128xf32, #tpu.memory_space<hbm>>) target(%arg7 : memref<96x128xf32, #tpu.memory_space<vmem>>) offsets(%dma_start3A_337 : memref<96xi32, #tpu.memory_space<vmem>>) semaphore(%arg11 : memref<!tpu.dma_semaphore, #tpu.memory_space<semaphore_mem>>)
      %dma_start3A_341 = arith.constant 1 : i32
      %dma_start3A_342 = arith.constant 0 : i32
      %dma_start3A_343 = tpu.memref_slice %arg6[%add3A_315, %dma_start3A_341, %dma_start3A_342] : memref<42x2x96xi32, #tpu.memory_space<vmem>> -> memref<1x1x96xi32, #tpu.memory_space<vmem>>
      %dma_start3A_344 = tpu.memref_squeeze %dma_start3A_343 : memref<1x1x96xi32, #tpu.memory_space<vmem>> -> memref<96xi32, #tpu.memory_space<vmem>>
      %dma_start3A_345 = arith.constant 0 : i32
      %dma_start3A_346 = arith.constant 0 : i32
      %dma_start3A_347 = tpu.memref_slice %arg10[%dma_start3A_345, %dma_start3A_346] : memref<10112x128xf32, #tpu.memory_space<vmem_shared>> -> memref<10112x128xf32, #tpu.memory_space<vmem_shared>>
      tpu.enqueue_indirect_dma source(%arg8 : memref<96x128xf32, #tpu.memory_space<vmem>>) target(%dma_start3A_347 : memref<10112x128xf32, #tpu.memory_space<vmem_shared>>) offsets(%dma_start3A_344 : memref<96xi32, #tpu.memory_space<vmem>>) semaphore(%arg15 : memref<!tpu.dma_semaphore, #tpu.memory_space<semaphore_mem>>) {add = true}
      %dma_wait3A_348 = arith.constant 0 : i32
      %dma_wait3A_349 = arith.constant 0 : i32
      %dma_wait3A_350 = arith.constant 0 : i32
      %dma_wait3A_351 = tpu.memref_slice %arg6[%dma_wait3A_348, %dma_wait3A_349, %dma_wait3A_350] : memref<42x2x96xi32, #tpu.memory_space<vmem>> -> memref<1x1x96xi32, #tpu.memory_space<vmem>>
      %dma_wait3A_352 = tpu.memref_squeeze %dma_wait3A_351 : memref<1x1x96xi32, #tpu.memory_space<vmem>> -> memref<96xi32, #tpu.memory_space<vmem>>
      %dma_wait3A_353 = arith.constant 0 : i32
      %dma_wait3A_354 = arith.constant 0 : i32
      %dma_wait3A_355 = tpu.memref_slice %arg2[%dma_wait3A_353, %dma_wait3A_354] : memref<10000x128xf32, #tpu.memory_space<hbm>> -> memref<10000x128xf32, #tpu.memory_space<hbm>>
      tpu.wait_indirect_dma semaphore(%arg13 : memref<!tpu.dma_semaphore, #tpu.memory_space<semaphore_mem>>) src(%dma_wait3A_355 : memref<10000x128xf32, #tpu.memory_space<hbm>>) dst(%arg9 : memref<96x128xf32, #tpu.memory_space<vmem>>)
      %dma_wait3A_356 = arith.constant 0 : i32
      %dma_wait3A_357 = arith.constant 1 : i32
      %dma_wait3A_358 = arith.constant 0 : i32
      %dma_wait3A_359 = tpu.memref_slice %arg6[%dma_wait3A_356, %dma_wait3A_357, %dma_wait3A_358] : memref<42x2x96xi32, #tpu.memory_space<vmem>> -> memref<1x1x96xi32, #tpu.memory_space<vmem>>
      %dma_wait3A_360 = tpu.memref_squeeze %dma_wait3A_359 : memref<1x1x96xi32, #tpu.memory_space<vmem>> -> memref<96xi32, #tpu.memory_space<vmem>>
      %dma_wait3A_361 = arith.constant 0 : i32
      %dma_wait3A_362 = arith.constant 0 : i32
      %dma_wait3A_363 = tpu.memref_slice %arg10[%dma_wait3A_361, %dma_wait3A_362] : memref<10112x128xf32, #tpu.memory_space<vmem_shared>> -> memref<10112x128xf32, #tpu.memory_space<vmem_shared>>
      tpu.wait_indirect_dma semaphore(%arg15 : memref<!tpu.dma_semaphore, #tpu.memory_space<semaphore_mem>>) src(%arg8 : memref<96x128xf32, #tpu.memory_space<vmem>>) dst(%dma_wait3A_363 : memref<10112x128xf32, #tpu.memory_space<vmem_shared>>)
      %add3A_364 = arith.constant 3 : i32
      %add3A_365 = arith.addi %add3A_315, %add3A_364 : i32
      %dma_start3A_366 = arith.constant 0 : i32
      %dma_start3A_367 = arith.constant 0 : i32
      %dma_start3A_368 = tpu.memref_slice %arg6[%add3A_365, %dma_start3A_366, %dma_start3A_367] : memref<42x2x96xi32, #tpu.memory_space<vmem>> -> memref<1x1x96xi32, #tpu.memory_space<vmem>>
      %dma_start3A_369 = tpu.memref_squeeze %dma_start3A_368 : memref<1x1x96xi32, #tpu.memory_space<vmem>> -> memref<96xi32, #tpu.memory_space<vmem>>
      %dma_start3A_370 = arith.constant 0 : i32
      %dma_start3A_371 = arith.constant 0 : i32
      %dma_start3A_372 = tpu.memref_slice %arg2[%dma_start3A_370, %dma_start3A_371] : memref<10000x128xf32, #tpu.memory_space<hbm>> -> memref<10000x128xf32, #tpu.memory_space<hbm>>
      tpu.enqueue_indirect_dma source(%dma_start3A_372 : memref<10000x128xf32, #tpu.memory_space<hbm>>) target(%arg8 : memref<96x128xf32, #tpu.memory_space<vmem>>) offsets(%dma_start3A_369 : memref<96xi32, #tpu.memory_space<vmem>>) semaphore(%arg12 : memref<!tpu.dma_semaphore, #tpu.memory_space<semaphore_mem>>)
      %add3A_373 = arith.constant 1 : i32
      %add3A_374 = arith.addi %add3A_315, %add3A_373 : i32
      %dma_start3A_375 = arith.constant 1 : i32
      %dma_start3A_376 = arith.constant 0 : i32
      %dma_start3A_377 = tpu.memref_slice %arg6[%add3A_374, %dma_start3A_375, %dma_start3A_376] : memref<42x2x96xi32, #tpu.memory_space<vmem>> -> memref<1x1x96xi32, #tpu.memory_space<vmem>>
      %dma_start3A_378 = tpu.memref_squeeze %dma_start3A_377 : memref<1x1x96xi32, #tpu.memory_space<vmem>> -> memref<96xi32, #tpu.memory_space<vmem>>
      %dma_start3A_379 = arith.constant 0 : i32
      %dma_start3A_380 = arith.constant 0 : i32
      %dma_start3A_381 = tpu.memref_slice %arg10[%dma_start3A_379, %dma_start3A_380] : memref<10112x128xf32, #tpu.memory_space<vmem_shared>> -> memref<10112x128xf32, #tpu.memory_space<vmem_shared>>
      tpu.enqueue_indirect_dma source(%arg9 : memref<96x128xf32, #tpu.memory_space<vmem>>) target(%dma_start3A_381 : memref<10112x128xf32, #tpu.memory_space<vmem_shared>>) offsets(%dma_start3A_378 : memref<96xi32, #tpu.memory_space<vmem>>) semaphore(%arg16 : memref<!tpu.dma_semaphore, #tpu.memory_space<semaphore_mem>>) {add = true}
      %dma_wait3A_382 = arith.constant 0 : i32
      %dma_wait3A_383 = arith.constant 0 : i32
      %dma_wait3A_384 = arith.constant 0 : i32
      %dma_wait3A_385 = tpu.memref_slice %arg6[%dma_wait3A_382, %dma_wait3A_383, %dma_wait3A_384] : memref<42x2x96xi32, #tpu.memory_space<vmem>> -> memref<1x1x96xi32, #tpu.memory_space<vmem>>
      %dma_wait3A_386 = tpu.memref_squeeze %dma_wait3A_385 : memref<1x1x96xi32, #tpu.memory_space<vmem>> -> memref<96xi32, #tpu.memory_space<vmem>>
      %dma_wait3A_387 = arith.constant 0 : i32
      %dma_wait3A_388 = arith.constant 0 : i32
      %dma_wait3A_389 = tpu.memref_slice %arg2[%dma_wait3A_387, %dma_wait3A_388] : memref<10000x128xf32, #tpu.memory_space<hbm>> -> memref<10000x128xf32, #tpu.memory_space<hbm>>
      tpu.wait_indirect_dma semaphore(%arg11 : memref<!tpu.dma_semaphore, #tpu.memory_space<semaphore_mem>>) src(%dma_wait3A_389 : memref<10000x128xf32, #tpu.memory_space<hbm>>) dst(%arg7 : memref<96x128xf32, #tpu.memory_space<vmem>>)
      %dma_wait3A_390 = arith.constant 0 : i32
      %dma_wait3A_391 = arith.constant 1 : i32
      %dma_wait3A_392 = arith.constant 0 : i32
      %dma_wait3A_393 = tpu.memref_slice %arg6[%dma_wait3A_390, %dma_wait3A_391, %dma_wait3A_392] : memref<42x2x96xi32, #tpu.memory_space<vmem>> -> memref<1x1x96xi32, #tpu.memory_space<vmem>>
      %dma_wait3A_394 = tpu.memref_squeeze %dma_wait3A_393 : memref<1x1x96xi32, #tpu.memory_space<vmem>> -> memref<96xi32, #tpu.memory_space<vmem>>
      %dma_wait3A_395 = arith.constant 0 : i32
      %dma_wait3A_396 = arith.constant 0 : i32
      %dma_wait3A_397 = tpu.memref_slice %arg10[%dma_wait3A_395, %dma_wait3A_396] : memref<10112x128xf32, #tpu.memory_space<vmem_shared>> -> memref<10112x128xf32, #tpu.memory_space<vmem_shared>>
      tpu.wait_indirect_dma semaphore(%arg16 : memref<!tpu.dma_semaphore, #tpu.memory_space<semaphore_mem>>) src(%arg9 : memref<96x128xf32, #tpu.memory_space<vmem>>) dst(%dma_wait3A_397 : memref<10112x128xf32, #tpu.memory_space<vmem_shared>>)
      %add3A_398 = arith.constant 4 : i32
      %add3A_399 = arith.addi %add3A_315, %add3A_398 : i32
      %dma_start3A_400 = arith.constant 0 : i32
      %dma_start3A_401 = arith.constant 0 : i32
      %dma_start3A_402 = tpu.memref_slice %arg6[%add3A_399, %dma_start3A_400, %dma_start3A_401] : memref<42x2x96xi32, #tpu.memory_space<vmem>> -> memref<1x1x96xi32, #tpu.memory_space<vmem>>
      %dma_start3A_403 = tpu.memref_squeeze %dma_start3A_402 : memref<1x1x96xi32, #tpu.memory_space<vmem>> -> memref<96xi32, #tpu.memory_space<vmem>>
      %dma_start3A_404 = arith.constant 0 : i32
      %dma_start3A_405 = arith.constant 0 : i32
      %dma_start3A_406 = tpu.memref_slice %arg2[%dma_start3A_404, %dma_start3A_405] : memref<10000x128xf32, #tpu.memory_space<hbm>> -> memref<10000x128xf32, #tpu.memory_space<hbm>>
      tpu.enqueue_indirect_dma source(%dma_start3A_406 : memref<10000x128xf32, #tpu.memory_space<hbm>>) target(%arg9 : memref<96x128xf32, #tpu.memory_space<vmem>>) offsets(%dma_start3A_403 : memref<96xi32, #tpu.memory_space<vmem>>) semaphore(%arg13 : memref<!tpu.dma_semaphore, #tpu.memory_space<semaphore_mem>>)
      %add3A_407 = arith.constant 2 : i32
      %add3A_408 = arith.addi %add3A_315, %add3A_407 : i32
      %dma_start3A_409 = arith.constant 1 : i32
      %dma_start3A_410 = arith.constant 0 : i32
      %dma_start3A_411 = tpu.memref_slice %arg6[%add3A_408, %dma_start3A_409, %dma_start3A_410] : memref<42x2x96xi32, #tpu.memory_space<vmem>> -> memref<1x1x96xi32, #tpu.memory_space<vmem>>
      %dma_start3A_412 = tpu.memref_squeeze %dma_start3A_411 : memref<1x1x96xi32, #tpu.memory_space<vmem>> -> memref<96xi32, #tpu.memory_space<vmem>>
      %dma_start3A_413 = arith.constant 0 : i32
      %dma_start3A_414 = arith.constant 0 : i32
      %dma_start3A_415 = tpu.memref_slice %arg10[%dma_start3A_413, %dma_start3A_414] : memref<10112x128xf32, #tpu.memory_space<vmem_shared>> -> memref<10112x128xf32, #tpu.memory_space<vmem_shared>>
      tpu.enqueue_indirect_dma source(%arg7 : memref<96x128xf32, #tpu.memory_space<vmem>>) target(%dma_start3A_415 : memref<10112x128xf32, #tpu.memory_space<vmem_shared>>) offsets(%dma_start3A_412 : memref<96xi32, #tpu.memory_space<vmem>>) semaphore(%arg14 : memref<!tpu.dma_semaphore, #tpu.memory_space<semaphore_mem>>) {add = true}
    }
    %scan3A_147 = arith.constant 13 : i32
    %dma_wait3A_148 = arith.constant 0 : i32
    %dma_wait3A_149 = arith.constant 0 : i32
    %dma_wait3A_150 = arith.constant 0 : i32
    %dma_wait3A_151 = tpu.memref_slice %arg6[%dma_wait3A_148, %dma_wait3A_149, %dma_wait3A_150] : memref<42x2x96xi32, #tpu.memory_space<vmem>> -> memref<1x1x96xi32, #tpu.memory_space<vmem>>
    %dma_wait3A_152 = tpu.memref_squeeze %dma_wait3A_151 : memref<1x1x96xi32, #tpu.memory_space<vmem>> -> memref<96xi32, #tpu.memory_space<vmem>>
    %dma_wait3A_153 = arith.constant 0 : i32
    %dma_wait3A_154 = arith.constant 0 : i32
    %dma_wait3A_155 = tpu.memref_slice %arg2[%dma_wait3A_153, %dma_wait3A_154] : memref<10000x128xf32, #tpu.memory_space<hbm>> -> memref<10000x128xf32, #tpu.memory_space<hbm>>
    tpu.wait_indirect_dma semaphore(%arg12 : memref<!tpu.dma_semaphore, #tpu.memory_space<semaphore_mem>>) src(%dma_wait3A_155 : memref<10000x128xf32, #tpu.memory_space<hbm>>) dst(%arg8 : memref<96x128xf32, #tpu.memory_space<vmem>>)
    %dma_wait3A_156 = arith.constant 0 : i32
    %dma_wait3A_157 = arith.constant 1 : i32
    %dma_wait3A_158 = arith.constant 0 : i32
    %dma_wait3A_159 = tpu.memref_slice %arg6[%dma_wait3A_156, %dma_wait3A_157, %dma_wait3A_158] : memref<42x2x96xi32, #tpu.memory_space<vmem>> -> memref<1x1x96xi32, #tpu.memory_space<vmem>>
    %dma_wait3A_160 = tpu.memref_squeeze %dma_wait3A_159 : memref<1x1x96xi32, #tpu.memory_space<vmem>> -> memref<96xi32, #tpu.memory_space<vmem>>
    %dma_wait3A_161 = arith.constant 0 : i32
    %dma_wait3A_162 = arith.constant 0 : i32
    %dma_wait3A_163 = tpu.memref_slice %arg10[%dma_wait3A_161, %dma_wait3A_162] : memref<10112x128xf32, #tpu.memory_space<vmem_shared>> -> memref<10112x128xf32, #tpu.memory_space<vmem_shared>>
    tpu.wait_indirect_dma semaphore(%arg14 : memref<!tpu.dma_semaphore, #tpu.memory_space<semaphore_mem>>) src(%arg7 : memref<96x128xf32, #tpu.memory_space<vmem>>) dst(%dma_wait3A_163 : memref<10112x128xf32, #tpu.memory_space<vmem_shared>>)
    %dma_start3A_164 = arith.constant 40 : i32
    %dma_start3A_165 = arith.constant 1 : i32
    %dma_start3A_166 = arith.constant 0 : i32
    %dma_start3A_167 = tpu.memref_slice %arg6[%dma_start3A_164, %dma_start3A_165, %dma_start3A_166] : memref<42x2x96xi32, #tpu.memory_space<vmem>> -> memref<1x1x96xi32, #tpu.memory_space<vmem>>
    %dma_start3A_168 = tpu.memref_squeeze %dma_start3A_167 : memref<1x1x96xi32, #tpu.memory_space<vmem>> -> memref<96xi32, #tpu.memory_space<vmem>>
    %dma_start3A_169 = arith.constant 0 : i32
    %dma_start3A_170 = arith.constant 0 : i32
    %dma_start3A_171 = tpu.memref_slice %arg10[%dma_start3A_169, %dma_start3A_170] : memref<10112x128xf32, #tpu.memory_space<vmem_shared>> -> memref<10112x128xf32, #tpu.memory_space<vmem_shared>>
    tpu.enqueue_indirect_dma source(%arg8 : memref<96x128xf32, #tpu.memory_space<vmem>>) target(%dma_start3A_171 : memref<10112x128xf32, #tpu.memory_space<vmem_shared>>) offsets(%dma_start3A_168 : memref<96xi32, #tpu.memory_space<vmem>>) semaphore(%arg15 : memref<!tpu.dma_semaphore, #tpu.memory_space<semaphore_mem>>) {add = true}
    %dma_wait3A_172 = arith.constant 0 : i32
    %dma_wait3A_173 = arith.constant 0 : i32
    %dma_wait3A_174 = arith.constant 0 : i32
    %dma_wait3A_175 = tpu.memref_slice %arg6[%dma_wait3A_172, %dma_wait3A_173, %dma_wait3A_174] : memref<42x2x96xi32, #tpu.memory_space<vmem>> -> memref<1x1x96xi32, #tpu.memory_space<vmem>>
    %dma_wait3A_176 = tpu.memref_squeeze %dma_wait3A_175 : memref<1x1x96xi32, #tpu.memory_space<vmem>> -> memref<96xi32, #tpu.memory_space<vmem>>
    %dma_wait3A_177 = arith.constant 0 : i32
    %dma_wait3A_178 = arith.constant 0 : i32
    %dma_wait3A_179 = tpu.memref_slice %arg2[%dma_wait3A_177, %dma_wait3A_178] : memref<10000x128xf32, #tpu.memory_space<hbm>> -> memref<10000x128xf32, #tpu.memory_space<hbm>>
    tpu.wait_indirect_dma semaphore(%arg13 : memref<!tpu.dma_semaphore, #tpu.memory_space<semaphore_mem>>) src(%dma_wait3A_179 : memref<10000x128xf32, #tpu.memory_space<hbm>>) dst(%arg9 : memref<96x128xf32, #tpu.memory_space<vmem>>)
    %dma_wait3A_180 = arith.constant 0 : i32
    %dma_wait3A_181 = arith.constant 1 : i32
    %dma_wait3A_182 = arith.constant 0 : i32
    %dma_wait3A_183 = tpu.memref_slice %arg6[%dma_wait3A_180, %dma_wait3A_181, %dma_wait3A_182] : memref<42x2x96xi32, #tpu.memory_space<vmem>> -> memref<1x1x96xi32, #tpu.memory_space<vmem>>
    %dma_wait3A_184 = tpu.memref_squeeze %dma_wait3A_183 : memref<1x1x96xi32, #tpu.memory_space<vmem>> -> memref<96xi32, #tpu.memory_space<vmem>>
    %dma_wait3A_185 = arith.constant 0 : i32
    %dma_wait3A_186 = arith.constant 0 : i32
    %dma_wait3A_187 = tpu.memref_slice %arg10[%dma_wait3A_185, %dma_wait3A_186] : memref<10112x128xf32, #tpu.memory_space<vmem_shared>> -> memref<10112x128xf32, #tpu.memory_space<vmem_shared>>
    tpu.wait_indirect_dma semaphore(%arg15 : memref<!tpu.dma_semaphore, #tpu.memory_space<semaphore_mem>>) src(%arg8 : memref<96x128xf32, #tpu.memory_space<vmem>>) dst(%dma_wait3A_187 : memref<10112x128xf32, #tpu.memory_space<vmem_shared>>)
    %dma_start3A_188 = arith.constant 41 : i32
    %dma_start3A_189 = arith.constant 1 : i32
    %dma_start3A_190 = arith.constant 0 : i32
    %dma_start3A_191 = tpu.memref_slice %arg6[%dma_start3A_188, %dma_start3A_189, %dma_start3A_190] : memref<42x2x96xi32, #tpu.memory_space<vmem>> -> memref<1x1x96xi32, #tpu.memory_space<vmem>>
    %dma_start3A_192 = tpu.memref_squeeze %dma_start3A_191 : memref<1x1x96xi32, #tpu.memory_space<vmem>> -> memref<96xi32, #tpu.memory_space<vmem>>
    %dma_start3A_193 = arith.constant 0 : i32
    %dma_start3A_194 = arith.constant 0 : i32
    %dma_start3A_195 = tpu.memref_slice %arg10[%dma_start3A_193, %dma_start3A_194] : memref<10112x128xf32, #tpu.memory_space<vmem_shared>> -> memref<10112x128xf32, #tpu.memory_space<vmem_shared>>
    tpu.enqueue_indirect_dma source(%arg9 : memref<96x128xf32, #tpu.memory_space<vmem>>) target(%dma_start3A_195 : memref<10112x128xf32, #tpu.memory_space<vmem_shared>>) offsets(%dma_start3A_192 : memref<96xi32, #tpu.memory_space<vmem>>) semaphore(%arg16 : memref<!tpu.dma_semaphore, #tpu.memory_space<semaphore_mem>>) {add = true}
    %dma_wait3A_196 = arith.constant 0 : i32
    %dma_wait3A_197 = arith.constant 1 : i32
    %dma_wait3A_198 = arith.constant 0 : i32
    %dma_wait3A_199 = tpu.memref_slice %arg6[%dma_wait3A_196, %dma_wait3A_197, %dma_wait3A_198] : memref<42x2x96xi32, #tpu.memory_space<vmem>> -> memref<1x1x96xi32, #tpu.memory_space<vmem>>
    %dma_wait3A_200 = tpu.memref_squeeze %dma_wait3A_199 : memref<1x1x96xi32, #tpu.memory_space<vmem>> -> memref<96xi32, #tpu.memory_space<vmem>>
    %dma_wait3A_201 = arith.constant 0 : i32
    %dma_wait3A_202 = arith.constant 0 : i32
    %dma_wait3A_203 = tpu.memref_slice %arg10[%dma_wait3A_201, %dma_wait3A_202] : memref<10112x128xf32, #tpu.memory_space<vmem_shared>> -> memref<10112x128xf32, #tpu.memory_space<vmem_shared>>
    tpu.wait_indirect_dma semaphore(%arg16 : memref<!tpu.dma_semaphore, #tpu.memory_space<semaphore_mem>>) src(%arg9 : memref<96x128xf32, #tpu.memory_space<vmem>>) dst(%dma_wait3A_203 : memref<10112x128xf32, #tpu.memory_space<vmem_shared>>)
    "tpu.region"() ({
      %run_scoped3A = tpu.sem_alloc : memref<!tpu.dma_semaphore, #tpu.memory_space<semaphore_mem>>
      %dma_start3A_311 = arith.constant 0 : i32
      %dma_start3A_312 = arith.constant 0 : i32
      %dma_start3A_313 = arith.constant 0 : i32
      %dma_start3A_314 = tpu.memref_slice %arg6[%dma_start3A_311, %dma_start3A_312, %dma_start3A_313] : memref<42x2x96xi32, #tpu.memory_space<vmem>> -> memref<24x2x96xi32, #tpu.memory_space<vmem>>
      %dma_start3A_315 = arith.constant 84 : i32
      %dma_start3A_316 = arith.constant 0 : i32
      %dma_start3A_317 = arith.constant 0 : i32
      %dma_start3A_318 = tpu.memref_slice %arg3[%add3A, %dma_start3A_315, %dma_start3A_316, %dma_start3A_317] : memref<32x108x2x96xi32, #tpu.memory_space<hbm>> -> memref<1x24x2x96xi32, #tpu.memory_space<hbm>>
      %dma_start3A_319 = tpu.memref_squeeze %dma_start3A_318 : memref<1x24x2x96xi32, #tpu.memory_space<hbm>> -> memref<24x2x96xi32, #tpu.memory_space<hbm>>
      %dma_start3A_320 = arith.constant 0 : i32
      %dma_start3A_321 = arith.constant 0 : i32
      %dma_start3A_322 = arith.constant 0 : i32
      %dma_start3A_323 = tpu.memref_slice %arg6[%dma_start3A_320, %dma_start3A_321, %dma_start3A_322] : memref<42x2x96xi32, #tpu.memory_space<vmem>> -> memref<24x2x96xi32, #tpu.memory_space<vmem>>
      %dma_start3A_324 = arith.constant 84 : i32
      %dma_start3A_325 = arith.constant 0 : i32
      %dma_start3A_326 = arith.constant 0 : i32
      %dma_start3A_327 = tpu.memref_slice %arg3[%add3A, %dma_start3A_324, %dma_start3A_325, %dma_start3A_326] : memref<32x108x2x96xi32, #tpu.memory_space<hbm>> -> memref<1x24x2x96xi32, #tpu.memory_space<hbm>>
      %dma_start3A_328 = tpu.memref_squeeze %dma_start3A_327 : memref<1x24x2x96xi32, #tpu.memory_space<hbm>> -> memref<24x2x96xi32, #tpu.memory_space<hbm>>
      tpu.enqueue_dma source(%dma_start3A_328 : memref<24x2x96xi32, #tpu.memory_space<hbm>>) target(%dma_start3A_323 : memref<24x2x96xi32, #tpu.memory_space<vmem>>) target_semaphore(%run_scoped3A : memref<!tpu.dma_semaphore, #tpu.memory_space<semaphore_mem>>)
      %dma_wait3A_329 = arith.constant 0 : i32
      %dma_wait3A_330 = arith.constant 0 : i32
      %dma_wait3A_331 = arith.constant 0 : i32
      %dma_wait3A_332 = tpu.memref_slice %arg6[%dma_wait3A_329, %dma_wait3A_330, %dma_wait3A_331] : memref<42x2x96xi32, #tpu.memory_space<vmem>> -> memref<24x2x96xi32, #tpu.memory_space<vmem>>
      %dma_wait3A_333 = arith.constant 84 : i32
      %dma_wait3A_334 = arith.constant 0 : i32
      %dma_wait3A_335 = arith.constant 0 : i32
      %dma_wait3A_336 = tpu.memref_slice %arg3[%add3A, %dma_wait3A_333, %dma_wait3A_334, %dma_wait3A_335] : memref<32x108x2x96xi32, #tpu.memory_space<hbm>> -> memref<1x24x2x96xi32, #tpu.memory_space<hbm>>
      %dma_wait3A_337 = tpu.memref_squeeze %dma_wait3A_336 : memref<1x24x2x96xi32, #tpu.memory_space<hbm>> -> memref<24x2x96xi32, #tpu.memory_space<hbm>>
      %dma_wait3A_338 = arith.constant 0 : i32
      %dma_wait3A_339 = arith.constant 0 : i32
      %dma_wait3A_340 = arith.constant 0 : i32
      %dma_wait3A_341 = tpu.memref_slice %arg6[%dma_wait3A_338, %dma_wait3A_339, %dma_wait3A_340] : memref<42x2x96xi32, #tpu.memory_space<vmem>> -> memref<24x2x96xi32, #tpu.memory_space<vmem>>
      %dma_wait3A_342 = arith.constant 84 : i32
      %dma_wait3A_343 = arith.constant 0 : i32
      %dma_wait3A_344 = arith.constant 0 : i32
      %dma_wait3A_345 = tpu.memref_slice %arg3[%add3A, %dma_wait3A_342, %dma_wait3A_343, %dma_wait3A_344] : memref<32x108x2x96xi32, #tpu.memory_space<hbm>> -> memref<1x24x2x96xi32, #tpu.memory_space<hbm>>
      %dma_wait3A_346 = tpu.memref_squeeze %dma_wait3A_345 : memref<1x24x2x96xi32, #tpu.memory_space<hbm>> -> memref<24x2x96xi32, #tpu.memory_space<hbm>>
      tpu.wait_dma2 semaphore(%run_scoped3A : memref<!tpu.dma_semaphore, #tpu.memory_space<semaphore_mem>>) src(%dma_wait3A_346 : memref<24x2x96xi32, #tpu.memory_space<hbm>>) dst(%dma_wait3A_341 : memref<24x2x96xi32, #tpu.memory_space<vmem>>)
      tpu.yield
    }) : () -> ()
    %dma_start3A_204 = arith.constant 0 : i32
    %dma_start3A_205 = arith.constant 0 : i32
    %dma_start3A_206 = arith.constant 0 : i32
    %dma_start3A_207 = tpu.memref_slice %arg6[%dma_start3A_204, %dma_start3A_205, %dma_start3A_206] : memref<42x2x96xi32, #tpu.memory_space<vmem>> -> memref<1x1x96xi32, #tpu.memory_space<vmem>>
    %dma_start3A_208 = tpu.memref_squeeze %dma_start3A_207 : memref<1x1x96xi32, #tpu.memory_space<vmem>> -> memref<96xi32, #tpu.memory_space<vmem>>
    %dma_start3A_209 = arith.constant 0 : i32
    %dma_start3A_210 = arith.constant 0 : i32
    %dma_start3A_211 = tpu.memref_slice %arg2[%dma_start3A_209, %dma_start3A_210] : memref<10000x128xf32, #tpu.memory_space<hbm>> -> memref<10000x128xf32, #tpu.memory_space<hbm>>
    tpu.enqueue_indirect_dma source(%dma_start3A_211 : memref<10000x128xf32, #tpu.memory_space<hbm>>) target(%arg7 : memref<96x128xf32, #tpu.memory_space<vmem>>) offsets(%dma_start3A_208 : memref<96xi32, #tpu.memory_space<vmem>>) semaphore(%arg11 : memref<!tpu.dma_semaphore, #tpu.memory_space<semaphore_mem>>)
    %dma_start3A_212 = arith.constant 1 : i32
    %dma_start3A_213 = arith.constant 0 : i32
    %dma_start3A_214 = arith.constant 0 : i32
    %dma_start3A_215 = tpu.memref_slice %arg6[%dma_start3A_212, %dma_start3A_213, %dma_start3A_214] : memref<42x2x96xi32, #tpu.memory_space<vmem>> -> memref<1x1x96xi32, #tpu.memory_space<vmem>>
    %dma_start3A_216 = tpu.memref_squeeze %dma_start3A_215 : memref<1x1x96xi32, #tpu.memory_space<vmem>> -> memref<96xi32, #tpu.memory_space<vmem>>
    %dma_start3A_217 = arith.constant 0 : i32
    %dma_start3A_218 = arith.constant 0 : i32
    %dma_start3A_219 = tpu.memref_slice %arg2[%dma_start3A_217, %dma_start3A_218] : memref<10000x128xf32, #tpu.memory_space<hbm>> -> memref<10000x128xf32, #tpu.memory_space<hbm>>
    tpu.enqueue_indirect_dma source(%dma_start3A_219 : memref<10000x128xf32, #tpu.memory_space<hbm>>) target(%arg8 : memref<96x128xf32, #tpu.memory_space<vmem>>) offsets(%dma_start3A_216 : memref<96xi32, #tpu.memory_space<vmem>>) semaphore(%arg12 : memref<!tpu.dma_semaphore, #tpu.memory_space<semaphore_mem>>)
    %dma_wait3A_220 = arith.constant 0 : i32
    %dma_wait3A_221 = arith.constant 0 : i32
    %dma_wait3A_222 = arith.constant 0 : i32
    %dma_wait3A_223 = tpu.memref_slice %arg6[%dma_wait3A_220, %dma_wait3A_221, %dma_wait3A_222] : memref<42x2x96xi32, #tpu.memory_space<vmem>> -> memref<1x1x96xi32, #tpu.memory_space<vmem>>
    %dma_wait3A_224 = tpu.memref_squeeze %dma_wait3A_223 : memref<1x1x96xi32, #tpu.memory_space<vmem>> -> memref<96xi32, #tpu.memory_space<vmem>>
    %dma_wait3A_225 = arith.constant 0 : i32
    %dma_wait3A_226 = arith.constant 0 : i32
    %dma_wait3A_227 = tpu.memref_slice %arg2[%dma_wait3A_225, %dma_wait3A_226] : memref<10000x128xf32, #tpu.memory_space<hbm>> -> memref<10000x128xf32, #tpu.memory_space<hbm>>
    tpu.wait_indirect_dma semaphore(%arg11 : memref<!tpu.dma_semaphore, #tpu.memory_space<semaphore_mem>>) src(%dma_wait3A_227 : memref<10000x128xf32, #tpu.memory_space<hbm>>) dst(%arg7 : memref<96x128xf32, #tpu.memory_space<vmem>>)
    %dma_start3A_228 = arith.constant 2 : i32
    %dma_start3A_229 = arith.constant 0 : i32
    %dma_start3A_230 = arith.constant 0 : i32
    %dma_start3A_231 = tpu.memref_slice %arg6[%dma_start3A_228, %dma_start3A_229, %dma_start3A_230] : memref<42x2x96xi32, #tpu.memory_space<vmem>> -> memref<1x1x96xi32, #tpu.memory_space<vmem>>
    %dma_start3A_232 = tpu.memref_squeeze %dma_start3A_231 : memref<1x1x96xi32, #tpu.memory_space<vmem>> -> memref<96xi32, #tpu.memory_space<vmem>>
    %dma_start3A_233 = arith.constant 0 : i32
    %dma_start3A_234 = arith.constant 0 : i32
    %dma_start3A_235 = tpu.memref_slice %arg2[%dma_start3A_233, %dma_start3A_234] : memref<10000x128xf32, #tpu.memory_space<hbm>> -> memref<10000x128xf32, #tpu.memory_space<hbm>>
    tpu.enqueue_indirect_dma source(%dma_start3A_235 : memref<10000x128xf32, #tpu.memory_space<hbm>>) target(%arg9 : memref<96x128xf32, #tpu.memory_space<vmem>>) offsets(%dma_start3A_232 : memref<96xi32, #tpu.memory_space<vmem>>) semaphore(%arg13 : memref<!tpu.dma_semaphore, #tpu.memory_space<semaphore_mem>>)
    %dma_start3A_236 = arith.constant 0 : i32
    %dma_start3A_237 = arith.constant 1 : i32
    %dma_start3A_238 = arith.constant 0 : i32
    %dma_start3A_239 = tpu.memref_slice %arg6[%dma_start3A_236, %dma_start3A_237, %dma_start3A_238] : memref<42x2x96xi32, #tpu.memory_space<vmem>> -> memref<1x1x96xi32, #tpu.memory_space<vmem>>
    %dma_start3A_240 = tpu.memref_squeeze %dma_start3A_239 : memref<1x1x96xi32, #tpu.memory_space<vmem>> -> memref<96xi32, #tpu.memory_space<vmem>>
    %dma_start3A_241 = arith.constant 0 : i32
    %dma_start3A_242 = arith.constant 0 : i32
    %dma_start3A_243 = tpu.memref_slice %arg10[%dma_start3A_241, %dma_start3A_242] : memref<10112x128xf32, #tpu.memory_space<vmem_shared>> -> memref<10112x128xf32, #tpu.memory_space<vmem_shared>>
    tpu.enqueue_indirect_dma source(%arg7 : memref<96x128xf32, #tpu.memory_space<vmem>>) target(%dma_start3A_243 : memref<10112x128xf32, #tpu.memory_space<vmem_shared>>) offsets(%dma_start3A_240 : memref<96xi32, #tpu.memory_space<vmem>>) semaphore(%arg14 : memref<!tpu.dma_semaphore, #tpu.memory_space<semaphore_mem>>) {add = true}
    %scan3A_244 = arith.constant 0 : i32
    %scan3A_245 = arith.constant 0 : i32
    %scan3A_246 = arith.constant 7 : i32
    %scan3A_247 = arith.addi %scan3A_245, %scan3A_246 : i32
    %scan3A_248 = arith.constant 1 : i32
    scf.for %scan3A_311 = %scan3A_245 to %scan3A_247 step %scan3A_248  : i32 {
      %mul3A_312 = arith.constant 3 : i32
      %mul3A_313 = arith.muli %mul3A_312, %scan3A_311 : i32
      %add3A_314 = arith.constant 1 : i32
      %add3A_315 = arith.addi %mul3A_313, %add3A_314 : i32
      %dma_wait3A_316 = arith.constant 0 : i32
      %dma_wait3A_317 = arith.constant 0 : i32
      %dma_wait3A_318 = arith.constant 0 : i32
      %dma_wait3A_319 = tpu.memref_slice %arg6[%dma_wait3A_316, %dma_wait3A_317, %dma_wait3A_318] : memref<42x2x96xi32, #tpu.memory_space<vmem>> -> memref<1x1x96xi32, #tpu.memory_space<vmem>>
      %dma_wait3A_320 = tpu.memref_squeeze %dma_wait3A_319 : memref<1x1x96xi32, #tpu.memory_space<vmem>> -> memref<96xi32, #tpu.memory_space<vmem>>
      %dma_wait3A_321 = arith.constant 0 : i32
      %dma_wait3A_322 = arith.constant 0 : i32
      %dma_wait3A_323 = tpu.memref_slice %arg2[%dma_wait3A_321, %dma_wait3A_322] : memref<10000x128xf32, #tpu.memory_space<hbm>> -> memref<10000x128xf32, #tpu.memory_space<hbm>>
      tpu.wait_indirect_dma semaphore(%arg12 : memref<!tpu.dma_semaphore, #tpu.memory_space<semaphore_mem>>) src(%dma_wait3A_323 : memref<10000x128xf32, #tpu.memory_space<hbm>>) dst(%arg8 : memref<96x128xf32, #tpu.memory_space<vmem>>)
      %dma_wait3A_324 = arith.constant 0 : i32
      %dma_wait3A_325 = arith.constant 1 : i32
      %dma_wait3A_326 = arith.constant 0 : i32
      %dma_wait3A_327 = tpu.memref_slice %arg6[%dma_wait3A_324, %dma_wait3A_325, %dma_wait3A_326] : memref<42x2x96xi32, #tpu.memory_space<vmem>> -> memref<1x1x96xi32, #tpu.memory_space<vmem>>
      %dma_wait3A_328 = tpu.memref_squeeze %dma_wait3A_327 : memref<1x1x96xi32, #tpu.memory_space<vmem>> -> memref<96xi32, #tpu.memory_space<vmem>>
      %dma_wait3A_329 = arith.constant 0 : i32
      %dma_wait3A_330 = arith.constant 0 : i32
      %dma_wait3A_331 = tpu.memref_slice %arg10[%dma_wait3A_329, %dma_wait3A_330] : memref<10112x128xf32, #tpu.memory_space<vmem_shared>> -> memref<10112x128xf32, #tpu.memory_space<vmem_shared>>
      tpu.wait_indirect_dma semaphore(%arg14 : memref<!tpu.dma_semaphore, #tpu.memory_space<semaphore_mem>>) src(%arg7 : memref<96x128xf32, #tpu.memory_space<vmem>>) dst(%dma_wait3A_331 : memref<10112x128xf32, #tpu.memory_space<vmem_shared>>)
      %add3A_332 = arith.constant 2 : i32
      %add3A_333 = arith.addi %add3A_315, %add3A_332 : i32
      %dma_start3A_334 = arith.constant 0 : i32
      %dma_start3A_335 = arith.constant 0 : i32
      %dma_start3A_336 = tpu.memref_slice %arg6[%add3A_333, %dma_start3A_334, %dma_start3A_335] : memref<42x2x96xi32, #tpu.memory_space<vmem>> -> memref<1x1x96xi32, #tpu.memory_space<vmem>>
      %dma_start3A_337 = tpu.memref_squeeze %dma_start3A_336 : memref<1x1x96xi32, #tpu.memory_space<vmem>> -> memref<96xi32, #tpu.memory_space<vmem>>
      %dma_start3A_338 = arith.constant 0 : i32
      %dma_start3A_339 = arith.constant 0 : i32
      %dma_start3A_340 = tpu.memref_slice %arg2[%dma_start3A_338, %dma_start3A_339] : memref<10000x128xf32, #tpu.memory_space<hbm>> -> memref<10000x128xf32, #tpu.memory_space<hbm>>
      tpu.enqueue_indirect_dma source(%dma_start3A_340 : memref<10000x128xf32, #tpu.memory_space<hbm>>) target(%arg7 : memref<96x128xf32, #tpu.memory_space<vmem>>) offsets(%dma_start3A_337 : memref<96xi32, #tpu.memory_space<vmem>>) semaphore(%arg11 : memref<!tpu.dma_semaphore, #tpu.memory_space<semaphore_mem>>)
      %dma_start3A_341 = arith.constant 1 : i32
      %dma_start3A_342 = arith.constant 0 : i32
      %dma_start3A_343 = tpu.memref_slice %arg6[%add3A_315, %dma_start3A_341, %dma_start3A_342] : memref<42x2x96xi32, #tpu.memory_space<vmem>> -> memref<1x1x96xi32, #tpu.memory_space<vmem>>
      %dma_start3A_344 = tpu.memref_squeeze %dma_start3A_343 : memref<1x1x96xi32, #tpu.memory_space<vmem>> -> memref<96xi32, #tpu.memory_space<vmem>>
      %dma_start3A_345 = arith.constant 0 : i32
      %dma_start3A_346 = arith.constant 0 : i32
      %dma_start3A_347 = tpu.memref_slice %arg10[%dma_start3A_345, %dma_start3A_346] : memref<10112x128xf32, #tpu.memory_space<vmem_shared>> -> memref<10112x128xf32, #tpu.memory_space<vmem_shared>>
      tpu.enqueue_indirect_dma source(%arg8 : memref<96x128xf32, #tpu.memory_space<vmem>>) target(%dma_start3A_347 : memref<10112x128xf32, #tpu.memory_space<vmem_shared>>) offsets(%dma_start3A_344 : memref<96xi32, #tpu.memory_space<vmem>>) semaphore(%arg15 : memref<!tpu.dma_semaphore, #tpu.memory_space<semaphore_mem>>) {add = true}
      %dma_wait3A_348 = arith.constant 0 : i32
      %dma_wait3A_349 = arith.constant 0 : i32
      %dma_wait3A_350 = arith.constant 0 : i32
      %dma_wait3A_351 = tpu.memref_slice %arg6[%dma_wait3A_348, %dma_wait3A_349, %dma_wait3A_350] : memref<42x2x96xi32, #tpu.memory_space<vmem>> -> memref<1x1x96xi32, #tpu.memory_space<vmem>>
      %dma_wait3A_352 = tpu.memref_squeeze %dma_wait3A_351 : memref<1x1x96xi32, #tpu.memory_space<vmem>> -> memref<96xi32, #tpu.memory_space<vmem>>
      %dma_wait3A_353 = arith.constant 0 : i32
      %dma_wait3A_354 = arith.constant 0 : i32
      %dma_wait3A_355 = tpu.memref_slice %arg2[%dma_wait3A_353, %dma_wait3A_354] : memref<10000x128xf32, #tpu.memory_space<hbm>> -> memref<10000x128xf32, #tpu.memory_space<hbm>>
      tpu.wait_indirect_dma semaphore(%arg13 : memref<!tpu.dma_semaphore, #tpu.memory_space<semaphore_mem>>) src(%dma_wait3A_355 : memref<10000x128xf32, #tpu.memory_space<hbm>>) dst(%arg9 : memref<96x128xf32, #tpu.memory_space<vmem>>)
      %dma_wait3A_356 = arith.constant 0 : i32
      %dma_wait3A_357 = arith.constant 1 : i32
      %dma_wait3A_358 = arith.constant 0 : i32
      %dma_wait3A_359 = tpu.memref_slice %arg6[%dma_wait3A_356, %dma_wait3A_357, %dma_wait3A_358] : memref<42x2x96xi32, #tpu.memory_space<vmem>> -> memref<1x1x96xi32, #tpu.memory_space<vmem>>
      %dma_wait3A_360 = tpu.memref_squeeze %dma_wait3A_359 : memref<1x1x96xi32, #tpu.memory_space<vmem>> -> memref<96xi32, #tpu.memory_space<vmem>>
      %dma_wait3A_361 = arith.constant 0 : i32
      %dma_wait3A_362 = arith.constant 0 : i32
      %dma_wait3A_363 = tpu.memref_slice %arg10[%dma_wait3A_361, %dma_wait3A_362] : memref<10112x128xf32, #tpu.memory_space<vmem_shared>> -> memref<10112x128xf32, #tpu.memory_space<vmem_shared>>
      tpu.wait_indirect_dma semaphore(%arg15 : memref<!tpu.dma_semaphore, #tpu.memory_space<semaphore_mem>>) src(%arg8 : memref<96x128xf32, #tpu.memory_space<vmem>>) dst(%dma_wait3A_363 : memref<10112x128xf32, #tpu.memory_space<vmem_shared>>)
      %add3A_364 = arith.constant 3 : i32
      %add3A_365 = arith.addi %add3A_315, %add3A_364 : i32
      %dma_start3A_366 = arith.constant 0 : i32
      %dma_start3A_367 = arith.constant 0 : i32
      %dma_start3A_368 = tpu.memref_slice %arg6[%add3A_365, %dma_start3A_366, %dma_start3A_367] : memref<42x2x96xi32, #tpu.memory_space<vmem>> -> memref<1x1x96xi32, #tpu.memory_space<vmem>>
      %dma_start3A_369 = tpu.memref_squeeze %dma_start3A_368 : memref<1x1x96xi32, #tpu.memory_space<vmem>> -> memref<96xi32, #tpu.memory_space<vmem>>
      %dma_start3A_370 = arith.constant 0 : i32
      %dma_start3A_371 = arith.constant 0 : i32
      %dma_start3A_372 = tpu.memref_slice %arg2[%dma_start3A_370, %dma_start3A_371] : memref<10000x128xf32, #tpu.memory_space<hbm>> -> memref<10000x128xf32, #tpu.memory_space<hbm>>
      tpu.enqueue_indirect_dma source(%dma_start3A_372 : memref<10000x128xf32, #tpu.memory_space<hbm>>) target(%arg8 : memref<96x128xf32, #tpu.memory_space<vmem>>) offsets(%dma_start3A_369 : memref<96xi32, #tpu.memory_space<vmem>>) semaphore(%arg12 : memref<!tpu.dma_semaphore, #tpu.memory_space<semaphore_mem>>)
      %add3A_373 = arith.constant 1 : i32
      %add3A_374 = arith.addi %add3A_315, %add3A_373 : i32
      %dma_start3A_375 = arith.constant 1 : i32
      %dma_start3A_376 = arith.constant 0 : i32
      %dma_start3A_377 = tpu.memref_slice %arg6[%add3A_374, %dma_start3A_375, %dma_start3A_376] : memref<42x2x96xi32, #tpu.memory_space<vmem>> -> memref<1x1x96xi32, #tpu.memory_space<vmem>>
      %dma_start3A_378 = tpu.memref_squeeze %dma_start3A_377 : memref<1x1x96xi32, #tpu.memory_space<vmem>> -> memref<96xi32, #tpu.memory_space<vmem>>
      %dma_start3A_379 = arith.constant 0 : i32
      %dma_start3A_380 = arith.constant 0 : i32
      %dma_start3A_381 = tpu.memref_slice %arg10[%dma_start3A_379, %dma_start3A_380] : memref<10112x128xf32, #tpu.memory_space<vmem_shared>> -> memref<10112x128xf32, #tpu.memory_space<vmem_shared>>
      tpu.enqueue_indirect_dma source(%arg9 : memref<96x128xf32, #tpu.memory_space<vmem>>) target(%dma_start3A_381 : memref<10112x128xf32, #tpu.memory_space<vmem_shared>>) offsets(%dma_start3A_378 : memref<96xi32, #tpu.memory_space<vmem>>) semaphore(%arg16 : memref<!tpu.dma_semaphore, #tpu.memory_space<semaphore_mem>>) {add = true}
      %dma_wait3A_382 = arith.constant 0 : i32
      %dma_wait3A_383 = arith.constant 0 : i32
      %dma_wait3A_384 = arith.constant 0 : i32
      %dma_wait3A_385 = tpu.memref_slice %arg6[%dma_wait3A_382, %dma_wait3A_383, %dma_wait3A_384] : memref<42x2x96xi32, #tpu.memory_space<vmem>> -> memref<1x1x96xi32, #tpu.memory_space<vmem>>
      %dma_wait3A_386 = tpu.memref_squeeze %dma_wait3A_385 : memref<1x1x96xi32, #tpu.memory_space<vmem>> -> memref<96xi32, #tpu.memory_space<vmem>>
      %dma_wait3A_387 = arith.constant 0 : i32
      %dma_wait3A_388 = arith.constant 0 : i32
      %dma_wait3A_389 = tpu.memref_slice %arg2[%dma_wait3A_387, %dma_wait3A_388] : memref<10000x128xf32, #tpu.memory_space<hbm>> -> memref<10000x128xf32, #tpu.memory_space<hbm>>
      tpu.wait_indirect_dma semaphore(%arg11 : memref<!tpu.dma_semaphore, #tpu.memory_space<semaphore_mem>>) src(%dma_wait3A_389 : memref<10000x128xf32, #tpu.memory_space<hbm>>) dst(%arg7 : memref<96x128xf32, #tpu.memory_space<vmem>>)
      %dma_wait3A_390 = arith.constant 0 : i32
      %dma_wait3A_391 = arith.constant 1 : i32
      %dma_wait3A_392 = arith.constant 0 : i32
      %dma_wait3A_393 = tpu.memref_slice %arg6[%dma_wait3A_390, %dma_wait3A_391, %dma_wait3A_392] : memref<42x2x96xi32, #tpu.memory_space<vmem>> -> memref<1x1x96xi32, #tpu.memory_space<vmem>>
      %dma_wait3A_394 = tpu.memref_squeeze %dma_wait3A_393 : memref<1x1x96xi32, #tpu.memory_space<vmem>> -> memref<96xi32, #tpu.memory_space<vmem>>
      %dma_wait3A_395 = arith.constant 0 : i32
      %dma_wait3A_396 = arith.constant 0 : i32
      %dma_wait3A_397 = tpu.memref_slice %arg10[%dma_wait3A_395, %dma_wait3A_396] : memref<10112x128xf32, #tpu.memory_space<vmem_shared>> -> memref<10112x128xf32, #tpu.memory_space<vmem_shared>>
      tpu.wait_indirect_dma semaphore(%arg16 : memref<!tpu.dma_semaphore, #tpu.memory_space<semaphore_mem>>) src(%arg9 : memref<96x128xf32, #tpu.memory_space<vmem>>) dst(%dma_wait3A_397 : memref<10112x128xf32, #tpu.memory_space<vmem_shared>>)
      %add3A_398 = arith.constant 4 : i32
      %add3A_399 = arith.addi %add3A_315, %add3A_398 : i32
      %dma_start3A_400 = arith.constant 0 : i32
      %dma_start3A_401 = arith.constant 0 : i32
      %dma_start3A_402 = tpu.memref_slice %arg6[%add3A_399, %dma_start3A_400, %dma_start3A_401] : memref<42x2x96xi32, #tpu.memory_space<vmem>> -> memref<1x1x96xi32, #tpu.memory_space<vmem>>
      %dma_start3A_403 = tpu.memref_squeeze %dma_start3A_402 : memref<1x1x96xi32, #tpu.memory_space<vmem>> -> memref<96xi32, #tpu.memory_space<vmem>>
      %dma_start3A_404 = arith.constant 0 : i32
      %dma_start3A_405 = arith.constant 0 : i32
      %dma_start3A_406 = tpu.memref_slice %arg2[%dma_start3A_404, %dma_start3A_405] : memref<10000x128xf32, #tpu.memory_space<hbm>> -> memref<10000x128xf32, #tpu.memory_space<hbm>>
      tpu.enqueue_indirect_dma source(%dma_start3A_406 : memref<10000x128xf32, #tpu.memory_space<hbm>>) target(%arg9 : memref<96x128xf32, #tpu.memory_space<vmem>>) offsets(%dma_start3A_403 : memref<96xi32, #tpu.memory_space<vmem>>) semaphore(%arg13 : memref<!tpu.dma_semaphore, #tpu.memory_space<semaphore_mem>>)
      %add3A_407 = arith.constant 2 : i32
      %add3A_408 = arith.addi %add3A_315, %add3A_407 : i32
      %dma_start3A_409 = arith.constant 1 : i32
      %dma_start3A_410 = arith.constant 0 : i32
      %dma_start3A_411 = tpu.memref_slice %arg6[%add3A_408, %dma_start3A_409, %dma_start3A_410] : memref<42x2x96xi32, #tpu.memory_space<vmem>> -> memref<1x1x96xi32, #tpu.memory_space<vmem>>
      %dma_start3A_412 = tpu.memref_squeeze %dma_start3A_411 : memref<1x1x96xi32, #tpu.memory_space<vmem>> -> memref<96xi32, #tpu.memory_space<vmem>>
      %dma_start3A_413 = arith.constant 0 : i32
      %dma_start3A_414 = arith.constant 0 : i32
      %dma_start3A_415 = tpu.memref_slice %arg10[%dma_start3A_413, %dma_start3A_414] : memref<10112x128xf32, #tpu.memory_space<vmem_shared>> -> memref<10112x128xf32, #tpu.memory_space<vmem_shared>>
      tpu.enqueue_indirect_dma source(%arg7 : memref<96x128xf32, #tpu.memory_space<vmem>>) target(%dma_start3A_415 : memref<10112x128xf32, #tpu.memory_space<vmem_shared>>) offsets(%dma_start3A_412 : memref<96xi32, #tpu.memory_space<vmem>>) semaphore(%arg14 : memref<!tpu.dma_semaphore, #tpu.memory_space<semaphore_mem>>) {add = true}
    }
    %scan3A_249 = arith.constant 7 : i32
    %dma_wait3A_250 = arith.constant 0 : i32
    %dma_wait3A_251 = arith.constant 0 : i32
    %dma_wait3A_252 = arith.constant 0 : i32
    %dma_wait3A_253 = tpu.memref_slice %arg6[%dma_wait3A_250, %dma_wait3A_251, %dma_wait3A_252] : memref<42x2x96xi32, #tpu.memory_space<vmem>> -> memref<1x1x96xi32, #tpu.memory_space<vmem>>
    %dma_wait3A_254 = tpu.memref_squeeze %dma_wait3A_253 : memref<1x1x96xi32, #tpu.memory_space<vmem>> -> memref<96xi32, #tpu.memory_space<vmem>>
    %dma_wait3A_255 = arith.constant 0 : i32
    %dma_wait3A_256 = arith.constant 0 : i32
    %dma_wait3A_257 = tpu.memref_slice %arg2[%dma_wait3A_255, %dma_wait3A_256] : memref<10000x128xf32, #tpu.memory_space<hbm>> -> memref<10000x128xf32, #tpu.memory_space<hbm>>
    tpu.wait_indirect_dma semaphore(%arg12 : memref<!tpu.dma_semaphore, #tpu.memory_space<semaphore_mem>>) src(%dma_wait3A_257 : memref<10000x128xf32, #tpu.memory_space<hbm>>) dst(%arg8 : memref<96x128xf32, #tpu.memory_space<vmem>>)
    %dma_wait3A_258 = arith.constant 0 : i32
    %dma_wait3A_259 = arith.constant 1 : i32
    %dma_wait3A_260 = arith.constant 0 : i32
    %dma_wait3A_261 = tpu.memref_slice %arg6[%dma_wait3A_258, %dma_wait3A_259, %dma_wait3A_260] : memref<42x2x96xi32, #tpu.memory_space<vmem>> -> memref<1x1x96xi32, #tpu.memory_space<vmem>>
    %dma_wait3A_262 = tpu.memref_squeeze %dma_wait3A_261 : memref<1x1x96xi32, #tpu.memory_space<vmem>> -> memref<96xi32, #tpu.memory_space<vmem>>
    %dma_wait3A_263 = arith.constant 0 : i32
    %dma_wait3A_264 = arith.constant 0 : i32
    %dma_wait3A_265 = tpu.memref_slice %arg10[%dma_wait3A_263, %dma_wait3A_264] : memref<10112x128xf32, #tpu.memory_space<vmem_shared>> -> memref<10112x128xf32, #tpu.memory_space<vmem_shared>>
    tpu.wait_indirect_dma semaphore(%arg14 : memref<!tpu.dma_semaphore, #tpu.memory_space<semaphore_mem>>) src(%arg7 : memref<96x128xf32, #tpu.memory_space<vmem>>) dst(%dma_wait3A_265 : memref<10112x128xf32, #tpu.memory_space<vmem_shared>>)
    %dma_start3A_266 = arith.constant 22 : i32
    %dma_start3A_267 = arith.constant 1 : i32
    %dma_start3A_268 = arith.constant 0 : i32
    %dma_start3A_269 = tpu.memref_slice %arg6[%dma_start3A_266, %dma_start3A_267, %dma_start3A_268] : memref<42x2x96xi32, #tpu.memory_space<vmem>> -> memref<1x1x96xi32, #tpu.memory_space<vmem>>
    %dma_start3A_270 = tpu.memref_squeeze %dma_start3A_269 : memref<1x1x96xi32, #tpu.memory_space<vmem>> -> memref<96xi32, #tpu.memory_space<vmem>>
    %dma_start3A_271 = arith.constant 0 : i32
    %dma_start3A_272 = arith.constant 0 : i32
    %dma_start3A_273 = tpu.memref_slice %arg10[%dma_start3A_271, %dma_start3A_272] : memref<10112x128xf32, #tpu.memory_space<vmem_shared>> -> memref<10112x128xf32, #tpu.memory_space<vmem_shared>>
    tpu.enqueue_indirect_dma source(%arg8 : memref<96x128xf32, #tpu.memory_space<vmem>>) target(%dma_start3A_273 : memref<10112x128xf32, #tpu.memory_space<vmem_shared>>) offsets(%dma_start3A_270 : memref<96xi32, #tpu.memory_space<vmem>>) semaphore(%arg15 : memref<!tpu.dma_semaphore, #tpu.memory_space<semaphore_mem>>) {add = true}
    %dma_wait3A_274 = arith.constant 0 : i32
    %dma_wait3A_275 = arith.constant 0 : i32
    %dma_wait3A_276 = arith.constant 0 : i32
    %dma_wait3A_277 = tpu.memref_slice %arg6[%dma_wait3A_274, %dma_wait3A_275, %dma_wait3A_276] : memref<42x2x96xi32, #tpu.memory_space<vmem>> -> memref<1x1x96xi32, #tpu.memory_space<vmem>>
    %dma_wait3A_278 = tpu.memref_squeeze %dma_wait3A_277 : memref<1x1x96xi32, #tpu.memory_space<vmem>> -> memref<96xi32, #tpu.memory_space<vmem>>
    %dma_wait3A_279 = arith.constant 0 : i32
    %dma_wait3A_280 = arith.constant 0 : i32
    %dma_wait3A_281 = tpu.memref_slice %arg2[%dma_wait3A_279, %dma_wait3A_280] : memref<10000x128xf32, #tpu.memory_space<hbm>> -> memref<10000x128xf32, #tpu.memory_space<hbm>>
    tpu.wait_indirect_dma semaphore(%arg13 : memref<!tpu.dma_semaphore, #tpu.memory_space<semaphore_mem>>) src(%dma_wait3A_281 : memref<10000x128xf32, #tpu.memory_space<hbm>>) dst(%arg9 : memref<96x128xf32, #tpu.memory_space<vmem>>)
    %dma_wait3A_282 = arith.constant 0 : i32
    %dma_wait3A_283 = arith.constant 1 : i32
    %dma_wait3A_284 = arith.constant 0 : i32
    %dma_wait3A_285 = tpu.memref_slice %arg6[%dma_wait3A_282, %dma_wait3A_283, %dma_wait3A_284] : memref<42x2x96xi32, #tpu.memory_space<vmem>> -> memref<1x1x96xi32, #tpu.memory_space<vmem>>
    %dma_wait3A_286 = tpu.memref_squeeze %dma_wait3A_285 : memref<1x1x96xi32, #tpu.memory_space<vmem>> -> memref<96xi32, #tpu.memory_space<vmem>>
    %dma_wait3A_287 = arith.constant 0 : i32
    %dma_wait3A_288 = arith.constant 0 : i32
    %dma_wait3A_289 = tpu.memref_slice %arg10[%dma_wait3A_287, %dma_wait3A_288] : memref<10112x128xf32, #tpu.memory_space<vmem_shared>> -> memref<10112x128xf32, #tpu.memory_space<vmem_shared>>
    tpu.wait_indirect_dma semaphore(%arg15 : memref<!tpu.dma_semaphore, #tpu.memory_space<semaphore_mem>>) src(%arg8 : memref<96x128xf32, #tpu.memory_space<vmem>>) dst(%dma_wait3A_289 : memref<10112x128xf32, #tpu.memory_space<vmem_shared>>)
    %dma_start3A_290 = arith.constant 23 : i32
    %dma_start3A_291 = arith.constant 1 : i32
    %dma_start3A_292 = arith.constant 0 : i32
    %dma_start3A_293 = tpu.memref_slice %arg6[%dma_start3A_290, %dma_start3A_291, %dma_start3A_292] : memref<42x2x96xi32, #tpu.memory_space<vmem>> -> memref<1x1x96xi32, #tpu.memory_space<vmem>>
    %dma_start3A_294 = tpu.memref_squeeze %dma_start3A_293 : memref<1x1x96xi32, #tpu.memory_space<vmem>> -> memref<96xi32, #tpu.memory_space<vmem>>
    %dma_start3A_295 = arith.constant 0 : i32
    %dma_start3A_296 = arith.constant 0 : i32
    %dma_start3A_297 = tpu.memref_slice %arg10[%dma_start3A_295, %dma_start3A_296] : memref<10112x128xf32, #tpu.memory_space<vmem_shared>> -> memref<10112x128xf32, #tpu.memory_space<vmem_shared>>
    tpu.enqueue_indirect_dma source(%arg9 : memref<96x128xf32, #tpu.memory_space<vmem>>) target(%dma_start3A_297 : memref<10112x128xf32, #tpu.memory_space<vmem_shared>>) offsets(%dma_start3A_294 : memref<96xi32, #tpu.memory_space<vmem>>) semaphore(%arg16 : memref<!tpu.dma_semaphore, #tpu.memory_space<semaphore_mem>>) {add = true}
    %dma_wait3A_298 = arith.constant 0 : i32
    %dma_wait3A_299 = arith.constant 1 : i32
    %dma_wait3A_300 = arith.constant 0 : i32
    %dma_wait3A_301 = tpu.memref_slice %arg6[%dma_wait3A_298, %dma_wait3A_299, %dma_wait3A_300] : memref<42x2x96xi32, #tpu.memory_space<vmem>> -> memref<1x1x96xi32, #tpu.memory_space<vmem>>
    %dma_wait3A_302 = tpu.memref_squeeze %dma_wait3A_301 : memref<1x1x96xi32, #tpu.memory_space<vmem>> -> memref<96xi32, #tpu.memory_space<vmem>>
    %dma_wait3A_303 = arith.constant 0 : i32
    %dma_wait3A_304 = arith.constant 0 : i32
    %dma_wait3A_305 = tpu.memref_slice %arg10[%dma_wait3A_303, %dma_wait3A_304] : memref<10112x128xf32, #tpu.memory_space<vmem_shared>> -> memref<10112x128xf32, #tpu.memory_space<vmem_shared>>
    tpu.wait_indirect_dma semaphore(%arg16 : memref<!tpu.dma_semaphore, #tpu.memory_space<semaphore_mem>>) src(%arg9 : memref<96x128xf32, #tpu.memory_space<vmem>>) dst(%dma_wait3A_305 : memref<10112x128xf32, #tpu.memory_space<vmem_shared>>)
    %barrier3A_306 = arith.constant 0 : index
    tpu.barrier barrier_id(%barrier3A_306)
    %mul3A_307 = arith.constant 632 : i32
    %mul3A_308 = arith.muli %arg1, %mul3A_307 : i32
    %mul3A_309 = arith.constant 632 : i32
    %mul3A_310 = arith.muli %arg1, %mul3A_309 : i32
    "tpu.region"() ({
      %run_scoped3A = tpu.sem_alloc : memref<!tpu.dma_semaphore, #tpu.memory_space<semaphore_mem>>
      %dma_start3A_311 = arith.constant 0 : i32
      %dma_start3A_312 = tpu.memref_slice %arg5[%arg0, %mul3A_310, %dma_start3A_311] : memref<2x10112x128xf32, #tpu.memory_space<hbm>> -> memref<1x632x128xf32, #tpu.memory_space<hbm>>
      %dma_start3A_313 = tpu.memref_squeeze %dma_start3A_312 : memref<1x632x128xf32, #tpu.memory_space<hbm>> -> memref<632x128xf32, #tpu.memory_space<hbm>>
      %dma_start3A_314 = arith.constant 0 : i32
      %dma_start3A_315 = tpu.memref_slice %arg10[%mul3A_308, %dma_start3A_314] : memref<10112x128xf32, #tpu.memory_space<vmem_shared>> -> memref<632x128xf32, #tpu.memory_space<vmem_shared>>
      tpu.enqueue_dma source(%dma_start3A_315 : memref<632x128xf32, #tpu.memory_space<vmem_shared>>) target(%dma_start3A_313 : memref<632x128xf32, #tpu.memory_space<hbm>>) target_semaphore(%run_scoped3A : memref<!tpu.dma_semaphore, #tpu.memory_space<semaphore_mem>>)
      %dma_wait3A_316 = arith.constant 0 : i32
      %dma_wait3A_317 = tpu.memref_slice %arg5[%arg0, %mul3A_310, %dma_wait3A_316] : memref<2x10112x128xf32, #tpu.memory_space<hbm>> -> memref<1x632x128xf32, #tpu.memory_space<hbm>>
      %dma_wait3A_318 = tpu.memref_squeeze %dma_wait3A_317 : memref<1x632x128xf32, #tpu.memory_space<hbm>> -> memref<632x128xf32, #tpu.memory_space<hbm>>
      %dma_wait3A_319 = arith.constant 0 : i32
      %dma_wait3A_320 = tpu.memref_slice %arg10[%mul3A_308, %dma_wait3A_319] : memref<10112x128xf32, #tpu.memory_space<vmem_shared>> -> memref<632x128xf32, #tpu.memory_space<vmem_shared>>
      tpu.wait_dma2 semaphore(%run_scoped3A : memref<!tpu.dma_semaphore, #tpu.memory_space<semaphore_mem>>) src(%dma_wait3A_320 : memref<632x128xf32, #tpu.memory_space<vmem_shared>>) dst(%dma_wait3A_318 : memref<632x128xf32, #tpu.memory_space<hbm>>)
      tpu.yield
    }) : () -> ()
    return
  }
}

#map = affine_map<(d0, d1) -> (0, 0, 0, 0)>
#map1 = affine_map<(d0, d1) -> (0)>
module attributes {stable_mosaic.version = 14 : i64} {
  func.func @deg_kernel(%arg0: i32, %arg1: i32, %arg2: memref<32x108x2x96xi32, #tpu.memory_space<hbm>>, %arg3: memref<640xf32, #tpu.memory_space<hbm>>, %arg4: memref<20480xf32, #tpu.memory_space<hbm>>, %arg5: memref<108x2x96xi32, #tpu.memory_space<vmem>>, %arg6: memref<96xf32, #tpu.memory_space<vmem>>, %arg7: memref<10240xf32, #tpu.memory_space<vmem_shared>>) attributes {dimension_semantics = [#tpu.dimension_semantics<core_parallel>, #tpu.dimension_semantics<subcore_parallel>], iteration_bounds = array<i64: 2, 16>, scalar_prefetch = 0 : i64, scratch_operands = 3 : i64, tpu.core_type = #tpu.core_type<sc_vector_subcore>, window_params = [{transform_indices = #map}, {transform_indices = #map1}, {transform_indices = #map1}]} {
    %mul3A = arith.constant 2 : i32
    %mul3A_0 = arith.muli %arg1, %mul3A : i32
    %add3A = arith.addi %mul3A_0, %arg0 : i32
    %broadcast_in_dim3A = arith.constant 1.000000e+00 : f32
    %broadcast_in_dim3A_1 = vector.broadcast %broadcast_in_dim3A : f32 to vector<16xf32>
    %swap3A = arith.constant 0 : index
    %swap3A_2 = tpu.vector_load %arg6[%swap3A] {strides = array<i32>} : memref<96xf32, #tpu.memory_space<vmem>>, vector<16xf32>,
    %swap3A_3 = vector.shape_cast %swap3A_2 : vector<16xf32> to vector<16xf32>
    %swap3A_4 = vector.shape_cast %broadcast_in_dim3A_1 : vector<16xf32> to vector<16xf32>
    tpu.vector_store %arg6[%swap3A], %swap3A_4 {strides = array<i32>} : memref<96xf32, #tpu.memory_space<vmem>>, vector<16xf32>,
    %broadcast_in_dim3A_5 = arith.constant 1.000000e+00 : f32
    %broadcast_in_dim3A_6 = vector.broadcast %broadcast_in_dim3A_5 : f32 to vector<16xf32>
    %swap3A_7 = arith.constant 16 : index
    %swap3A_8 = tpu.vector_load %arg6[%swap3A_7] {strides = array<i32>} : memref<96xf32, #tpu.memory_space<vmem>>, vector<16xf32>,
    %swap3A_9 = vector.shape_cast %swap3A_8 : vector<16xf32> to vector<16xf32>
    %swap3A_10 = vector.shape_cast %broadcast_in_dim3A_6 : vector<16xf32> to vector<16xf32>
    tpu.vector_store %arg6[%swap3A_7], %swap3A_10 {strides = array<i32>} : memref<96xf32, #tpu.memory_space<vmem>>, vector<16xf32>,
    %broadcast_in_dim3A_11 = arith.constant 1.000000e+00 : f32
    %broadcast_in_dim3A_12 = vector.broadcast %broadcast_in_dim3A_11 : f32 to vector<16xf32>
    %swap3A_13 = arith.constant 32 : index
    %swap3A_14 = tpu.vector_load %arg6[%swap3A_13] {strides = array<i32>} : memref<96xf32, #tpu.memory_space<vmem>>, vector<16xf32>,
    %swap3A_15 = vector.shape_cast %swap3A_14 : vector<16xf32> to vector<16xf32>
    %swap3A_16 = vector.shape_cast %broadcast_in_dim3A_12 : vector<16xf32> to vector<16xf32>
    tpu.vector_store %arg6[%swap3A_13], %swap3A_16 {strides = array<i32>} : memref<96xf32, #tpu.memory_space<vmem>>, vector<16xf32>,
    %broadcast_in_dim3A_17 = arith.constant 1.000000e+00 : f32
    %broadcast_in_dim3A_18 = vector.broadcast %broadcast_in_dim3A_17 : f32 to vector<16xf32>
    %swap3A_19 = arith.constant 48 : index
    %swap3A_20 = tpu.vector_load %arg6[%swap3A_19] {strides = array<i32>} : memref<96xf32, #tpu.memory_space<vmem>>, vector<16xf32>,
    %swap3A_21 = vector.shape_cast %swap3A_20 : vector<16xf32> to vector<16xf32>
    %swap3A_22 = vector.shape_cast %broadcast_in_dim3A_18 : vector<16xf32> to vector<16xf32>
    tpu.vector_store %arg6[%swap3A_19], %swap3A_22 {strides = array<i32>} : memref<96xf32, #tpu.memory_space<vmem>>, vector<16xf32>,
    %broadcast_in_dim3A_23 = arith.constant 1.000000e+00 : f32
    %broadcast_in_dim3A_24 = vector.broadcast %broadcast_in_dim3A_23 : f32 to vector<16xf32>
    %swap3A_25 = arith.constant 64 : index
    %swap3A_26 = tpu.vector_load %arg6[%swap3A_25] {strides = array<i32>} : memref<96xf32, #tpu.memory_space<vmem>>, vector<16xf32>,
    %swap3A_27 = vector.shape_cast %swap3A_26 : vector<16xf32> to vector<16xf32>
    %swap3A_28 = vector.shape_cast %broadcast_in_dim3A_24 : vector<16xf32> to vector<16xf32>
    tpu.vector_store %arg6[%swap3A_25], %swap3A_28 {strides = array<i32>} : memref<96xf32, #tpu.memory_space<vmem>>, vector<16xf32>,
    %broadcast_in_dim3A_29 = arith.constant 1.000000e+00 : f32
    %broadcast_in_dim3A_30 = vector.broadcast %broadcast_in_dim3A_29 : f32 to vector<16xf32>
    %swap3A_31 = arith.constant 80 : index
    %swap3A_32 = tpu.vector_load %arg6[%swap3A_31] {strides = array<i32>} : memref<96xf32, #tpu.memory_space<vmem>>, vector<16xf32>,
    %swap3A_33 = vector.shape_cast %swap3A_32 : vector<16xf32> to vector<16xf32>
    %swap3A_34 = vector.shape_cast %broadcast_in_dim3A_30 : vector<16xf32> to vector<16xf32>
    tpu.vector_store %arg6[%swap3A_31], %swap3A_34 {strides = array<i32>} : memref<96xf32, #tpu.memory_space<vmem>>, vector<16xf32>,
    %mul3A_35 = arith.constant 640 : i32
    %mul3A_36 = arith.muli %arg1, %mul3A_35 : i32
    "tpu.region"() ({
      %run_scoped3A = tpu.sem_alloc : memref<!tpu.dma_semaphore, #tpu.memory_space<semaphore_mem>>
      %dma_start3A = tpu.memref_slice %arg7[%mul3A_36] : memref<10240xf32, #tpu.memory_space<vmem_shared>> -> memref<640xf32, #tpu.memory_space<vmem_shared>>
      tpu.enqueue_dma source(%arg3 : memref<640xf32, #tpu.memory_space<hbm>>) target(%dma_start3A : memref<640xf32, #tpu.memory_space<vmem_shared>>) target_semaphore(%run_scoped3A : memref<!tpu.dma_semaphore, #tpu.memory_space<semaphore_mem>>)
      %dma_wait3A = tpu.memref_slice %arg7[%mul3A_36] : memref<10240xf32, #tpu.memory_space<vmem_shared>> -> memref<640xf32, #tpu.memory_space<vmem_shared>>
      tpu.wait_dma2 semaphore(%run_scoped3A : memref<!tpu.dma_semaphore, #tpu.memory_space<semaphore_mem>>) src(%arg3 : memref<640xf32, #tpu.memory_space<hbm>>) dst(%dma_wait3A : memref<640xf32, #tpu.memory_space<vmem_shared>>)
      tpu.yield
    }) : () -> ()
    "tpu.region"() ({
      %run_scoped3A = tpu.sem_alloc : memref<!tpu.dma_semaphore, #tpu.memory_space<semaphore_mem>>
      %dma_start3A = arith.constant 0 : i32
      %dma_start3A_50 = arith.constant 0 : i32
      %dma_start3A_51 = arith.constant 0 : i32
      %dma_start3A_52 = tpu.memref_slice %arg2[%add3A, %dma_start3A, %dma_start3A_50, %dma_start3A_51] : memref<32x108x2x96xi32, #tpu.memory_space<hbm>> -> memref<1x108x2x96xi32, #tpu.memory_space<hbm>>
      %dma_start3A_53 = tpu.memref_squeeze %dma_start3A_52 : memref<1x108x2x96xi32, #tpu.memory_space<hbm>> -> memref<108x2x96xi32, #tpu.memory_space<hbm>>
      %dma_start3A_54 = arith.constant 0 : i32
      %dma_start3A_55 = arith.constant 0 : i32
      %dma_start3A_56 = arith.constant 0 : i32
      %dma_start3A_57 = tpu.memref_slice %arg2[%add3A, %dma_start3A_54, %dma_start3A_55, %dma_start3A_56] : memref<32x108x2x96xi32, #tpu.memory_space<hbm>> -> memref<1x108x2x96xi32, #tpu.memory_space<hbm>>
      %dma_start3A_58 = tpu.memref_squeeze %dma_start3A_57 : memref<1x108x2x96xi32, #tpu.memory_space<hbm>> -> memref<108x2x96xi32, #tpu.memory_space<hbm>>
      tpu.enqueue_dma source(%dma_start3A_58 : memref<108x2x96xi32, #tpu.memory_space<hbm>>) target(%arg5 : memref<108x2x96xi32, #tpu.memory_space<vmem>>) target_semaphore(%run_scoped3A : memref<!tpu.dma_semaphore, #tpu.memory_space<semaphore_mem>>)
      %dma_wait3A = arith.constant 0 : i32
      %dma_wait3A_59 = arith.constant 0 : i32
      %dma_wait3A_60 = arith.constant 0 : i32
      %dma_wait3A_61 = tpu.memref_slice %arg2[%add3A, %dma_wait3A, %dma_wait3A_59, %dma_wait3A_60] : memref<32x108x2x96xi32, #tpu.memory_space<hbm>> -> memref<1x108x2x96xi32, #tpu.memory_space<hbm>>
      %dma_wait3A_62 = tpu.memref_squeeze %dma_wait3A_61 : memref<1x108x2x96xi32, #tpu.memory_space<hbm>> -> memref<108x2x96xi32, #tpu.memory_space<hbm>>
      %dma_wait3A_63 = arith.constant 0 : i32
      %dma_wait3A_64 = arith.constant 0 : i32
      %dma_wait3A_65 = arith.constant 0 : i32
      %dma_wait3A_66 = tpu.memref_slice %arg2[%add3A, %dma_wait3A_63, %dma_wait3A_64, %dma_wait3A_65] : memref<32x108x2x96xi32, #tpu.memory_space<hbm>> -> memref<1x108x2x96xi32, #tpu.memory_space<hbm>>
      %dma_wait3A_67 = tpu.memref_squeeze %dma_wait3A_66 : memref<1x108x2x96xi32, #tpu.memory_space<hbm>> -> memref<108x2x96xi32, #tpu.memory_space<hbm>>
      tpu.wait_dma2 semaphore(%run_scoped3A : memref<!tpu.dma_semaphore, #tpu.memory_space<semaphore_mem>>) src(%dma_wait3A_67 : memref<108x2x96xi32, #tpu.memory_space<hbm>>) dst(%arg5 : memref<108x2x96xi32, #tpu.memory_space<vmem>>)
      tpu.yield
    }) : () -> ()
    %barrier3A = arith.constant 0 : index
    tpu.barrier barrier_id(%barrier3A)
    %scan3A = arith.constant 0 : i32
    %scan3A_37 = arith.constant 0 : i32
    %scan3A_38 = arith.constant 108 : i32
    %scan3A_39 = arith.addi %scan3A_37, %scan3A_38 : i32
    %scan3A_40 = arith.constant 1 : i32
    scf.for %scan3A_50 = %scan3A_37 to %scan3A_39 step %scan3A_40  : i32 {
      %run_scoped3A = arith.constant 1 : i32
      "tpu.region"() ({
        %run_scoped3A_51 = tpu.sem_alloc : memref<!tpu.dma_semaphore, #tpu.memory_space<semaphore_mem>>
        %dma_start3A = arith.constant 0 : i32
        %dma_start3A_52 = tpu.memref_slice %arg5[%scan3A_50, %run_scoped3A, %dma_start3A] : memref<108x2x96xi32, #tpu.memory_space<vmem>> -> memref<1x1x96xi32, #tpu.memory_space<vmem>>
        %dma_start3A_53 = tpu.memref_squeeze %dma_start3A_52 : memref<1x1x96xi32, #tpu.memory_space<vmem>> -> memref<96xi32, #tpu.memory_space<vmem>>
        %dma_start3A_54 = arith.constant 0 : i32
        %dma_start3A_55 = tpu.memref_slice %arg7[%dma_start3A_54] : memref<10240xf32, #tpu.memory_space<vmem_shared>> -> memref<10240xf32, #tpu.memory_space<vmem_shared>>
        tpu.enqueue_indirect_dma source(%arg6 : memref<96xf32, #tpu.memory_space<vmem>>) target(%dma_start3A_55 : memref<10240xf32, #tpu.memory_space<vmem_shared>>) offsets(%dma_start3A_53 : memref<96xi32, #tpu.memory_space<vmem>>) semaphore(%run_scoped3A_51 : memref<!tpu.dma_semaphore, #tpu.memory_space<semaphore_mem>>) {add = true}
        %dma_wait3A = arith.constant 0 : i32
        %dma_wait3A_56 = tpu.memref_slice %arg5[%scan3A_50, %run_scoped3A, %dma_wait3A] : memref<108x2x96xi32, #tpu.memory_space<vmem>> -> memref<1x1x96xi32, #tpu.memory_space<vmem>>
        %dma_wait3A_57 = tpu.memref_squeeze %dma_wait3A_56 : memref<1x1x96xi32, #tpu.memory_space<vmem>> -> memref<96xi32, #tpu.memory_space<vmem>>
        %dma_wait3A_58 = arith.constant 0 : i32
        %dma_wait3A_59 = tpu.memref_slice %arg7[%dma_wait3A_58] : memref<10240xf32, #tpu.memory_space<vmem_shared>> -> memref<10240xf32, #tpu.memory_space<vmem_shared>>
        tpu.wait_indirect_dma semaphore(%run_scoped3A_51 : memref<!tpu.dma_semaphore, #tpu.memory_space<semaphore_mem>>) src(%arg6 : memref<96xf32, #tpu.memory_space<vmem>>) dst(%dma_wait3A_59 : memref<10240xf32, #tpu.memory_space<vmem_shared>>)
        tpu.yield
      }) : () -> ()
    }
    %scan3A_41 = arith.constant 108 : i32
    %barrier3A_42 = arith.constant 0 : index
    tpu.barrier barrier_id(%barrier3A_42)
    %mul3A_43 = arith.constant 640 : i32
    %mul3A_44 = arith.muli %arg1, %mul3A_43 : i32
    %mul3A_45 = arith.constant 10240 : i32
    %mul3A_46 = arith.muli %arg0, %mul3A_45 : i32
    %mul3A_47 = arith.constant 640 : i32
    %mul3A_48 = arith.muli %arg1, %mul3A_47 : i32
    %add3A_49 = arith.addi %mul3A_46, %mul3A_48 : i32
    "tpu.region"() ({
      %run_scoped3A = tpu.sem_alloc : memref<!tpu.dma_semaphore, #tpu.memory_space<semaphore_mem>>
      %dma_start3A = tpu.memref_slice %arg4[%add3A_49] : memref<20480xf32, #tpu.memory_space<hbm>> -> memref<640xf32, #tpu.memory_space<hbm>>
      %dma_start3A_50 = tpu.memref_slice %arg7[%mul3A_44] : memref<10240xf32, #tpu.memory_space<vmem_shared>> -> memref<640xf32, #tpu.memory_space<vmem_shared>>
      tpu.enqueue_dma source(%dma_start3A_50 : memref<640xf32, #tpu.memory_space<vmem_shared>>) target(%dma_start3A : memref<640xf32, #tpu.memory_space<hbm>>) target_semaphore(%run_scoped3A : memref<!tpu.dma_semaphore, #tpu.memory_space<semaphore_mem>>)
      %dma_wait3A = tpu.memref_slice %arg4[%add3A_49] : memref<20480xf32, #tpu.memory_space<hbm>> -> memref<640xf32, #tpu.memory_space<hbm>>
      %dma_wait3A_51 = tpu.memref_slice %arg7[%mul3A_44] : memref<10240xf32, #tpu.memory_space<vmem_shared>> -> memref<640xf32, #tpu.memory_space<vmem_shared>>
      tpu.wait_dma2 semaphore(%run_scoped3A : memref<!tpu.dma_semaphore, #tpu.memory_space<semaphore_mem>>) src(%dma_wait3A_51 : memref<640xf32, #tpu.memory_space<vmem_shared>>) dst(%dma_wait3A : memref<640xf32, #tpu.memory_space<hbm>>)
      tpu.yield
    }) : () -> ()
    return
  }
}

module attributes {stable_mosaic.version = 14 : i64} {
  func.func @_tc_prep_body(%arg0: i32, %arg1: memref<1000x128xf32, #tpu.memory_space<vmem>>, %arg2: memref<128x128xf32, #tpu.memory_space<vmem>>, %arg3: memref<2x1000x1xf32, #tpu.memory_space<vmem>>, %arg4: memref<1000x128xf32, #tpu.memory_space<vmem>>) attributes {dimension_semantics = [#tpu.dimension_semantics<arbitrary>], iteration_bounds = array<i64: 10>, scalar_prefetch = 0 : i64, scratch_operands = 0 : i64, tpu.core_type = #tpu.core_type<tc>, window_params = [{transform_indices = @transform_0, window_bounds = array<i64: 1000, 128>}, {pipeline_mode = #tpu.pipeline_mode<synchronous>, transform_indices = @transform_1, window_bounds = array<i64: 128, 128>}, {transform_indices = @transform_2, window_bounds = array<i64: 2, 1000, 1>}, {transform_indices = @transform_3, window_bounds = array<i64: 1000, 128>}]} {
    %get3A = arith.constant 0 : index
    %get3A_0 = arith.constant 0 : index
    %get3A_1 = arith.constant 0 : index
    %get3A_2 = vector.load %arg3[%get3A, %get3A_0, %get3A_1] : memref<2x1000x1xf32, #tpu.memory_space<vmem>>, vector<1x1000x1xf32>
    %get3A_3 = vector.shape_cast %get3A_2 : vector<1x1000x1xf32> to vector<1000x1xf32>
    %get3A_4 = arith.constant 1 : index
    %get3A_5 = arith.constant 0 : index
    %get3A_6 = arith.constant 0 : index
    %get3A_7 = vector.load %arg3[%get3A_4, %get3A_5, %get3A_6] : memref<2x1000x1xf32, #tpu.memory_space<vmem>>, vector<1x1000x1xf32>
    %get3A_8 = vector.shape_cast %get3A_7 : vector<1x1000x1xf32> to vector<1000x1xf32>
    %add3A = arith.addf %get3A_3, %get3A_8 : vector<1000x1xf32>
    %gt3A = arith.constant 0.000000e+00 : f32
    %gt3A_9 = vector.broadcast %gt3A : f32 to vector<1000x1xf32>
    %gt3A_10 = arith.cmpf ogt, %add3A, %gt3A_9 : vector<1000x1xf32>
    %rsqrt3A = math.rsqrt %add3A : vector<1000x1xf32>
    %jit3A = arith.constant 0.000000e+00 : f32
    %broadcast_in_dim3A = vector.broadcast %jit3A : f32 to vector<1000x1xf32>
    %select_n3A = arith.select %gt3A_10, %rsqrt3A, %broadcast_in_dim3A : vector<1000x1xi1>, vector<1000x1xf32>
    %get3A_11 = arith.constant 0 : index
    %get3A_12 = arith.constant 0 : index
    %get3A_13 = vector.load %arg1[%get3A_11, %get3A_12] : memref<1000x128xf32, #tpu.memory_space<vmem>>, vector<1000x128xf32>
    %get3A_14 = arith.constant 0 : index
    %get3A_15 = arith.constant 0 : index
    %get3A_16 = vector.load %arg2[%get3A_14, %get3A_15] : memref<128x128xf32, #tpu.memory_space<vmem>>, vector<128x128xf32>
    %dot_general3A = arith.constant dense<0.000000e+00> : vector<1000x128xf32>
    %dot_general3A_17 = tpu.matmul %get3A_13, %get3A_16, %dot_general3A {dimension_numbers = #tpu.dot_dimension_numbers<[1], [0], [0], [1], [0, 0, 1, 1], [], []>, precision = #tpu.contract_precision<fp32>, transpose_lhs_hint = false} : vector<1000x128xf32>, vector<128x128xf32>, vector<1000x128xf32> -> vector<1000x128xf32>
    %mul3A = vector.broadcast %select_n3A : vector<1000x1xf32> to vector<1000x128xf32>
    %mul3A_18 = arith.mulf %dot_general3A_17, %mul3A : vector<1000x128xf32>
    %swap3A = arith.constant 0 : index
    %swap3A_19 = arith.constant 0 : index
    %swap3A_20 = vector.load %arg4[%swap3A, %swap3A_19] : memref<1000x128xf32, #tpu.memory_space<vmem>>, vector<1000x128xf32>
    tpu.vector_store %arg4[%swap3A, %swap3A_19], %mul3A_18 {strides = array<i32>} : memref<1000x128xf32, #tpu.memory_space<vmem>>, vector<1000x128xf32>,
    return
  }
  func.func @transform_0(%arg0: i32) -> (i32, i32) {
    %c0_i32 = arith.constant 0 : i32
    %c0_i32_0 = arith.constant 0 : i32
    return %arg0, %c0_i32 : i32, i32
  }
  func.func @transform_1(%arg0: i32) -> (i32, i32) {
    %c0_i32 = arith.constant 0 : i32
    %c0_i32_0 = arith.constant 0 : i32
    %c0_i32_1 = arith.constant 0 : i32
    return %c0_i32, %c0_i32_0 : i32, i32
  }
  func.func @transform_2(%arg0: i32) -> (i32, i32, i32) {
    %c0_i32 = arith.constant 0 : i32
    %c0_i32_0 = arith.constant 0 : i32
    %c0_i32_1 = arith.constant 0 : i32
    return %c0_i32, %arg0, %c0_i32_0 : i32, i32, i32
  }
  func.func @transform_3(%arg0: i32) -> (i32, i32) {
    %c0_i32 = arith.constant 0 : i32
    %c0_i32_0 = arith.constant 0 : i32
    return %arg0, %c0_i32 : i32, i32
  }
}

module attributes {stable_mosaic.version = 14 : i64} {
  func.func @_tc_mid_body(%arg0: i32, %arg1: memref<2x1000x128xf32, #tpu.memory_space<vmem>>, %arg2: memref<2x1000x1xf32, #tpu.memory_space<vmem>>, %arg3: memref<1x128xf32, #tpu.memory_space<vmem>>, %arg4: memref<128x128xf32, #tpu.memory_space<vmem>>, %arg5: memref<1000x128xf32, #tpu.memory_space<vmem>>) attributes {dimension_semantics = [#tpu.dimension_semantics<arbitrary>], iteration_bounds = array<i64: 10>, scalar_prefetch = 0 : i64, scratch_operands = 0 : i64, tpu.core_type = #tpu.core_type<tc>, window_params = [{transform_indices = @transform_0, window_bounds = array<i64: 2, 1000, 128>}, {transform_indices = @transform_1, window_bounds = array<i64: 2, 1000, 1>}, {pipeline_mode = #tpu.pipeline_mode<synchronous>, transform_indices = @transform_2, window_bounds = array<i64: 1, 128>}, {pipeline_mode = #tpu.pipeline_mode<synchronous>, transform_indices = @transform_3, window_bounds = array<i64: 128, 128>}, {transform_indices = @transform_4, window_bounds = array<i64: 1000, 128>}]} {
    %get3A = arith.constant 0 : index
    %get3A_0 = arith.constant 0 : index
    %get3A_1 = arith.constant 0 : index
    %get3A_2 = vector.load %arg2[%get3A, %get3A_0, %get3A_1] : memref<2x1000x1xf32, #tpu.memory_space<vmem>>, vector<1x1000x1xf32>
    %get3A_3 = vector.shape_cast %get3A_2 : vector<1x1000x1xf32> to vector<1000x1xf32>
    %get3A_4 = arith.constant 1 : index
    %get3A_5 = arith.constant 0 : index
    %get3A_6 = arith.constant 0 : index
    %get3A_7 = vector.load %arg2[%get3A_4, %get3A_5, %get3A_6] : memref<2x1000x1xf32, #tpu.memory_space<vmem>>, vector<1x1000x1xf32>
    %get3A_8 = vector.shape_cast %get3A_7 : vector<1x1000x1xf32> to vector<1000x1xf32>
    %add3A = arith.addf %get3A_3, %get3A_8 : vector<1000x1xf32>
    %gt3A = arith.constant 0.000000e+00 : f32
    %gt3A_9 = vector.broadcast %gt3A : f32 to vector<1000x1xf32>
    %gt3A_10 = arith.cmpf ogt, %add3A, %gt3A_9 : vector<1000x1xf32>
    %rsqrt3A = math.rsqrt %add3A : vector<1000x1xf32>
    %jit3A = arith.constant 0.000000e+00 : f32
    %broadcast_in_dim3A = vector.broadcast %jit3A : f32 to vector<1000x1xf32>
    %select_n3A = arith.select %gt3A_10, %rsqrt3A, %broadcast_in_dim3A : vector<1000x1xi1>, vector<1000x1xf32>
    %get3A_11 = arith.constant 0 : index
    %get3A_12 = arith.constant 0 : index
    %get3A_13 = arith.constant 0 : index
    %get3A_14 = vector.load %arg1[%get3A_11, %get3A_12, %get3A_13] : memref<2x1000x128xf32, #tpu.memory_space<vmem>>, vector<1x1000x128xf32>
    %get3A_15 = vector.shape_cast %get3A_14 : vector<1x1000x128xf32> to vector<1000x128xf32>
    %get3A_16 = arith.constant 1 : index
    %get3A_17 = arith.constant 0 : index
    %get3A_18 = arith.constant 0 : index
    %get3A_19 = vector.load %arg1[%get3A_16, %get3A_17, %get3A_18] : memref<2x1000x128xf32, #tpu.memory_space<vmem>>, vector<1x1000x128xf32>
    %get3A_20 = vector.shape_cast %get3A_19 : vector<1x1000x128xf32> to vector<1000x128xf32>
    %add3A_21 = arith.addf %get3A_15, %get3A_20 : vector<1000x128xf32>
    %mul3A = vector.broadcast %select_n3A : vector<1000x1xf32> to vector<1000x128xf32>
    %mul3A_22 = arith.mulf %add3A_21, %mul3A : vector<1000x128xf32>
    %get3A_23 = arith.constant 0 : index
    %get3A_24 = arith.constant 0 : index
    %get3A_25 = vector.load %arg3[%get3A_23, %get3A_24] : memref<1x128xf32, #tpu.memory_space<vmem>>, vector<1x128xf32>
    %add3A_26 = vector.broadcast %get3A_25 : vector<1x128xf32> to vector<1000x128xf32>
    %add3A_27 = arith.addf %mul3A_22, %add3A_26 : vector<1000x128xf32>
    %max3A = arith.constant 0.000000e+00 : f32
    %max3A_28 = vector.broadcast %max3A : f32 to vector<1000x128xf32>
    %max3A_29 = arith.maximumf %add3A_27, %max3A_28 : vector<1000x128xf32>
    %get3A_30 = arith.constant 0 : index
    %get3A_31 = arith.constant 0 : index
    %get3A_32 = vector.load %arg4[%get3A_30, %get3A_31] : memref<128x128xf32, #tpu.memory_space<vmem>>, vector<128x128xf32>
    %dot_general3A = arith.constant dense<0.000000e+00> : vector<1000x128xf32>
    %dot_general3A_33 = tpu.matmul %max3A_29, %get3A_32, %dot_general3A {dimension_numbers = #tpu.dot_dimension_numbers<[1], [0], [0], [1], [0, 0, 1, 1], [], []>, precision = #tpu.contract_precision<fp32>, transpose_lhs_hint = false} : vector<1000x128xf32>, vector<128x128xf32>, vector<1000x128xf32> -> vector<1000x128xf32>
    %mul3A_34 = vector.broadcast %select_n3A : vector<1000x1xf32> to vector<1000x128xf32>
    %mul3A_35 = arith.mulf %dot_general3A_33, %mul3A_34 : vector<1000x128xf32>
    %swap3A = arith.constant 0 : index
    %swap3A_36 = arith.constant 0 : index
    %swap3A_37 = vector.load %arg5[%swap3A, %swap3A_36] : memref<1000x128xf32, #tpu.memory_space<vmem>>, vector<1000x128xf32>
    tpu.vector_store %arg5[%swap3A, %swap3A_36], %mul3A_35 {strides = array<i32>} : memref<1000x128xf32, #tpu.memory_space<vmem>>, vector<1000x128xf32>,
    return
  }
  func.func @transform_0(%arg0: i32) -> (i32, i32, i32) {
    %c0_i32 = arith.constant 0 : i32
    %c0_i32_0 = arith.constant 0 : i32
    %c0_i32_1 = arith.constant 0 : i32
    return %c0_i32, %arg0, %c0_i32_0 : i32, i32, i32
  }
  func.func @transform_1(%arg0: i32) -> (i32, i32, i32) {
    %c0_i32 = arith.constant 0 : i32
    %c0_i32_0 = arith.constant 0 : i32
    %c0_i32_1 = arith.constant 0 : i32
    return %c0_i32, %arg0, %c0_i32_0 : i32, i32, i32
  }
  func.func @transform_2(%arg0: i32) -> (i32, i32) {
    %c0_i32 = arith.constant 0 : i32
    %c0_i32_0 = arith.constant 0 : i32
    %c0_i32_1 = arith.constant 0 : i32
    return %c0_i32, %c0_i32_0 : i32, i32
  }
  func.func @transform_3(%arg0: i32) -> (i32, i32) {
    %c0_i32 = arith.constant 0 : i32
    %c0_i32_0 = arith.constant 0 : i32
    %c0_i32_1 = arith.constant 0 : i32
    return %c0_i32, %c0_i32_0 : i32, i32
  }
  func.func @transform_4(%arg0: i32) -> (i32, i32) {
    %c0_i32 = arith.constant 0 : i32
    %c0_i32_0 = arith.constant 0 : i32
    return %arg0, %c0_i32 : i32, i32
  }
}

module attributes {stable_mosaic.version = 14 : i64} {
  func.func @_tc_final_body(%arg0: i32, %arg1: memref<2x1000x128xf32, #tpu.memory_space<vmem>>, %arg2: memref<2x1000x1xf32, #tpu.memory_space<vmem>>, %arg3: memref<1x128xf32, #tpu.memory_space<vmem>>, %arg4: memref<1000x1xi32, #tpu.memory_space<vmem>>, %arg5: memref<128x1xf32, #tpu.memory_space<vmem>>, %arg6: memref<1x1xf32, #tpu.memory_space<vmem>>, %arg7: memref<64x1xf32, #tpu.memory_space<vmem>>, %arg8: memref<64x128xf32, #tpu.memory_space<vmem>>, %arg9: memref<64x128xf32, #tpu.memory_space<vmem>>) attributes {dimension_semantics = [#tpu.dimension_semantics<arbitrary>], iteration_bounds = array<i64: 10>, scalar_prefetch = 0 : i64, scratch_operands = 2 : i64, tpu.core_type = #tpu.core_type<tc>, window_params = [{transform_indices = @transform_0, window_bounds = array<i64: 2, 1000, 128>}, {transform_indices = @transform_1, window_bounds = array<i64: 2, 1000, 1>}, {pipeline_mode = #tpu.pipeline_mode<synchronous>, transform_indices = @transform_2, window_bounds = array<i64: 1, 128>}, {transform_indices = @transform_3, window_bounds = array<i64: 1000, 1>}, {pipeline_mode = #tpu.pipeline_mode<synchronous>, transform_indices = @transform_4, window_bounds = array<i64: 128, 1>}, {pipeline_mode = #tpu.pipeline_mode<synchronous>, transform_indices = @transform_5, window_bounds = array<i64: 1, 1>}, {pipeline_mode = #tpu.pipeline_mode<synchronous>, transform_indices = @transform_6, window_bounds = array<i64: 64, 1>}]} {
    %get3A = arith.constant 0 : index
    %get3A_0 = arith.constant 0 : index
    %get3A_1 = arith.constant 0 : index
    %get3A_2 = vector.load %arg2[%get3A, %get3A_0, %get3A_1] : memref<2x1000x1xf32, #tpu.memory_space<vmem>>, vector<1x1000x1xf32>
    %get3A_3 = vector.shape_cast %get3A_2 : vector<1x1000x1xf32> to vector<1000x1xf32>
    %get3A_4 = arith.constant 1 : index
    %get3A_5 = arith.constant 0 : index
    %get3A_6 = arith.constant 0 : index
    %get3A_7 = vector.load %arg2[%get3A_4, %get3A_5, %get3A_6] : memref<2x1000x1xf32, #tpu.memory_space<vmem>>, vector<1x1000x1xf32>
    %get3A_8 = vector.shape_cast %get3A_7 : vector<1x1000x1xf32> to vector<1000x1xf32>
    %add3A = arith.addf %get3A_3, %get3A_8 : vector<1000x1xf32>
    %gt3A = arith.constant 0.000000e+00 : f32
    %gt3A_9 = vector.broadcast %gt3A : f32 to vector<1000x1xf32>
    %gt3A_10 = arith.cmpf ogt, %add3A, %gt3A_9 : vector<1000x1xf32>
    %rsqrt3A = math.rsqrt %add3A : vector<1000x1xf32>
    %jit3A = arith.constant 0.000000e+00 : f32
    %broadcast_in_dim3A = vector.broadcast %jit3A : f32 to vector<1000x1xf32>
    %select_n3A = arith.select %gt3A_10, %rsqrt3A, %broadcast_in_dim3A : vector<1000x1xi1>, vector<1000x1xf32>
    %get3A_11 = arith.constant 0 : index
    %get3A_12 = arith.constant 0 : index
    %get3A_13 = arith.constant 0 : index
    %get3A_14 = vector.load %arg1[%get3A_11, %get3A_12, %get3A_13] : memref<2x1000x128xf32, #tpu.memory_space<vmem>>, vector<1x1000x128xf32>
    %get3A_15 = vector.shape_cast %get3A_14 : vector<1x1000x128xf32> to vector<1000x128xf32>
    %get3A_16 = arith.constant 1 : index
    %get3A_17 = arith.constant 0 : index
    %get3A_18 = arith.constant 0 : index
    %get3A_19 = vector.load %arg1[%get3A_16, %get3A_17, %get3A_18] : memref<2x1000x128xf32, #tpu.memory_space<vmem>>, vector<1x1000x128xf32>
    %get3A_20 = vector.shape_cast %get3A_19 : vector<1x1000x128xf32> to vector<1000x128xf32>
    %add3A_21 = arith.addf %get3A_15, %get3A_20 : vector<1000x128xf32>
    %mul3A = vector.broadcast %select_n3A : vector<1000x1xf32> to vector<1000x128xf32>
    %mul3A_22 = arith.mulf %add3A_21, %mul3A : vector<1000x128xf32>
    %get3A_23 = arith.constant 0 : index
    %get3A_24 = arith.constant 0 : index
    %get3A_25 = vector.load %arg3[%get3A_23, %get3A_24] : memref<1x128xf32, #tpu.memory_space<vmem>>, vector<1x128xf32>
    %add3A_26 = vector.broadcast %get3A_25 : vector<1x128xf32> to vector<1000x128xf32>
    %add3A_27 = arith.addf %mul3A_22, %add3A_26 : vector<1000x128xf32>
    %max3A = arith.constant 0.000000e+00 : f32
    %max3A_28 = vector.broadcast %max3A : f32 to vector<1000x128xf32>
    %max3A_29 = arith.maximumf %add3A_27, %max3A_28 : vector<1000x128xf32>
    %iota3A = tpu.iota {dimensions = array<i32: 1>} : vector<1000x64xi32>
    %get3A_30 = arith.constant 0 : index
    %get3A_31 = arith.constant 0 : index
    %get3A_32 = vector.load %arg4[%get3A_30, %get3A_31] : memref<1000x1xi32, #tpu.memory_space<vmem>>, vector<1000x1xi32>
    %eq3A = vector.broadcast %get3A_32 : vector<1000x1xi32> to vector<1000x64xi32>
    %eq3A_33 = arith.cmpi eq, %eq3A, %iota3A : vector<1000x64xi32>
    %convert_element_type3A = arith.extui %eq3A_33 : vector<1000x64xi1> to vector<1000x64xi32>
    %convert_element_type3A_34 = arith.sitofp %convert_element_type3A : vector<1000x64xi32> to vector<1000x64xf32>
    %dot_general3A = arith.constant dense<0.000000e+00> : vector<64x128xf32>
    %dot_general3A_35 = tpu.matmul %convert_element_type3A_34, %max3A_29, %dot_general3A {dimension_numbers = #tpu.dot_dimension_numbers<[0], [0], [1], [1], [0, 1, 1, 1], [], []>, precision = #tpu.contract_precision<fp32>, transpose_lhs_hint = false} : vector<1000x64xf32>, vector<1000x128xf32>, vector<64x128xf32> -> vector<64x128xf32>
    %broadcast_in_dim3A_36 = arith.constant 1.000000e+00 : f32
    %broadcast_in_dim3A_37 = vector.broadcast %broadcast_in_dim3A_36 : f32 to vector<1000x128xf32>
    %dot_general3A_38 = arith.constant dense<0.000000e+00> : vector<64x128xf32>
    %dot_general3A_39 = tpu.matmul %convert_element_type3A_34, %broadcast_in_dim3A_37, %dot_general3A_38 {dimension_numbers = #tpu.dot_dimension_numbers<[0], [0], [1], [1], [0, 1, 1, 1], [], []>, precision = #tpu.contract_precision<fp32>, transpose_lhs_hint = false} : vector<1000x64xf32>, vector<1000x128xf32>, vector<64x128xf32> -> vector<64x128xf32>
    %eq3A_40 = arith.constant 0 : i32
    %eq3A_41 = arith.cmpi eq, %arg0, %eq3A_40 : i32
    %convert_element_type3A_42 = arith.extui %eq3A_41 : i1 to i32
    %cond3A = arith.constant 0 : i32
    %cond3A_43 = arith.cmpi ne, %convert_element_type3A_42, %cond3A : i32
    scf.if %cond3A_43 {
      %swap3A_71 = arith.constant 0 : index
      %swap3A_72 = arith.constant 0 : index
      %swap3A_73 = vector.load %arg8[%swap3A_71, %swap3A_72] : memref<64x128xf32, #tpu.memory_space<vmem>>, vector<64x128xf32>
      tpu.vector_store %arg8[%swap3A_71, %swap3A_72], %dot_general3A_35 {strides = array<i32>} : memref<64x128xf32, #tpu.memory_space<vmem>>, vector<64x128xf32>,
      %swap3A_74 = arith.constant 0 : index
      %swap3A_75 = arith.constant 0 : index
      %swap3A_76 = vector.load %arg9[%swap3A_74, %swap3A_75] : memref<64x128xf32, #tpu.memory_space<vmem>>, vector<64x128xf32>
      tpu.vector_store %arg9[%swap3A_74, %swap3A_75], %dot_general3A_39 {strides = array<i32>} : memref<64x128xf32, #tpu.memory_space<vmem>>, vector<64x128xf32>,
    } else {
    }
    %gt3A_44 = arith.constant 0 : i32
    %gt3A_45 = arith.cmpi sgt, %arg0, %gt3A_44 : i32
    %convert_element_type3A_46 = arith.extui %gt3A_45 : i1 to i32
    %cond3A_47 = arith.constant 0 : i32
    %cond3A_48 = arith.cmpi ne, %convert_element_type3A_46, %cond3A_47 : i32
    scf.if %cond3A_48 {
      %get3A_71 = arith.constant 0 : index
      %get3A_72 = arith.constant 0 : index
      %get3A_73 = vector.load %arg8[%get3A_71, %get3A_72] : memref<64x128xf32, #tpu.memory_space<vmem>>, vector<64x128xf32>
      %add3A_74 = arith.addf %get3A_73, %dot_general3A_35 : vector<64x128xf32>
      %swap3A_75 = arith.constant 0 : index
      %swap3A_76 = arith.constant 0 : index
      %swap3A_77 = vector.load %arg8[%swap3A_75, %swap3A_76] : memref<64x128xf32, #tpu.memory_space<vmem>>, vector<64x128xf32>
      tpu.vector_store %arg8[%swap3A_75, %swap3A_76], %add3A_74 {strides = array<i32>} : memref<64x128xf32, #tpu.memory_space<vmem>>, vector<64x128xf32>,
      %get3A_78 = arith.constant 0 : index
      %get3A_79 = arith.constant 0 : index
      %get3A_80 = vector.load %arg9[%get3A_78, %get3A_79] : memref<64x128xf32, #tpu.memory_space<vmem>>, vector<64x128xf32>
      %add3A_81 = arith.addf %get3A_80, %dot_general3A_39 : vector<64x128xf32>
      %swap3A_82 = arith.constant 0 : index
      %swap3A_83 = arith.constant 0 : index
      %swap3A_84 = vector.load %arg9[%swap3A_82, %swap3A_83] : memref<64x128xf32, #tpu.memory_space<vmem>>, vector<64x128xf32>
      tpu.vector_store %arg9[%swap3A_82, %swap3A_83], %add3A_81 {strides = array<i32>} : memref<64x128xf32, #tpu.memory_space<vmem>>, vector<64x128xf32>,
    } else {
    }
    %get3A_49 = arith.constant 0 : index
    %get3A_50 = arith.constant 0 : index
    %get3A_51 = vector.load %arg9[%get3A_49, %get3A_50] : memref<64x128xf32, #tpu.memory_space<vmem>>, vector<64x128xf32>
    %slice3A = vector.extract_strided_slice %get3A_51 {offsets = [0, 0], sizes = [64, 1], strides = [1, 1]} : vector<64x128xf32> to vector<64x1xf32>
    %max3A_52 = arith.constant 1.000000e+00 : f32
    %max3A_53 = vector.broadcast %max3A_52 : f32 to vector<64x1xf32>
    %max3A_54 = arith.maximumf %slice3A, %max3A_53 : vector<64x1xf32>
    %get3A_55 = arith.constant 0 : index
    %get3A_56 = arith.constant 0 : index
    %get3A_57 = vector.load %arg8[%get3A_55, %get3A_56] : memref<64x128xf32, #tpu.memory_space<vmem>>, vector<64x128xf32>
    %div3A = vector.broadcast %max3A_54 : vector<64x1xf32> to vector<64x128xf32>
    %div3A_58 = arith.divf %get3A_57, %div3A : vector<64x128xf32>
    %get3A_59 = arith.constant 0 : index
    %get3A_60 = arith.constant 0 : index
    %get3A_61 = vector.load %arg5[%get3A_59, %get3A_60] : memref<128x1xf32, #tpu.memory_space<vmem>>, vector<128x1xf32>
    %dot_general3A_62 = arith.constant dense<0.000000e+00> : vector<64x1xf32>
    %dot_general3A_63 = tpu.matmul %div3A_58, %get3A_61, %dot_general3A_62 {dimension_numbers = #tpu.dot_dimension_numbers<[1], [0], [0], [1], [0, 0, 1, 1], [], []>, precision = #tpu.contract_precision<fp32>, transpose_lhs_hint = false} : vector<64x128xf32>, vector<128x1xf32>, vector<64x1xf32> -> vector<64x1xf32>
    %get3A_64 = arith.constant 0 : index
    %get3A_65 = arith.constant 0 : index
    %get3A_66 = vector.load %arg6[%get3A_64, %get3A_65] : memref<1x1xf32, #tpu.memory_space<vmem>>, vector<1x1xf32>
    %add3A_67 = vector.broadcast %get3A_66 : vector<1x1xf32> to vector<64x1xf32>
    %add3A_68 = arith.addf %dot_general3A_63, %add3A_67 : vector<64x1xf32>
    %swap3A = arith.constant 0 : index
    %swap3A_69 = arith.constant 0 : index
    %swap3A_70 = vector.load %arg7[%swap3A, %swap3A_69] : memref<64x1xf32, #tpu.memory_space<vmem>>, vector<64x1xf32>
    tpu.vector_store %arg7[%swap3A, %swap3A_69], %add3A_68 {strides = array<i32>} : memref<64x1xf32, #tpu.memory_space<vmem>>, vector<64x1xf32>,
    return
  }
  func.func @transform_0(%arg0: i32) -> (i32, i32, i32) {
    %c0_i32 = arith.constant 0 : i32
    %c0_i32_0 = arith.constant 0 : i32
    %c0_i32_1 = arith.constant 0 : i32
    return %c0_i32, %arg0, %c0_i32_0 : i32, i32, i32
  }
  func.func @transform_1(%arg0: i32) -> (i32, i32, i32) {
    %c0_i32 = arith.constant 0 : i32
    %c0_i32_0 = arith.constant 0 : i32
    %c0_i32_1 = arith.constant 0 : i32
    return %c0_i32, %arg0, %c0_i32_0 : i32, i32, i32
  }
  func.func @transform_2(%arg0: i32) -> (i32, i32) {
    %c0_i32 = arith.constant 0 : i32
    %c0_i32_0 = arith.constant 0 : i32
    %c0_i32_1 = arith.constant 0 : i32
    return %c0_i32, %c0_i32_0 : i32, i32
  }
  func.func @transform_3(%arg0: i32) -> (i32, i32) {
    %c0_i32 = arith.constant 0 : i32
    %c0_i32_0 = arith.constant 0 : i32
    return %arg0, %c0_i32 : i32, i32
  }
  func.func @transform_4(%arg0: i32) -> (i32, i32) {
    %c0_i32 = arith.constant 0 : i32
    %c0_i32_0 = arith.constant 0 : i32
    %c0_i32_1 = arith.constant 0 : i32
    return %c0_i32, %c0_i32_0 : i32, i32
  }
  func.func @transform_5(%arg0: i32) -> (i32, i32) {
    %c0_i32 = arith.constant 0 : i32
    %c0_i32_0 = arith.constant 0 : i32
    %c0_i32_1 = arith.constant 0 : i32
    return %c0_i32, %c0_i32_0 : i32, i32
  }
  func.func @transform_6(%arg0: i32) -> (i32, i32) {
    %c0_i32 = arith.constant 0 : i32
    %c0_i32_0 = arith.constant 0 : i32
    %c0_i32_1 = arith.constant 0 : i32
    return %c0_i32, %c0_i32_0 : i32, i32
  }
}

</mosaic_0001>

<sc_bundles>
// kernel: kernel.11.cloned.1.call-start
scs
__scs_entry_jumppad:
0x0: {  	(pc) =	sbr.rel $0x88, $3  }
0x1: {  	(tag) =	ssettag $0x0;
	lr =	simm.s32 $0x1  }
0x2: {  	[smem:$0x3F98] =	sst lr;
	_ =	strace $0xD0000000  }
0x3: {  	_ = 	snop  }
0x4: {  	_ = 	snop  }
0x5: {  	_ = 	snop  }
0x6: {  	_ = 	snop  }
0x7: {  	_ = 	snop  }
__scs_overlays_trampoline_lowered:
0x8: {  	[smem:$0x3FA7] =	sst s0  }
0x9: {  	[smem:$0x3FA8] =	sst s1  }
0xa: {  	[smem:$0x3FA9] =	sst s2  }
0xb: {  	[smem:$0x3FAA] =	sst s3  }
0xc: {  	[smem:$0x3FAB] =	sst s4  }
0xd: {  	[smem:$0x3FAC] =	sst s5  }
0xe: {  	[smem:$0x3FAD] =	sst s6  }
0xf: {  	[smem:$0x3FAE] =	sst s7  }
0x10: {  	[smem:$0x3FAF] =	sst s8  }
0x11: {  	[smem:$0x3FB0] =	sst s9;
	s0 =	simm.s32 @!p0 $0x0  }
0x12: {  	s1 =	sld [smem:$0x3F96];
	s0 =	simm.s32 @p0 $0x1  }
0x13: {  	[smem:$0x3FB1] =	sst s0;
	s0 =	simm.s32 @!p1 $0x0  }
0x14: {  	s2 =	sld [smem:$0x3F95];
	s0 =	simm.s32 @p1 $0x1  }
0x15: {  	[smem:$0x3FB2] =	sst s0;
	s0 =	simm.s32 @!p2 $0x0  }
0x16: {  	s3 =	sld [smem:$0x3FDB];
	s0 =	simm.s32 @p2 $0x1  }
0x17: {  	s4 =	simm.s32 $0x1BF5;
	[smem:$0x3FB4] =	sst s0  }
0x18: {  	s0 =	sld [smem:$0x3F97];
	_ =	swait.ge [sflag:s4], $0x0  }
0x19: {  	s7 =	sld [smem:$0x3F98]  }
0x1a: {  	s8 =	sadd.s32 $0xFFFFE003, lr  }
0x1b: {  	s9 =	sadd.s32 $0xFFFFFEF7, lr;
	s5 =	simm.s32 $0xFFFFFFFF;
	p2 =	slt.u32 s8, $0xFFFFF086  }
0x1c: {  	p1 =	slt.u32 s9, $0xF7A;
	s5 =	simm.s32 @!p2 $0x0  }
0x1d: {  	s5 =	simm.s32 @p1 $0x1;
	p0 =	seq.s32 s7, s2  }
0x1e: {  	s7 =	smul.u32 @!p0 $0xF7A, s2;
	p2 =	seq.s32 @!p0 s5, $0x0  }
0x1f: {  	s9 =	smul.u32 $0xF7A, s1;
	s8 =	simm.s32 @!p0 $0x1BF5;
	p2 =	por !p2, p0  }
0x20: {  	[sflag:s8] =	ssyncset.s32 @!p0 $0xFFFFF086;
	s6 =	sadd.s32 @!p0 s3, s7;
	s7 =	simm.s32 @!p0 $0x108  }
0x21: {  	s3 =	sadd.s32 s3, s9;
	s6 =	sadd.s32 @!p0 $0x88, s6;
	s7 =	simm.s32 @p2 $0x1082  }
0x22: {  	[simem:s7], [sflag:s8] =	dma.local @!p0 [hbm:s6], $0xF7A  }
0x23: {  	s9 =	sor.u32 $0xD0000000, s2;
	s6 =	simm.s32 $0x108;
	_ =	swait.ge @!p0 [sflag:s8], $0x0  }
0x24: {  	s3 =	sadd.s32 $0x88, s3;
	s6 =	simm.s32 @!p1 $0x1082;
	[sflag:s4] =	ssyncset.s32 $0xFFFFF086  }
0x25: {  	[simem:s6], [sflag:s4] =	dma.local [hbm:s3], $0xF7A  }
0x26: {  	[smem:$0x3F98] =	sst s1;
	(tag) =	ssettag s2;
	_ =	strace s9  }
0x27: {  	s1 =	sld [smem:$0x3FA8]  }
0x28: {  	s2 =	sld [smem:$0x3FA9]  }
0x29: {  	s4 =	sld [smem:$0x3FAB]  }
0x2a: {  	p0 =	seq.s32 s5, $0x0;
	s5 =	sld [smem:$0x3FAC]  }
0x2b: {  	s6 =	sld [smem:$0x3FAD]  }
0x2c: {  	s7 =	sld [smem:$0x3FAE]  }
0x2d: {  	s3 =	simm.s32 $0x108;
	s8 =	sld [smem:$0x3FAF]  }
0x2e: {  	s3 =	simm.s32 @!p0 $0x1082;
	s9 =	sld [smem:$0x3FB0]  }
0x2f: {  	lr =	sadd.s32 s0, s3;
	s0 =	sld [smem:$0x3FA7]  }
0x30: {  	s3 =	sld [smem:$0x3FAA]  }
0x31: {  	[smem:$0x3FB3] =	sst s10  }
0x32: {  	s10 =	sld [smem:$0x3FB1];
	_ =	sdelay $0x3  }
0x33: {  	p0 =	seq.s32 s10, $0x1;
	s10 =	sld [smem:$0x3FB3];
	_ =	sdelay $0x3  }
0x34: {  	[smem:$0x3FB3] =	sst s10  }
0x35: {  	s10 =	sld [smem:$0x3FB2];
	_ =	sdelay $0x3  }
0x36: {  	p1 =	seq.s32 s10, $0x1;
	s10 =	sld [smem:$0x3FB3];
	_ =	sdelay $0x3  }
0x37: {  	[smem:$0x3FB3] =	sst s10  }
0x38: {  	s10 =	sld [smem:$0x3FB4]  }
0x39: {  	_ = 	snop;
	(pc) =	sbr.ind lr, $3  }
0x3a: {  	_ = 	snop  }
0x3b: {  	_ = 	snop  }
0x3c: {  	p2 =	seq.s32 s10, $0x1;
	s10 =	sld [smem:$0x3FB3]  }
0x3d: {  	_ =	shalt  }
0x3e: {  	_ =	shalt  }
0x3f: {  	_ =	shalt  }
0x40: {  	_ =	shalt  }
0x41: {  	_ =	shalt  }
0x42: {  	_ =	shalt  }
0x43: {  	_ =	shalt  }
0x44: {  	_ =	shalt  }
0x45: {  	_ =	shalt  }
0x46: {  	_ =	shalt  }
0x47: {  	_ =	shalt  }
0x48: {  	_ =	shalt  }
0x49: {  	_ =	shalt  }
0x4a: {  	_ =	shalt  }
0x4b: {  	_ =	shalt  }
0x4c: {  	_ =	shalt  }
0x4d: {  	_ =	shalt  }
0x4e: {  	_ =	shalt  }
0x4f: {  	_ =	shalt  }
0x50: {  	_ =	shalt  }
0x51: {  	_ =	shalt  }
0x52: {  	_ =	shalt  }
0x53: {  	_ =	shalt  }
0x54: {  	_ =	shalt  }
0x55: {  	_ =	shalt  }
0x56: {  	_ =	shalt  }
0x57: {  	_ =	shalt  }
0x58: {  	_ =	shalt  }
0x59: {  	_ =	shalt  }
0x5a: {  	_ =	shalt  }
0x5b: {  	_ =	shalt  }
0x5c: {  	_ =	shalt  }
0x5d: {  	_ =	shalt  }
0x5e: {  	_ =	shalt  }
0x5f: {  	_ =	shalt  }
0x60: {  	_ =	shalt  }
0x61: {  	_ =	shalt  }
0x62: {  	_ =	shalt  }
0x63: {  	_ =	shalt  }
0x64: {  	_ =	shalt  }
0x65: {  	_ =	shalt  }
0x66: {  	_ =	shalt  }
0x67: {  	_ =	shalt  }
0x68: {  	_ =	shalt  }
0x69: {  	_ =	shalt  }
0x6a: {  	_ =	shalt  }
0x6b: {  	_ =	shalt  }
0x6c: {  	_ =	shalt  }
0x6d: {  	_ =	shalt  }
0x6e: {  	_ =	shalt  }
0x6f: {  	_ =	shalt  }
0x70: {  	_ =	shalt  }
0x71: {  	_ =	shalt  }
0x72: {  	_ =	shalt  }
0x73: {  	_ =	shalt  }
0x74: {  	_ =	shalt  }
0x75: {  	_ =	shalt  }
0x76: {  	_ =	shalt  }
0x77: {  	_ =	shalt  }
0x78: {  	_ =	shalt  }
0x79: {  	_ =	shalt  }
0x7a: {  	_ =	shalt  }
0x7b: {  	_ =	shalt  }
0x7c: {  	_ =	shalt  }
0x7d: {  	_ =	shalt  }
0x7e: {  	_ =	shalt  }
0x7f: {  	_ =	shalt  }
0x80: {  	_ =	shalt  }
0x81: {  	_ =	shalt  }
0x82: {  	_ =	shalt  }
0x83: {  	_ =	shalt  }
0x84: {  	_ =	shalt  }
0x85: {  	_ =	shalt  }
0x86: {  	_ =	shalt  }
0x87: {  	_ =	shalt  }
.Lfunc_end0:
.L_simem_size_0:
called_computation.1_lowered:
.L_overlay_start_0:
0x88: {  	s2 =	sld [smem:$0x3FD9]  }
0x89: {  	s3 =	sld [smem:$0x3FFE];
	_ =	sdelay $0x1  }
0x8a: {  	s1 =	srdreg.scid  }
0x8b: {  	s0 =	sand.u32 $0x1, s1  }
0x8c: {  	s16 =	sshll.u32 s0, $0xA;
	s2 =	sadd.s32 s3, s2  }
0x8d: {  	s2 =	sadd.s32 s2, s16  }
0x8e: {  	[smem:$0x3FBF] =	sst s2  }
0x8f: {  	_ = 	snop  }
0x90: {  	(tm) =	ssettm $0x1  }
0x91: {  	s17 =	sld [smem:$0x3FFB];
	_ =	sdelay $0x3  }
0x92: {  	_ =	strace s17  }
0x93: {  	s2 =	sld [smem:$0x3FFC];
	_ =	sdelay $0x3  }
0x94: {  	_ =	strace s2  }
0x95: {  	s2 =	sld [smem:$0x3FFD];
	_ =	sdelay $0x3  }
0x96: {  	_ =	strace s2  }
0x97: {  	_ =	strace $0x8FFFFFFF  }
0x98: {  	s18 =	sld [smem:$0x3FDB];
	_ =	sdelay $0x1  }
0x99: {  	s19 =	simm.s32 $_scs_section_size  }
0x9a: {  	s4 =	simm.s32 $_size__tile_overlayer_lowered;
	s5 =	simm.s32 $_tile_overlayer_lowered  }
0x9b: {  	s22 =	simm.s32 $0x1BFF;
	s21 =	sshll.u32 s5, $0x1;
	s2 =	sadd.s32 s19, s18  }
0x9c: {  	s6 =	simm.s32 $0x0;
	s20 =	sshll.u32 s4, $0x1;
	s4 =	sadd.s32 s21, s2  }
0x9d: {  	[timem:s6], [sflag:s22] =	dma.local [hbm:s4], s20  }
0x9e: {  	_ =	swait.ge [sflag:s22], s20  }
0x9f: {  	s3 =	ssub.s32 $0x0, s20;
	[sflag:s22] =	ssyncset.done $0x0  }
0xa0: {  	[sflag:s22] =	ssyncadd.s32 s3;
	_ =	sdelay $0x1  }
0xa1: {  	s23 =	simm.s32 $0x1B8B  }
0xa2: {  	_ =	swait.ge [sflag:s23], $0x1  }
0xa3: {  	[sflag:s23] =	ssyncset.done $0x0  }
0xa4: {  	s25 =	simm.s32 $0x1B8E;
	s24 =	sld [smem:$0x3FFE];
	[sflag:s23] =	ssyncadd.s32 $0xFFFFFFFF  }
0xa5: {  	s26 =	simm.s32 $execute0_lowered;
	[smem:$0x3FD2] =	sst s25  }
0xa6: {  	s4 =	sshll.u32 s26, $0x1;
	_ =	strace $0x80000049;
	[dreg:$0x1] =	wrdreg $0xFFFFFFFF  }
0xa7: {  	s28 =	simm.s32 $_size_execute0_lowered;
	s2 =	sadd.s32 s2, s4;
	[dreg:$0x0] =	wrdreg $0x0  }
0xa8: {  	s4 =	sshll.u32 s28, $0x1;
	[dreg:$0x2] =	wrdreg s2  }
0xa9: {  	[dreg:$0x3] =	wrdreg s4  }
0xaa: {  	[dreg:$0x4] =	wrdreg $0xC0  }
0xab: {  	_ =	task [dreg:s6], $0x5FFFF  }
0xac: {  	[dreg:$0x1] =	wrdreg $0xFFFFFFFF  }
0xad: {  	[dreg:$0x0] =	wrdreg $0x60  }
0xae: {  	[dreg:$0x2] =	wrdreg s24  }
0xaf: {  	[dreg:$0x3] =	wrdreg $0xBA000  }
0xb0: {  	[dreg:$0x4] =	wrdreg $0x9  }
0xb1: {  	_ =	task.clear_ibuf [dreg:s6], $0x5FFFF;
	_ =	strace $0x90000049  }
0xb2: {  	s29 =	simm.s32 $0x9;
	_ =	strace $0x8000004B  }
0xb3: {  	_ =	swait.ge [sflag:s29], $0x1  }
0xb4: {  	[sflag:s29] =	ssyncadd.s32 $0xFFFFFFFF  }
0xb5: {  	_ =	strace $0x9000004B  }
0xb6: {  	_ =	sfence  }
0xb7: {  	s30 =	sld [smem:$0x0];
	_ =	sdelay $0x2  }
0xb8: {  	s31 =	sshll.u32 s1, $0xD;
	s1 =	sshrl.u32 s1, $0x2  }
0xb9: {  	s3 =	sand.u32 $0x4000, s31;
	s1 =	sadd.s32 s1, s30  }
0xba: {  	s0 =	sor.u32 s3, s0;
	s1 =	sshll.u32 s1, $0x11  }
0xbb: {  	s0 =	sor.u32 s1, s0  }
0xbc: {  	s0 =	sadd.s32 $0x8F2B, s0  }
0xbd: {  	[sflag:s0] =	ssyncadd.remote.s32 $0x1  }
0xbe: {  	_ =	sfence.sel $0xFFFF  }
0xbf: {  	[dreg:$0x0] =	wrdreg $0xFFFFFFFF;
	(pc) =	sbr.abs _section_cstart, $3  }
0xc0: {  	[dreg:$0x1] =	wrdreg $0xFFFFFFFF  }
0xc1: {  	_ =	task.clear_ibuf [dreg:s6], $0x2FFFF;
	_ =	strace $0x9FFFFFFF  }
0xc2: {  	(tm) =	ssettm $0x7FFFFFFF  }
0xc3: {  	_ =	shalt  }
tec
execute0_lowered:
.L_overlay_start_1:
0x0: {  	(tag) =	ssettag $0x1  }
0x1: {  	s0 =	srdreg.scid  }
0x2: {  	s9 =	stileid.u32;
	s6 =	rddreg [dreg:$0x0]  }
0x3: {  	s2 =	rddreg [dreg:$0x1];
	s3 =	simm.s32 $0x0;
	s13 =	simm.s32 $0x7  }
0x4: {  	s14 =	simm.s32 $0x60;
	s15 =	simm.s32 $0x2A00;
	s16 =	simm.s32 $0x100  }
0x5: {  	s17 =	simm.s32 $0x5A00;
	s18 =	simm.s32 $0x1;
	s19 =	simm.s32 $0x200  }
0x6: {  	s20 =	simm.s32 $0x8A00;
	s21 =	simm.s32 $0x80;
	s22 =	simm.s32 $0x2  }
0x7: {  	s23 =	simm.s32 $0x4;
	s24 =	simm.s32 $0x3;
	s28 =	simm.s32 $0x2880  }
0x8: {  	s29 =	simm.s32 $0x2980;
	s30 =	simm.s32 $0x0;
	s0 =	sand.u32 $0x1, s0  }
0x9: {  	s1 =	sshll.u32 s9, $0x1;
	[smem:$0x7FF] =	sst s3;
	s7 =	smul.u32 $0x13C00, s9  }
0xa: {  	s4 =	sadd.s32 $0x6CC00, s6;
	s8 =	smul.u32 $0x4F000, s9;
	s31 =	sshll.u32 s9, $0x6  }
0xb: {  	s1 =	sor.u32 s0, s1;
	s5 =	smul.u32 $0x13C000, s0;
	s0 =	ssub.s32 $0x2, s0  }
0xc: {  	_ =	strace $0x8000004A;
	s1 =	smul.u32 $0x6C00, s1;
	s25 =	sshrl.u32 s0, $0x1  }
0xd: {  	s26 =	sshrl.u32 s8, $0x2;
	s5 =	sadd.s32 s7, s5;
	s0 =	ssub.s32 s0, s25  }
0xe: {  	s12 =	sadd.s32 s26, s2;
	s25 =	simm.s32 $0x5;
	s26 =	simm.s32 $0x6  }
0xf: {  	s1 =	sshrl.u32 s1, $0x3;
	s7 =	sshrl.u32 s5, $0x3;
	s5 =	sadd.s32 $0x93E00, s6  }
0x10: {  	s11 =	smax.u32 s0, $0x1;
	s12 =	sshrl.u32 s12, $0x3;
	s1 =	sadd.s32 s1, s6  }
0x11: {  	s10 =	sadd.s32 s7, s6;
	s6 =	sor.u32 $0x1C07, s31;
	s7 =	sadd.s32 $0x1C00, s1  }
0x12: {  	s8 =	sadd.s32 $0x2140, s1;
	s9 =	sadd.s32 $0x2680, s1;
	s10 =	sadd.s32 $0x96600, s10  }
.LBB2_1:
0x13: {  	[spmem:s12], [sflag:s6] =	dma.local [hbm:s5], $0x2780  }
0x14: {  	_ =	swait.ge [sflag:s13], $0x2780  }
0x15: {  	[sflag:s13] =	ssyncset.done $0x0  }
0x16: {  	[sflag:s13] =	ssyncadd.s32 $0xFFFFD880  }
0x17: {  	[bflag:$0x0] =	sbarrier.arrive $0xFFFF  }
0x18: {  	[tilespmem:s3], [sflag:$0x7] =	stream.linear.gather [hbm4b:s7+s3], $0x2A00, $0x38;
	[tilespmem:$0x1F600] =	vst v63  }
0x19: {  	_ =	swait.ge [sflag:s13], $0x2A00  }
0x1a: {  	[sflag:s13] =	ssyncset.done $0x0  }
0x1b: {  	[sflag:s13] =	ssyncadd.s32 $0xFFFFD600  }
0x1c: {  	[tilespmem:s15], [sflag:$0x1] =	stream.indirect.gather [hbm4b:s4+s14], $0x80, s3, s14, $0xb8;
	[tilespmem:$0x1F600] =	vst v63  }
0x1d: {  	_ = 	snop  }
0x1e: {  	[tilespmem:s17], [sflag:$0x2] =	stream.indirect.gather [hbm4b:s4+s14], $0x80, s16, s14, $0xb8;
	[tilespmem:$0x1F600] =	vst v63  }
0x1f: {  	_ =	swait.ge [sflag:s18], $0x3000  }
0x20: {  	[sflag:s18] =	ssyncset.done $0x0  }
0x21: {  	[sflag:s18] =	ssyncadd.s32 $0xFFFFD000  }
0x22: {  	[tilespmem:s20], [sflag:$0x3] =	stream.indirect.gather [hbm4b:s4+s14], $0x80, s19, s14, $0xb8;
	[tilespmem:$0x1F600] =	vst v63  }
0x23: {  	_ = 	snop  }
0x24: {  	[spmem:s2] =	stream.indirect.scatter.add.f32 [tilespmem:s15], [sflag:$0x4], $0x80, s21, s14, $0xb8;
	[tilespmem:$0x1F600] =	vst v63  }
0x25: {  	_ =	swait.ge [sflag:s22], $0x3000  }
0x26: {  	[sflag:s22] =	ssyncset.done $0x0  }
0x27: {  	[sflag:s22] =	ssyncadd.s32 $0xFFFFD000  }
0x28: {  	_ =	swait.ge [sflag:s23], $0x3000  }
0x29: {  	[sflag:s23] =	ssyncset.done $0x0  }
0x2a: {  	s1 =	simm.s32 $0x300;
	[sflag:s23] =	ssyncadd.s32 $0xFFFFD000  }
0x2b: {  	[tilespmem:s15], [sflag:$0x1] =	stream.indirect.gather [hbm4b:s4+s14], $0x80, s1, s14, $0xb8;
	[tilespmem:$0x1F600] =	vst v63  }
0x2c: {  	s0 =	simm.s32 $0x180  }
0x2d: {  	[spmem:s2] =	stream.indirect.scatter.add.f32 [tilespmem:s17], [sflag:$0x5], $0x80, s0, s14, $0xb8;
	[tilespmem:$0x1F600] =	vst v63  }
0x2e: {  	_ =	swait.ge [sflag:s24], $0x3000  }
0x2f: {  	[sflag:s24] =	ssyncset.done $0x0  }
0x30: {  	[sflag:s24] =	ssyncadd.s32 $0xFFFFD000  }
0x31: {  	_ =	swait.ge [sflag:s25], $0x3000  }
0x32: {  	[sflag:s25] =	ssyncset.done $0x0  }
0x33: {  	s0 =	simm.s32 $0x400;
	[sflag:s25] =	ssyncadd.s32 $0xFFFFD000  }
0x34: {  	[tilespmem:s17], [sflag:$0x2] =	stream.indirect.gather [hbm4b:s4+s14], $0x80, s0, s14, $0xb8;
	[tilespmem:$0x1F600] =	vst v63  }
0x35: {  	s0 =	simm.s32 $0x280  }
0x36: {  	[spmem:s2] =	stream.indirect.scatter.add.f32 [tilespmem:s20], [sflag:$0x6], $0x80, s0, s14, $0xb8;
	[tilespmem:$0x1F600] =	vst v63  }
0x37: {  	_ =	swait.ge [sflag:s18], $0x3000  }
0x38: {  	[sflag:s18] =	ssyncset.done $0x0  }
0x39: {  	[sflag:s18] =	ssyncadd.s32 $0xFFFFD000  }
0x3a: {  	_ =	swait.ge [sflag:s26], $0x3000  }
0x3b: {  	s31 =	simm.s32 $0xC00;
	[sflag:s26] =	ssyncset.done $0x0  }
0x3c: {  	s1 =	simm.s32 $0x380;
	s0 =	simm.s32 $0x500;
	[sflag:s26] =	ssyncadd.s32 $0xFFFFD000  }
0x3d: {  	[tilespmem:s20], [sflag:$0x3] =	stream.indirect.gather [hbm4b:s4+s14], $0x80, s0, s14, $0xb8;
	[tilespmem:$0x1F600] =	vst v63  }
.LBB2_2:
0x3e: {  	[spmem:s2] =	stream.indirect.scatter.add.f32 [tilespmem:s15], [sflag:$0x4], $0x80, s1, s14, $0xb8;
	[tilespmem:$0x1F600] =	vst v63  }
0x3f: {  	s1 =	smov.u32 s31  }
0x40: {  	p0 =	sne.s32 s31, $0x9000;
	s31 =	sadd.s32 $0xC00, s31;
	_ =	swait.ge [sflag:s22], $0x3000  }
0x41: {  	[sflag:s22] =	ssyncset.done $0x0  }
0x42: {  	[sflag:s22] =	ssyncadd.s32 $0xFFFFD000  }
0x43: {  	_ =	swait.ge [sflag:s23], $0x3000  }
0x44: {  	s1 =	sshra.s32 s1, $0x2;
	[sflag:s23] =	ssyncset.done $0x0  }
0x45: {  	s0 =	sadd.s32 $0x300, s1;
	[sflag:s23] =	ssyncadd.s32 $0xFFFFD000  }
0x46: {  	[tilespmem:s15], [sflag:$0x1] =	stream.indirect.gather [hbm4b:s4+s14], $0x80, s0, s14, $0xb8;
	[tilespmem:$0x1F600] =	vst v63  }
0x47: {  	s0 =	sadd.s32 $0x180, s1  }
0x48: {  	[spmem:s2] =	stream.indirect.scatter.add.f32 [tilespmem:s17], [sflag:$0x5], $0x80, s0, s14, $0xb8;
	[tilespmem:$0x1F600] =	vst v63  }
0x49: {  	_ =	swait.ge [sflag:s24], $0x3000  }
0x4a: {  	[sflag:s24] =	ssyncset.done $0x0  }
0x4b: {  	[sflag:s24] =	ssyncadd.s32 $0xFFFFD000  }
0x4c: {  	_ =	swait.ge [sflag:s25], $0x3000  }
0x4d: {  	[sflag:s25] =	ssyncset.done $0x0  }
0x4e: {  	s0 =	sadd.s32 $0x400, s1;
	[sflag:s25] =	ssyncadd.s32 $0xFFFFD000  }
0x4f: {  	[tilespmem:s17], [sflag:$0x2] =	stream.indirect.gather [hbm4b:s4+s14], $0x80, s0, s14, $0xb8;
	[tilespmem:$0x1F600] =	vst v63  }
0x50: {  	s0 =	sadd.s32 $0x280, s1  }
0x51: {  	[spmem:s2] =	stream.indirect.scatter.add.f32 [tilespmem:s20], [sflag:$0x6], $0x80, s0, s14, $0xb8;
	[tilespmem:$0x1F600] =	vst v63  }
0x52: {  	_ =	swait.ge [sflag:s18], $0x3000  }
0x53: {  	[sflag:s18] =	ssyncset.done $0x0  }
0x54: {  	[sflag:s18] =	ssyncadd.s32 $0xFFFFD000  }
.Ltmp0:
0x55: {  	_ =	swait.ge [sflag:s26], $0x3000;
	(pc) =	sbr.rel @p0 .LBB2_2-.Ltmp0, $4  }
0x56: {  	[sflag:s26] =	ssyncset.done $0x0  }
0x57: {  	s0 =	sadd.s32 $0x500, s1;
	[sflag:s26] =	ssyncadd.s32 $0xFFFFD000  }
0x58: {  	[tilespmem:s20], [sflag:$0x3] =	stream.indirect.gather [hbm4b:s4+s14], $0x80, s0, s14, $0xb8;
	[tilespmem:$0x1F600] =	vst v63  }
0x59: {  	s1 =	sadd.s32 $0x380, s1  }
0x5a: {  	[spmem:s2] =	stream.indirect.scatter.add.f32 [tilespmem:s15], [sflag:$0x4], $0x80, s1, s14, $0xb8;
	[tilespmem:$0x1F600] =	vst v63  }
0x5b: {  	_ =	swait.ge [sflag:s22], $0x3000  }
0x5c: {  	[sflag:s22] =	ssyncset.done $0x0  }
0x5d: {  	[sflag:s22] =	ssyncadd.s32 $0xFFFFD000  }
0x5e: {  	_ =	swait.ge [sflag:s23], $0x3000  }
0x5f: {  	[sflag:s23] =	ssyncset.done $0x0  }
0x60: {  	[sflag:s23] =	ssyncadd.s32 $0xFFFFD000  }
0x61: {  	[spmem:s2] =	stream.indirect.scatter.add.f32 [tilespmem:s17], [sflag:$0x5], $0x80, s28, s14, $0xb8;
	[tilespmem:$0x1F600] =	vst v63  }
0x62: {  	_ =	swait.ge [sflag:s24], $0x3000  }
0x63: {  	[sflag:s24] =	ssyncset.done $0x0  }
0x64: {  	[sflag:s24] =	ssyncadd.s32 $0xFFFFD000  }
0x65: {  	_ =	swait.ge [sflag:s25], $0x3000  }
0x66: {  	[sflag:s25] =	ssyncset.done $0x0  }
0x67: {  	[sflag:s25] =	ssyncadd.s32 $0xFFFFD000  }
0x68: {  	[spmem:s2] =	stream.indirect.scatter.add.f32 [tilespmem:s20], [sflag:$0x6], $0x80, s29, s14, $0xb8;
	[tilespmem:$0x1F600] =	vst v63  }
0x69: {  	_ =	swait.ge [sflag:s26], $0x3000  }
0x6a: {  	[sflag:s26] =	ssyncset.done $0x0  }
0x6b: {  	s0 =	simm.s32 $0x0;
	[sflag:s26] =	ssyncadd.s32 $0xFFFFD000  }
0x6c: {  	[tilespmem:s0], [sflag:$0x7] =	stream.linear.gather [hbm4b:s8+s0], $0x2A00, $0x38;
	[tilespmem:$0x1F600] =	vst v63  }
0x6d: {  	_ =	swait.ge [sflag:s13], $0x2A00  }
0x6e: {  	[sflag:s13] =	ssyncset.done $0x0  }
0x6f: {  	[sflag:s13] =	ssyncadd.s32 $0xFFFFD600  }
0x70: {  	[tilespmem:s15], [sflag:$0x1] =	stream.indirect.gather [hbm4b:s4+s14], $0x80, s0, s14, $0xb8;
	[tilespmem:$0x1F600] =	vst v63  }
0x71: {  	_ = 	snop  }
0x72: {  	[tilespmem:s17], [sflag:$0x2] =	stream.indirect.gather [hbm4b:s4+s14], $0x80, s16, s14, $0xb8;
	[tilespmem:$0x1F600] =	vst v63  }
0x73: {  	_ =	swait.ge [sflag:s18], $0x3000  }
0x74: {  	[sflag:s18] =	ssyncset.done $0x0  }
0x75: {  	[sflag:s18] =	ssyncadd.s32 $0xFFFFD000  }
0x76: {  	[tilespmem:s20], [sflag:$0x3] =	stream.indirect.gather [hbm4b:s4+s14], $0x80, s19, s14, $0xb8;
	[tilespmem:$0x1F600] =	vst v63  }
0x77: {  	_ = 	snop  }
0x78: {  	[spmem:s2] =	stream.indirect.scatter.add.f32 [tilespmem:s15], [sflag:$0x4], $0x80, s21, s14, $0xb8;
	[tilespmem:$0x1F600] =	vst v63  }
0x79: {  	_ =	swait.ge [sflag:s22], $0x3000  }
0x7a: {  	[sflag:s22] =	ssyncset.done $0x0  }
0x7b: {  	[sflag:s22] =	ssyncadd.s32 $0xFFFFD000  }
0x7c: {  	_ =	swait.ge [sflag:s23], $0x3000  }
0x7d: {  	[sflag:s23] =	ssyncset.done $0x0  }
0x7e: {  	s1 =	simm.s32 $0x300;
	[sflag:s23] =	ssyncadd.s32 $0xFFFFD000  }
0x7f: {  	[tilespmem:s15], [sflag:$0x1] =	stream.indirect.gather [hbm4b:s4+s14], $0x80, s1, s14, $0xb8;
	[tilespmem:$0x1F600] =	vst v63  }
0x80: {  	s1 =	simm.s32 $0x180  }
0x81: {  	[spmem:s2] =	stream.indirect.scatter.add.f32 [tilespmem:s17], [sflag:$0x5], $0x80, s1, s14, $0xb8;
	[tilespmem:$0x1F600] =	vst v63  }
0x82: {  	_ =	swait.ge [sflag:s24], $0x3000  }
0x83: {  	[sflag:s24] =	ssyncset.done $0x0  }
0x84: {  	[sflag:s24] =	ssyncadd.s32 $0xFFFFD000  }
0x85: {  	_ =	swait.ge [sflag:s25], $0x3000  }
0x86: {  	[sflag:s25] =	ssyncset.done $0x0  }
0x87: {  	s1 =	simm.s32 $0x400;
	[sflag:s25] =	ssyncadd.s32 $0xFFFFD000  }
0x88: {  	[tilespmem:s17], [sflag:$0x2] =	stream.indirect.gather [hbm4b:s4+s14], $0x80, s1, s14, $0xb8;
	[tilespmem:$0x1F600] =	vst v63  }
0x89: {  	s1 =	simm.s32 $0x280  }
0x8a: {  	[spmem:s2] =	stream.indirect.scatter.add.f32 [tilespmem:s20], [sflag:$0x6], $0x80, s1, s14, $0xb8;
	[tilespmem:$0x1F600] =	vst v63  }
0x8b: {  	_ =	swait.ge [sflag:s18], $0x3000  }
0x8c: {  	[sflag:s18] =	ssyncset.done $0x0  }
0x8d: {  	[sflag:s18] =	ssyncadd.s32 $0xFFFFD000  }
0x8e: {  	_ =	swait.ge [sflag:s26], $0x3000  }
0x8f: {  	[sflag:s26] =	ssyncset.done $0x0  }
0x90: {  	s1 =	simm.s32 $0x500;
	[sflag:s26] =	ssyncadd.s32 $0xFFFFD000  }
0x91: {  	[tilespmem:s20], [sflag:$0x3] =	stream.indirect.gather [hbm4b:s4+s14], $0x80, s1, s14, $0xb8;
	[tilespmem:$0x1F600] =	vst v63  }
0x92: {  	s31 =	simm.s32 $0xC00;
	s1 =	simm.s32 $0x380  }
.LBB2_4:
0x93: {  	[spmem:s2] =	stream.indirect.scatter.add.f32 [tilespmem:s15], [sflag:$0x4], $0x80, s1, s14, $0xb8;
	[tilespmem:$0x1F600] =	vst v63  }
0x94: {  	s0 =	smov.u32 s31  }
0x95: {  	p0 =	sne.s32 s31, $0x9000;
	s31 =	sadd.s32 $0xC00, s31;
	_ =	swait.ge [sflag:s22], $0x3000  }
0x96: {  	[sflag:s22] =	ssyncset.done $0x0  }
0x97: {  	[sflag:s22] =	ssyncadd.s32 $0xFFFFD000  }
0x98: {  	_ =	swait.ge [sflag:s23], $0x3000  }
0x99: {  	s0 =	sshra.s32 s0, $0x2;
	[sflag:s23] =	ssyncset.done $0x0  }
0x9a: {  	s1 =	sadd.s32 $0x300, s0;
	[sflag:s23] =	ssyncadd.s32 $0xFFFFD000  }
0x9b: {  	[tilespmem:s15], [sflag:$0x1] =	stream.indirect.gather [hbm4b:s4+s14], $0x80, s1, s14, $0xb8;
	[tilespmem:$0x1F600] =	vst v63  }
0x9c: {  	s1 =	sadd.s32 $0x180, s0  }
0x9d: {  	[spmem:s2] =	stream.indirect.scatter.add.f32 [tilespmem:s17], [sflag:$0x5], $0x80, s1, s14, $0xb8;
	[tilespmem:$0x1F600] =	vst v63  }
0x9e: {  	_ =	swait.ge [sflag:s24], $0x3000  }
0x9f: {  	[sflag:s24] =	ssyncset.done $0x0  }
0xa0: {  	[sflag:s24] =	ssyncadd.s32 $0xFFFFD000  }
0xa1: {  	_ =	swait.ge [sflag:s25], $0x3000  }
0xa2: {  	[sflag:s25] =	ssyncset.done $0x0  }
0xa3: {  	s1 =	sadd.s32 $0x400, s0;
	[sflag:s25] =	ssyncadd.s32 $0xFFFFD000  }
0xa4: {  	[tilespmem:s17], [sflag:$0x2] =	stream.indirect.gather [hbm4b:s4+s14], $0x80, s1, s14, $0xb8;
	[tilespmem:$0x1F600] =	vst v63  }
0xa5: {  	s1 =	sadd.s32 $0x280, s0  }
0xa6: {  	[spmem:s2] =	stream.indirect.scatter.add.f32 [tilespmem:s20], [sflag:$0x6], $0x80, s1, s14, $0xb8;
	[tilespmem:$0x1F600] =	vst v63  }
0xa7: {  	_ =	swait.ge [sflag:s18], $0x3000  }
0xa8: {  	[sflag:s18] =	ssyncset.done $0x0  }
0xa9: {  	[sflag:s18] =	ssyncadd.s32 $0xFFFFD000  }
.Ltmp1:
0xaa: {  	_ =	swait.ge [sflag:s26], $0x3000;
	(pc) =	sbr.rel @p0 .LBB2_4-.Ltmp1, $4  }
0xab: {  	[sflag:s26] =	ssyncset.done $0x0  }
0xac: {  	s1 =	sadd.s32 $0x500, s0;
	[sflag:s26] =	ssyncadd.s32 $0xFFFFD000  }
0xad: {  	[tilespmem:s20], [sflag:$0x3] =	stream.indirect.gather [hbm4b:s4+s14], $0x80, s1, s14, $0xb8;
	[tilespmem:$0x1F600] =	vst v63  }
0xae: {  	s1 =	sadd.s32 $0x380, s0  }
0xaf: {  	[spmem:s2] =	stream.indirect.scatter.add.f32 [tilespmem:s15], [sflag:$0x4], $0x80, s1, s14, $0xb8;
	[tilespmem:$0x1F600] =	vst v63  }
0xb0: {  	_ =	swait.ge [sflag:s22], $0x3000  }
0xb1: {  	[sflag:s22] =	ssyncset.done $0x0  }
0xb2: {  	[sflag:s22] =	ssyncadd.s32 $0xFFFFD000  }
0xb3: {  	_ =	swait.ge [sflag:s23], $0x3000  }
0xb4: {  	[sflag:s23] =	ssyncset.done $0x0  }
0xb5: {  	[sflag:s23] =	ssyncadd.s32 $0xFFFFD000  }
0xb6: {  	[spmem:s2] =	stream.indirect.scatter.add.f32 [tilespmem:s17], [sflag:$0x5], $0x80, s28, s14, $0xb8;
	[tilespmem:$0x1F600] =	vst v63  }
0xb7: {  	_ =	swait.ge [sflag:s24], $0x3000  }
0xb8: {  	[sflag:s24] =	ssyncset.done $0x0  }
0xb9: {  	[sflag:s24] =	ssyncadd.s32 $0xFFFFD000  }
0xba: {  	_ =	swait.ge [sflag:s25], $0x3000  }
0xbb: {  	[sflag:s25] =	ssyncset.done $0x0  }
0xbc: {  	[sflag:s25] =	ssyncadd.s32 $0xFFFFD000  }
0xbd: {  	[spmem:s2] =	stream.indirect.scatter.add.f32 [tilespmem:s20], [sflag:$0x6], $0x80, s29, s14, $0xb8;
	[tilespmem:$0x1F600] =	vst v63  }
0xbe: {  	_ =	swait.ge [sflag:s26], $0x3000  }
0xbf: {  	[sflag:s26] =	ssyncset.done $0x0  }
0xc0: {  	[sflag:s26] =	ssyncadd.s32 $0xFFFFD000  }
0xc1: {  	[tilespmem:s3], [sflag:$0x7] =	stream.linear.gather [hbm4b:s9+s3], $0x1800, $0x38;
	[tilespmem:$0x1F600] =	vst v63  }
0xc2: {  	_ =	swait.ge [sflag:s13], $0x1800  }
0xc3: {  	[sflag:s13] =	ssyncset.done $0x0  }
0xc4: {  	[sflag:s13] =	ssyncadd.s32 $0xFFFFE800  }
0xc5: {  	[tilespmem:s15], [sflag:$0x1] =	stream.indirect.gather [hbm4b:s4+s14], $0x80, s3, s14, $0xb8;
	[tilespmem:$0x1F600] =	vst v63  }
0xc6: {  	_ = 	snop  }
0xc7: {  	[tilespmem:s17], [sflag:$0x2] =	stream.indirect.gather [hbm4b:s4+s14], $0x80, s16, s14, $0xb8;
	[tilespmem:$0x1F600] =	vst v63  }
0xc8: {  	_ =	swait.ge [sflag:s18], $0x3000  }
0xc9: {  	[sflag:s18] =	ssyncset.done $0x0  }
0xca: {  	[sflag:s18] =	ssyncadd.s32 $0xFFFFD000  }
0xcb: {  	[tilespmem:s20], [sflag:$0x3] =	stream.indirect.gather [hbm4b:s4+s14], $0x80, s19, s14, $0xb8;
	[tilespmem:$0x1F600] =	vst v63  }
0xcc: {  	_ = 	snop  }
0xcd: {  	[spmem:s2] =	stream.indirect.scatter.add.f32 [tilespmem:s15], [sflag:$0x4], $0x80, s21, s14, $0xb8;
	[tilespmem:$0x1F600] =	vst v63  }
0xce: {  	_ =	swait.ge [sflag:s22], $0x3000  }
0xcf: {  	[sflag:s22] =	ssyncset.done $0x0  }
0xd0: {  	[sflag:s22] =	ssyncadd.s32 $0xFFFFD000  }
0xd1: {  	_ =	swait.ge [sflag:s23], $0x3000  }
0xd2: {  	[sflag:s23] =	ssyncset.done $0x0  }
0xd3: {  	s0 =	simm.s32 $0x300;
	[sflag:s23] =	ssyncadd.s32 $0xFFFFD000  }
0xd4: {  	[tilespmem:s15], [sflag:$0x1] =	stream.indirect.gather [hbm4b:s4+s14], $0x80, s0, s14, $0xb8;
	[tilespmem:$0x1F600] =	vst v63  }
0xd5: {  	s31 =	simm.s32 $0x180  }
0xd6: {  	[spmem:s2] =	stream.indirect.scatter.add.f32 [tilespmem:s17], [sflag:$0x5], $0x80, s31, s14, $0xb8;
	[tilespmem:$0x1F600] =	vst v63  }
0xd7: {  	_ =	swait.ge [sflag:s24], $0x3000  }
0xd8: {  	[sflag:s24] =	ssyncset.done $0x0  }
0xd9: {  	[sflag:s24] =	ssyncadd.s32 $0xFFFFD000  }
0xda: {  	_ =	swait.ge [sflag:s25], $0x3000  }
0xdb: {  	[sflag:s25] =	ssyncset.done $0x0  }
0xdc: {  	s1 =	simm.s32 $0x400;
	[sflag:s25] =	ssyncadd.s32 $0xFFFFD000  }
0xdd: {  	[tilespmem:s17], [sflag:$0x2] =	stream.indirect.gather [hbm4b:s4+s14], $0x80, s1, s14, $0xb8;
	[tilespmem:$0x1F600] =	vst v63  }
0xde: {  	s31 =	simm.s32 $0x280  }
0xdf: {  	[spmem:s2] =	stream.indirect.scatter.add.f32 [tilespmem:s20], [sflag:$0x6], $0x80, s31, s14, $0xb8;
	[tilespmem:$0x1F600] =	vst v63  }
0xe0: {  	_ =	swait.ge [sflag:s18], $0x3000  }
0xe1: {  	[sflag:s18] =	ssyncset.done $0x0  }
0xe2: {  	[sflag:s18] =	ssyncadd.s32 $0xFFFFD000  }
0xe3: {  	_ =	swait.ge [sflag:s26], $0x3000  }
0xe4: {  	[sflag:s26] =	ssyncset.done $0x0  }
0xe5: {  	s1 =	simm.s32 $0x500;
	[sflag:s26] =	ssyncadd.s32 $0xFFFFD000  }
0xe6: {  	[tilespmem:s20], [sflag:$0x3] =	stream.indirect.gather [hbm4b:s4+s14], $0x80, s1, s14, $0xb8;
	[tilespmem:$0x1F600] =	vst v63  }
0xe7: {  	s31 =	simm.s32 $0x380  }
0xe8: {  	[spmem:s2] =	stream.indirect.scatter.add.f32 [tilespmem:s15], [sflag:$0x4], $0x80, s31, s14, $0xb8;
	[tilespmem:$0x1F600] =	vst v63  }
0xe9: {  	_ =	swait.ge [sflag:s22], $0x3000  }
0xea: {  	[sflag:s22] =	ssyncset.done $0x0  }
0xeb: {  	[sflag:s22] =	ssyncadd.s32 $0xFFFFD000  }
0xec: {  	_ =	swait.ge [sflag:s23], $0x3000  }
0xed: {  	[sflag:s23] =	ssyncset.done $0x0  }
0xee: {  	s1 =	simm.s32 $0x600;
	[sflag:s23] =	ssyncadd.s32 $0xFFFFD000  }
0xef: {  	[tilespmem:s15], [sflag:$0x1] =	stream.indirect.gather [hbm4b:s4+s14], $0x80, s1, s14, $0xb8;
	[tilespmem:$0x1F600] =	vst v63  }
0xf0: {  	s31 =	simm.s32 $0x480  }
0xf1: {  	[spmem:s2] =	stream.indirect.scatter.add.f32 [tilespmem:s17], [sflag:$0x5], $0x80, s31, s14, $0xb8;
	[tilespmem:$0x1F600] =	vst v63  }
0xf2: {  	_ =	swait.ge [sflag:s24], $0x3000  }
0xf3: {  	[sflag:s24] =	ssyncset.done $0x0  }
0xf4: {  	[sflag:s24] =	ssyncadd.s32 $0xFFFFD000  }
0xf5: {  	_ =	swait.ge [sflag:s25], $0x3000  }
0xf6: {  	[sflag:s25] =	ssyncset.done $0x0  }
0xf7: {  	s1 =	simm.s32 $0x700;
	[sflag:s25] =	ssyncadd.s32 $0xFFFFD000  }
0xf8: {  	[tilespmem:s17], [sflag:$0x2] =	stream.indirect.gather [hbm4b:s4+s14], $0x80, s1, s14, $0xb8;
	[tilespmem:$0x1F600] =	vst v63  }
0xf9: {  	s31 =	simm.s32 $0x580  }
0xfa: {  	[spmem:s2] =	stream.indirect.scatter.add.f32 [tilespmem:s20], [sflag:$0x6], $0x80, s31, s14, $0xb8;
	[tilespmem:$0x1F600] =	vst v63  }
0xfb: {  	_ =	swait.ge [sflag:s18], $0x3000  }
0xfc: {  	[sflag:s18] =	ssyncset.done $0x0  }
0xfd: {  	[sflag:s18] =	ssyncadd.s32 $0xFFFFD000  }
0xfe: {  	_ =	swait.ge [sflag:s26], $0x3000  }
0xff: {  	[sflag:s26] =	ssyncset.done $0x0  }
0x100: {  	s1 =	simm.s32 $0x800;
	[sflag:s26] =	ssyncadd.s32 $0xFFFFD000  }
0x101: {  	[tilespmem:s20], [sflag:$0x3] =	stream.indirect.gather [hbm4b:s4+s14], $0x80, s1, s14, $0xb8;
	[tilespmem:$0x1F600] =	vst v63  }
0x102: {  	s31 =	simm.s32 $0x680  }
0x103: {  	[spmem:s2] =	stream.indirect.scatter.add.f32 [tilespmem:s15], [sflag:$0x4], $0x80, s31, s14, $0xb8;
	[tilespmem:$0x1F600] =	vst v63  }
0x104: {  	_ =	swait.ge [sflag:s22], $0x3000  }
0x105: {  	[sflag:s22] =	ssyncset.done $0x0  }
0x106: {  	[sflag:s22] =	ssyncadd.s32 $0xFFFFD000  }
0x107: {  	_ =	swait.ge [sflag:s23], $0x3000  }
0x108: {  	[sflag:s23] =	ssyncset.done $0x0  }
0x109: {  	s1 =	simm.s32 $0x900;
	[sflag:s23] =	ssyncadd.s32 $0xFFFFD000  }
0x10a: {  	[tilespmem:s15], [sflag:$0x1] =	stream.indirect.gather [hbm4b:s4+s14], $0x80, s1, s14, $0xb8;
	[tilespmem:$0x1F600] =	vst v63  }
0x10b: {  	s31 =	simm.s32 $0x780  }
0x10c: {  	[spmem:s2] =	stream.indirect.scatter.add.f32 [tilespmem:s17], [sflag:$0x5], $0x80, s31, s14, $0xb8;
	[tilespmem:$0x1F600] =	vst v63  }
0x10d: {  	_ =	swait.ge [sflag:s24], $0x3000  }
0x10e: {  	[sflag:s24] =	ssyncset.done $0x0  }
0x10f: {  	[sflag:s24] =	ssyncadd.s32 $0xFFFFD000  }
0x110: {  	_ =	swait.ge [sflag:s25], $0x3000  }
0x111: {  	[sflag:s25] =	ssyncset.done $0x0  }
0x112: {  	s1 =	simm.s32 $0xA00;
	[sflag:s25] =	ssyncadd.s32 $0xFFFFD000  }
0x113: {  	[tilespmem:s17], [sflag:$0x2] =	stream.indirect.gather [hbm4b:s4+s14], $0x80, s1, s14, $0xb8;
	[tilespmem:$0x1F600] =	vst v63  }
0x114: {  	s31 =	simm.s32 $0x880  }
0x115: {  	[spmem:s2] =	stream.indirect.scatter.add.f32 [tilespmem:s20], [sflag:$0x6], $0x80, s31, s14, $0xb8;
	[tilespmem:$0x1F600] =	vst v63  }
0x116: {  	_ =	swait.ge [sflag:s18], $0x3000  }
0x117: {  	[sflag:s18] =	ssyncset.done $0x0  }
0x118: {  	[sflag:s18] =	ssyncadd.s32 $0xFFFFD000  }
0x119: {  	_ =	swait.ge [sflag:s26], $0x3000  }
0x11a: {  	[sflag:s26] =	ssyncset.done $0x0  }
0x11b: {  	s1 =	simm.s32 $0xB00;
	[sflag:s26] =	ssyncadd.s32 $0xFFFFD000  }
0x11c: {  	[tilespmem:s20], [sflag:$0x3] =	stream.indirect.gather [hbm4b:s4+s14], $0x80, s1, s14, $0xb8;
	[tilespmem:$0x1F600] =	vst v63  }
0x11d: {  	s31 =	simm.s32 $0x980  }
0x11e: {  	[spmem:s2] =	stream.indirect.scatter.add.f32 [tilespmem:s15], [sflag:$0x4], $0x80, s31, s14, $0xb8;
	[tilespmem:$0x1F600] =	vst v63  }
0x11f: {  	_ =	swait.ge [sflag:s22], $0x3000  }
0x120: {  	[sflag:s22] =	ssyncset.done $0x0  }
0x121: {  	[sflag:s22] =	ssyncadd.s32 $0xFFFFD000  }
0x122: {  	_ =	swait.ge [sflag:s23], $0x3000  }
0x123: {  	[sflag:s23] =	ssyncset.done $0x0  }
0x124: {  	s1 =	simm.s32 $0xC00;
	[sflag:s23] =	ssyncadd.s32 $0xFFFFD000  }
0x125: {  	[tilespmem:s15], [sflag:$0x1] =	stream.indirect.gather [hbm4b:s4+s14], $0x80, s1, s14, $0xb8;
	[tilespmem:$0x1F600] =	vst v63  }
0x126: {  	s31 =	simm.s32 $0xA80  }
0x127: {  	[spmem:s2] =	stream.indirect.scatter.add.f32 [tilespmem:s17], [sflag:$0x5], $0x80, s31, s14, $0xb8;
	[tilespmem:$0x1F600] =	vst v63  }
0x128: {  	_ =	swait.ge [sflag:s24], $0x3000  }
0x129: {  	[sflag:s24] =	ssyncset.done $0x0  }
0x12a: {  	[sflag:s24] =	ssyncadd.s32 $0xFFFFD000  }
0x12b: {  	_ =	swait.ge [sflag:s25], $0x3000  }
0x12c: {  	[sflag:s25] =	ssyncset.done $0x0  }
0x12d: {  	s1 =	simm.s32 $0xD00;
	[sflag:s25] =	ssyncadd.s32 $0xFFFFD000  }
0x12e: {  	[tilespmem:s17], [sflag:$0x2] =	stream.indirect.gather [hbm4b:s4+s14], $0x80, s1, s14, $0xb8;
	[tilespmem:$0x1F600] =	vst v63  }
0x12f: {  	s31 =	simm.s32 $0xB80  }
0x130: {  	[spmem:s2] =	stream.indirect.scatter.add.f32 [tilespmem:s20], [sflag:$0x6], $0x80, s31, s14, $0xb8;
	[tilespmem:$0x1F600] =	vst v63  }
0x131: {  	_ =	swait.ge [sflag:s18], $0x3000  }
0x132: {  	[sflag:s18] =	ssyncset.done $0x0  }
0x133: {  	[sflag:s18] =	ssyncadd.s32 $0xFFFFD000  }
0x134: {  	_ =	swait.ge [sflag:s26], $0x3000  }
0x135: {  	[sflag:s26] =	ssyncset.done $0x0  }
0x136: {  	s1 =	simm.s32 $0xE00;
	[sflag:s26] =	ssyncadd.s32 $0xFFFFD000  }
0x137: {  	[tilespmem:s20], [sflag:$0x3] =	stream.indirect.gather [hbm4b:s4+s14], $0x80, s1, s14, $0xb8;
	[tilespmem:$0x1F600] =	vst v63  }
0x138: {  	s31 =	simm.s32 $0xC80  }
0x139: {  	[spmem:s2] =	stream.indirect.scatter.add.f32 [tilespmem:s15], [sflag:$0x4], $0x80, s31, s14, $0xb8;
	[tilespmem:$0x1F600] =	vst v63  }
0x13a: {  	_ =	swait.ge [sflag:s22], $0x3000  }
0x13b: {  	[sflag:s22] =	ssyncset.done $0x0  }
0x13c: {  	[sflag:s22] =	ssyncadd.s32 $0xFFFFD000  }
0x13d: {  	_ =	swait.ge [sflag:s23], $0x3000  }
0x13e: {  	[sflag:s23] =	ssyncset.done $0x0  }
0x13f: {  	s1 =	simm.s32 $0xF00;
	[sflag:s23] =	ssyncadd.s32 $0xFFFFD000  }
0x140: {  	[tilespmem:s15], [sflag:$0x1] =	stream.indirect.gather [hbm4b:s4+s14], $0x80, s1, s14, $0xb8;
	[tilespmem:$0x1F600] =	vst v63  }
0x141: {  	s31 =	simm.s32 $0xD80  }
0x142: {  	[spmem:s2] =	stream.indirect.scatter.add.f32 [tilespmem:s17], [sflag:$0x5], $0x80, s31, s14, $0xb8;
	[tilespmem:$0x1F600] =	vst v63  }
0x143: {  	_ =	swait.ge [sflag:s24], $0x3000  }
0x144: {  	[sflag:s24] =	ssyncset.done $0x0  }
0x145: {  	[sflag:s24] =	ssyncadd.s32 $0xFFFFD000  }
0x146: {  	_ =	swait.ge [sflag:s25], $0x3000  }
0x147: {  	[sflag:s25] =	ssyncset.done $0x0  }
0x148: {  	s1 =	simm.s32 $0x1000;
	[sflag:s25] =	ssyncadd.s32 $0xFFFFD000  }
0x149: {  	[tilespmem:s17], [sflag:$0x2] =	stream.indirect.gather [hbm4b:s4+s14], $0x80, s1, s14, $0xb8;
	[tilespmem:$0x1F600] =	vst v63  }
0x14a: {  	s31 =	simm.s32 $0xE80  }
0x14b: {  	[spmem:s2] =	stream.indirect.scatter.add.f32 [tilespmem:s20], [sflag:$0x6], $0x80, s31, s14, $0xb8;
	[tilespmem:$0x1F600] =	vst v63  }
0x14c: {  	_ =	swait.ge [sflag:s18], $0x3000  }
0x14d: {  	[sflag:s18] =	ssyncset.done $0x0  }
0x14e: {  	[sflag:s18] =	ssyncadd.s32 $0xFFFFD000  }
0x14f: {  	_ =	swait.ge [sflag:s26], $0x3000  }
0x150: {  	[sflag:s26] =	ssyncset.done $0x0  }
0x151: {  	s1 =	simm.s32 $0x1100;
	[sflag:s26] =	ssyncadd.s32 $0xFFFFD000  }
0x152: {  	[tilespmem:s20], [sflag:$0x3] =	stream.indirect.gather [hbm4b:s4+s14], $0x80, s1, s14, $0xb8;
	[tilespmem:$0x1F600] =	vst v63  }
0x153: {  	s31 =	simm.s32 $0xF80  }
0x154: {  	[spmem:s2] =	stream.indirect.scatter.add.f32 [tilespmem:s15], [sflag:$0x4], $0x80, s31, s14, $0xb8;
	[tilespmem:$0x1F600] =	vst v63  }
0x155: {  	_ =	swait.ge [sflag:s22], $0x3000  }
0x156: {  	[sflag:s22] =	ssyncset.done $0x0  }
0x157: {  	[sflag:s22] =	ssyncadd.s32 $0xFFFFD000  }
0x158: {  	_ =	swait.ge [sflag:s23], $0x3000  }
0x159: {  	[sflag:s23] =	ssyncset.done $0x0  }
0x15a: {  	s1 =	simm.s32 $0x1200;
	[sflag:s23] =	ssyncadd.s32 $0xFFFFD000  }
0x15b: {  	[tilespmem:s15], [sflag:$0x1] =	stream.indirect.gather [hbm4b:s4+s14], $0x80, s1, s14, $0xb8;
	[tilespmem:$0x1F600] =	vst v63  }
0x15c: {  	s31 =	simm.s32 $0x1080  }
0x15d: {  	[spmem:s2] =	stream.indirect.scatter.add.f32 [tilespmem:s17], [sflag:$0x5], $0x80, s31, s14, $0xb8;
	[tilespmem:$0x1F600] =	vst v63  }
0x15e: {  	_ =	swait.ge [sflag:s24], $0x3000  }
0x15f: {  	[sflag:s24] =	ssyncset.done $0x0  }
0x160: {  	[sflag:s24] =	ssyncadd.s32 $0xFFFFD000  }
0x161: {  	_ =	swait.ge [sflag:s25], $0x3000  }
0x162: {  	[sflag:s25] =	ssyncset.done $0x0  }
0x163: {  	s1 =	simm.s32 $0x1300;
	[sflag:s25] =	ssyncadd.s32 $0xFFFFD000  }
0x164: {  	[tilespmem:s17], [sflag:$0x2] =	stream.indirect.gather [hbm4b:s4+s14], $0x80, s1, s14, $0xb8;
	[tilespmem:$0x1F600] =	vst v63  }
0x165: {  	s31 =	simm.s32 $0x1180  }
0x166: {  	[spmem:s2] =	stream.indirect.scatter.add.f32 [tilespmem:s20], [sflag:$0x6], $0x80, s31, s14, $0xb8;
	[tilespmem:$0x1F600] =	vst v63  }
0x167: {  	_ =	swait.ge [sflag:s18], $0x3000  }
0x168: {  	[sflag:s18] =	ssyncset.done $0x0  }
0x169: {  	[sflag:s18] =	ssyncadd.s32 $0xFFFFD000  }
0x16a: {  	_ =	swait.ge [sflag:s26], $0x3000  }
0x16b: {  	[sflag:s26] =	ssyncset.done $0x0  }
0x16c: {  	s1 =	simm.s32 $0x1400;
	[sflag:s26] =	ssyncadd.s32 $0xFFFFD000  }
0x16d: {  	[tilespmem:s20], [sflag:$0x3] =	stream.indirect.gather [hbm4b:s4+s14], $0x80, s1, s14, $0xb8;
	[tilespmem:$0x1F600] =	vst v63  }
0x16e: {  	s31 =	simm.s32 $0x1280  }
0x16f: {  	[spmem:s2] =	stream.indirect.scatter.add.f32 [tilespmem:s15], [sflag:$0x4], $0x80, s31, s14, $0xb8;
	[tilespmem:$0x1F600] =	vst v63  }
0x170: {  	_ =	swait.ge [sflag:s22], $0x3000  }
0x171: {  	[sflag:s22] =	ssyncset.done $0x0  }
0x172: {  	[sflag:s22] =	ssyncadd.s32 $0xFFFFD000  }
0x173: {  	_ =	swait.ge [sflag:s23], $0x3000  }
0x174: {  	[sflag:s23] =	ssyncset.done $0x0  }
0x175: {  	s1 =	simm.s32 $0x1500;
	[sflag:s23] =	ssyncadd.s32 $0xFFFFD000  }
0x176: {  	[tilespmem:s15], [sflag:$0x1] =	stream.indirect.gather [hbm4b:s4+s14], $0x80, s1, s14, $0xb8;
	[tilespmem:$0x1F600] =	vst v63  }
0x177: {  	s31 =	simm.s32 $0x1380  }
0x178: {  	[spmem:s2] =	stream.indirect.scatter.add.f32 [tilespmem:s17], [sflag:$0x5], $0x80, s31, s14, $0xb8;
	[tilespmem:$0x1F600] =	vst v63  }
0x179: {  	_ =	swait.ge [sflag:s24], $0x3000  }
0x17a: {  	[sflag:s24] =	ssyncset.done $0x0  }
0x17b: {  	[sflag:s24] =	ssyncadd.s32 $0xFFFFD000  }
0x17c: {  	_ =	swait.ge [sflag:s25], $0x3000  }
0x17d: {  	[sflag:s25] =	ssyncset.done $0x0  }
0x17e: {  	s1 =	simm.s32 $0x1600;
	[sflag:s25] =	ssyncadd.s32 $0xFFFFD000  }
0x17f: {  	[tilespmem:s17], [sflag:$0x2] =	stream.indirect.gather [hbm4b:s4+s14], $0x80, s1, s14, $0xb8;
	[tilespmem:$0x1F600] =	vst v63  }
0x180: {  	s31 =	simm.s32 $0x1480  }
0x181: {  	[spmem:s2] =	stream.indirect.scatter.add.f32 [tilespmem:s20], [sflag:$0x6], $0x80, s31, s14, $0xb8;
	[tilespmem:$0x1F600] =	vst v63  }
0x182: {  	_ =	swait.ge [sflag:s18], $0x3000  }
0x183: {  	[sflag:s18] =	ssyncset.done $0x0  }
0x184: {  	[sflag:s18] =	ssyncadd.s32 $0xFFFFD000  }
0x185: {  	_ =	swait.ge [sflag:s26], $0x3000  }
0x186: {  	[sflag:s26] =	ssyncset.done $0x0  }
0x187: {  	s1 =	simm.s32 $0x1700;
	[sflag:s26] =	ssyncadd.s32 $0xFFFFD000  }
0x188: {  	[tilespmem:s20], [sflag:$0x3] =	stream.indirect.gather [hbm4b:s4+s14], $0x80, s1, s14, $0xb8;
	[tilespmem:$0x1F600] =	vst v63  }
0x189: {  	s31 =	simm.s32 $0x1580  }
0x18a: {  	[spmem:s2] =	stream.indirect.scatter.add.f32 [tilespmem:s15], [sflag:$0x4], $0x80, s31, s14, $0xb8;
	[tilespmem:$0x1F600] =	vst v63  }
0x18b: {  	_ =	swait.ge [sflag:s22], $0x3000  }
0x18c: {  	[sflag:s22] =	ssyncset.done $0x0  }
0x18d: {  	[sflag:s22] =	ssyncadd.s32 $0xFFFFD000  }
0x18e: {  	_ =	swait.ge [sflag:s23], $0x3000  }
0x18f: {  	[sflag:s23] =	ssyncset.done $0x0  }
0x190: {  	s1 =	simm.s32 $0x1680;
	[sflag:s23] =	ssyncadd.s32 $0xFFFFD000  }
0x191: {  	[spmem:s2] =	stream.indirect.scatter.add.f32 [tilespmem:s17], [sflag:$0x5], $0x80, s1, s14, $0xb8;
	[tilespmem:$0x1F600] =	vst v63  }
0x192: {  	_ =	swait.ge [sflag:s24], $0x3000  }
0x193: {  	[sflag:s24] =	ssyncset.done $0x0  }
0x194: {  	[sflag:s24] =	ssyncadd.s32 $0xFFFFD000  }
0x195: {  	_ =	swait.ge [sflag:s25], $0x3000  }
0x196: {  	[sflag:s25] =	ssyncset.done $0x0  }
0x197: {  	s31 =	simm.s32 $0x1780;
	[sflag:s25] =	ssyncadd.s32 $0xFFFFD000  }
0x198: {  	[spmem:s2] =	stream.indirect.scatter.add.f32 [tilespmem:s20], [sflag:$0x6], $0x80, s31, s14, $0xb8;
	[tilespmem:$0x1F600] =	vst v63  }
0x199: {  	_ =	swait.ge [sflag:s26], $0x3000  }
0x19a: {  	s30 =	sadd.s32 $0x1, s30;
	[sflag:s26] =	ssyncset.done $0x0  }
0x19b: {  	p0 =	sne.s32 s30, s11;
	[sflag:s26] =	ssyncadd.s32 $0xFFFFD000  }
.Ltmp2:
0x19c: {  	[bflag:$0x0] =	sbarrier.arrive $0xFFFF;
	(pc) =	sbr.rel @p0 .LBB2_1-.Ltmp2, $4  }
0x19d: {  	[hbm:s10], [sflag:s6] =	dma.local [spmem:s12], $0x2780  }
0x19e: {  	_ =	swait.ge [sflag:s13], $0x2780  }
0x19f: {  	[sflag:s13] =	ssyncset.done $0x0  }
0x1a0: {  	[sflag:s13] =	ssyncadd.s32 $0xFFFFD880  }
0x1a1: {  	_ =	sfence.sel $0x180000  }
0x1a2: {  	[bflag:$0x0] =	sbarrier.arrive $0xFFFF  }
0x1a3: {  	_ =	strace $0x9000004A  }
0x1a4: {  	s0 =	stileid.u32;
	[bflag:$0x2] =	sbarrier.arrive $0xFFFF  }
0x1a5: {  	p0 =	sne.s32 s0, $0x0;
	s0 =	rddreg [dreg:$0x2]  }
0x1a6: {  	s0 =	sadd.s32 @!p0 $0x100000, s0  }
0x1a7: {  	[sflag:s0] =	ssyncadd.tile.s32 @!p0 $0x1;
	_ =	shalt  }
.Lfunc_end2:
_tile_overlayer_lowered:
.L_overlay_start_2:
0x1a8: {  	(tag) =	ssettag $0x2  }
0x1a9: {  	s0 =	rddreg [dreg:$0x0];
	s2 =	stileid.u32  }
0x1aa: {  	s1 =	rddreg [dreg:$0x1];
	p0 =	sne.s32 s2, $0x0  }
0x1ab: {  	s3 =	rddreg [dreg:$0x2];
	[bflag:$0x3] =	sbarrier.arrive $0xFFFF;
	s2 =	simm.s32 @!p0 $0x1C07  }
0x1ac: {  	[timem:s3], [sflag:s2] =	dma.local @!p0 [hbm:s0], s1  }
0x1ad: {  	s0 =	simm.s32 @!p0 $0x7  }
0x1ae: {  	_ =	swait.ge @!p0 [sflag:s0], s1  }
0x1af: {  	s1 =	ssub.s32 @!p0 $0x0, s1;
	[sflag:s0] =	ssyncset.done @!p0 $0x0  }
0x1b0: {  	[sflag:s0] =	ssyncadd.s32 @!p0 s1  }
0x1b1: {  	[bflag:$0x3] =	sbarrier.arrive $0xFFFF  }
0x1b2: {  	_ =	shalt  }

// kernel: kernel.14.cloned.1.call-start
scs
__scs_entry_jumppad:
0x0: {  	(pc) =	sbr.rel $0x88, $3  }
0x1: {  	(tag) =	ssettag $0x0;
	lr =	simm.s32 $0x1  }
0x2: {  	[smem:$0x3F98] =	sst lr;
	_ =	strace $0xD0000000  }
0x3: {  	_ = 	snop  }
0x4: {  	_ = 	snop  }
0x5: {  	_ = 	snop  }
0x6: {  	_ = 	snop  }
0x7: {  	_ = 	snop  }
__scs_overlays_trampoline_lowered:
0x8: {  	[smem:$0x3FA7] =	sst s0  }
0x9: {  	[smem:$0x3FA8] =	sst s1  }
0xa: {  	[smem:$0x3FA9] =	sst s2  }
0xb: {  	[smem:$0x3FAA] =	sst s3  }
0xc: {  	[smem:$0x3FAB] =	sst s4  }
0xd: {  	[smem:$0x3FAC] =	sst s5  }
0xe: {  	[smem:$0x3FAD] =	sst s6  }
0xf: {  	[smem:$0x3FAE] =	sst s7  }
0x10: {  	[smem:$0x3FAF] =	sst s8  }
0x11: {  	[smem:$0x3FB0] =	sst s9;
	s0 =	simm.s32 @!p0 $0x0  }
0x12: {  	s1 =	sld [smem:$0x3F96];
	s0 =	simm.s32 @p0 $0x1  }
0x13: {  	[smem:$0x3FB1] =	sst s0;
	s0 =	simm.s32 @!p1 $0x0  }
0x14: {  	s2 =	sld [smem:$0x3F95];
	s0 =	simm.s32 @p1 $0x1  }
0x15: {  	[smem:$0x3FB2] =	sst s0;
	s0 =	simm.s32 @!p2 $0x0  }
0x16: {  	s3 =	sld [smem:$0x3FDB];
	s0 =	simm.s32 @p2 $0x1  }
0x17: {  	s4 =	simm.s32 $0x1BF5;
	[smem:$0x3FB4] =	sst s0  }
0x18: {  	s0 =	sld [smem:$0x3F97];
	_ =	swait.ge [sflag:s4], $0x0  }
0x19: {  	s7 =	sld [smem:$0x3F98]  }
0x1a: {  	s8 =	sadd.s32 $0xFFFFE003, lr  }
0x1b: {  	s9 =	sadd.s32 $0xFFFFFEF7, lr;
	s5 =	simm.s32 $0xFFFFFFFF;
	p2 =	slt.u32 s8, $0xFFFFF086  }
0x1c: {  	p1 =	slt.u32 s9, $0xF7A;
	s5 =	simm.s32 @!p2 $0x0  }
0x1d: {  	s5 =	simm.s32 @p1 $0x1;
	p0 =	seq.s32 s7, s2  }
0x1e: {  	s7 =	smul.u32 @!p0 $0xF7A, s2;
	p2 =	seq.s32 @!p0 s5, $0x0  }
0x1f: {  	s9 =	smul.u32 $0xF7A, s1;
	s8 =	simm.s32 @!p0 $0x1BF5;
	p2 =	por !p2, p0  }
0x20: {  	[sflag:s8] =	ssyncset.s32 @!p0 $0xFFFFF086;
	s6 =	sadd.s32 @!p0 s3, s7;
	s7 =	simm.s32 @!p0 $0x108  }
0x21: {  	s3 =	sadd.s32 s3, s9;
	s6 =	sadd.s32 @!p0 $0x88, s6;
	s7 =	simm.s32 @p2 $0x1082  }
0x22: {  	[simem:s7], [sflag:s8] =	dma.local @!p0 [hbm:s6], $0xF7A  }
0x23: {  	s9 =	sor.u32 $0xD0000000, s2;
	s6 =	simm.s32 $0x108;
	_ =	swait.ge @!p0 [sflag:s8], $0x0  }
0x24: {  	s3 =	sadd.s32 $0x88, s3;
	s6 =	simm.s32 @!p1 $0x1082;
	[sflag:s4] =	ssyncset.s32 $0xFFFFF086  }
0x25: {  	[simem:s6], [sflag:s4] =	dma.local [hbm:s3], $0xF7A  }
0x26: {  	[smem:$0x3F98] =	sst s1;
	(tag) =	ssettag s2;
	_ =	strace s9  }
0x27: {  	s1 =	sld [smem:$0x3FA8]  }
0x28: {  	s2 =	sld [smem:$0x3FA9]  }
0x29: {  	s4 =	sld [smem:$0x3FAB]  }
0x2a: {  	p0 =	seq.s32 s5, $0x0;
	s5 =	sld [smem:$0x3FAC]  }
0x2b: {  	s6 =	sld [smem:$0x3FAD]  }
0x2c: {  	s7 =	sld [smem:$0x3FAE]  }
0x2d: {  	s3 =	simm.s32 $0x108;
	s8 =	sld [smem:$0x3FAF]  }
0x2e: {  	s3 =	simm.s32 @!p0 $0x1082;
	s9 =	sld [smem:$0x3FB0]  }
0x2f: {  	lr =	sadd.s32 s0, s3;
	s0 =	sld [smem:$0x3FA7]  }
0x30: {  	s3 =	sld [smem:$0x3FAA]  }
0x31: {  	[smem:$0x3FB3] =	sst s10  }
0x32: {  	s10 =	sld [smem:$0x3FB1];
	_ =	sdelay $0x3  }
0x33: {  	p0 =	seq.s32 s10, $0x1;
	s10 =	sld [smem:$0x3FB3];
	_ =	sdelay $0x3  }
0x34: {  	[smem:$0x3FB3] =	sst s10  }
0x35: {  	s10 =	sld [smem:$0x3FB2];
	_ =	sdelay $0x3  }
0x36: {  	p1 =	seq.s32 s10, $0x1;
	s10 =	sld [smem:$0x3FB3];
	_ =	sdelay $0x3  }
0x37: {  	[smem:$0x3FB3] =	sst s10  }
0x38: {  	s10 =	sld [smem:$0x3FB4]  }
0x39: {  	_ = 	snop;
	(pc) =	sbr.ind lr, $3  }
0x3a: {  	_ = 	snop  }
0x3b: {  	_ = 	snop  }
0x3c: {  	p2 =	seq.s32 s10, $0x1;
	s10 =	sld [smem:$0x3FB3]  }
0x3d: {  	_ =	shalt  }
0x3e: {  	_ =	shalt  }
0x3f: {  	_ =	shalt  }
0x40: {  	_ =	shalt  }
0x41: {  	_ =	shalt  }
0x42: {  	_ =	shalt  }
0x43: {  	_ =	shalt  }
0x44: {  	_ =	shalt  }
0x45: {  	_ =	shalt  }
0x46: {  	_ =	shalt  }
0x47: {  	_ =	shalt  }
0x48: {  	_ =	shalt  }
0x49: {  	_ =	shalt  }
0x4a: {  	_ =	shalt  }
0x4b: {  	_ =	shalt  }
0x4c: {  	_ =	shalt  }
0x4d: {  	_ =	shalt  }
0x4e: {  	_ =	shalt  }
0x4f: {  	_ =	shalt  }
0x50: {  	_ =	shalt  }
0x51: {  	_ =	shalt  }
0x52: {  	_ =	shalt  }
0x53: {  	_ =	shalt  }
0x54: {  	_ =	shalt  }
0x55: {  	_ =	shalt  }
0x56: {  	_ =	shalt  }
0x57: {  	_ =	shalt  }
0x58: {  	_ =	shalt  }
0x59: {  	_ =	shalt  }
0x5a: {  	_ =	shalt  }
0x5b: {  	_ =	shalt  }
0x5c: {  	_ =	shalt  }
0x5d: {  	_ =	shalt  }
0x5e: {  	_ =	shalt  }
0x5f: {  	_ =	shalt  }
0x60: {  	_ =	shalt  }
0x61: {  	_ =	shalt  }
0x62: {  	_ =	shalt  }
0x63: {  	_ =	shalt  }
0x64: {  	_ =	shalt  }
0x65: {  	_ =	shalt  }
0x66: {  	_ =	shalt  }
0x67: {  	_ =	shalt  }
0x68: {  	_ =	shalt  }
0x69: {  	_ =	shalt  }
0x6a: {  	_ =	shalt  }
0x6b: {  	_ =	shalt  }
0x6c: {  	_ =	shalt  }
0x6d: {  	_ =	shalt  }
0x6e: {  	_ =	shalt  }
0x6f: {  	_ =	shalt  }
0x70: {  	_ =	shalt  }
0x71: {  	_ =	shalt  }
0x72: {  	_ =	shalt  }
0x73: {  	_ =	shalt  }
0x74: {  	_ =	shalt  }
0x75: {  	_ =	shalt  }
0x76: {  	_ =	shalt  }
0x77: {  	_ =	shalt  }
0x78: {  	_ =	shalt  }
0x79: {  	_ =	shalt  }
0x7a: {  	_ =	shalt  }
0x7b: {  	_ =	shalt  }
0x7c: {  	_ =	shalt  }
0x7d: {  	_ =	shalt  }
0x7e: {  	_ =	shalt  }
0x7f: {  	_ =	shalt  }
0x80: {  	_ =	shalt  }
0x81: {  	_ =	shalt  }
0x82: {  	_ =	shalt  }
0x83: {  	_ =	shalt  }
0x84: {  	_ =	shalt  }
0x85: {  	_ =	shalt  }
0x86: {  	_ =	shalt  }
0x87: {  	_ =	shalt  }
.Lfunc_end0:
.L_simem_size_0:
called_computation.2_lowered:
.L_overlay_start_0:
0x88: {  	s2 =	sld [smem:$0x3FD9]  }
0x89: {  	s3 =	sld [smem:$0x3FFE];
	_ =	sdelay $0x1  }
0x8a: {  	s1 =	srdreg.scid  }
0x8b: {  	s0 =	sand.u32 $0x1, s1  }
0x8c: {  	s16 =	sshll.u32 s0, $0xA;
	s2 =	sadd.s32 s3, s2  }
0x8d: {  	s2 =	sadd.s32 s2, s16  }
0x8e: {  	[smem:$0x3FBF] =	sst s2  }
0x8f: {  	_ = 	snop  }
0x90: {  	(tm) =	ssettm $0x1  }
0x91: {  	s17 =	sld [smem:$0x3FFB];
	_ =	sdelay $0x3  }
0x92: {  	_ =	strace s17  }
0x93: {  	s2 =	sld [smem:$0x3FFC];
	_ =	sdelay $0x3  }
0x94: {  	_ =	strace s2  }
0x95: {  	s2 =	sld [smem:$0x3FFD];
	_ =	sdelay $0x3  }
0x96: {  	_ =	strace s2  }
0x97: {  	_ =	strace $0x8FFFFFFF  }
0x98: {  	s18 =	sld [smem:$0x3FDB];
	_ =	sdelay $0x1  }
0x99: {  	s19 =	simm.s32 $_scs_section_size  }
0x9a: {  	s4 =	simm.s32 $_size__tile_overlayer_lowered;
	s5 =	simm.s32 $_tile_overlayer_lowered  }
0x9b: {  	s22 =	simm.s32 $0x1BFF;
	s21 =	sshll.u32 s5, $0x1;
	s2 =	sadd.s32 s19, s18  }
0x9c: {  	s6 =	simm.s32 $0x0;
	s20 =	sshll.u32 s4, $0x1;
	s4 =	sadd.s32 s21, s2  }
0x9d: {  	[timem:s6], [sflag:s22] =	dma.local [hbm:s4], s20  }
0x9e: {  	_ =	swait.ge [sflag:s22], s20  }
0x9f: {  	s3 =	ssub.s32 $0x0, s20;
	[sflag:s22] =	ssyncset.done $0x0  }
0xa0: {  	[sflag:s22] =	ssyncadd.s32 s3;
	_ =	sdelay $0x1  }
0xa1: {  	s23 =	simm.s32 $0x1B8B  }
0xa2: {  	_ =	swait.ge [sflag:s23], $0x1  }
0xa3: {  	[sflag:s23] =	ssyncset.done $0x0  }
0xa4: {  	s25 =	simm.s32 $0x1B8E;
	s24 =	sld [smem:$0x3FFE];
	[sflag:s23] =	ssyncadd.s32 $0xFFFFFFFF  }
0xa5: {  	s26 =	simm.s32 $execute0_lowered;
	[smem:$0x3FD2] =	sst s25  }
0xa6: {  	s4 =	sshll.u32 s26, $0x1;
	_ =	strace $0x8000004C;
	[dreg:$0x1] =	wrdreg $0xFFFFFFFF  }
0xa7: {  	s28 =	simm.s32 $_size_execute0_lowered;
	s2 =	sadd.s32 s2, s4;
	[dreg:$0x0] =	wrdreg $0x0  }
0xa8: {  	s4 =	sshll.u32 s28, $0x1;
	[dreg:$0x2] =	wrdreg s2  }
0xa9: {  	[dreg:$0x3] =	wrdreg s4  }
0xaa: {  	[dreg:$0x4] =	wrdreg $0xC0  }
0xab: {  	_ =	task [dreg:s6], $0x5FFFF  }
0xac: {  	[dreg:$0x1] =	wrdreg $0xFFFFFFFF  }
0xad: {  	[dreg:$0x0] =	wrdreg $0x60  }
0xae: {  	[dreg:$0x2] =	wrdreg s24  }
0xaf: {  	[dreg:$0x3] =	wrdreg $0xBA000  }
0xb0: {  	[dreg:$0x4] =	wrdreg $0x9  }
0xb1: {  	_ =	task.clear_ibuf [dreg:s6], $0x5FFFF;
	_ =	strace $0x9000004C  }
0xb2: {  	s29 =	simm.s32 $0x9;
	_ =	strace $0x8000004E  }
0xb3: {  	_ =	swait.ge [sflag:s29], $0x1  }
0xb4: {  	[sflag:s29] =	ssyncadd.s32 $0xFFFFFFFF  }
0xb5: {  	_ =	strace $0x9000004E  }
0xb6: {  	_ =	sfence  }
0xb7: {  	s30 =	sld [smem:$0x0];
	_ =	sdelay $0x2  }
0xb8: {  	s31 =	sshll.u32 s1, $0xD;
	s1 =	sshrl.u32 s1, $0x2  }
0xb9: {  	s3 =	sand.u32 $0x4000, s31;
	s1 =	sadd.s32 s1, s30  }
0xba: {  	s0 =	sor.u32 s3, s0;
	s1 =	sshll.u32 s1, $0x11  }
0xbb: {  	s0 =	sor.u32 s1, s0  }
0xbc: {  	s0 =	sadd.s32 $0x8F2B, s0  }
0xbd: {  	[sflag:s0] =	ssyncadd.remote.s32 $0x1  }
0xbe: {  	_ =	sfence.sel $0xFFFF  }
0xbf: {  	[dreg:$0x0] =	wrdreg $0xFFFFFFFF;
	(pc) =	sbr.abs _section_cstart, $3  }
0xc0: {  	[dreg:$0x1] =	wrdreg $0xFFFFFFFF  }
0xc1: {  	_ =	task.clear_ibuf [dreg:s6], $0x2FFFF;
	_ =	strace $0x9FFFFFFF  }
0xc2: {  	(tm) =	ssettm $0x7FFFFFFF  }
0xc3: {  	_ =	shalt  }
tec
execute0_lowered:
.L_overlay_start_1:
0x0: {  	(tag) =	ssettag $0x1  }
0x1: {  	s0 =	srdreg.scid  }
0x2: {  	s9 =	stileid.u32;
	s6 =	rddreg [dreg:$0x0]  }
0x3: {  	s2 =	rddreg [dreg:$0x1];
	s3 =	simm.s32 $0x0;
	s13 =	simm.s32 $0x7  }
0x4: {  	s14 =	simm.s32 $0x60;
	s15 =	simm.s32 $0x2A00;
	s16 =	simm.s32 $0x100  }
0x5: {  	s17 =	simm.s32 $0x5A00;
	s18 =	simm.s32 $0x1;
	s19 =	simm.s32 $0x200  }
0x6: {  	s20 =	simm.s32 $0x8A00;
	s21 =	simm.s32 $0x80;
	s22 =	simm.s32 $0x2  }
0x7: {  	s23 =	simm.s32 $0x4;
	s24 =	simm.s32 $0x3;
	s28 =	simm.s32 $0x2880  }
0x8: {  	s29 =	simm.s32 $0x2980;
	s30 =	simm.s32 $0x0;
	s0 =	sand.u32 $0x1, s0  }
0x9: {  	s1 =	sshll.u32 s9, $0x1;
	[smem:$0x7FF] =	sst s3;
	s7 =	smul.u32 $0x13C00, s9  }
0xa: {  	s4 =	sadd.s32 $0x6CC00, s6;
	s8 =	smul.u32 $0x4F000, s9;
	s31 =	sshll.u32 s9, $0x6  }
0xb: {  	s1 =	sor.u32 s0, s1;
	s5 =	smul.u32 $0x13C000, s0;
	s0 =	ssub.s32 $0x2, s0  }
0xc: {  	_ =	strace $0x8000004D;
	s1 =	smul.u32 $0x6C00, s1;
	s25 =	sshrl.u32 s0, $0x1  }
0xd: {  	s26 =	sshrl.u32 s8, $0x2;
	s5 =	sadd.s32 s7, s5;
	s0 =	ssub.s32 s0, s25  }
0xe: {  	s12 =	sadd.s32 s26, s2;
	s25 =	simm.s32 $0x5;
	s26 =	simm.s32 $0x6  }
0xf: {  	s1 =	sshrl.u32 s1, $0x3;
	s7 =	sshrl.u32 s5, $0x3;
	s5 =	sadd.s32 $0x93E00, s6  }
0x10: {  	s11 =	smax.u32 s0, $0x1;
	s12 =	sshrl.u32 s12, $0x3;
	s1 =	sadd.s32 s1, s6  }
0x11: {  	s10 =	sadd.s32 s7, s6;
	s6 =	sor.u32 $0x1C07, s31;
	s7 =	sadd.s32 $0x1C00, s1  }
0x12: {  	s8 =	sadd.s32 $0x2140, s1;
	s9 =	sadd.s32 $0x2680, s1;
	s10 =	sadd.s32 $0x96600, s10  }
.LBB2_1:
0x13: {  	[spmem:s12], [sflag:s6] =	dma.local [hbm:s5], $0x2780  }
0x14: {  	_ =	swait.ge [sflag:s13], $0x2780  }
0x15: {  	[sflag:s13] =	ssyncset.done $0x0  }
0x16: {  	[sflag:s13] =	ssyncadd.s32 $0xFFFFD880  }
0x17: {  	[bflag:$0x0] =	sbarrier.arrive $0xFFFF  }
0x18: {  	[tilespmem:s3], [sflag:$0x7] =	stream.linear.gather [hbm4b:s7+s3], $0x2A00, $0x38;
	[tilespmem:$0x1F600] =	vst v63  }
0x19: {  	_ =	swait.ge [sflag:s13], $0x2A00  }
0x1a: {  	[sflag:s13] =	ssyncset.done $0x0  }
0x1b: {  	[sflag:s13] =	ssyncadd.s32 $0xFFFFD600  }
0x1c: {  	[tilespmem:s15], [sflag:$0x1] =	stream.indirect.gather [hbm4b:s4+s14], $0x80, s3, s14, $0xb8;
	[tilespmem:$0x1F600] =	vst v63  }
0x1d: {  	_ = 	snop  }
0x1e: {  	[tilespmem:s17], [sflag:$0x2] =	stream.indirect.gather [hbm4b:s4+s14], $0x80, s16, s14, $0xb8;
	[tilespmem:$0x1F600] =	vst v63  }
0x1f: {  	_ =	swait.ge [sflag:s18], $0x3000  }
0x20: {  	[sflag:s18] =	ssyncset.done $0x0  }
0x21: {  	[sflag:s18] =	ssyncadd.s32 $0xFFFFD000  }
0x22: {  	[tilespmem:s20], [sflag:$0x3] =	stream.indirect.gather [hbm4b:s4+s14], $0x80, s19, s14, $0xb8;
	[tilespmem:$0x1F600] =	vst v63  }
0x23: {  	_ = 	snop  }
0x24: {  	[spmem:s2] =	stream.indirect.scatter.add.f32 [tilespmem:s15], [sflag:$0x4], $0x80, s21, s14, $0xb8;
	[tilespmem:$0x1F600] =	vst v63  }
0x25: {  	_ =	swait.ge [sflag:s22], $0x3000  }
0x26: {  	[sflag:s22] =	ssyncset.done $0x0  }
0x27: {  	[sflag:s22] =	ssyncadd.s32 $0xFFFFD000  }
0x28: {  	_ =	swait.ge [sflag:s23], $0x3000  }
0x29: {  	[sflag:s23] =	ssyncset.done $0x0  }
0x2a: {  	s1 =	simm.s32 $0x300;
	[sflag:s23] =	ssyncadd.s32 $0xFFFFD000  }
0x2b: {  	[tilespmem:s15], [sflag:$0x1] =	stream.indirect.gather [hbm4b:s4+s14], $0x80, s1, s14, $0xb8;
	[tilespmem:$0x1F600] =	vst v63  }
0x2c: {  	s0 =	simm.s32 $0x180  }
0x2d: {  	[spmem:s2] =	stream.indirect.scatter.add.f32 [tilespmem:s17], [sflag:$0x5], $0x80, s0, s14, $0xb8;
	[tilespmem:$0x1F600] =	vst v63  }
0x2e: {  	_ =	swait.ge [sflag:s24], $0x3000  }
0x2f: {  	[sflag:s24] =	ssyncset.done $0x0  }
0x30: {  	[sflag:s24] =	ssyncadd.s32 $0xFFFFD000  }
0x31: {  	_ =	swait.ge [sflag:s25], $0x3000  }
0x32: {  	[sflag:s25] =	ssyncset.done $0x0  }
0x33: {  	s0 =	simm.s32 $0x400;
	[sflag:s25] =	ssyncadd.s32 $0xFFFFD000  }
0x34: {  	[tilespmem:s17], [sflag:$0x2] =	stream.indirect.gather [hbm4b:s4+s14], $0x80, s0, s14, $0xb8;
	[tilespmem:$0x1F600] =	vst v63  }
0x35: {  	s0 =	simm.s32 $0x280  }
0x36: {  	[spmem:s2] =	stream.indirect.scatter.add.f32 [tilespmem:s20], [sflag:$0x6], $0x80, s0, s14, $0xb8;
	[tilespmem:$0x1F600] =	vst v63  }
0x37: {  	_ =	swait.ge [sflag:s18], $0x3000  }
0x38: {  	[sflag:s18] =	ssyncset.done $0x0  }
0x39: {  	[sflag:s18] =	ssyncadd.s32 $0xFFFFD000  }
0x3a: {  	_ =	swait.ge [sflag:s26], $0x3000  }
0x3b: {  	s31 =	simm.s32 $0xC00;
	[sflag:s26] =	ssyncset.done $0x0  }
0x3c: {  	s1 =	simm.s32 $0x380;
	s0 =	simm.s32 $0x500;
	[sflag:s26] =	ssyncadd.s32 $0xFFFFD000  }
0x3d: {  	[tilespmem:s20], [sflag:$0x3] =	stream.indirect.gather [hbm4b:s4+s14], $0x80, s0, s14, $0xb8;
	[tilespmem:$0x1F600] =	vst v63  }
.LBB2_2:
0x3e: {  	[spmem:s2] =	stream.indirect.scatter.add.f32 [tilespmem:s15], [sflag:$0x4], $0x80, s1, s14, $0xb8;
	[tilespmem:$0x1F600] =	vst v63  }
0x3f: {  	s1 =	smov.u32 s31  }
0x40: {  	p0 =	sne.s32 s31, $0x9000;
	s31 =	sadd.s32 $0xC00, s31;
	_ =	swait.ge [sflag:s22], $0x3000  }
0x41: {  	[sflag:s22] =	ssyncset.done $0x0  }
0x42: {  	[sflag:s22] =	ssyncadd.s32 $0xFFFFD000  }
0x43: {  	_ =	swait.ge [sflag:s23], $0x3000  }
0x44: {  	s1 =	sshra.s32 s1, $0x2;
	[sflag:s23] =	ssyncset.done $0x0  }
0x45: {  	s0 =	sadd.s32 $0x300, s1;
	[sflag:s23] =	ssyncadd.s32 $0xFFFFD000  }
0x46: {  	[tilespmem:s15], [sflag:$0x1] =	stream.indirect.gather [hbm4b:s4+s14], $0x80, s0, s14, $0xb8;
	[tilespmem:$0x1F600] =	vst v63  }
0x47: {  	s0 =	sadd.s32 $0x180, s1  }
0x48: {  	[spmem:s2] =	stream.indirect.scatter.add.f32 [tilespmem:s17], [sflag:$0x5], $0x80, s0, s14, $0xb8;
	[tilespmem:$0x1F600] =	vst v63  }
0x49: {  	_ =	swait.ge [sflag:s24], $0x3000  }
0x4a: {  	[sflag:s24] =	ssyncset.done $0x0  }
0x4b: {  	[sflag:s24] =	ssyncadd.s32 $0xFFFFD000  }
0x4c: {  	_ =	swait.ge [sflag:s25], $0x3000  }
0x4d: {  	[sflag:s25] =	ssyncset.done $0x0  }
0x4e: {  	s0 =	sadd.s32 $0x400, s1;
	[sflag:s25] =	ssyncadd.s32 $0xFFFFD000  }
0x4f: {  	[tilespmem:s17], [sflag:$0x2] =	stream.indirect.gather [hbm4b:s4+s14], $0x80, s0, s14, $0xb8;
	[tilespmem:$0x1F600] =	vst v63  }
0x50: {  	s0 =	sadd.s32 $0x280, s1  }
0x51: {  	[spmem:s2] =	stream.indirect.scatter.add.f32 [tilespmem:s20], [sflag:$0x6], $0x80, s0, s14, $0xb8;
	[tilespmem:$0x1F600] =	vst v63  }
0x52: {  	_ =	swait.ge [sflag:s18], $0x3000  }
0x53: {  	[sflag:s18] =	ssyncset.done $0x0  }
0x54: {  	[sflag:s18] =	ssyncadd.s32 $0xFFFFD000  }
.Ltmp0:
0x55: {  	_ =	swait.ge [sflag:s26], $0x3000;
	(pc) =	sbr.rel @p0 .LBB2_2-.Ltmp0, $4  }
0x56: {  	[sflag:s26] =	ssyncset.done $0x0  }
0x57: {  	s0 =	sadd.s32 $0x500, s1;
	[sflag:s26] =	ssyncadd.s32 $0xFFFFD000  }
0x58: {  	[tilespmem:s20], [sflag:$0x3] =	stream.indirect.gather [hbm4b:s4+s14], $0x80, s0, s14, $0xb8;
	[tilespmem:$0x1F600] =	vst v63  }
0x59: {  	s1 =	sadd.s32 $0x380, s1  }
0x5a: {  	[spmem:s2] =	stream.indirect.scatter.add.f32 [tilespmem:s15], [sflag:$0x4], $0x80, s1, s14, $0xb8;
	[tilespmem:$0x1F600] =	vst v63  }
0x5b: {  	_ =	swait.ge [sflag:s22], $0x3000  }
0x5c: {  	[sflag:s22] =	ssyncset.done $0x0  }
0x5d: {  	[sflag:s22] =	ssyncadd.s32 $0xFFFFD000  }
0x5e: {  	_ =	swait.ge [sflag:s23], $0x3000  }
0x5f: {  	[sflag:s23] =	ssyncset.done $0x0  }
0x60: {  	[sflag:s23] =	ssyncadd.s32 $0xFFFFD000  }
0x61: {  	[spmem:s2] =	stream.indirect.scatter.add.f32 [tilespmem:s17], [sflag:$0x5], $0x80, s28, s14, $0xb8;
	[tilespmem:$0x1F600] =	vst v63  }
0x62: {  	_ =	swait.ge [sflag:s24], $0x3000  }
0x63: {  	[sflag:s24] =	ssyncset.done $0x0  }
0x64: {  	[sflag:s24] =	ssyncadd.s32 $0xFFFFD000  }
0x65: {  	_ =	swait.ge [sflag:s25], $0x3000  }
0x66: {  	[sflag:s25] =	ssyncset.done $0x0  }
0x67: {  	[sflag:s25] =	ssyncadd.s32 $0xFFFFD000  }
0x68: {  	[spmem:s2] =	stream.indirect.scatter.add.f32 [tilespmem:s20], [sflag:$0x6], $0x80, s29, s14, $0xb8;
	[tilespmem:$0x1F600] =	vst v63  }
0x69: {  	_ =	swait.ge [sflag:s26], $0x3000  }
0x6a: {  	[sflag:s26] =	ssyncset.done $0x0  }
0x6b: {  	s0 =	simm.s32 $0x0;
	[sflag:s26] =	ssyncadd.s32 $0xFFFFD000  }
0x6c: {  	[tilespmem:s0], [sflag:$0x7] =	stream.linear.gather [hbm4b:s8+s0], $0x2A00, $0x38;
	[tilespmem:$0x1F600] =	vst v63  }
0x6d: {  	_ =	swait.ge [sflag:s13], $0x2A00  }
0x6e: {  	[sflag:s13] =	ssyncset.done $0x0  }
0x6f: {  	[sflag:s13] =	ssyncadd.s32 $0xFFFFD600  }
0x70: {  	[tilespmem:s15], [sflag:$0x1] =	stream.indirect.gather [hbm4b:s4+s14], $0x80, s0, s14, $0xb8;
	[tilespmem:$0x1F600] =	vst v63  }
0x71: {  	_ = 	snop  }
0x72: {  	[tilespmem:s17], [sflag:$0x2] =	stream.indirect.gather [hbm4b:s4+s14], $0x80, s16, s14, $0xb8;
	[tilespmem:$0x1F600] =	vst v63  }
0x73: {  	_ =	swait.ge [sflag:s18], $0x3000  }
0x74: {  	[sflag:s18] =	ssyncset.done $0x0  }
0x75: {  	[sflag:s18] =	ssyncadd.s32 $0xFFFFD000  }
0x76: {  	[tilespmem:s20], [sflag:$0x3] =	stream.indirect.gather [hbm4b:s4+s14], $0x80, s19, s14, $0xb8;
	[tilespmem:$0x1F600] =	vst v63  }
0x77: {  	_ = 	snop  }
0x78: {  	[spmem:s2] =	stream.indirect.scatter.add.f32 [tilespmem:s15], [sflag:$0x4], $0x80, s21, s14, $0xb8;
	[tilespmem:$0x1F600] =	vst v63  }
0x79: {  	_ =	swait.ge [sflag:s22], $0x3000  }
0x7a: {  	[sflag:s22] =	ssyncset.done $0x0  }
0x7b: {  	[sflag:s22] =	ssyncadd.s32 $0xFFFFD000  }
0x7c: {  	_ =	swait.ge [sflag:s23], $0x3000  }
0x7d: {  	[sflag:s23] =	ssyncset.done $0x0  }
0x7e: {  	s1 =	simm.s32 $0x300;
	[sflag:s23] =	ssyncadd.s32 $0xFFFFD000  }
0x7f: {  	[tilespmem:s15], [sflag:$0x1] =	stream.indirect.gather [hbm4b:s4+s14], $0x80, s1, s14, $0xb8;
	[tilespmem:$0x1F600] =	vst v63  }
0x80: {  	s1 =	simm.s32 $0x180  }
0x81: {  	[spmem:s2] =	stream.indirect.scatter.add.f32 [tilespmem:s17], [sflag:$0x5], $0x80, s1, s14, $0xb8;
	[tilespmem:$0x1F600] =	vst v63  }
0x82: {  	_ =	swait.ge [sflag:s24], $0x3000  }
0x83: {  	[sflag:s24] =	ssyncset.done $0x0  }
0x84: {  	[sflag:s24] =	ssyncadd.s32 $0xFFFFD000  }
0x85: {  	_ =	swait.ge [sflag:s25], $0x3000  }
0x86: {  	[sflag:s25] =	ssyncset.done $0x0  }
0x87: {  	s1 =	simm.s32 $0x400;
	[sflag:s25] =	ssyncadd.s32 $0xFFFFD000  }
0x88: {  	[tilespmem:s17], [sflag:$0x2] =	stream.indirect.gather [hbm4b:s4+s14], $0x80, s1, s14, $0xb8;
	[tilespmem:$0x1F600] =	vst v63  }
0x89: {  	s1 =	simm.s32 $0x280  }
0x8a: {  	[spmem:s2] =	stream.indirect.scatter.add.f32 [tilespmem:s20], [sflag:$0x6], $0x80, s1, s14, $0xb8;
	[tilespmem:$0x1F600] =	vst v63  }
0x8b: {  	_ =	swait.ge [sflag:s18], $0x3000  }
0x8c: {  	[sflag:s18] =	ssyncset.done $0x0  }
0x8d: {  	[sflag:s18] =	ssyncadd.s32 $0xFFFFD000  }
0x8e: {  	_ =	swait.ge [sflag:s26], $0x3000  }
0x8f: {  	[sflag:s26] =	ssyncset.done $0x0  }
0x90: {  	s1 =	simm.s32 $0x500;
	[sflag:s26] =	ssyncadd.s32 $0xFFFFD000  }
0x91: {  	[tilespmem:s20], [sflag:$0x3] =	stream.indirect.gather [hbm4b:s4+s14], $0x80, s1, s14, $0xb8;
	[tilespmem:$0x1F600] =	vst v63  }
0x92: {  	s31 =	simm.s32 $0xC00;
	s1 =	simm.s32 $0x380  }
.LBB2_4:
0x93: {  	[spmem:s2] =	stream.indirect.scatter.add.f32 [tilespmem:s15], [sflag:$0x4], $0x80, s1, s14, $0xb8;
	[tilespmem:$0x1F600] =	vst v63  }
0x94: {  	s0 =	smov.u32 s31  }
0x95: {  	p0 =	sne.s32 s31, $0x9000;
	s31 =	sadd.s32 $0xC00, s31;
	_ =	swait.ge [sflag:s22], $0x3000  }
0x96: {  	[sflag:s22] =	ssyncset.done $0x0  }
0x97: {  	[sflag:s22] =	ssyncadd.s32 $0xFFFFD000  }
0x98: {  	_ =	swait.ge [sflag:s23], $0x3000  }
0x99: {  	s0 =	sshra.s32 s0, $0x2;
	[sflag:s23] =	ssyncset.done $0x0  }
0x9a: {  	s1 =	sadd.s32 $0x300, s0;
	[sflag:s23] =	ssyncadd.s32 $0xFFFFD000  }
0x9b: {  	[tilespmem:s15], [sflag:$0x1] =	stream.indirect.gather [hbm4b:s4+s14], $0x80, s1, s14, $0xb8;
	[tilespmem:$0x1F600] =	vst v63  }
0x9c: {  	s1 =	sadd.s32 $0x180, s0  }
0x9d: {  	[spmem:s2] =	stream.indirect.scatter.add.f32 [tilespmem:s17], [sflag:$0x5], $0x80, s1, s14, $0xb8;
	[tilespmem:$0x1F600] =	vst v63  }
0x9e: {  	_ =	swait.ge [sflag:s24], $0x3000  }
0x9f: {  	[sflag:s24] =	ssyncset.done $0x0  }
0xa0: {  	[sflag:s24] =	ssyncadd.s32 $0xFFFFD000  }
0xa1: {  	_ =	swait.ge [sflag:s25], $0x3000  }
0xa2: {  	[sflag:s25] =	ssyncset.done $0x0  }
0xa3: {  	s1 =	sadd.s32 $0x400, s0;
	[sflag:s25] =	ssyncadd.s32 $0xFFFFD000  }
0xa4: {  	[tilespmem:s17], [sflag:$0x2] =	stream.indirect.gather [hbm4b:s4+s14], $0x80, s1, s14, $0xb8;
	[tilespmem:$0x1F600] =	vst v63  }
0xa5: {  	s1 =	sadd.s32 $0x280, s0  }
0xa6: {  	[spmem:s2] =	stream.indirect.scatter.add.f32 [tilespmem:s20], [sflag:$0x6], $0x80, s1, s14, $0xb8;
	[tilespmem:$0x1F600] =	vst v63  }
0xa7: {  	_ =	swait.ge [sflag:s18], $0x3000  }
0xa8: {  	[sflag:s18] =	ssyncset.done $0x0  }
0xa9: {  	[sflag:s18] =	ssyncadd.s32 $0xFFFFD000  }
.Ltmp1:
0xaa: {  	_ =	swait.ge [sflag:s26], $0x3000;
	(pc) =	sbr.rel @p0 .LBB2_4-.Ltmp1, $4  }
0xab: {  	[sflag:s26] =	ssyncset.done $0x0  }
0xac: {  	s1 =	sadd.s32 $0x500, s0;
	[sflag:s26] =	ssyncadd.s32 $0xFFFFD000  }
0xad: {  	[tilespmem:s20], [sflag:$0x3] =	stream.indirect.gather [hbm4b:s4+s14], $0x80, s1, s14, $0xb8;
	[tilespmem:$0x1F600] =	vst v63  }
0xae: {  	s1 =	sadd.s32 $0x380, s0  }
0xaf: {  	[spmem:s2] =	stream.indirect.scatter.add.f32 [tilespmem:s15], [sflag:$0x4], $0x80, s1, s14, $0xb8;
	[tilespmem:$0x1F600] =	vst v63  }
0xb0: {  	_ =	swait.ge [sflag:s22], $0x3000  }
0xb1: {  	[sflag:s22] =	ssyncset.done $0x0  }
0xb2: {  	[sflag:s22] =	ssyncadd.s32 $0xFFFFD000  }
0xb3: {  	_ =	swait.ge [sflag:s23], $0x3000  }
0xb4: {  	[sflag:s23] =	ssyncset.done $0x0  }
0xb5: {  	[sflag:s23] =	ssyncadd.s32 $0xFFFFD000  }
0xb6: {  	[spmem:s2] =	stream.indirect.scatter.add.f32 [tilespmem:s17], [sflag:$0x5], $0x80, s28, s14, $0xb8;
	[tilespmem:$0x1F600] =	vst v63  }
0xb7: {  	_ =	swait.ge [sflag:s24], $0x3000  }
0xb8: {  	[sflag:s24] =	ssyncset.done $0x0  }
0xb9: {  	[sflag:s24] =	ssyncadd.s32 $0xFFFFD000  }
0xba: {  	_ =	swait.ge [sflag:s25], $0x3000  }
0xbb: {  	[sflag:s25] =	ssyncset.done $0x0  }
0xbc: {  	[sflag:s25] =	ssyncadd.s32 $0xFFFFD000  }
0xbd: {  	[spmem:s2] =	stream.indirect.scatter.add.f32 [tilespmem:s20], [sflag:$0x6], $0x80, s29, s14, $0xb8;
	[tilespmem:$0x1F600] =	vst v63  }
0xbe: {  	_ =	swait.ge [sflag:s26], $0x3000  }
0xbf: {  	[sflag:s26] =	ssyncset.done $0x0  }
0xc0: {  	[sflag:s26] =	ssyncadd.s32 $0xFFFFD000  }
0xc1: {  	[tilespmem:s3], [sflag:$0x7] =	stream.linear.gather [hbm4b:s9+s3], $0x1800, $0x38;
	[tilespmem:$0x1F600] =	vst v63  }
0xc2: {  	_ =	swait.ge [sflag:s13], $0x1800  }
0xc3: {  	[sflag:s13] =	ssyncset.done $0x0  }
0xc4: {  	[sflag:s13] =	ssyncadd.s32 $0xFFFFE800  }
0xc5: {  	[tilespmem:s15], [sflag:$0x1] =	stream.indirect.gather [hbm4b:s4+s14], $0x80, s3, s14, $0xb8;
	[tilespmem:$0x1F600] =	vst v63  }
0xc6: {  	_ = 	snop  }
0xc7: {  	[tilespmem:s17], [sflag:$0x2] =	stream.indirect.gather [hbm4b:s4+s14], $0x80, s16, s14, $0xb8;
	[tilespmem:$0x1F600] =	vst v63  }
0xc8: {  	_ =	swait.ge [sflag:s18], $0x3000  }
0xc9: {  	[sflag:s18] =	ssyncset.done $0x0  }
0xca: {  	[sflag:s18] =	ssyncadd.s32 $0xFFFFD000  }
0xcb: {  	[tilespmem:s20], [sflag:$0x3] =	stream.indirect.gather [hbm4b:s4+s14], $0x80, s19, s14, $0xb8;
	[tilespmem:$0x1F600] =	vst v63  }
0xcc: {  	_ = 	snop  }
0xcd: {  	[spmem:s2] =	stream.indirect.scatter.add.f32 [tilespmem:s15], [sflag:$0x4], $0x80, s21, s14, $0xb8;
	[tilespmem:$0x1F600] =	vst v63  }
0xce: {  	_ =	swait.ge [sflag:s22], $0x3000  }
0xcf: {  	[sflag:s22] =	ssyncset.done $0x0  }
0xd0: {  	[sflag:s22] =	ssyncadd.s32 $0xFFFFD000  }
0xd1: {  	_ =	swait.ge [sflag:s23], $0x3000  }
0xd2: {  	[sflag:s23] =	ssyncset.done $0x0  }
0xd3: {  	s0 =	simm.s32 $0x300;
	[sflag:s23] =	ssyncadd.s32 $0xFFFFD000  }
0xd4: {  	[tilespmem:s15], [sflag:$0x1] =	stream.indirect.gather [hbm4b:s4+s14], $0x80, s0, s14, $0xb8;
	[tilespmem:$0x1F600] =	vst v63  }
0xd5: {  	s31 =	simm.s32 $0x180  }
0xd6: {  	[spmem:s2] =	stream.indirect.scatter.add.f32 [tilespmem:s17], [sflag:$0x5], $0x80, s31, s14, $0xb8;
	[tilespmem:$0x1F600] =	vst v63  }
0xd7: {  	_ =	swait.ge [sflag:s24], $0x3000  }
0xd8: {  	[sflag:s24] =	ssyncset.done $0x0  }
0xd9: {  	[sflag:s24] =	ssyncadd.s32 $0xFFFFD000  }
0xda: {  	_ =	swait.ge [sflag:s25], $0x3000  }
0xdb: {  	[sflag:s25] =	ssyncset.done $0x0  }
0xdc: {  	s1 =	simm.s32 $0x400;
	[sflag:s25] =	ssyncadd.s32 $0xFFFFD000  }
0xdd: {  	[tilespmem:s17], [sflag:$0x2] =	stream.indirect.gather [hbm4b:s4+s14], $0x80, s1, s14, $0xb8;
	[tilespmem:$0x1F600] =	vst v63  }
0xde: {  	s31 =	simm.s32 $0x280  }
0xdf: {  	[spmem:s2] =	stream.indirect.scatter.add.f32 [tilespmem:s20], [sflag:$0x6], $0x80, s31, s14, $0xb8;
	[tilespmem:$0x1F600] =	vst v63  }
0xe0: {  	_ =	swait.ge [sflag:s18], $0x3000  }
0xe1: {  	[sflag:s18] =	ssyncset.done $0x0  }
0xe2: {  	[sflag:s18] =	ssyncadd.s32 $0xFFFFD000  }
0xe3: {  	_ =	swait.ge [sflag:s26], $0x3000  }
0xe4: {  	[sflag:s26] =	ssyncset.done $0x0  }
0xe5: {  	s1 =	simm.s32 $0x500;
	[sflag:s26] =	ssyncadd.s32 $0xFFFFD000  }
0xe6: {  	[tilespmem:s20], [sflag:$0x3] =	stream.indirect.gather [hbm4b:s4+s14], $0x80, s1, s14, $0xb8;
	[tilespmem:$0x1F600] =	vst v63  }
0xe7: {  	s31 =	simm.s32 $0x380  }
0xe8: {  	[spmem:s2] =	stream.indirect.scatter.add.f32 [tilespmem:s15], [sflag:$0x4], $0x80, s31, s14, $0xb8;
	[tilespmem:$0x1F600] =	vst v63  }
0xe9: {  	_ =	swait.ge [sflag:s22], $0x3000  }
0xea: {  	[sflag:s22] =	ssyncset.done $0x0  }
0xeb: {  	[sflag:s22] =	ssyncadd.s32 $0xFFFFD000  }
0xec: {  	_ =	swait.ge [sflag:s23], $0x3000  }
0xed: {  	[sflag:s23] =	ssyncset.done $0x0  }
0xee: {  	s1 =	simm.s32 $0x600;
	[sflag:s23] =	ssyncadd.s32 $0xFFFFD000  }
0xef: {  	[tilespmem:s15], [sflag:$0x1] =	stream.indirect.gather [hbm4b:s4+s14], $0x80, s1, s14, $0xb8;
	[tilespmem:$0x1F600] =	vst v63  }
0xf0: {  	s31 =	simm.s32 $0x480  }
0xf1: {  	[spmem:s2] =	stream.indirect.scatter.add.f32 [tilespmem:s17], [sflag:$0x5], $0x80, s31, s14, $0xb8;
	[tilespmem:$0x1F600] =	vst v63  }
0xf2: {  	_ =	swait.ge [sflag:s24], $0x3000  }
0xf3: {  	[sflag:s24] =	ssyncset.done $0x0  }
0xf4: {  	[sflag:s24] =	ssyncadd.s32 $0xFFFFD000  }
0xf5: {  	_ =	swait.ge [sflag:s25], $0x3000  }
0xf6: {  	[sflag:s25] =	ssyncset.done $0x0  }
0xf7: {  	s1 =	simm.s32 $0x700;
	[sflag:s25] =	ssyncadd.s32 $0xFFFFD000  }
0xf8: {  	[tilespmem:s17], [sflag:$0x2] =	stream.indirect.gather [hbm4b:s4+s14], $0x80, s1, s14, $0xb8;
	[tilespmem:$0x1F600] =	vst v63  }
0xf9: {  	s31 =	simm.s32 $0x580  }
0xfa: {  	[spmem:s2] =	stream.indirect.scatter.add.f32 [tilespmem:s20], [sflag:$0x6], $0x80, s31, s14, $0xb8;
	[tilespmem:$0x1F600] =	vst v63  }
0xfb: {  	_ =	swait.ge [sflag:s18], $0x3000  }
0xfc: {  	[sflag:s18] =	ssyncset.done $0x0  }
0xfd: {  	[sflag:s18] =	ssyncadd.s32 $0xFFFFD000  }
0xfe: {  	_ =	swait.ge [sflag:s26], $0x3000  }
0xff: {  	[sflag:s26] =	ssyncset.done $0x0  }
0x100: {  	s1 =	simm.s32 $0x800;
	[sflag:s26] =	ssyncadd.s32 $0xFFFFD000  }
0x101: {  	[tilespmem:s20], [sflag:$0x3] =	stream.indirect.gather [hbm4b:s4+s14], $0x80, s1, s14, $0xb8;
	[tilespmem:$0x1F600] =	vst v63  }
0x102: {  	s31 =	simm.s32 $0x680  }
0x103: {  	[spmem:s2] =	stream.indirect.scatter.add.f32 [tilespmem:s15], [sflag:$0x4], $0x80, s31, s14, $0xb8;
	[tilespmem:$0x1F600] =	vst v63  }
0x104: {  	_ =	swait.ge [sflag:s22], $0x3000  }
0x105: {  	[sflag:s22] =	ssyncset.done $0x0  }
0x106: {  	[sflag:s22] =	ssyncadd.s32 $0xFFFFD000  }
0x107: {  	_ =	swait.ge [sflag:s23], $0x3000  }
0x108: {  	[sflag:s23] =	ssyncset.done $0x0  }
0x109: {  	s1 =	simm.s32 $0x900;
	[sflag:s23] =	ssyncadd.s32 $0xFFFFD000  }
0x10a: {  	[tilespmem:s15], [sflag:$0x1] =	stream.indirect.gather [hbm4b:s4+s14], $0x80, s1, s14, $0xb8;
	[tilespmem:$0x1F600] =	vst v63  }
0x10b: {  	s31 =	simm.s32 $0x780  }
0x10c: {  	[spmem:s2] =	stream.indirect.scatter.add.f32 [tilespmem:s17], [sflag:$0x5], $0x80, s31, s14, $0xb8;
	[tilespmem:$0x1F600] =	vst v63  }
0x10d: {  	_ =	swait.ge [sflag:s24], $0x3000  }
0x10e: {  	[sflag:s24] =	ssyncset.done $0x0  }
0x10f: {  	[sflag:s24] =	ssyncadd.s32 $0xFFFFD000  }
0x110: {  	_ =	swait.ge [sflag:s25], $0x3000  }
0x111: {  	[sflag:s25] =	ssyncset.done $0x0  }
0x112: {  	s1 =	simm.s32 $0xA00;
	[sflag:s25] =	ssyncadd.s32 $0xFFFFD000  }
0x113: {  	[tilespmem:s17], [sflag:$0x2] =	stream.indirect.gather [hbm4b:s4+s14], $0x80, s1, s14, $0xb8;
	[tilespmem:$0x1F600] =	vst v63  }
0x114: {  	s31 =	simm.s32 $0x880  }
0x115: {  	[spmem:s2] =	stream.indirect.scatter.add.f32 [tilespmem:s20], [sflag:$0x6], $0x80, s31, s14, $0xb8;
	[tilespmem:$0x1F600] =	vst v63  }
0x116: {  	_ =	swait.ge [sflag:s18], $0x3000  }
0x117: {  	[sflag:s18] =	ssyncset.done $0x0  }
0x118: {  	[sflag:s18] =	ssyncadd.s32 $0xFFFFD000  }
0x119: {  	_ =	swait.ge [sflag:s26], $0x3000  }
0x11a: {  	[sflag:s26] =	ssyncset.done $0x0  }
0x11b: {  	s1 =	simm.s32 $0xB00;
	[sflag:s26] =	ssyncadd.s32 $0xFFFFD000  }
0x11c: {  	[tilespmem:s20], [sflag:$0x3] =	stream.indirect.gather [hbm4b:s4+s14], $0x80, s1, s14, $0xb8;
	[tilespmem:$0x1F600] =	vst v63  }
0x11d: {  	s31 =	simm.s32 $0x980  }
0x11e: {  	[spmem:s2] =	stream.indirect.scatter.add.f32 [tilespmem:s15], [sflag:$0x4], $0x80, s31, s14, $0xb8;
	[tilespmem:$0x1F600] =	vst v63  }
0x11f: {  	_ =	swait.ge [sflag:s22], $0x3000  }
0x120: {  	[sflag:s22] =	ssyncset.done $0x0  }
0x121: {  	[sflag:s22] =	ssyncadd.s32 $0xFFFFD000  }
0x122: {  	_ =	swait.ge [sflag:s23], $0x3000  }
0x123: {  	[sflag:s23] =	ssyncset.done $0x0  }
0x124: {  	s1 =	simm.s32 $0xC00;
	[sflag:s23] =	ssyncadd.s32 $0xFFFFD000  }
0x125: {  	[tilespmem:s15], [sflag:$0x1] =	stream.indirect.gather [hbm4b:s4+s14], $0x80, s1, s14, $0xb8;
	[tilespmem:$0x1F600] =	vst v63  }
0x126: {  	s31 =	simm.s32 $0xA80  }
0x127: {  	[spmem:s2] =	stream.indirect.scatter.add.f32 [tilespmem:s17], [sflag:$0x5], $0x80, s31, s14, $0xb8;
	[tilespmem:$0x1F600] =	vst v63  }
0x128: {  	_ =	swait.ge [sflag:s24], $0x3000  }
0x129: {  	[sflag:s24] =	ssyncset.done $0x0  }
0x12a: {  	[sflag:s24] =	ssyncadd.s32 $0xFFFFD000  }
0x12b: {  	_ =	swait.ge [sflag:s25], $0x3000  }
0x12c: {  	[sflag:s25] =	ssyncset.done $0x0  }
0x12d: {  	s1 =	simm.s32 $0xD00;
	[sflag:s25] =	ssyncadd.s32 $0xFFFFD000  }
0x12e: {  	[tilespmem:s17], [sflag:$0x2] =	stream.indirect.gather [hbm4b:s4+s14], $0x80, s1, s14, $0xb8;
	[tilespmem:$0x1F600] =	vst v63  }
0x12f: {  	s31 =	simm.s32 $0xB80  }
0x130: {  	[spmem:s2] =	stream.indirect.scatter.add.f32 [tilespmem:s20], [sflag:$0x6], $0x80, s31, s14, $0xb8;
	[tilespmem:$0x1F600] =	vst v63  }
0x131: {  	_ =	swait.ge [sflag:s18], $0x3000  }
0x132: {  	[sflag:s18] =	ssyncset.done $0x0  }
0x133: {  	[sflag:s18] =	ssyncadd.s32 $0xFFFFD000  }
0x134: {  	_ =	swait.ge [sflag:s26], $0x3000  }
0x135: {  	[sflag:s26] =	ssyncset.done $0x0  }
0x136: {  	s1 =	simm.s32 $0xE00;
	[sflag:s26] =	ssyncadd.s32 $0xFFFFD000  }
0x137: {  	[tilespmem:s20], [sflag:$0x3] =	stream.indirect.gather [hbm4b:s4+s14], $0x80, s1, s14, $0xb8;
	[tilespmem:$0x1F600] =	vst v63  }
0x138: {  	s31 =	simm.s32 $0xC80  }
0x139: {  	[spmem:s2] =	stream.indirect.scatter.add.f32 [tilespmem:s15], [sflag:$0x4], $0x80, s31, s14, $0xb8;
	[tilespmem:$0x1F600] =	vst v63  }
0x13a: {  	_ =	swait.ge [sflag:s22], $0x3000  }
0x13b: {  	[sflag:s22] =	ssyncset.done $0x0  }
0x13c: {  	[sflag:s22] =	ssyncadd.s32 $0xFFFFD000  }
0x13d: {  	_ =	swait.ge [sflag:s23], $0x3000  }
0x13e: {  	[sflag:s23] =	ssyncset.done $0x0  }
0x13f: {  	s1 =	simm.s32 $0xF00;
	[sflag:s23] =	ssyncadd.s32 $0xFFFFD000  }
0x140: {  	[tilespmem:s15], [sflag:$0x1] =	stream.indirect.gather [hbm4b:s4+s14], $0x80, s1, s14, $0xb8;
	[tilespmem:$0x1F600] =	vst v63  }
0x141: {  	s31 =	simm.s32 $0xD80  }
0x142: {  	[spmem:s2] =	stream.indirect.scatter.add.f32 [tilespmem:s17], [sflag:$0x5], $0x80, s31, s14, $0xb8;
	[tilespmem:$0x1F600] =	vst v63  }
0x143: {  	_ =	swait.ge [sflag:s24], $0x3000  }
0x144: {  	[sflag:s24] =	ssyncset.done $0x0  }
0x145: {  	[sflag:s24] =	ssyncadd.s32 $0xFFFFD000  }
0x146: {  	_ =	swait.ge [sflag:s25], $0x3000  }
0x147: {  	[sflag:s25] =	ssyncset.done $0x0  }
0x148: {  	s1 =	simm.s32 $0x1000;
	[sflag:s25] =	ssyncadd.s32 $0xFFFFD000  }
0x149: {  	[tilespmem:s17], [sflag:$0x2] =	stream.indirect.gather [hbm4b:s4+s14], $0x80, s1, s14, $0xb8;
	[tilespmem:$0x1F600] =	vst v63  }
0x14a: {  	s31 =	simm.s32 $0xE80  }
0x14b: {  	[spmem:s2] =	stream.indirect.scatter.add.f32 [tilespmem:s20], [sflag:$0x6], $0x80, s31, s14, $0xb8;
	[tilespmem:$0x1F600] =	vst v63  }
0x14c: {  	_ =	swait.ge [sflag:s18], $0x3000  }
0x14d: {  	[sflag:s18] =	ssyncset.done $0x0  }
0x14e: {  	[sflag:s18] =	ssyncadd.s32 $0xFFFFD000  }
0x14f: {  	_ =	swait.ge [sflag:s26], $0x3000  }
0x150: {  	[sflag:s26] =	ssyncset.done $0x0  }
0x151: {  	s1 =	simm.s32 $0x1100;
	[sflag:s26] =	ssyncadd.s32 $0xFFFFD000  }
0x152: {  	[tilespmem:s20], [sflag:$0x3] =	stream.indirect.gather [hbm4b:s4+s14], $0x80, s1, s14, $0xb8;
	[tilespmem:$0x1F600] =	vst v63  }
0x153: {  	s31 =	simm.s32 $0xF80  }
0x154: {  	[spmem:s2] =	stream.indirect.scatter.add.f32 [tilespmem:s15], [sflag:$0x4], $0x80, s31, s14, $0xb8;
	[tilespmem:$0x1F600] =	vst v63  }
0x155: {  	_ =	swait.ge [sflag:s22], $0x3000  }
0x156: {  	[sflag:s22] =	ssyncset.done $0x0  }
0x157: {  	[sflag:s22] =	ssyncadd.s32 $0xFFFFD000  }
0x158: {  	_ =	swait.ge [sflag:s23], $0x3000  }
0x159: {  	[sflag:s23] =	ssyncset.done $0x0  }
0x15a: {  	s1 =	simm.s32 $0x1200;
	[sflag:s23] =	ssyncadd.s32 $0xFFFFD000  }
0x15b: {  	[tilespmem:s15], [sflag:$0x1] =	stream.indirect.gather [hbm4b:s4+s14], $0x80, s1, s14, $0xb8;
	[tilespmem:$0x1F600] =	vst v63  }
0x15c: {  	s31 =	simm.s32 $0x1080  }
0x15d: {  	[spmem:s2] =	stream.indirect.scatter.add.f32 [tilespmem:s17], [sflag:$0x5], $0x80, s31, s14, $0xb8;
	[tilespmem:$0x1F600] =	vst v63  }
0x15e: {  	_ =	swait.ge [sflag:s24], $0x3000  }
0x15f: {  	[sflag:s24] =	ssyncset.done $0x0  }
0x160: {  	[sflag:s24] =	ssyncadd.s32 $0xFFFFD000  }
0x161: {  	_ =	swait.ge [sflag:s25], $0x3000  }
0x162: {  	[sflag:s25] =	ssyncset.done $0x0  }
0x163: {  	s1 =	simm.s32 $0x1300;
	[sflag:s25] =	ssyncadd.s32 $0xFFFFD000  }
0x164: {  	[tilespmem:s17], [sflag:$0x2] =	stream.indirect.gather [hbm4b:s4+s14], $0x80, s1, s14, $0xb8;
	[tilespmem:$0x1F600] =	vst v63  }
0x165: {  	s31 =	simm.s32 $0x1180  }
0x166: {  	[spmem:s2] =	stream.indirect.scatter.add.f32 [tilespmem:s20], [sflag:$0x6], $0x80, s31, s14, $0xb8;
	[tilespmem:$0x1F600] =	vst v63  }
0x167: {  	_ =	swait.ge [sflag:s18], $0x3000  }
0x168: {  	[sflag:s18] =	ssyncset.done $0x0  }
0x169: {  	[sflag:s18] =	ssyncadd.s32 $0xFFFFD000  }
0x16a: {  	_ =	swait.ge [sflag:s26], $0x3000  }
0x16b: {  	[sflag:s26] =	ssyncset.done $0x0  }
0x16c: {  	s1 =	simm.s32 $0x1400;
	[sflag:s26] =	ssyncadd.s32 $0xFFFFD000  }
0x16d: {  	[tilespmem:s20], [sflag:$0x3] =	stream.indirect.gather [hbm4b:s4+s14], $0x80, s1, s14, $0xb8;
	[tilespmem:$0x1F600] =	vst v63  }
0x16e: {  	s31 =	simm.s32 $0x1280  }
0x16f: {  	[spmem:s2] =	stream.indirect.scatter.add.f32 [tilespmem:s15], [sflag:$0x4], $0x80, s31, s14, $0xb8;
	[tilespmem:$0x1F600] =	vst v63  }
0x170: {  	_ =	swait.ge [sflag:s22], $0x3000  }
0x171: {  	[sflag:s22] =	ssyncset.done $0x0  }
0x172: {  	[sflag:s22] =	ssyncadd.s32 $0xFFFFD000  }
0x173: {  	_ =	swait.ge [sflag:s23], $0x3000  }
0x174: {  	[sflag:s23] =	ssyncset.done $0x0  }
0x175: {  	s1 =	simm.s32 $0x1500;
	[sflag:s23] =	ssyncadd.s32 $0xFFFFD000  }
0x176: {  	[tilespmem:s15], [sflag:$0x1] =	stream.indirect.gather [hbm4b:s4+s14], $0x80, s1, s14, $0xb8;
	[tilespmem:$0x1F600] =	vst v63  }
0x177: {  	s31 =	simm.s32 $0x1380  }
0x178: {  	[spmem:s2] =	stream.indirect.scatter.add.f32 [tilespmem:s17], [sflag:$0x5], $0x80, s31, s14, $0xb8;
	[tilespmem:$0x1F600] =	vst v63  }
0x179: {  	_ =	swait.ge [sflag:s24], $0x3000  }
0x17a: {  	[sflag:s24] =	ssyncset.done $0x0  }
0x17b: {  	[sflag:s24] =	ssyncadd.s32 $0xFFFFD000  }
0x17c: {  	_ =	swait.ge [sflag:s25], $0x3000  }
0x17d: {  	[sflag:s25] =	ssyncset.done $0x0  }
0x17e: {  	s1 =	simm.s32 $0x1600;
	[sflag:s25] =	ssyncadd.s32 $0xFFFFD000  }
0x17f: {  	[tilespmem:s17], [sflag:$0x2] =	stream.indirect.gather [hbm4b:s4+s14], $0x80, s1, s14, $0xb8;
	[tilespmem:$0x1F600] =	vst v63  }
0x180: {  	s31 =	simm.s32 $0x1480  }
0x181: {  	[spmem:s2] =	stream.indirect.scatter.add.f32 [tilespmem:s20], [sflag:$0x6], $0x80, s31, s14, $0xb8;
	[tilespmem:$0x1F600] =	vst v63  }
0x182: {  	_ =	swait.ge [sflag:s18], $0x3000  }
0x183: {  	[sflag:s18] =	ssyncset.done $0x0  }
0x184: {  	[sflag:s18] =	ssyncadd.s32 $0xFFFFD000  }
0x185: {  	_ =	swait.ge [sflag:s26], $0x3000  }
0x186: {  	[sflag:s26] =	ssyncset.done $0x0  }
0x187: {  	s1 =	simm.s32 $0x1700;
	[sflag:s26] =	ssyncadd.s32 $0xFFFFD000  }
0x188: {  	[tilespmem:s20], [sflag:$0x3] =	stream.indirect.gather [hbm4b:s4+s14], $0x80, s1, s14, $0xb8;
	[tilespmem:$0x1F600] =	vst v63  }
0x189: {  	s31 =	simm.s32 $0x1580  }
0x18a: {  	[spmem:s2] =	stream.indirect.scatter.add.f32 [tilespmem:s15], [sflag:$0x4], $0x80, s31, s14, $0xb8;
	[tilespmem:$0x1F600] =	vst v63  }
0x18b: {  	_ =	swait.ge [sflag:s22], $0x3000  }
0x18c: {  	[sflag:s22] =	ssyncset.done $0x0  }
0x18d: {  	[sflag:s22] =	ssyncadd.s32 $0xFFFFD000  }
0x18e: {  	_ =	swait.ge [sflag:s23], $0x3000  }
0x18f: {  	[sflag:s23] =	ssyncset.done $0x0  }
0x190: {  	s1 =	simm.s32 $0x1680;
	[sflag:s23] =	ssyncadd.s32 $0xFFFFD000  }
0x191: {  	[spmem:s2] =	stream.indirect.scatter.add.f32 [tilespmem:s17], [sflag:$0x5], $0x80, s1, s14, $0xb8;
	[tilespmem:$0x1F600] =	vst v63  }
0x192: {  	_ =	swait.ge [sflag:s24], $0x3000  }
0x193: {  	[sflag:s24] =	ssyncset.done $0x0  }
0x194: {  	[sflag:s24] =	ssyncadd.s32 $0xFFFFD000  }
0x195: {  	_ =	swait.ge [sflag:s25], $0x3000  }
0x196: {  	[sflag:s25] =	ssyncset.done $0x0  }
0x197: {  	s31 =	simm.s32 $0x1780;
	[sflag:s25] =	ssyncadd.s32 $0xFFFFD000  }
0x198: {  	[spmem:s2] =	stream.indirect.scatter.add.f32 [tilespmem:s20], [sflag:$0x6], $0x80, s31, s14, $0xb8;
	[tilespmem:$0x1F600] =	vst v63  }
0x199: {  	_ =	swait.ge [sflag:s26], $0x3000  }
0x19a: {  	s30 =	sadd.s32 $0x1, s30;
	[sflag:s26] =	ssyncset.done $0x0  }
0x19b: {  	p0 =	sne.s32 s30, s11;
	[sflag:s26] =	ssyncadd.s32 $0xFFFFD000  }
.Ltmp2:
0x19c: {  	[bflag:$0x0] =	sbarrier.arrive $0xFFFF;
	(pc) =	sbr.rel @p0 .LBB2_1-.Ltmp2, $4  }
0x19d: {  	[hbm:s10], [sflag:s6] =	dma.local [spmem:s12], $0x2780  }
0x19e: {  	_ =	swait.ge [sflag:s13], $0x2780  }
0x19f: {  	[sflag:s13] =	ssyncset.done $0x0  }
0x1a0: {  	[sflag:s13] =	ssyncadd.s32 $0xFFFFD880  }
0x1a1: {  	_ =	sfence.sel $0x180000  }
0x1a2: {  	[bflag:$0x0] =	sbarrier.arrive $0xFFFF  }
0x1a3: {  	_ =	strace $0x9000004D  }
0x1a4: {  	s0 =	stileid.u32;
	[bflag:$0x2] =	sbarrier.arrive $0xFFFF  }
0x1a5: {  	p0 =	sne.s32 s0, $0x0;
	s0 =	rddreg [dreg:$0x2]  }
0x1a6: {  	s0 =	sadd.s32 @!p0 $0x100000, s0  }
0x1a7: {  	[sflag:s0] =	ssyncadd.tile.s32 @!p0 $0x1;
	_ =	shalt  }
.Lfunc_end2:
_tile_overlayer_lowered:
.L_overlay_start_2:
0x1a8: {  	(tag) =	ssettag $0x2  }
0x1a9: {  	s0 =	rddreg [dreg:$0x0];
	s2 =	stileid.u32  }
0x1aa: {  	s1 =	rddreg [dreg:$0x1];
	p0 =	sne.s32 s2, $0x0  }
0x1ab: {  	s3 =	rddreg [dreg:$0x2];
	[bflag:$0x3] =	sbarrier.arrive $0xFFFF;
	s2 =	simm.s32 @!p0 $0x1C07  }
0x1ac: {  	[timem:s3], [sflag:s2] =	dma.local @!p0 [hbm:s0], s1  }
0x1ad: {  	s0 =	simm.s32 @!p0 $0x7  }
0x1ae: {  	_ =	swait.ge @!p0 [sflag:s0], s1  }
0x1af: {  	s1 =	ssub.s32 @!p0 $0x0, s1;
	[sflag:s0] =	ssyncset.done @!p0 $0x0  }
0x1b0: {  	[sflag:s0] =	ssyncadd.s32 @!p0 s1  }
0x1b1: {  	[bflag:$0x3] =	sbarrier.arrive $0xFFFF  }
0x1b2: {  	_ =	shalt  }

// kernel: kernel.8.cloned.1.call-start
scs
__scs_entry_jumppad:
0x0: {  	(pc) =	sbr.rel $0x88, $3  }
0x1: {  	(tag) =	ssettag $0x0;
	lr =	simm.s32 $0x1  }
0x2: {  	[smem:$0x3F98] =	sst lr;
	_ =	strace $0xD0000000  }
0x3: {  	_ = 	snop  }
0x4: {  	_ = 	snop  }
0x5: {  	_ = 	snop  }
0x6: {  	_ = 	snop  }
0x7: {  	_ = 	snop  }
__scs_overlays_trampoline_lowered:
0x8: {  	[smem:$0x3FA7] =	sst s0  }
0x9: {  	[smem:$0x3FA8] =	sst s1  }
0xa: {  	[smem:$0x3FA9] =	sst s2  }
0xb: {  	[smem:$0x3FAA] =	sst s3  }
0xc: {  	[smem:$0x3FAB] =	sst s4  }
0xd: {  	[smem:$0x3FAC] =	sst s5  }
0xe: {  	[smem:$0x3FAD] =	sst s6  }
0xf: {  	[smem:$0x3FAE] =	sst s7  }
0x10: {  	[smem:$0x3FAF] =	sst s8  }
0x11: {  	[smem:$0x3FB0] =	sst s9;
	s0 =	simm.s32 @!p0 $0x0  }
0x12: {  	s1 =	sld [smem:$0x3F96];
	s0 =	simm.s32 @p0 $0x1  }
0x13: {  	[smem:$0x3FB1] =	sst s0;
	s0 =	simm.s32 @!p1 $0x0  }
0x14: {  	s2 =	sld [smem:$0x3F95];
	s0 =	simm.s32 @p1 $0x1  }
0x15: {  	[smem:$0x3FB2] =	sst s0;
	s0 =	simm.s32 @!p2 $0x0  }
0x16: {  	s3 =	sld [smem:$0x3FDB];
	s0 =	simm.s32 @p2 $0x1  }
0x17: {  	s4 =	simm.s32 $0x1BF5;
	[smem:$0x3FB4] =	sst s0  }
0x18: {  	s0 =	sld [smem:$0x3F97];
	_ =	swait.ge [sflag:s4], $0x0  }
0x19: {  	s7 =	sld [smem:$0x3F98]  }
0x1a: {  	s8 =	sadd.s32 $0xFFFFE003, lr  }
0x1b: {  	s9 =	sadd.s32 $0xFFFFFEF7, lr;
	s5 =	simm.s32 $0xFFFFFFFF;
	p2 =	slt.u32 s8, $0xFFFFF086  }
0x1c: {  	p1 =	slt.u32 s9, $0xF7A;
	s5 =	simm.s32 @!p2 $0x0  }
0x1d: {  	s5 =	simm.s32 @p1 $0x1;
	p0 =	seq.s32 s7, s2  }
0x1e: {  	s7 =	smul.u32 @!p0 $0xF7A, s2;
	p2 =	seq.s32 @!p0 s5, $0x0  }
0x1f: {  	s9 =	smul.u32 $0xF7A, s1;
	s8 =	simm.s32 @!p0 $0x1BF5;
	p2 =	por !p2, p0  }
0x20: {  	[sflag:s8] =	ssyncset.s32 @!p0 $0xFFFFF086;
	s6 =	sadd.s32 @!p0 s3, s7;
	s7 =	simm.s32 @!p0 $0x108  }
0x21: {  	s3 =	sadd.s32 s3, s9;
	s6 =	sadd.s32 @!p0 $0x88, s6;
	s7 =	simm.s32 @p2 $0x1082  }
0x22: {  	[simem:s7], [sflag:s8] =	dma.local @!p0 [hbm:s6], $0xF7A  }
0x23: {  	s9 =	sor.u32 $0xD0000000, s2;
	s6 =	simm.s32 $0x108;
	_ =	swait.ge @!p0 [sflag:s8], $0x0  }
0x24: {  	s3 =	sadd.s32 $0x88, s3;
	s6 =	simm.s32 @!p1 $0x1082;
	[sflag:s4] =	ssyncset.s32 $0xFFFFF086  }
0x25: {  	[simem:s6], [sflag:s4] =	dma.local [hbm:s3], $0xF7A  }
0x26: {  	[smem:$0x3F98] =	sst s1;
	(tag) =	ssettag s2;
	_ =	strace s9  }
0x27: {  	s1 =	sld [smem:$0x3FA8]  }
0x28: {  	s2 =	sld [smem:$0x3FA9]  }
0x29: {  	s4 =	sld [smem:$0x3FAB]  }
0x2a: {  	p0 =	seq.s32 s5, $0x0;
	s5 =	sld [smem:$0x3FAC]  }
0x2b: {  	s6 =	sld [smem:$0x3FAD]  }
0x2c: {  	s7 =	sld [smem:$0x3FAE]  }
0x2d: {  	s3 =	simm.s32 $0x108;
	s8 =	sld [smem:$0x3FAF]  }
0x2e: {  	s3 =	simm.s32 @!p0 $0x1082;
	s9 =	sld [smem:$0x3FB0]  }
0x2f: {  	lr =	sadd.s32 s0, s3;
	s0 =	sld [smem:$0x3FA7]  }
0x30: {  	s3 =	sld [smem:$0x3FAA]  }
0x31: {  	[smem:$0x3FB3] =	sst s10  }
0x32: {  	s10 =	sld [smem:$0x3FB1];
	_ =	sdelay $0x3  }
0x33: {  	p0 =	seq.s32 s10, $0x1;
	s10 =	sld [smem:$0x3FB3];
	_ =	sdelay $0x3  }
0x34: {  	[smem:$0x3FB3] =	sst s10  }
0x35: {  	s10 =	sld [smem:$0x3FB2];
	_ =	sdelay $0x3  }
0x36: {  	p1 =	seq.s32 s10, $0x1;
	s10 =	sld [smem:$0x3FB3];
	_ =	sdelay $0x3  }
0x37: {  	[smem:$0x3FB3] =	sst s10  }
0x38: {  	s10 =	sld [smem:$0x3FB4]  }
0x39: {  	_ = 	snop;
	(pc) =	sbr.ind lr, $3  }
0x3a: {  	_ = 	snop  }
0x3b: {  	_ = 	snop  }
0x3c: {  	p2 =	seq.s32 s10, $0x1;
	s10 =	sld [smem:$0x3FB3]  }
0x3d: {  	_ =	shalt  }
0x3e: {  	_ =	shalt  }
0x3f: {  	_ =	shalt  }
0x40: {  	_ =	shalt  }
0x41: {  	_ =	shalt  }
0x42: {  	_ =	shalt  }
0x43: {  	_ =	shalt  }
0x44: {  	_ =	shalt  }
0x45: {  	_ =	shalt  }
0x46: {  	_ =	shalt  }
0x47: {  	_ =	shalt  }
0x48: {  	_ =	shalt  }
0x49: {  	_ =	shalt  }
0x4a: {  	_ =	shalt  }
0x4b: {  	_ =	shalt  }
0x4c: {  	_ =	shalt  }
0x4d: {  	_ =	shalt  }
0x4e: {  	_ =	shalt  }
0x4f: {  	_ =	shalt  }
0x50: {  	_ =	shalt  }
0x51: {  	_ =	shalt  }
0x52: {  	_ =	shalt  }
0x53: {  	_ =	shalt  }
0x54: {  	_ =	shalt  }
0x55: {  	_ =	shalt  }
0x56: {  	_ =	shalt  }
0x57: {  	_ =	shalt  }
0x58: {  	_ =	shalt  }
0x59: {  	_ =	shalt  }
0x5a: {  	_ =	shalt  }
0x5b: {  	_ =	shalt  }
0x5c: {  	_ =	shalt  }
0x5d: {  	_ =	shalt  }
0x5e: {  	_ =	shalt  }
0x5f: {  	_ =	shalt  }
0x60: {  	_ =	shalt  }
0x61: {  	_ =	shalt  }
0x62: {  	_ =	shalt  }
0x63: {  	_ =	shalt  }
0x64: {  	_ =	shalt  }
0x65: {  	_ =	shalt  }
0x66: {  	_ =	shalt  }
0x67: {  	_ =	shalt  }
0x68: {  	_ =	shalt  }
0x69: {  	_ =	shalt  }
0x6a: {  	_ =	shalt  }
0x6b: {  	_ =	shalt  }
0x6c: {  	_ =	shalt  }
0x6d: {  	_ =	shalt  }
0x6e: {  	_ =	shalt  }
0x6f: {  	_ =	shalt  }
0x70: {  	_ =	shalt  }
0x71: {  	_ =	shalt  }
0x72: {  	_ =	shalt  }
0x73: {  	_ =	shalt  }
0x74: {  	_ =	shalt  }
0x75: {  	_ =	shalt  }
0x76: {  	_ =	shalt  }
0x77: {  	_ =	shalt  }
0x78: {  	_ =	shalt  }
0x79: {  	_ =	shalt  }
0x7a: {  	_ =	shalt  }
0x7b: {  	_ =	shalt  }
0x7c: {  	_ =	shalt  }
0x7d: {  	_ =	shalt  }
0x7e: {  	_ =	shalt  }
0x7f: {  	_ =	shalt  }
0x80: {  	_ =	shalt  }
0x81: {  	_ =	shalt  }
0x82: {  	_ =	shalt  }
0x83: {  	_ =	shalt  }
0x84: {  	_ =	shalt  }
0x85: {  	_ =	shalt  }
0x86: {  	_ =	shalt  }
0x87: {  	_ =	shalt  }
.Lfunc_end0:
.L_simem_size_0:
called_computation_lowered:
.L_overlay_start_0:
0x88: {  	s2 =	sld [smem:$0x3FD9]  }
0x89: {  	s3 =	sld [smem:$0x3FFE];
	_ =	sdelay $0x1  }
0x8a: {  	s1 =	srdreg.scid  }
0x8b: {  	s0 =	sand.u32 $0x1, s1  }
0x8c: {  	s16 =	sshll.u32 s0, $0xA;
	s2 =	sadd.s32 s3, s2  }
0x8d: {  	s2 =	sadd.s32 s2, s16  }
0x8e: {  	[smem:$0x3FBF] =	sst s2  }
0x8f: {  	_ = 	snop  }
0x90: {  	(tm) =	ssettm $0x1  }
0x91: {  	s17 =	sld [smem:$0x3FFB];
	_ =	sdelay $0x3  }
0x92: {  	_ =	strace s17  }
0x93: {  	s2 =	sld [smem:$0x3FFC];
	_ =	sdelay $0x3  }
0x94: {  	_ =	strace s2  }
0x95: {  	s2 =	sld [smem:$0x3FFD];
	_ =	sdelay $0x3  }
0x96: {  	_ =	strace s2  }
0x97: {  	_ =	strace $0x8FFFFFFF  }
0x98: {  	s18 =	sld [smem:$0x3FDB];
	_ =	sdelay $0x1  }
0x99: {  	s19 =	simm.s32 $_scs_section_size  }
0x9a: {  	s4 =	simm.s32 $_size__tile_overlayer_lowered;
	s5 =	simm.s32 $_tile_overlayer_lowered  }
0x9b: {  	s22 =	simm.s32 $0x1BFF;
	s21 =	sshll.u32 s5, $0x1;
	s2 =	sadd.s32 s19, s18  }
0x9c: {  	s6 =	simm.s32 $0x0;
	s20 =	sshll.u32 s4, $0x1;
	s4 =	sadd.s32 s21, s2  }
0x9d: {  	[timem:s6], [sflag:s22] =	dma.local [hbm:s4], s20  }
0x9e: {  	_ =	swait.ge [sflag:s22], s20  }
0x9f: {  	s3 =	ssub.s32 $0x0, s20;
	[sflag:s22] =	ssyncset.done $0x0  }
0xa0: {  	[sflag:s22] =	ssyncadd.s32 s3;
	_ =	sdelay $0x1  }
0xa1: {  	s23 =	simm.s32 $0x1B8B  }
0xa2: {  	_ =	swait.ge [sflag:s23], $0x1  }
0xa3: {  	[sflag:s23] =	ssyncset.done $0x0  }
0xa4: {  	s25 =	simm.s32 $0x1B8E;
	s24 =	sld [smem:$0x3FFE];
	[sflag:s23] =	ssyncadd.s32 $0xFFFFFFFF  }
0xa5: {  	s26 =	simm.s32 $execute0_lowered;
	[smem:$0x3FD2] =	sst s25  }
0xa6: {  	s4 =	sshll.u32 s26, $0x1;
	_ =	strace $0x80000046;
	[dreg:$0x1] =	wrdreg $0xFFFFFFFF  }
0xa7: {  	s28 =	simm.s32 $_size_execute0_lowered;
	s2 =	sadd.s32 s2, s4;
	[dreg:$0x0] =	wrdreg $0x0  }
0xa8: {  	s4 =	sshll.u32 s28, $0x1;
	[dreg:$0x2] =	wrdreg s2  }
0xa9: {  	[dreg:$0x3] =	wrdreg s4  }
0xaa: {  	[dreg:$0x4] =	wrdreg $0xC0  }
0xab: {  	_ =	task [dreg:s6], $0x5FFFF  }
0xac: {  	[dreg:$0x1] =	wrdreg $0xFFFFFFFF  }
0xad: {  	[dreg:$0x0] =	wrdreg $0x60  }
0xae: {  	[dreg:$0x2] =	wrdreg s24  }
0xaf: {  	[dreg:$0x3] =	wrdreg $0x6C800  }
0xb0: {  	[dreg:$0x4] =	wrdreg $0x9  }
0xb1: {  	_ =	task.clear_ibuf [dreg:s6], $0x5FFFF;
	_ =	strace $0x90000046  }
0xb2: {  	s29 =	simm.s32 $0x9;
	_ =	strace $0x80000048  }
0xb3: {  	_ =	swait.ge [sflag:s29], $0x1  }
0xb4: {  	[sflag:s29] =	ssyncadd.s32 $0xFFFFFFFF  }
0xb5: {  	_ =	strace $0x90000048  }
0xb6: {  	_ =	sfence  }
0xb7: {  	s30 =	sld [smem:$0x0];
	_ =	sdelay $0x2  }
0xb8: {  	s31 =	sshll.u32 s1, $0xD;
	s1 =	sshrl.u32 s1, $0x2  }
0xb9: {  	s3 =	sand.u32 $0x4000, s31;
	s1 =	sadd.s32 s1, s30  }
0xba: {  	s0 =	sor.u32 s3, s0;
	s1 =	sshll.u32 s1, $0x11  }
0xbb: {  	s0 =	sor.u32 s1, s0  }
0xbc: {  	s0 =	sadd.s32 $0x8F2B, s0  }
0xbd: {  	[sflag:s0] =	ssyncadd.remote.s32 $0x1  }
0xbe: {  	_ =	sfence.sel $0xFFFF  }
0xbf: {  	[dreg:$0x0] =	wrdreg $0xFFFFFFFF;
	(pc) =	sbr.abs _section_cstart, $3  }
0xc0: {  	[dreg:$0x1] =	wrdreg $0xFFFFFFFF  }
0xc1: {  	_ =	task.clear_ibuf [dreg:s6], $0x2FFFF;
	_ =	strace $0x9FFFFFFF  }
0xc2: {  	(tm) =	ssettm $0x7FFFFFFF  }
0xc3: {  	_ =	shalt  }
tec
execute0_lowered:
.L_overlay_start_1:
0x0: {  	(tag) =	ssettag $0x1  }
0x1: {  	s5 =	rddreg [dreg:$0x0]  }
0x2: {  	s2 =	rddreg [dreg:$0x1]  }
0x3: {  	s0 =	rddreg [dreg:$0x2]  }
0x4: {  	s3 =	srdreg.scid;
	s1 =	stileid.u32;
	s11 =	simm.s32 $0x60  }
0x5: {  	s12 =	simm.s32 $0x6C00;
	s13 =	simm.s32 $0x0;
	s4 =	sand.u32 $0x1, s3  }
0x6: {  	s6 =	sshll.u32 s1, $0x1;
	s7 =	smul.u32 $0x280, s1;
	s3 =	simm.s32 $0x0  }
0x7: {  	s31 =	sshll.u32 s1, $0x6;
	s6 =	sor.u32 s4, s6;
	s8 =	smul.u32 $0x2800, s4  }
0x8: {  	[smem:$0x7FF] =	sst s3;
	s9 =	ssub.s32 $0x2, s4;
	s4 =	sadd.s32 $0x1CC00, s5  }
0x9: {  	s6 =	smul.u32 $0xD80, s6;
	_ =	strace $0x80000047;
	s8 =	sadd.s32 s7, s8  }
0xa: {  	s30 =	sshrl.u32 s9, $0x1;
	s10 =	sadd.s32 s7, s2;
	s8 =	sshrl.u32 s8, $0x3  }
0xb: {  	s9 =	ssub.s32 s9, s30;
	s6 =	sadd.s32 s6, s5;
	s8 =	sadd.s32 s8, s5  }
0xc: {  	s5 =	sor.u32 $0x1C01, s31;
	s6 =	sadd.s32 $0x1C00, s6;
	s7 =	sadd.s32 $0x1CE00, s8  }
0xd: {  	v0 =	vimm.f32 $1.000000000e+00;
	s8 =	smax.u32 s9, $0x1;
	s9 =	sshrl.u32 s10, $0x3;
	s10 =	simm.s32 $0x1  }
.LBB2_1:
0xe: {  	[tilespmem:$0x6C00] =	vst v0  }
0xf: {  	[tilespmem:$0x6C10] =	vst v0  }
0x10: {  	[tilespmem:$0x6C20] =	vst v0  }
0x11: {  	[tilespmem:$0x6C30] =	vst v0  }
0x12: {  	[tilespmem:$0x6C40] =	vst v0  }
0x13: {  	[tilespmem:$0x6C50] =	vst v0  }
0x14: {  	[spmem:s9], [sflag:s5] =	dma.local [hbm:s4], $0x50  }
0x15: {  	_ =	swait.ge [sflag:s10], $0x50  }
0x16: {  	[sflag:s10] =	ssyncset.done $0x0  }
0x17: {  	[sflag:s10] =	ssyncadd.s32 $0xFFFFFFB0  }
0x18: {  	[tilespmem:s3], [sflag:$0x1] =	stream.linear.gather [hbm4b:s6+s3], $0x6C00, $0x38;
	[tilespmem:$0x6F00] =	vst v63  }
0x19: {  	_ =	swait.ge [sflag:s10], $0x6C00  }
0x1a: {  	[sflag:s10] =	ssyncset.done $0x0  }
0x1b: {  	[sflag:s10] =	ssyncadd.s32 $0xFFFF9400  }
0x1c: {  	s14 =	simm.s32 $0x80;
	[bflag:$0x0] =	sbarrier.arrive $0xFFFF  }
0x1d: {  	[spmem:s2] =	stream.indirect.scatter.add.f32 [tilespmem:s12], [sflag:$0x1], $0x1, s14, s11, $0xb8;
	[tilespmem:$0x6F00] =	vst v63  }
0x1e: {  	_ =	swait.ge [sflag:s10], $0x60  }
0x1f: {  	s14 =	simm.s32 $0x600;
	[sflag:s10] =	ssyncset.done $0x0  }
.LBB2_2:
0x20: {  	s15 =	sshra.s32 s14, $0x2;
	[sflag:s10] =	ssyncadd.s32 $0xFFFFFFA0;
	p0 =	sne.s32 s14, $0x1AE00  }
0x21: {  	[spmem:s2] =	stream.indirect.scatter.add.f32 [tilespmem:s12], [sflag:$0x1], $0x1, s15, s11, $0xb8;
	[tilespmem:$0x6F00] =	vst v63  }
.Ltmp0:
0x22: {  	_ = 	snop;
	(pc) =	sbr.rel @p0 .LBB2_2-.Ltmp0, $4  }
0x23: {  	_ = 	snop  }
0x24: {  	s14 =	sadd.s32 $0x400, s14  }
0x25: {  	_ =	swait.ge [sflag:s10], $0x60  }
0x26: {  	[sflag:s10] =	ssyncset.done $0x0  }
0x27: {  	s13 =	sadd.s32 $0x1, s13  }
0x28: {  	[sflag:s10] =	ssyncadd.s32 $0xFFFFFFA0;
	p0 =	sne.s32 s13, s8  }
.Ltmp1:
0x29: {  	[bflag:$0x0] =	sbarrier.arrive $0xFFFF;
	(pc) =	sbr.rel @p0 .LBB2_1-.Ltmp1, $4  }
0x2a: {  	[hbm:s7], [sflag:s5] =	dma.local [spmem:s9], $0x50  }
0x2b: {  	_ =	swait.ge [sflag:s10], $0x50  }
0x2c: {  	[sflag:s10] =	ssyncset.done $0x0  }
0x2d: {  	[sflag:s10] =	ssyncadd.s32 $0xFFFFFFB0  }
0x2e: {  	_ =	sfence.sel $0x180000  }
0x2f: {  	[bflag:$0x0] =	sbarrier.arrive $0xFFFF  }
0x30: {  	p0 =	sne.s32 s1, $0x0;
	_ =	strace $0x90000047  }
0x31: {  	s0 =	sadd.s32 @!p0 $0x100000, s0;
	[bflag:$0x2] =	sbarrier.arrive $0xFFFF  }
0x32: {  	[sflag:s0] =	ssyncadd.tile.s32 @!p0 $0x1;
	_ =	shalt  }
.Lfunc_end2:
_tile_overlayer_lowered:
.L_overlay_start_2:
0x33: {  	(tag) =	ssettag $0x2  }
0x34: {  	s0 =	rddreg [dreg:$0x0];
	s2 =	stileid.u32  }
0x35: {  	s1 =	rddreg [dreg:$0x1];
	p0 =	sne.s32 s2, $0x0  }
0x36: {  	s3 =	rddreg [dreg:$0x2];
	[bflag:$0x3] =	sbarrier.arrive $0xFFFF;
	s2 =	simm.s32 @!p0 $0x1C01  }
0x37: {  	[timem:s3], [sflag:s2] =	dma.local @!p0 [hbm:s0], s1  }
0x38: {  	s0 =	simm.s32 @!p0 $0x1  }
0x39: {  	_ =	swait.ge @!p0 [sflag:s0], s1  }
0x3a: {  	s1 =	ssub.s32 @!p0 $0x0, s1;
	[sflag:s0] =	ssyncset.done @!p0 $0x0  }
0x3b: {  	[sflag:s0] =	ssyncadd.s32 @!p0 s1  }
0x3c: {  	[bflag:$0x3] =	sbarrier.arrive $0xFFFF  }
0x3d: {  	_ =	shalt  }

</sc_bundles>
